<compile_context>
chip_gen: v7x
topology: tpu7x:2x2x1
jax: 0.10.2.dev20260603
libtpu: 0.0.44.dev20260713+nightly
codegen_flags: <defaults>
</compile_context>

<pallas_src>
import functools

import jax
import jax.numpy as jnp
from jax import lax
from jax.experimental import pallas as pl
from jax.experimental.pallas import tpu as pltpu
from jax.experimental.pallas import tpu_sc as plsc

NUM_EMB = 1000000
DIM = 32
BATCH = 16384
FIELDS = 26
B = BATCH * FIELDS

NC = 2
NS = 16
NW = NC * NS
TB = BATCH // 128
NBLK = FIELDS * TB
BLK_PER_W = NBLK // NW
NPAIR = BLK_PER_W // 2
IDX_PER_W = BLK_PER_W * 128

_mesh = plsc.VectorSubcoreMesh(core_axis_name="c", subcore_axis_name="s")

NPANEL = 7812
SLAB = 128
NSLAB = NPANEL * 128 // SLAB
SLAB_PER_W = 246


@functools.partial(
    pl.kernel,
    mesh=_mesh,
    out_type=jax.ShapeDtypeStruct((NUM_EMB // 4, 128), jnp.float32),
    compiler_params=pltpu.CompilerParams(
        use_tc_tiling_on_sc=True, needs_layout_passes=False),
    scratch_types=[
        pltpu.VMEM((2, DIM, SLAB + 1), jnp.float32),
        pltpu.VMEM((2, SLAB // 4, 128), jnp.float32),
        pltpu.SemaphoreType.DMA,
        pltpu.SemaphoreType.DMA,
        pltpu.SemaphoreType.DMA,
        pltpu.SemaphoreType.DMA,
    ],
)
def _format(tw_hbm, tail4_hbm, out_hbm, src_v, dst_v, rsem0, rsem1, wsem0,
            wsem1):
    wid = lax.axis_index("s") * NC + lax.axis_index("c")
    rsems = (rsem0, rsem1)
    wsems = (wsem0, wsem1)

    def slab_of(t):
        return t * NW + wid

    def fire_read(t, b):
        pltpu.async_copy(
            tw_hbm.at[:, pl.ds(slab_of(t) * SLAB, SLAB)],
            src_v.at[b, :, pl.ds(0, SLAB)], rsems[b])

    def drain_read(t, b):
        pltpu.make_async_copy(
            tw_hbm.at[:, pl.ds(slab_of(t) * SLAB, SLAB)],
            src_v.at[b, :, pl.ds(0, SLAB)], rsems[b]).wait()

    def transpose(b):
        rids = []
        cids = []
        for h in range(8):
            pvec = lax.iota(jnp.int32, 16) + h * 16
            rids.append(lax.bitwise_and(pvec, 31))
            cids.append(lax.shift_right_logical(pvec, 5))

        @plsc.parallel_loop(0, SLAB // 4, step=1, unroll=8)
        def _(s):
            for h in range(8):
                val = plsc.load_gather(
                    src_v.at[b], [rids[h], cids[h] + s * 4])
                dst_v[b, s, pl.ds(h * 16, 16)] = val

    def fire_write(t, b):
        pltpu.async_copy(
            dst_v.at[b],
            out_hbm.at[pl.ds(slab_of(t) * (SLAB // 4), SLAB // 4)], wsems[b])

    def wait_write(b):
        pltpu.make_async_copy(
            dst_v.at[b], out_hbm.at[pl.ds(0, SLAB // 4)], wsems[b]).wait()

    @pl.when(slab_of(0) < NSLAB)
    def _():
        fire_read(0, 0)

    def half(t, b, m):
        @pl.when(slab_of(t + 1) < NSLAB)
        def _():
            fire_read(t + 1, 1 - b)

        @pl.when(slab_of(t) < NSLAB)
        def _():
            drain_read(t, b)

            @pl.when(m >= 1)
            def _():
                wait_write(b)

            transpose(b)
            fire_write(t, b)

    def body(m, carry):
        half(m * 2, 0, m)
        half(m * 2 + 1, 1, m)
        return carry

    lax.fori_loop(0, SLAB_PER_W // 2, body, 0)
    wait_write(0)
    wait_write(1)

    @pl.when(wid == 0)
    def _():
        pltpu.sync_copy(tail4_hbm, dst_v.at[0, pl.ds(0, 16)])
        pltpu.sync_copy(
            dst_v.at[0, pl.ds(0, 16)], out_hbm.at[pl.ds(NPANEL * 32, 16)])


@functools.partial(
    pl.kernel,
    mesh=_mesh,
    out_type=jax.ShapeDtypeStruct((FIELDS, DIM, BATCH), jnp.float32),
    compiler_params=pltpu.CompilerParams(
        use_tc_tiling_on_sc=True, needs_layout_passes=False),
    scratch_types=[
        pltpu.VMEM((IDX_PER_W,), jnp.int32),
        pltpu.VMEM((2, 128), jnp.int32),
        pltpu.VMEM((2, 128), jnp.int32),
        pltpu.VMEM((2, 128, 128), jnp.float32),
        pltpu.VMEM((2, DIM, 128), jnp.float32),
        pltpu.SemaphoreType.DMA,
        pltpu.SemaphoreType.DMA,
        pltpu.SemaphoreType.DMA,
        pltpu.SemaphoreType.DMA,
    ],
)
def _embed(idx_hbm, table_hbm, out_hbm, idx_v, sid_v, cb_v, rows_v, ot_v,
           gsem0, gsem1, osem0, osem1):
    wid = lax.axis_index("s") * NC + lax.axis_index("c")
    base_blk = wid * BLK_PER_W
    pltpu.sync_copy(idx_hbm.at[pl.ds(wid * IDX_PER_W, IDX_PER_W)], idx_v)

    gsems = (gsem0, gsem1)
    osems = (osem0, osem1)

    def prep(k, b):
        for g in range(8):
            v = idx_v[pl.ds(k * 128 + g * 16, 16)]
            sid_v[b, pl.ds(g * 16, 16)] = lax.shift_right_logical(v, 2)
            cb_v[b, pl.ds(g * 16, 16)] = lax.shift_left(
                lax.bitwise_and(v, 3), 5)

    def fire(b):
        pltpu.async_copy(table_hbm.at[sid_v.at[b]], rows_v.at[b], gsems[b])

    def drain(b):
        pltpu.make_async_copy(
            table_hbm.at[sid_v.at[b]], rows_v.at[b], gsems[b]).wait()

    def extract(b):
        rids = [lax.iota(jnp.int32, 16) + g * 16 for g in range(8)]
        cbs = [cb_v[b, pl.ds(g * 16, 16)] for g in range(8)]

        @plsc.parallel_loop(0, DIM, step=1, unroll=8)
        def _(d):
            for g in range(8):
                val = plsc.load_gather(rows_v.at[b], [rids[g], cbs[g] + d])
                ot_v[b, d, pl.ds(g * 16, 16)] = val

    def out_dma(k, b):
        bid = base_blk + k
        f = bid // TB
        tb = bid % TB
        pltpu.async_copy(
            ot_v.at[b], out_hbm.at[f, :, pl.ds(tb * 128, 128)], osems[b])

    def wait_out(b):
        pltpu.make_async_copy(
            ot_v.at[b], out_hbm.at[0, :, pl.ds(0, 128)], osems[b]).wait()

    prep(0, 0)
    fire(0)

    def body(m, carry):
        k0 = m * 2
        k1 = k0 + 1
        prep(k1, 1)
        fire(1)
        drain(0)

        @pl.when(m >= 1)
        def _():
            wait_out(0)

        extract(0)
        out_dma(k0, 0)
        @pl.when(m + 1 < NPAIR)
        def _():
            prep(k0 + 2, 0)
            fire(0)

        drain(1)

        @pl.when(m >= 1)
        def _():
            wait_out(1)

        extract(1)
        out_dma(k1, 1)
        return carry

    lax.fori_loop(0, NPAIR, body, 0)
    wait_out(0)
    wait_out(1)


def kernel(input, weight):
    idx = input.T.reshape(-1)
    tail4 = weight[NPANEL * 128:].reshape(16, 128)
    table4 = _format(weight.T, tail4)
    out_phys = _embed(idx, table4)
    return jnp.transpose(out_phys, (2, 0, 1))

# --- scband reference (transcript-rebuilt; emitter-appended) ---
"""Pipeline reference for scband-embedding-57724360458668 (READ-ONLY COPY).

The authoritative reference and input builder live on the scoring server;
editing this copy changes nothing except your own understanding.
"""

import jax, jax.numpy as jnp
import numpy as np

NUM_EMBEDDINGS = 1000000
EMBEDDING_DIM = 32
BATCH = 16384
FIELDS = 26


def setup_inputs(seed: int = 0) -> dict:
    key = jax.random.key(seed)
    k_idx, k_w = jax.random.split(key)
    indices = jax.random.randint(k_idx, (BATCH, FIELDS), 0, NUM_EMBEDDINGS, dtype=jnp.int64 if jax.config.jax_enable_x64 else jnp.int32)
    weight = jax.random.normal(k_w, (NUM_EMBEDDINGS, EMBEDDING_DIM), dtype=jnp.float32)
    return {"input": indices, "weight": weight}


def reference(input, weight):
    # nn.Embedding forward with padding_idx=None, max_norm=None: pure gather.
    return jnp.take(weight, input, axis=0)

if __name__ == "__main__":
    import jax
    _d = setup_inputs()
    print(jax.jit(kernel)(*tuple(_d.values())))

</pallas_src>

<mosaic_0001>
#map = affine_map<(d0, d1) -> (0, 0)>
module attributes {stable_mosaic.version = 14 : i64} {
  func.func @_format(%arg0: i32, %arg1: i32, %arg2: memref<32x1000000xf32, #tpu.memory_space<hbm>>, %arg3: memref<16x128xf32, #tpu.memory_space<hbm>>, %arg4: memref<250000x128xf32, #tpu.memory_space<hbm>>, %arg5: memref<2x32x129xf32, #tpu.memory_space<vmem>>, %arg6: memref<2x32x128xf32, #tpu.memory_space<vmem>>, %arg7: memref<!tpu.dma_semaphore, #tpu.memory_space<semaphore_mem>>, %arg8: memref<!tpu.dma_semaphore, #tpu.memory_space<semaphore_mem>>, %arg9: memref<!tpu.dma_semaphore, #tpu.memory_space<semaphore_mem>>, %arg10: memref<!tpu.dma_semaphore, #tpu.memory_space<semaphore_mem>>) attributes {dimension_semantics = [#tpu.dimension_semantics<core_parallel>, #tpu.dimension_semantics<subcore_parallel>], iteration_bounds = array<i64: 2, 16>, scalar_prefetch = 0 : i64, scratch_operands = 6 : i64, tpu.core_type = #tpu.core_type<sc_vector_subcore>, window_params = [{transform_indices = #map}, {transform_indices = #map}, {transform_indices = #map}]} {
    %mul3A = arith.constant 2 : i32
    %mul3A_0 = arith.muli %arg1, %mul3A : i32
    %add3A = arith.addi %mul3A_0, %arg0 : i32
    %add3A_1 = arith.constant 0 : i32
    %add3A_2 = arith.addi %add3A_1, %add3A : i32
    %lt3A = arith.constant 7812 : i32
    %lt3A_3 = arith.cmpi slt, %add3A_2, %lt3A : i32
    %convert_element_type3A = arith.extui %lt3A_3 : i1 to i32
    %cond3A = arith.constant 0 : i32
    %cond3A_4 = arith.cmpi ne, %convert_element_type3A, %cond3A : i32
    scf.if %cond3A_4 {
      %add3A_43 = arith.constant 0 : i32
      %add3A_44 = arith.addi %add3A_43, %add3A : i32
      %mul3A_45 = arith.constant 128 : i32
      %mul3A_46 = arith.muli %add3A_44, %mul3A_45 : i32
      %dma_start3A = arith.constant 0 : i32
      %dma_start3A_47 = arith.constant 0 : i32
      %dma_start3A_48 = arith.constant 0 : i32
      %dma_start3A_49 = tpu.memref_slice %arg5[%dma_start3A, %dma_start3A_47, %dma_start3A_48] : memref<2x32x129xf32, #tpu.memory_space<vmem>> -> memref<1x32x128xf32, #tpu.memory_space<vmem>>
      %dma_start3A_50 = tpu.memref_squeeze %dma_start3A_49 : memref<1x32x128xf32, #tpu.memory_space<vmem>> -> memref<32x128xf32, #tpu.memory_space<vmem>>
      %dma_start3A_51 = arith.constant 0 : i32
      %dma_start3A_52 = tpu.memref_slice %arg2[%dma_start3A_51, %mul3A_46] : memref<32x1000000xf32, #tpu.memory_space<hbm>> -> memref<32x128xf32, #tpu.memory_space<hbm>>
      %dma_start3A_53 = arith.constant 0 : i32
      %dma_start3A_54 = arith.constant 0 : i32
      %dma_start3A_55 = tpu.memref_slice %arg5[%dma_start3A, %dma_start3A_53, %dma_start3A_54] : memref<2x32x129xf32, #tpu.memory_space<vmem>> -> memref<1x32x128xf32, #tpu.memory_space<vmem>>
      %dma_start3A_56 = tpu.memref_squeeze %dma_start3A_55 : memref<1x32x128xf32, #tpu.memory_space<vmem>> -> memref<32x128xf32, #tpu.memory_space<vmem>>
      %dma_start3A_57 = arith.constant 0 : i32
      %dma_start3A_58 = tpu.memref_slice %arg2[%dma_start3A_57, %mul3A_46] : memref<32x1000000xf32, #tpu.memory_space<hbm>> -> memref<32x128xf32, #tpu.memory_space<hbm>>
      tpu.enqueue_dma source(%dma_start3A_58 : memref<32x128xf32, #tpu.memory_space<hbm>>) target(%dma_start3A_56 : memref<32x128xf32, #tpu.memory_space<vmem>>) target_semaphore(%arg7 : memref<!tpu.dma_semaphore, #tpu.memory_space<semaphore_mem>>)
    } else {
    }
    %scan3A = arith.constant 0 : i32
    %scan3A_5 = arith.constant 0 : i32
    %scan3A_6 = arith.constant 123 : i32
    %scan3A_7 = arith.addi %scan3A_5, %scan3A_6 : i32
    %scan3A_8 = arith.constant 1 : i32
    scf.for %scan3A_43 = %scan3A_5 to %scan3A_7 step %scan3A_8  : i32 {
      %mul3A_44 = arith.constant 2 : i32
      %mul3A_45 = arith.muli %scan3A_43, %mul3A_44 : i32
      %add3A_46 = arith.constant 1 : i32
      %add3A_47 = arith.addi %mul3A_45, %add3A_46 : i32
      %mul3A_48 = arith.constant 32 : i32
      %mul3A_49 = arith.muli %add3A_47, %mul3A_48 : i32
      %add3A_50 = arith.addi %mul3A_49, %add3A : i32
      %lt3A_51 = arith.constant 7812 : i32
      %lt3A_52 = arith.cmpi slt, %add3A_50, %lt3A_51 : i32
      %convert_element_type3A_53 = arith.extui %lt3A_52 : i1 to i32
      %cond3A_54 = arith.constant 0 : i32
      %cond3A_55 = arith.cmpi ne, %convert_element_type3A_53, %cond3A_54 : i32
      scf.if %cond3A_55 {
        %add3A_86 = arith.constant 1 : i32
        %add3A_87 = arith.addi %mul3A_45, %add3A_86 : i32
        %mul3A_88 = arith.constant 32 : i32
        %mul3A_89 = arith.muli %add3A_87, %mul3A_88 : i32
        %add3A_90 = arith.addi %mul3A_89, %add3A : i32
        %mul3A_91 = arith.constant 128 : i32
        %mul3A_92 = arith.muli %add3A_90, %mul3A_91 : i32
        %dma_start3A = arith.constant 1 : i32
        %dma_start3A_93 = arith.constant 0 : i32
        %dma_start3A_94 = arith.constant 0 : i32
        %dma_start3A_95 = tpu.memref_slice %arg5[%dma_start3A, %dma_start3A_93, %dma_start3A_94] : memref<2x32x129xf32, #tpu.memory_space<vmem>> -> memref<1x32x128xf32, #tpu.memory_space<vmem>>
        %dma_start3A_96 = tpu.memref_squeeze %dma_start3A_95 : memref<1x32x128xf32, #tpu.memory_space<vmem>> -> memref<32x128xf32, #tpu.memory_space<vmem>>
        %dma_start3A_97 = arith.constant 0 : i32
        %dma_start3A_98 = tpu.memref_slice %arg2[%dma_start3A_97, %mul3A_92] : memref<32x1000000xf32, #tpu.memory_space<hbm>> -> memref<32x128xf32, #tpu.memory_space<hbm>>
        %dma_start3A_99 = arith.constant 0 : i32
        %dma_start3A_100 = arith.constant 0 : i32
        %dma_start3A_101 = tpu.memref_slice %arg5[%dma_start3A, %dma_start3A_99, %dma_start3A_100] : memref<2x32x129xf32, #tpu.memory_space<vmem>> -> memref<1x32x128xf32, #tpu.memory_space<vmem>>
        %dma_start3A_102 = tpu.memref_squeeze %dma_start3A_101 : memref<1x32x128xf32, #tpu.memory_space<vmem>> -> memref<32x128xf32, #tpu.memory_space<vmem>>
        %dma_start3A_103 = arith.constant 0 : i32
        %dma_start3A_104 = tpu.memref_slice %arg2[%dma_start3A_103, %mul3A_92] : memref<32x1000000xf32, #tpu.memory_space<hbm>> -> memref<32x128xf32, #tpu.memory_space<hbm>>
        tpu.enqueue_dma source(%dma_start3A_104 : memref<32x128xf32, #tpu.memory_space<hbm>>) target(%dma_start3A_102 : memref<32x128xf32, #tpu.memory_space<vmem>>) target_semaphore(%arg8 : memref<!tpu.dma_semaphore, #tpu.memory_space<semaphore_mem>>)
      } else {
      }
      %mul3A_56 = arith.constant 32 : i32
      %mul3A_57 = arith.muli %mul3A_45, %mul3A_56 : i32
      %add3A_58 = arith.addi %mul3A_57, %add3A : i32
      %lt3A_59 = arith.constant 7812 : i32
      %lt3A_60 = arith.cmpi slt, %add3A_58, %lt3A_59 : i32
      %convert_element_type3A_61 = arith.extui %lt3A_60 : i1 to i32
      %cond3A_62 = arith.constant 0 : i32
      %cond3A_63 = arith.cmpi ne, %convert_element_type3A_61, %cond3A_62 : i32
      scf.if %cond3A_63 {
        %mul3A_86 = arith.constant 32 : i32
        %mul3A_87 = arith.muli %mul3A_45, %mul3A_86 : i32
        %add3A_88 = arith.addi %mul3A_87, %add3A : i32
        %mul3A_89 = arith.constant 128 : i32
        %mul3A_90 = arith.muli %add3A_88, %mul3A_89 : i32
        %dma_wait3A_91 = arith.constant 0 : i32
        %dma_wait3A_92 = arith.constant 0 : i32
        %dma_wait3A_93 = arith.constant 0 : i32
        %dma_wait3A_94 = tpu.memref_slice %arg5[%dma_wait3A_91, %dma_wait3A_92, %dma_wait3A_93] : memref<2x32x129xf32, #tpu.memory_space<vmem>> -> memref<1x32x128xf32, #tpu.memory_space<vmem>>
        %dma_wait3A_95 = tpu.memref_squeeze %dma_wait3A_94 : memref<1x32x128xf32, #tpu.memory_space<vmem>> -> memref<32x128xf32, #tpu.memory_space<vmem>>
        %dma_wait3A_96 = arith.constant 0 : i32
        %dma_wait3A_97 = tpu.memref_slice %arg2[%dma_wait3A_96, %mul3A_90] : memref<32x1000000xf32, #tpu.memory_space<hbm>> -> memref<32x128xf32, #tpu.memory_space<hbm>>
        %dma_wait3A_98 = arith.constant 0 : i32
        %dma_wait3A_99 = arith.constant 0 : i32
        %dma_wait3A_100 = tpu.memref_slice %arg5[%dma_wait3A_91, %dma_wait3A_98, %dma_wait3A_99] : memref<2x32x129xf32, #tpu.memory_space<vmem>> -> memref<1x32x128xf32, #tpu.memory_space<vmem>>
        %dma_wait3A_101 = tpu.memref_squeeze %dma_wait3A_100 : memref<1x32x128xf32, #tpu.memory_space<vmem>> -> memref<32x128xf32, #tpu.memory_space<vmem>>
        %dma_wait3A_102 = arith.constant 0 : i32
        %dma_wait3A_103 = tpu.memref_slice %arg2[%dma_wait3A_102, %mul3A_90] : memref<32x1000000xf32, #tpu.memory_space<hbm>> -> memref<32x128xf32, #tpu.memory_space<hbm>>
        tpu.wait_dma2 semaphore(%arg7 : memref<!tpu.dma_semaphore, #tpu.memory_space<semaphore_mem>>) src(%dma_wait3A_103 : memref<32x128xf32, #tpu.memory_space<hbm>>) dst(%dma_wait3A_101 : memref<32x128xf32, #tpu.memory_space<vmem>>)
        %ge3A = arith.constant 1 : i32
        %ge3A_104 = arith.cmpi sge, %scan3A_43, %ge3A : i32
        %convert_element_type3A_105 = arith.extui %ge3A_104 : i1 to i32
        %cond3A_106 = arith.constant 0 : i32
        %cond3A_107 = arith.cmpi ne, %convert_element_type3A_105, %cond3A_106 : i32
        scf.if %cond3A_107 {
          %dma_wait3A_204 = arith.constant 0 : i32
          %dma_wait3A_205 = arith.constant 0 : i32
          %dma_wait3A_206 = arith.constant 0 : i32
          %dma_wait3A_207 = tpu.memref_slice %arg6[%dma_wait3A_204, %dma_wait3A_205, %dma_wait3A_206] : memref<2x32x128xf32, #tpu.memory_space<vmem>> -> memref<1x32x128xf32, #tpu.memory_space<vmem>>
          %dma_wait3A_208 = tpu.memref_squeeze %dma_wait3A_207 : memref<1x32x128xf32, #tpu.memory_space<vmem>> -> memref<32x128xf32, #tpu.memory_space<vmem>>
          %dma_wait3A_209 = arith.constant 0 : i32
          %dma_wait3A_210 = arith.constant 0 : i32
          %dma_wait3A_211 = tpu.memref_slice %arg4[%dma_wait3A_209, %dma_wait3A_210] : memref<250000x128xf32, #tpu.memory_space<hbm>> -> memref<32x128xf32, #tpu.memory_space<hbm>>
          %dma_wait3A_212 = arith.constant 0 : i32
          %dma_wait3A_213 = arith.constant 0 : i32
          %dma_wait3A_214 = tpu.memref_slice %arg4[%dma_wait3A_212, %dma_wait3A_213] : memref<250000x128xf32, #tpu.memory_space<hbm>> -> memref<32x128xf32, #tpu.memory_space<hbm>>
          %dma_wait3A_215 = arith.constant 0 : i32
          %dma_wait3A_216 = arith.constant 0 : i32
          %dma_wait3A_217 = tpu.memref_slice %arg6[%dma_wait3A_204, %dma_wait3A_215, %dma_wait3A_216] : memref<2x32x128xf32, #tpu.memory_space<vmem>> -> memref<1x32x128xf32, #tpu.memory_space<vmem>>
          %dma_wait3A_218 = tpu.memref_squeeze %dma_wait3A_217 : memref<1x32x128xf32, #tpu.memory_space<vmem>> -> memref<32x128xf32, #tpu.memory_space<vmem>>
          tpu.wait_dma2 semaphore(%arg9 : memref<!tpu.dma_semaphore, #tpu.memory_space<semaphore_mem>>) src(%dma_wait3A_218 : memref<32x128xf32, #tpu.memory_space<vmem>>) dst(%dma_wait3A_214 : memref<32x128xf32, #tpu.memory_space<hbm>>)
        } else {
        }
        %iota3A = tpu.iota {dimensions = array<i32: 0>} : vector<16xi32>
        %add3A_108 = arith.constant 0 : i32
        %add3A_109 = vector.broadcast %add3A_108 : i32 to vector<16xi32>
        %add3A_110 = arith.addi %iota3A, %add3A_109 : vector<16xi32>
        %and3A = arith.constant 31 : i32
        %and3A_111 = vector.broadcast %and3A : i32 to vector<16xi32>
        %and3A_112 = arith.andi %add3A_110, %and3A_111 : vector<16xi32>
        %shift_right_logical3A = arith.constant 5 : i32
        %shift_right_logical3A_113 = vector.broadcast %shift_right_logical3A : i32 to vector<16xi32>
        %shift_right_logical3A_114 = arith.shrui %add3A_110, %shift_right_logical3A_113 : vector<16xi32>
        %iota3A_115 = tpu.iota {dimensions = array<i32: 0>} : vector<16xi32>
        %add3A_116 = arith.constant 16 : i32
        %add3A_117 = vector.broadcast %add3A_116 : i32 to vector<16xi32>
        %add3A_118 = arith.addi %iota3A_115, %add3A_117 : vector<16xi32>
        %and3A_119 = arith.constant 31 : i32
        %and3A_120 = vector.broadcast %and3A_119 : i32 to vector<16xi32>
        %and3A_121 = arith.andi %add3A_118, %and3A_120 : vector<16xi32>
        %shift_right_logical3A_122 = arith.constant 5 : i32
        %shift_right_logical3A_123 = vector.broadcast %shift_right_logical3A_122 : i32 to vector<16xi32>
        %shift_right_logical3A_124 = arith.shrui %add3A_118, %shift_right_logical3A_123 : vector<16xi32>
        %iota3A_125 = tpu.iota {dimensions = array<i32: 0>} : vector<16xi32>
        %add3A_126 = arith.constant 32 : i32
        %add3A_127 = vector.broadcast %add3A_126 : i32 to vector<16xi32>
        %add3A_128 = arith.addi %iota3A_125, %add3A_127 : vector<16xi32>
        %and3A_129 = arith.constant 31 : i32
        %and3A_130 = vector.broadcast %and3A_129 : i32 to vector<16xi32>
        %and3A_131 = arith.andi %add3A_128, %and3A_130 : vector<16xi32>
        %shift_right_logical3A_132 = arith.constant 5 : i32
        %shift_right_logical3A_133 = vector.broadcast %shift_right_logical3A_132 : i32 to vector<16xi32>
        %shift_right_logical3A_134 = arith.shrui %add3A_128, %shift_right_logical3A_133 : vector<16xi32>
        %iota3A_135 = tpu.iota {dimensions = array<i32: 0>} : vector<16xi32>
        %add3A_136 = arith.constant 48 : i32
        %add3A_137 = vector.broadcast %add3A_136 : i32 to vector<16xi32>
        %add3A_138 = arith.addi %iota3A_135, %add3A_137 : vector<16xi32>
        %and3A_139 = arith.constant 31 : i32
        %and3A_140 = vector.broadcast %and3A_139 : i32 to vector<16xi32>
        %and3A_141 = arith.andi %add3A_138, %and3A_140 : vector<16xi32>
        %shift_right_logical3A_142 = arith.constant 5 : i32
        %shift_right_logical3A_143 = vector.broadcast %shift_right_logical3A_142 : i32 to vector<16xi32>
        %shift_right_logical3A_144 = arith.shrui %add3A_138, %shift_right_logical3A_143 : vector<16xi32>
        %iota3A_145 = tpu.iota {dimensions = array<i32: 0>} : vector<16xi32>
        %add3A_146 = arith.constant 64 : i32
        %add3A_147 = vector.broadcast %add3A_146 : i32 to vector<16xi32>
        %add3A_148 = arith.addi %iota3A_145, %add3A_147 : vector<16xi32>
        %and3A_149 = arith.constant 31 : i32
        %and3A_150 = vector.broadcast %and3A_149 : i32 to vector<16xi32>
        %and3A_151 = arith.andi %add3A_148, %and3A_150 : vector<16xi32>
        %shift_right_logical3A_152 = arith.constant 5 : i32
        %shift_right_logical3A_153 = vector.broadcast %shift_right_logical3A_152 : i32 to vector<16xi32>
        %shift_right_logical3A_154 = arith.shrui %add3A_148, %shift_right_logical3A_153 : vector<16xi32>
        %iota3A_155 = tpu.iota {dimensions = array<i32: 0>} : vector<16xi32>
        %add3A_156 = arith.constant 80 : i32
        %add3A_157 = vector.broadcast %add3A_156 : i32 to vector<16xi32>
        %add3A_158 = arith.addi %iota3A_155, %add3A_157 : vector<16xi32>
        %and3A_159 = arith.constant 31 : i32
        %and3A_160 = vector.broadcast %and3A_159 : i32 to vector<16xi32>
        %and3A_161 = arith.andi %add3A_158, %and3A_160 : vector<16xi32>
        %shift_right_logical3A_162 = arith.constant 5 : i32
        %shift_right_logical3A_163 = vector.broadcast %shift_right_logical3A_162 : i32 to vector<16xi32>
        %shift_right_logical3A_164 = arith.shrui %add3A_158, %shift_right_logical3A_163 : vector<16xi32>
        %iota3A_165 = tpu.iota {dimensions = array<i32: 0>} : vector<16xi32>
        %add3A_166 = arith.constant 96 : i32
        %add3A_167 = vector.broadcast %add3A_166 : i32 to vector<16xi32>
        %add3A_168 = arith.addi %iota3A_165, %add3A_167 : vector<16xi32>
        %and3A_169 = arith.constant 31 : i32
        %and3A_170 = vector.broadcast %and3A_169 : i32 to vector<16xi32>
        %and3A_171 = arith.andi %add3A_168, %and3A_170 : vector<16xi32>
        %shift_right_logical3A_172 = arith.constant 5 : i32
        %shift_right_logical3A_173 = vector.broadcast %shift_right_logical3A_172 : i32 to vector<16xi32>
        %shift_right_logical3A_174 = arith.shrui %add3A_168, %shift_right_logical3A_173 : vector<16xi32>
        %iota3A_175 = tpu.iota {dimensions = array<i32: 0>} : vector<16xi32>
        %add3A_176 = arith.constant 112 : i32
        %add3A_177 = vector.broadcast %add3A_176 : i32 to vector<16xi32>
        %add3A_178 = arith.addi %iota3A_175, %add3A_177 : vector<16xi32>
        %and3A_179 = arith.constant 31 : i32
        %and3A_180 = vector.broadcast %and3A_179 : i32 to vector<16xi32>
        %and3A_181 = arith.andi %add3A_178, %and3A_180 : vector<16xi32>
        %shift_right_logical3A_182 = arith.constant 5 : i32
        %shift_right_logical3A_183 = vector.broadcast %shift_right_logical3A_182 : i32 to vector<16xi32>
        %shift_right_logical3A_184 = arith.shrui %add3A_178, %shift_right_logical3A_183 : vector<16xi32>
        %parallel_loop3A = arith.constant 0 : i32
        %parallel_loop3A_185 = arith.constant 32 : i32
        %parallel_loop3A_186 = arith.constant 1 : i32
        scf.for %parallel_loop3A_204 = %parallel_loop3A to %parallel_loop3A_185 step %parallel_loop3A_186  : i32 {
          %parallel_loop3A_205 = arith.constant 4 : i32
          %parallel_loop3A_206 = arith.muli %parallel_loop3A_204, %parallel_loop3A_205 : i32
          %parallel_loop3A_207 = vector.broadcast %parallel_loop3A_206 : i32 to vector<16xi32>
          %parallel_loop3A_208 = arith.addi %shift_right_logical3A_114, %parallel_loop3A_207 : vector<16xi32>
          %parallel_loop3A_209 = arith.constant 0 : i32
          %parallel_loop3A_210 = arith.constant 0 : i32
          %parallel_loop3A_211 = arith.constant 0 : i32
          %parallel_loop3A_212 = tpu.memref_slice %arg5[%parallel_loop3A_209, %parallel_loop3A_210, %parallel_loop3A_211] : memref<2x32x129xf32, #tpu.memory_space<vmem>> -> memref<1x32x129xf32, #tpu.memory_space<vmem>>
          %parallel_loop3A_213 = tpu.memref_squeeze %parallel_loop3A_212 : memref<1x32x129xf32, #tpu.memory_space<vmem>> -> memref<32x129xf32, #tpu.memory_space<vmem>>
          %parallel_loop3A_214 = tpu.vector_load_idx %parallel_loop3A_213[%and3A_112, %parallel_loop3A_208] : memref<32x129xf32, #tpu.memory_space<vmem>>[vector<16xi32>, vector<16xi32>], vector<16xf32>,
          %parallel_loop3A_215 = arith.constant 0 : i32
          %parallel_loop3A_216 = arith.index_cast %parallel_loop3A_215 : i32 to index
          %parallel_loop3A_217 = arith.index_cast %parallel_loop3A_204 : i32 to index
          %parallel_loop3A_218 = arith.constant 0 : index
          %parallel_loop3A_219 = tpu.vector_load %arg6[%parallel_loop3A_216, %parallel_loop3A_217, %parallel_loop3A_218] {strides = array<i32>} : memref<2x32x128xf32, #tpu.memory_space<vmem>>, vector<16xf32>,
          tpu.vector_store %arg6[%parallel_loop3A_216, %parallel_loop3A_217, %parallel_loop3A_218], %parallel_loop3A_214 {strides = array<i32>} : memref<2x32x128xf32, #tpu.memory_space<vmem>>, vector<16xf32>,
          %parallel_loop3A_220 = arith.constant 4 : i32
          %parallel_loop3A_221 = arith.muli %parallel_loop3A_204, %parallel_loop3A_220 : i32
          %parallel_loop3A_222 = vector.broadcast %parallel_loop3A_221 : i32 to vector<16xi32>
          %parallel_loop3A_223 = arith.addi %shift_right_logical3A_124, %parallel_loop3A_222 : vector<16xi32>
          %parallel_loop3A_224 = arith.constant 0 : i32
          %parallel_loop3A_225 = arith.constant 0 : i32
          %parallel_loop3A_226 = arith.constant 0 : i32
          %parallel_loop3A_227 = tpu.memref_slice %arg5[%parallel_loop3A_224, %parallel_loop3A_225, %parallel_loop3A_226] : memref<2x32x129xf32, #tpu.memory_space<vmem>> -> memref<1x32x129xf32, #tpu.memory_space<vmem>>
          %parallel_loop3A_228 = tpu.memref_squeeze %parallel_loop3A_227 : memref<1x32x129xf32, #tpu.memory_space<vmem>> -> memref<32x129xf32, #tpu.memory_space<vmem>>
          %parallel_loop3A_229 = tpu.vector_load_idx %parallel_loop3A_228[%and3A_121, %parallel_loop3A_223] : memref<32x129xf32, #tpu.memory_space<vmem>>[vector<16xi32>, vector<16xi32>], vector<16xf32>,
          %parallel_loop3A_230 = arith.constant 0 : i32
          %parallel_loop3A_231 = arith.index_cast %parallel_loop3A_230 : i32 to index
          %parallel_loop3A_232 = arith.index_cast %parallel_loop3A_204 : i32 to index
          %parallel_loop3A_233 = arith.constant 16 : index
          %parallel_loop3A_234 = tpu.vector_load %arg6[%parallel_loop3A_231, %parallel_loop3A_232, %parallel_loop3A_233] {strides = array<i32>} : memref<2x32x128xf32, #tpu.memory_space<vmem>>, vector<16xf32>,
          tpu.vector_store %arg6[%parallel_loop3A_231, %parallel_loop3A_232, %parallel_loop3A_233], %parallel_loop3A_229 {strides = array<i32>} : memref<2x32x128xf32, #tpu.memory_space<vmem>>, vector<16xf32>,
          %parallel_loop3A_235 = arith.constant 4 : i32
          %parallel_loop3A_236 = arith.muli %parallel_loop3A_204, %parallel_loop3A_235 : i32
          %parallel_loop3A_237 = vector.broadcast %parallel_loop3A_236 : i32 to vector<16xi32>
          %parallel_loop3A_238 = arith.addi %shift_right_logical3A_134, %parallel_loop3A_237 : vector<16xi32>
          %parallel_loop3A_239 = arith.constant 0 : i32
          %parallel_loop3A_240 = arith.constant 0 : i32
          %parallel_loop3A_241 = arith.constant 0 : i32
          %parallel_loop3A_242 = tpu.memref_slice %arg5[%parallel_loop3A_239, %parallel_loop3A_240, %parallel_loop3A_241] : memref<2x32x129xf32, #tpu.memory_space<vmem>> -> memref<1x32x129xf32, #tpu.memory_space<vmem>>
          %parallel_loop3A_243 = tpu.memref_squeeze %parallel_loop3A_242 : memref<1x32x129xf32, #tpu.memory_space<vmem>> -> memref<32x129xf32, #tpu.memory_space<vmem>>
          %parallel_loop3A_244 = tpu.vector_load_idx %parallel_loop3A_243[%and3A_131, %parallel_loop3A_238] : memref<32x129xf32, #tpu.memory_space<vmem>>[vector<16xi32>, vector<16xi32>], vector<16xf32>,
          %parallel_loop3A_245 = arith.constant 0 : i32
          %parallel_loop3A_246 = arith.index_cast %parallel_loop3A_245 : i32 to index
          %parallel_loop3A_247 = arith.index_cast %parallel_loop3A_204 : i32 to index
          %parallel_loop3A_248 = arith.constant 32 : index
          %parallel_loop3A_249 = tpu.vector_load %arg6[%parallel_loop3A_246, %parallel_loop3A_247, %parallel_loop3A_248] {strides = array<i32>} : memref<2x32x128xf32, #tpu.memory_space<vmem>>, vector<16xf32>,
          tpu.vector_store %arg6[%parallel_loop3A_246, %parallel_loop3A_247, %parallel_loop3A_248], %parallel_loop3A_244 {strides = array<i32>} : memref<2x32x128xf32, #tpu.memory_space<vmem>>, vector<16xf32>,
          %parallel_loop3A_250 = arith.constant 4 : i32
          %parallel_loop3A_251 = arith.muli %parallel_loop3A_204, %parallel_loop3A_250 : i32
          %parallel_loop3A_252 = vector.broadcast %parallel_loop3A_251 : i32 to vector<16xi32>
          %parallel_loop3A_253 = arith.addi %shift_right_logical3A_144, %parallel_loop3A_252 : vector<16xi32>
          %parallel_loop3A_254 = arith.constant 0 : i32
          %parallel_loop3A_255 = arith.constant 0 : i32
          %parallel_loop3A_256 = arith.constant 0 : i32
          %parallel_loop3A_257 = tpu.memref_slice %arg5[%parallel_loop3A_254, %parallel_loop3A_255, %parallel_loop3A_256] : memref<2x32x129xf32, #tpu.memory_space<vmem>> -> memref<1x32x129xf32, #tpu.memory_space<vmem>>
          %parallel_loop3A_258 = tpu.memref_squeeze %parallel_loop3A_257 : memref<1x32x129xf32, #tpu.memory_space<vmem>> -> memref<32x129xf32, #tpu.memory_space<vmem>>
          %parallel_loop3A_259 = tpu.vector_load_idx %parallel_loop3A_258[%and3A_141, %parallel_loop3A_253] : memref<32x129xf32, #tpu.memory_space<vmem>>[vector<16xi32>, vector<16xi32>], vector<16xf32>,
          %parallel_loop3A_260 = arith.constant 0 : i32
          %parallel_loop3A_261 = arith.index_cast %parallel_loop3A_260 : i32 to index
          %parallel_loop3A_262 = arith.index_cast %parallel_loop3A_204 : i32 to index
          %parallel_loop3A_263 = arith.constant 48 : index
          %parallel_loop3A_264 = tpu.vector_load %arg6[%parallel_loop3A_261, %parallel_loop3A_262, %parallel_loop3A_263] {strides = array<i32>} : memref<2x32x128xf32, #tpu.memory_space<vmem>>, vector<16xf32>,
          tpu.vector_store %arg6[%parallel_loop3A_261, %parallel_loop3A_262, %parallel_loop3A_263], %parallel_loop3A_259 {strides = array<i32>} : memref<2x32x128xf32, #tpu.memory_space<vmem>>, vector<16xf32>,
          %parallel_loop3A_265 = arith.constant 4 : i32
          %parallel_loop3A_266 = arith.muli %parallel_loop3A_204, %parallel_loop3A_265 : i32
          %parallel_loop3A_267 = vector.broadcast %parallel_loop3A_266 : i32 to vector<16xi32>
          %parallel_loop3A_268 = arith.addi %shift_right_logical3A_154, %parallel_loop3A_267 : vector<16xi32>
          %parallel_loop3A_269 = arith.constant 0 : i32
          %parallel_loop3A_270 = arith.constant 0 : i32
          %parallel_loop3A_271 = arith.constant 0 : i32
          %parallel_loop3A_272 = tpu.memref_slice %arg5[%parallel_loop3A_269, %parallel_loop3A_270, %parallel_loop3A_271] : memref<2x32x129xf32, #tpu.memory_space<vmem>> -> memref<1x32x129xf32, #tpu.memory_space<vmem>>
          %parallel_loop3A_273 = tpu.memref_squeeze %parallel_loop3A_272 : memref<1x32x129xf32, #tpu.memory_space<vmem>> -> memref<32x129xf32, #tpu.memory_space<vmem>>
          %parallel_loop3A_274 = tpu.vector_load_idx %parallel_loop3A_273[%and3A_151, %parallel_loop3A_268] : memref<32x129xf32, #tpu.memory_space<vmem>>[vector<16xi32>, vector<16xi32>], vector<16xf32>,
          %parallel_loop3A_275 = arith.constant 0 : i32
          %parallel_loop3A_276 = arith.index_cast %parallel_loop3A_275 : i32 to index
          %parallel_loop3A_277 = arith.index_cast %parallel_loop3A_204 : i32 to index
          %parallel_loop3A_278 = arith.constant 64 : index
          %parallel_loop3A_279 = tpu.vector_load %arg6[%parallel_loop3A_276, %parallel_loop3A_277, %parallel_loop3A_278] {strides = array<i32>} : memref<2x32x128xf32, #tpu.memory_space<vmem>>, vector<16xf32>,
          tpu.vector_store %arg6[%parallel_loop3A_276, %parallel_loop3A_277, %parallel_loop3A_278], %parallel_loop3A_274 {strides = array<i32>} : memref<2x32x128xf32, #tpu.memory_space<vmem>>, vector<16xf32>,
          %parallel_loop3A_280 = arith.constant 4 : i32
          %parallel_loop3A_281 = arith.muli %parallel_loop3A_204, %parallel_loop3A_280 : i32
          %parallel_loop3A_282 = vector.broadcast %parallel_loop3A_281 : i32 to vector<16xi32>
          %parallel_loop3A_283 = arith.addi %shift_right_logical3A_164, %parallel_loop3A_282 : vector<16xi32>
          %parallel_loop3A_284 = arith.constant 0 : i32
          %parallel_loop3A_285 = arith.constant 0 : i32
          %parallel_loop3A_286 = arith.constant 0 : i32
          %parallel_loop3A_287 = tpu.memref_slice %arg5[%parallel_loop3A_284, %parallel_loop3A_285, %parallel_loop3A_286] : memref<2x32x129xf32, #tpu.memory_space<vmem>> -> memref<1x32x129xf32, #tpu.memory_space<vmem>>
          %parallel_loop3A_288 = tpu.memref_squeeze %parallel_loop3A_287 : memref<1x32x129xf32, #tpu.memory_space<vmem>> -> memref<32x129xf32, #tpu.memory_space<vmem>>
          %parallel_loop3A_289 = tpu.vector_load_idx %parallel_loop3A_288[%and3A_161, %parallel_loop3A_283] : memref<32x129xf32, #tpu.memory_space<vmem>>[vector<16xi32>, vector<16xi32>], vector<16xf32>,
          %parallel_loop3A_290 = arith.constant 0 : i32
          %parallel_loop3A_291 = arith.index_cast %parallel_loop3A_290 : i32 to index
          %parallel_loop3A_292 = arith.index_cast %parallel_loop3A_204 : i32 to index
          %parallel_loop3A_293 = arith.constant 80 : index
          %parallel_loop3A_294 = tpu.vector_load %arg6[%parallel_loop3A_291, %parallel_loop3A_292, %parallel_loop3A_293] {strides = array<i32>} : memref<2x32x128xf32, #tpu.memory_space<vmem>>, vector<16xf32>,
          tpu.vector_store %arg6[%parallel_loop3A_291, %parallel_loop3A_292, %parallel_loop3A_293], %parallel_loop3A_289 {strides = array<i32>} : memref<2x32x128xf32, #tpu.memory_space<vmem>>, vector<16xf32>,
          %parallel_loop3A_295 = arith.constant 4 : i32
          %parallel_loop3A_296 = arith.muli %parallel_loop3A_204, %parallel_loop3A_295 : i32
          %parallel_loop3A_297 = vector.broadcast %parallel_loop3A_296 : i32 to vector<16xi32>
          %parallel_loop3A_298 = arith.addi %shift_right_logical3A_174, %parallel_loop3A_297 : vector<16xi32>
          %parallel_loop3A_299 = arith.constant 0 : i32
          %parallel_loop3A_300 = arith.constant 0 : i32
          %parallel_loop3A_301 = arith.constant 0 : i32
          %parallel_loop3A_302 = tpu.memref_slice %arg5[%parallel_loop3A_299, %parallel_loop3A_300, %parallel_loop3A_301] : memref<2x32x129xf32, #tpu.memory_space<vmem>> -> memref<1x32x129xf32, #tpu.memory_space<vmem>>
          %parallel_loop3A_303 = tpu.memref_squeeze %parallel_loop3A_302 : memref<1x32x129xf32, #tpu.memory_space<vmem>> -> memref<32x129xf32, #tpu.memory_space<vmem>>
          %parallel_loop3A_304 = tpu.vector_load_idx %parallel_loop3A_303[%and3A_171, %parallel_loop3A_298] : memref<32x129xf32, #tpu.memory_space<vmem>>[vector<16xi32>, vector<16xi32>], vector<16xf32>,
          %parallel_loop3A_305 = arith.constant 0 : i32
          %parallel_loop3A_306 = arith.index_cast %parallel_loop3A_305 : i32 to index
          %parallel_loop3A_307 = arith.index_cast %parallel_loop3A_204 : i32 to index
          %parallel_loop3A_308 = arith.constant 96 : index
          %parallel_loop3A_309 = tpu.vector_load %arg6[%parallel_loop3A_306, %parallel_loop3A_307, %parallel_loop3A_308] {strides = array<i32>} : memref<2x32x128xf32, #tpu.memory_space<vmem>>, vector<16xf32>,
          tpu.vector_store %arg6[%parallel_loop3A_306, %parallel_loop3A_307, %parallel_loop3A_308], %parallel_loop3A_304 {strides = array<i32>} : memref<2x32x128xf32, #tpu.memory_space<vmem>>, vector<16xf32>,
          %parallel_loop3A_310 = arith.constant 4 : i32
          %parallel_loop3A_311 = arith.muli %parallel_loop3A_204, %parallel_loop3A_310 : i32
          %parallel_loop3A_312 = vector.broadcast %parallel_loop3A_311 : i32 to vector<16xi32>
          %parallel_loop3A_313 = arith.addi %shift_right_logical3A_184, %parallel_loop3A_312 : vector<16xi32>
          %parallel_loop3A_314 = arith.constant 0 : i32
          %parallel_loop3A_315 = arith.constant 0 : i32
          %parallel_loop3A_316 = arith.constant 0 : i32
          %parallel_loop3A_317 = tpu.memref_slice %arg5[%parallel_loop3A_314, %parallel_loop3A_315, %parallel_loop3A_316] : memref<2x32x129xf32, #tpu.memory_space<vmem>> -> memref<1x32x129xf32, #tpu.memory_space<vmem>>
          %parallel_loop3A_318 = tpu.memref_squeeze %parallel_loop3A_317 : memref<1x32x129xf32, #tpu.memory_space<vmem>> -> memref<32x129xf32, #tpu.memory_space<vmem>>
          %parallel_loop3A_319 = tpu.vector_load_idx %parallel_loop3A_318[%and3A_181, %parallel_loop3A_313] : memref<32x129xf32, #tpu.memory_space<vmem>>[vector<16xi32>, vector<16xi32>], vector<16xf32>,
          %parallel_loop3A_320 = arith.constant 0 : i32
          %parallel_loop3A_321 = arith.index_cast %parallel_loop3A_320 : i32 to index
          %parallel_loop3A_322 = arith.index_cast %parallel_loop3A_204 : i32 to index
          %parallel_loop3A_323 = arith.constant 112 : index
          %parallel_loop3A_324 = tpu.vector_load %arg6[%parallel_loop3A_321, %parallel_loop3A_322, %parallel_loop3A_323] {strides = array<i32>} : memref<2x32x128xf32, #tpu.memory_space<vmem>>, vector<16xf32>,
          tpu.vector_store %arg6[%parallel_loop3A_321, %parallel_loop3A_322, %parallel_loop3A_323], %parallel_loop3A_319 {strides = array<i32>} : memref<2x32x128xf32, #tpu.memory_space<vmem>>, vector<16xf32>,
        } {sc.loop_unroll_factor = 8 : i64, sc.parallel_access}
        %mul3A_187 = arith.constant 32 : i32
        %mul3A_188 = arith.muli %mul3A_45, %mul3A_187 : i32
        %add3A_189 = arith.addi %mul3A_188, %add3A : i32
        %mul3A_190 = arith.constant 32 : i32
        %mul3A_191 = arith.muli %add3A_189, %mul3A_190 : i32
        %dma_start3A = arith.constant 0 : i32
        %dma_start3A_192 = arith.constant 0 : i32
        %dma_start3A_193 = arith.constant 0 : i32
        %dma_start3A_194 = tpu.memref_slice %arg6[%dma_start3A, %dma_start3A_192, %dma_start3A_193] : memref<2x32x128xf32, #tpu.memory_space<vmem>> -> memref<1x32x128xf32, #tpu.memory_space<vmem>>
        %dma_start3A_195 = tpu.memref_squeeze %dma_start3A_194 : memref<1x32x128xf32, #tpu.memory_space<vmem>> -> memref<32x128xf32, #tpu.memory_space<vmem>>
        %dma_start3A_196 = arith.constant 0 : i32
        %dma_start3A_197 = tpu.memref_slice %arg4[%mul3A_191, %dma_start3A_196] : memref<250000x128xf32, #tpu.memory_space<hbm>> -> memref<32x128xf32, #tpu.memory_space<hbm>>
        %dma_start3A_198 = arith.constant 0 : i32
        %dma_start3A_199 = tpu.memref_slice %arg4[%mul3A_191, %dma_start3A_198] : memref<250000x128xf32, #tpu.memory_space<hbm>> -> memref<32x128xf32, #tpu.memory_space<hbm>>
        %dma_start3A_200 = arith.constant 0 : i32
        %dma_start3A_201 = arith.constant 0 : i32
        %dma_start3A_202 = tpu.memref_slice %arg6[%dma_start3A, %dma_start3A_200, %dma_start3A_201] : memref<2x32x128xf32, #tpu.memory_space<vmem>> -> memref<1x32x128xf32, #tpu.memory_space<vmem>>
        %dma_start3A_203 = tpu.memref_squeeze %dma_start3A_202 : memref<1x32x128xf32, #tpu.memory_space<vmem>> -> memref<32x128xf32, #tpu.memory_space<vmem>>
        tpu.enqueue_dma source(%dma_start3A_203 : memref<32x128xf32, #tpu.memory_space<vmem>>) target(%dma_start3A_199 : memref<32x128xf32, #tpu.memory_space<hbm>>) target_semaphore(%arg9 : memref<!tpu.dma_semaphore, #tpu.memory_space<semaphore_mem>>)
      } else {
      }
      %mul3A_64 = arith.constant 2 : i32
      %mul3A_65 = arith.muli %scan3A_43, %mul3A_64 : i32
      %add3A_66 = arith.constant 1 : i32
      %add3A_67 = arith.addi %mul3A_65, %add3A_66 : i32
      %add3A_68 = arith.constant 1 : i32
      %add3A_69 = arith.addi %add3A_67, %add3A_68 : i32
      %mul3A_70 = arith.constant 32 : i32
      %mul3A_71 = arith.muli %add3A_69, %mul3A_70 : i32
      %add3A_72 = arith.addi %mul3A_71, %add3A : i32
      %lt3A_73 = arith.constant 7812 : i32
      %lt3A_74 = arith.cmpi slt, %add3A_72, %lt3A_73 : i32
      %convert_element_type3A_75 = arith.extui %lt3A_74 : i1 to i32
      %cond3A_76 = arith.constant 0 : i32
      %cond3A_77 = arith.cmpi ne, %convert_element_type3A_75, %cond3A_76 : i32
      scf.if %cond3A_77 {
        %add3A_86 = arith.constant 1 : i32
        %add3A_87 = arith.addi %add3A_67, %add3A_86 : i32
        %mul3A_88 = arith.constant 32 : i32
        %mul3A_89 = arith.muli %add3A_87, %mul3A_88 : i32
        %add3A_90 = arith.addi %mul3A_89, %add3A : i32
        %mul3A_91 = arith.constant 128 : i32
        %mul3A_92 = arith.muli %add3A_90, %mul3A_91 : i32
        %dma_start3A = arith.constant 0 : i32
        %dma_start3A_93 = arith.constant 0 : i32
        %dma_start3A_94 = arith.constant 0 : i32
        %dma_start3A_95 = tpu.memref_slice %arg5[%dma_start3A, %dma_start3A_93, %dma_start3A_94] : memref<2x32x129xf32, #tpu.memory_space<vmem>> -> memref<1x32x128xf32, #tpu.memory_space<vmem>>
        %dma_start3A_96 = tpu.memref_squeeze %dma_start3A_95 : memref<1x32x128xf32, #tpu.memory_space<vmem>> -> memref<32x128xf32, #tpu.memory_space<vmem>>
        %dma_start3A_97 = arith.constant 0 : i32
        %dma_start3A_98 = tpu.memref_slice %arg2[%dma_start3A_97, %mul3A_92] : memref<32x1000000xf32, #tpu.memory_space<hbm>> -> memref<32x128xf32, #tpu.memory_space<hbm>>
        %dma_start3A_99 = arith.constant 0 : i32
        %dma_start3A_100 = arith.constant 0 : i32
        %dma_start3A_101 = tpu.memref_slice %arg5[%dma_start3A, %dma_start3A_99, %dma_start3A_100] : memref<2x32x129xf32, #tpu.memory_space<vmem>> -> memref<1x32x128xf32, #tpu.memory_space<vmem>>
        %dma_start3A_102 = tpu.memref_squeeze %dma_start3A_101 : memref<1x32x128xf32, #tpu.memory_space<vmem>> -> memref<32x128xf32, #tpu.memory_space<vmem>>
        %dma_start3A_103 = arith.constant 0 : i32
        %dma_start3A_104 = tpu.memref_slice %arg2[%dma_start3A_103, %mul3A_92] : memref<32x1000000xf32, #tpu.memory_space<hbm>> -> memref<32x128xf32, #tpu.memory_space<hbm>>
        tpu.enqueue_dma source(%dma_start3A_104 : memref<32x128xf32, #tpu.memory_space<hbm>>) target(%dma_start3A_102 : memref<32x128xf32, #tpu.memory_space<vmem>>) target_semaphore(%arg7 : memref<!tpu.dma_semaphore, #tpu.memory_space<semaphore_mem>>)
      } else {
      }
      %mul3A_78 = arith.constant 32 : i32
      %mul3A_79 = arith.muli %add3A_67, %mul3A_78 : i32
      %add3A_80 = arith.addi %mul3A_79, %add3A : i32
      %lt3A_81 = arith.constant 7812 : i32
      %lt3A_82 = arith.cmpi slt, %add3A_80, %lt3A_81 : i32
      %convert_element_type3A_83 = arith.extui %lt3A_82 : i1 to i32
      %cond3A_84 = arith.constant 0 : i32
      %cond3A_85 = arith.cmpi ne, %convert_element_type3A_83, %cond3A_84 : i32
      scf.if %cond3A_85 {
        %mul3A_86 = arith.constant 32 : i32
        %mul3A_87 = arith.muli %add3A_67, %mul3A_86 : i32
        %add3A_88 = arith.addi %mul3A_87, %add3A : i32
        %mul3A_89 = arith.constant 128 : i32
        %mul3A_90 = arith.muli %add3A_88, %mul3A_89 : i32
        %dma_wait3A_91 = arith.constant 1 : i32
        %dma_wait3A_92 = arith.constant 0 : i32
        %dma_wait3A_93 = arith.constant 0 : i32
        %dma_wait3A_94 = tpu.memref_slice %arg5[%dma_wait3A_91, %dma_wait3A_92, %dma_wait3A_93] : memref<2x32x129xf32, #tpu.memory_space<vmem>> -> memref<1x32x128xf32, #tpu.memory_space<vmem>>
        %dma_wait3A_95 = tpu.memref_squeeze %dma_wait3A_94 : memref<1x32x128xf32, #tpu.memory_space<vmem>> -> memref<32x128xf32, #tpu.memory_space<vmem>>
        %dma_wait3A_96 = arith.constant 0 : i32
        %dma_wait3A_97 = tpu.memref_slice %arg2[%dma_wait3A_96, %mul3A_90] : memref<32x1000000xf32, #tpu.memory_space<hbm>> -> memref<32x128xf32, #tpu.memory_space<hbm>>
        %dma_wait3A_98 = arith.constant 0 : i32
        %dma_wait3A_99 = arith.constant 0 : i32
        %dma_wait3A_100 = tpu.memref_slice %arg5[%dma_wait3A_91, %dma_wait3A_98, %dma_wait3A_99] : memref<2x32x129xf32, #tpu.memory_space<vmem>> -> memref<1x32x128xf32, #tpu.memory_space<vmem>>
        %dma_wait3A_101 = tpu.memref_squeeze %dma_wait3A_100 : memref<1x32x128xf32, #tpu.memory_space<vmem>> -> memref<32x128xf32, #tpu.memory_space<vmem>>
        %dma_wait3A_102 = arith.constant 0 : i32
        %dma_wait3A_103 = tpu.memref_slice %arg2[%dma_wait3A_102, %mul3A_90] : memref<32x1000000xf32, #tpu.memory_space<hbm>> -> memref<32x128xf32, #tpu.memory_space<hbm>>
        tpu.wait_dma2 semaphore(%arg8 : memref<!tpu.dma_semaphore, #tpu.memory_space<semaphore_mem>>) src(%dma_wait3A_103 : memref<32x128xf32, #tpu.memory_space<hbm>>) dst(%dma_wait3A_101 : memref<32x128xf32, #tpu.memory_space<vmem>>)
        %ge3A = arith.constant 1 : i32
        %ge3A_104 = arith.cmpi sge, %scan3A_43, %ge3A : i32
        %convert_element_type3A_105 = arith.extui %ge3A_104 : i1 to i32
        %cond3A_106 = arith.constant 0 : i32
        %cond3A_107 = arith.cmpi ne, %convert_element_type3A_105, %cond3A_106 : i32
        scf.if %cond3A_107 {
          %dma_wait3A_204 = arith.constant 1 : i32
          %dma_wait3A_205 = arith.constant 0 : i32
          %dma_wait3A_206 = arith.constant 0 : i32
          %dma_wait3A_207 = tpu.memref_slice %arg6[%dma_wait3A_204, %dma_wait3A_205, %dma_wait3A_206] : memref<2x32x128xf32, #tpu.memory_space<vmem>> -> memref<1x32x128xf32, #tpu.memory_space<vmem>>
          %dma_wait3A_208 = tpu.memref_squeeze %dma_wait3A_207 : memref<1x32x128xf32, #tpu.memory_space<vmem>> -> memref<32x128xf32, #tpu.memory_space<vmem>>
          %dma_wait3A_209 = arith.constant 0 : i32
          %dma_wait3A_210 = arith.constant 0 : i32
          %dma_wait3A_211 = tpu.memref_slice %arg4[%dma_wait3A_209, %dma_wait3A_210] : memref<250000x128xf32, #tpu.memory_space<hbm>> -> memref<32x128xf32, #tpu.memory_space<hbm>>
          %dma_wait3A_212 = arith.constant 0 : i32
          %dma_wait3A_213 = arith.constant 0 : i32
          %dma_wait3A_214 = tpu.memref_slice %arg4[%dma_wait3A_212, %dma_wait3A_213] : memref<250000x128xf32, #tpu.memory_space<hbm>> -> memref<32x128xf32, #tpu.memory_space<hbm>>
          %dma_wait3A_215 = arith.constant 0 : i32
          %dma_wait3A_216 = arith.constant 0 : i32
          %dma_wait3A_217 = tpu.memref_slice %arg6[%dma_wait3A_204, %dma_wait3A_215, %dma_wait3A_216] : memref<2x32x128xf32, #tpu.memory_space<vmem>> -> memref<1x32x128xf32, #tpu.memory_space<vmem>>
          %dma_wait3A_218 = tpu.memref_squeeze %dma_wait3A_217 : memref<1x32x128xf32, #tpu.memory_space<vmem>> -> memref<32x128xf32, #tpu.memory_space<vmem>>
          tpu.wait_dma2 semaphore(%arg10 : memref<!tpu.dma_semaphore, #tpu.memory_space<semaphore_mem>>) src(%dma_wait3A_218 : memref<32x128xf32, #tpu.memory_space<vmem>>) dst(%dma_wait3A_214 : memref<32x128xf32, #tpu.memory_space<hbm>>)
        } else {
        }
        %iota3A = tpu.iota {dimensions = array<i32: 0>} : vector<16xi32>
        %add3A_108 = arith.constant 0 : i32
        %add3A_109 = vector.broadcast %add3A_108 : i32 to vector<16xi32>
        %add3A_110 = arith.addi %iota3A, %add3A_109 : vector<16xi32>
        %and3A = arith.constant 31 : i32
        %and3A_111 = vector.broadcast %and3A : i32 to vector<16xi32>
        %and3A_112 = arith.andi %add3A_110, %and3A_111 : vector<16xi32>
        %shift_right_logical3A = arith.constant 5 : i32
        %shift_right_logical3A_113 = vector.broadcast %shift_right_logical3A : i32 to vector<16xi32>
        %shift_right_logical3A_114 = arith.shrui %add3A_110, %shift_right_logical3A_113 : vector<16xi32>
        %iota3A_115 = tpu.iota {dimensions = array<i32: 0>} : vector<16xi32>
        %add3A_116 = arith.constant 16 : i32
        %add3A_117 = vector.broadcast %add3A_116 : i32 to vector<16xi32>
        %add3A_118 = arith.addi %iota3A_115, %add3A_117 : vector<16xi32>
        %and3A_119 = arith.constant 31 : i32
        %and3A_120 = vector.broadcast %and3A_119 : i32 to vector<16xi32>
        %and3A_121 = arith.andi %add3A_118, %and3A_120 : vector<16xi32>
        %shift_right_logical3A_122 = arith.constant 5 : i32
        %shift_right_logical3A_123 = vector.broadcast %shift_right_logical3A_122 : i32 to vector<16xi32>
        %shift_right_logical3A_124 = arith.shrui %add3A_118, %shift_right_logical3A_123 : vector<16xi32>
        %iota3A_125 = tpu.iota {dimensions = array<i32: 0>} : vector<16xi32>
        %add3A_126 = arith.constant 32 : i32
        %add3A_127 = vector.broadcast %add3A_126 : i32 to vector<16xi32>
        %add3A_128 = arith.addi %iota3A_125, %add3A_127 : vector<16xi32>
        %and3A_129 = arith.constant 31 : i32
        %and3A_130 = vector.broadcast %and3A_129 : i32 to vector<16xi32>
        %and3A_131 = arith.andi %add3A_128, %and3A_130 : vector<16xi32>
        %shift_right_logical3A_132 = arith.constant 5 : i32
        %shift_right_logical3A_133 = vector.broadcast %shift_right_logical3A_132 : i32 to vector<16xi32>
        %shift_right_logical3A_134 = arith.shrui %add3A_128, %shift_right_logical3A_133 : vector<16xi32>
        %iota3A_135 = tpu.iota {dimensions = array<i32: 0>} : vector<16xi32>
        %add3A_136 = arith.constant 48 : i32
        %add3A_137 = vector.broadcast %add3A_136 : i32 to vector<16xi32>
        %add3A_138 = arith.addi %iota3A_135, %add3A_137 : vector<16xi32>
        %and3A_139 = arith.constant 31 : i32
        %and3A_140 = vector.broadcast %and3A_139 : i32 to vector<16xi32>
        %and3A_141 = arith.andi %add3A_138, %and3A_140 : vector<16xi32>
        %shift_right_logical3A_142 = arith.constant 5 : i32
        %shift_right_logical3A_143 = vector.broadcast %shift_right_logical3A_142 : i32 to vector<16xi32>
        %shift_right_logical3A_144 = arith.shrui %add3A_138, %shift_right_logical3A_143 : vector<16xi32>
        %iota3A_145 = tpu.iota {dimensions = array<i32: 0>} : vector<16xi32>
        %add3A_146 = arith.constant 64 : i32
        %add3A_147 = vector.broadcast %add3A_146 : i32 to vector<16xi32>
        %add3A_148 = arith.addi %iota3A_145, %add3A_147 : vector<16xi32>
        %and3A_149 = arith.constant 31 : i32
        %and3A_150 = vector.broadcast %and3A_149 : i32 to vector<16xi32>
        %and3A_151 = arith.andi %add3A_148, %and3A_150 : vector<16xi32>
        %shift_right_logical3A_152 = arith.constant 5 : i32
        %shift_right_logical3A_153 = vector.broadcast %shift_right_logical3A_152 : i32 to vector<16xi32>
        %shift_right_logical3A_154 = arith.shrui %add3A_148, %shift_right_logical3A_153 : vector<16xi32>
        %iota3A_155 = tpu.iota {dimensions = array<i32: 0>} : vector<16xi32>
        %add3A_156 = arith.constant 80 : i32
        %add3A_157 = vector.broadcast %add3A_156 : i32 to vector<16xi32>
        %add3A_158 = arith.addi %iota3A_155, %add3A_157 : vector<16xi32>
        %and3A_159 = arith.constant 31 : i32
        %and3A_160 = vector.broadcast %and3A_159 : i32 to vector<16xi32>
        %and3A_161 = arith.andi %add3A_158, %and3A_160 : vector<16xi32>
        %shift_right_logical3A_162 = arith.constant 5 : i32
        %shift_right_logical3A_163 = vector.broadcast %shift_right_logical3A_162 : i32 to vector<16xi32>
        %shift_right_logical3A_164 = arith.shrui %add3A_158, %shift_right_logical3A_163 : vector<16xi32>
        %iota3A_165 = tpu.iota {dimensions = array<i32: 0>} : vector<16xi32>
        %add3A_166 = arith.constant 96 : i32
        %add3A_167 = vector.broadcast %add3A_166 : i32 to vector<16xi32>
        %add3A_168 = arith.addi %iota3A_165, %add3A_167 : vector<16xi32>
        %and3A_169 = arith.constant 31 : i32
        %and3A_170 = vector.broadcast %and3A_169 : i32 to vector<16xi32>
        %and3A_171 = arith.andi %add3A_168, %and3A_170 : vector<16xi32>
        %shift_right_logical3A_172 = arith.constant 5 : i32
        %shift_right_logical3A_173 = vector.broadcast %shift_right_logical3A_172 : i32 to vector<16xi32>
        %shift_right_logical3A_174 = arith.shrui %add3A_168, %shift_right_logical3A_173 : vector<16xi32>
        %iota3A_175 = tpu.iota {dimensions = array<i32: 0>} : vector<16xi32>
        %add3A_176 = arith.constant 112 : i32
        %add3A_177 = vector.broadcast %add3A_176 : i32 to vector<16xi32>
        %add3A_178 = arith.addi %iota3A_175, %add3A_177 : vector<16xi32>
        %and3A_179 = arith.constant 31 : i32
        %and3A_180 = vector.broadcast %and3A_179 : i32 to vector<16xi32>
        %and3A_181 = arith.andi %add3A_178, %and3A_180 : vector<16xi32>
        %shift_right_logical3A_182 = arith.constant 5 : i32
        %shift_right_logical3A_183 = vector.broadcast %shift_right_logical3A_182 : i32 to vector<16xi32>
        %shift_right_logical3A_184 = arith.shrui %add3A_178, %shift_right_logical3A_183 : vector<16xi32>
        %parallel_loop3A = arith.constant 0 : i32
        %parallel_loop3A_185 = arith.constant 32 : i32
        %parallel_loop3A_186 = arith.constant 1 : i32
        scf.for %parallel_loop3A_204 = %parallel_loop3A to %parallel_loop3A_185 step %parallel_loop3A_186  : i32 {
          %parallel_loop3A_205 = arith.constant 4 : i32
          %parallel_loop3A_206 = arith.muli %parallel_loop3A_204, %parallel_loop3A_205 : i32
          %parallel_loop3A_207 = vector.broadcast %parallel_loop3A_206 : i32 to vector<16xi32>
          %parallel_loop3A_208 = arith.addi %shift_right_logical3A_114, %parallel_loop3A_207 : vector<16xi32>
          %parallel_loop3A_209 = arith.constant 1 : i32
          %parallel_loop3A_210 = arith.constant 0 : i32
          %parallel_loop3A_211 = arith.constant 0 : i32
          %parallel_loop3A_212 = tpu.memref_slice %arg5[%parallel_loop3A_209, %parallel_loop3A_210, %parallel_loop3A_211] : memref<2x32x129xf32, #tpu.memory_space<vmem>> -> memref<1x32x129xf32, #tpu.memory_space<vmem>>
          %parallel_loop3A_213 = tpu.memref_squeeze %parallel_loop3A_212 : memref<1x32x129xf32, #tpu.memory_space<vmem>> -> memref<32x129xf32, #tpu.memory_space<vmem>>
          %parallel_loop3A_214 = tpu.vector_load_idx %parallel_loop3A_213[%and3A_112, %parallel_loop3A_208] : memref<32x129xf32, #tpu.memory_space<vmem>>[vector<16xi32>, vector<16xi32>], vector<16xf32>,
          %parallel_loop3A_215 = arith.constant 1 : i32
          %parallel_loop3A_216 = arith.index_cast %parallel_loop3A_215 : i32 to index
          %parallel_loop3A_217 = arith.index_cast %parallel_loop3A_204 : i32 to index
          %parallel_loop3A_218 = arith.constant 0 : index
          %parallel_loop3A_219 = tpu.vector_load %arg6[%parallel_loop3A_216, %parallel_loop3A_217, %parallel_loop3A_218] {strides = array<i32>} : memref<2x32x128xf32, #tpu.memory_space<vmem>>, vector<16xf32>,
          tpu.vector_store %arg6[%parallel_loop3A_216, %parallel_loop3A_217, %parallel_loop3A_218], %parallel_loop3A_214 {strides = array<i32>} : memref<2x32x128xf32, #tpu.memory_space<vmem>>, vector<16xf32>,
          %parallel_loop3A_220 = arith.constant 4 : i32
          %parallel_loop3A_221 = arith.muli %parallel_loop3A_204, %parallel_loop3A_220 : i32
          %parallel_loop3A_222 = vector.broadcast %parallel_loop3A_221 : i32 to vector<16xi32>
          %parallel_loop3A_223 = arith.addi %shift_right_logical3A_124, %parallel_loop3A_222 : vector<16xi32>
          %parallel_loop3A_224 = arith.constant 1 : i32
          %parallel_loop3A_225 = arith.constant 0 : i32
          %parallel_loop3A_226 = arith.constant 0 : i32
          %parallel_loop3A_227 = tpu.memref_slice %arg5[%parallel_loop3A_224, %parallel_loop3A_225, %parallel_loop3A_226] : memref<2x32x129xf32, #tpu.memory_space<vmem>> -> memref<1x32x129xf32, #tpu.memory_space<vmem>>
          %parallel_loop3A_228 = tpu.memref_squeeze %parallel_loop3A_227 : memref<1x32x129xf32, #tpu.memory_space<vmem>> -> memref<32x129xf32, #tpu.memory_space<vmem>>
          %parallel_loop3A_229 = tpu.vector_load_idx %parallel_loop3A_228[%and3A_121, %parallel_loop3A_223] : memref<32x129xf32, #tpu.memory_space<vmem>>[vector<16xi32>, vector<16xi32>], vector<16xf32>,
          %parallel_loop3A_230 = arith.constant 1 : i32
          %parallel_loop3A_231 = arith.index_cast %parallel_loop3A_230 : i32 to index
          %parallel_loop3A_232 = arith.index_cast %parallel_loop3A_204 : i32 to index
          %parallel_loop3A_233 = arith.constant 16 : index
          %parallel_loop3A_234 = tpu.vector_load %arg6[%parallel_loop3A_231, %parallel_loop3A_232, %parallel_loop3A_233] {strides = array<i32>} : memref<2x32x128xf32, #tpu.memory_space<vmem>>, vector<16xf32>,
          tpu.vector_store %arg6[%parallel_loop3A_231, %parallel_loop3A_232, %parallel_loop3A_233], %parallel_loop3A_229 {strides = array<i32>} : memref<2x32x128xf32, #tpu.memory_space<vmem>>, vector<16xf32>,
          %parallel_loop3A_235 = arith.constant 4 : i32
          %parallel_loop3A_236 = arith.muli %parallel_loop3A_204, %parallel_loop3A_235 : i32
          %parallel_loop3A_237 = vector.broadcast %parallel_loop3A_236 : i32 to vector<16xi32>
          %parallel_loop3A_238 = arith.addi %shift_right_logical3A_134, %parallel_loop3A_237 : vector<16xi32>
          %parallel_loop3A_239 = arith.constant 1 : i32
          %parallel_loop3A_240 = arith.constant 0 : i32
          %parallel_loop3A_241 = arith.constant 0 : i32
          %parallel_loop3A_242 = tpu.memref_slice %arg5[%parallel_loop3A_239, %parallel_loop3A_240, %parallel_loop3A_241] : memref<2x32x129xf32, #tpu.memory_space<vmem>> -> memref<1x32x129xf32, #tpu.memory_space<vmem>>
          %parallel_loop3A_243 = tpu.memref_squeeze %parallel_loop3A_242 : memref<1x32x129xf32, #tpu.memory_space<vmem>> -> memref<32x129xf32, #tpu.memory_space<vmem>>
          %parallel_loop3A_244 = tpu.vector_load_idx %parallel_loop3A_243[%and3A_131, %parallel_loop3A_238] : memref<32x129xf32, #tpu.memory_space<vmem>>[vector<16xi32>, vector<16xi32>], vector<16xf32>,
          %parallel_loop3A_245 = arith.constant 1 : i32
          %parallel_loop3A_246 = arith.index_cast %parallel_loop3A_245 : i32 to index
          %parallel_loop3A_247 = arith.index_cast %parallel_loop3A_204 : i32 to index
          %parallel_loop3A_248 = arith.constant 32 : index
          %parallel_loop3A_249 = tpu.vector_load %arg6[%parallel_loop3A_246, %parallel_loop3A_247, %parallel_loop3A_248] {strides = array<i32>} : memref<2x32x128xf32, #tpu.memory_space<vmem>>, vector<16xf32>,
          tpu.vector_store %arg6[%parallel_loop3A_246, %parallel_loop3A_247, %parallel_loop3A_248], %parallel_loop3A_244 {strides = array<i32>} : memref<2x32x128xf32, #tpu.memory_space<vmem>>, vector<16xf32>,
          %parallel_loop3A_250 = arith.constant 4 : i32
          %parallel_loop3A_251 = arith.muli %parallel_loop3A_204, %parallel_loop3A_250 : i32
          %parallel_loop3A_252 = vector.broadcast %parallel_loop3A_251 : i32 to vector<16xi32>
          %parallel_loop3A_253 = arith.addi %shift_right_logical3A_144, %parallel_loop3A_252 : vector<16xi32>
          %parallel_loop3A_254 = arith.constant 1 : i32
          %parallel_loop3A_255 = arith.constant 0 : i32
          %parallel_loop3A_256 = arith.constant 0 : i32
          %parallel_loop3A_257 = tpu.memref_slice %arg5[%parallel_loop3A_254, %parallel_loop3A_255, %parallel_loop3A_256] : memref<2x32x129xf32, #tpu.memory_space<vmem>> -> memref<1x32x129xf32, #tpu.memory_space<vmem>>
          %parallel_loop3A_258 = tpu.memref_squeeze %parallel_loop3A_257 : memref<1x32x129xf32, #tpu.memory_space<vmem>> -> memref<32x129xf32, #tpu.memory_space<vmem>>
          %parallel_loop3A_259 = tpu.vector_load_idx %parallel_loop3A_258[%and3A_141, %parallel_loop3A_253] : memref<32x129xf32, #tpu.memory_space<vmem>>[vector<16xi32>, vector<16xi32>], vector<16xf32>,
          %parallel_loop3A_260 = arith.constant 1 : i32
          %parallel_loop3A_261 = arith.index_cast %parallel_loop3A_260 : i32 to index
          %parallel_loop3A_262 = arith.index_cast %parallel_loop3A_204 : i32 to index
          %parallel_loop3A_263 = arith.constant 48 : index
          %parallel_loop3A_264 = tpu.vector_load %arg6[%parallel_loop3A_261, %parallel_loop3A_262, %parallel_loop3A_263] {strides = array<i32>} : memref<2x32x128xf32, #tpu.memory_space<vmem>>, vector<16xf32>,
          tpu.vector_store %arg6[%parallel_loop3A_261, %parallel_loop3A_262, %parallel_loop3A_263], %parallel_loop3A_259 {strides = array<i32>} : memref<2x32x128xf32, #tpu.memory_space<vmem>>, vector<16xf32>,
          %parallel_loop3A_265 = arith.constant 4 : i32
          %parallel_loop3A_266 = arith.muli %parallel_loop3A_204, %parallel_loop3A_265 : i32
          %parallel_loop3A_267 = vector.broadcast %parallel_loop3A_266 : i32 to vector<16xi32>
          %parallel_loop3A_268 = arith.addi %shift_right_logical3A_154, %parallel_loop3A_267 : vector<16xi32>
          %parallel_loop3A_269 = arith.constant 1 : i32
          %parallel_loop3A_270 = arith.constant 0 : i32
          %parallel_loop3A_271 = arith.constant 0 : i32
          %parallel_loop3A_272 = tpu.memref_slice %arg5[%parallel_loop3A_269, %parallel_loop3A_270, %parallel_loop3A_271] : memref<2x32x129xf32, #tpu.memory_space<vmem>> -> memref<1x32x129xf32, #tpu.memory_space<vmem>>
          %parallel_loop3A_273 = tpu.memref_squeeze %parallel_loop3A_272 : memref<1x32x129xf32, #tpu.memory_space<vmem>> -> memref<32x129xf32, #tpu.memory_space<vmem>>
          %parallel_loop3A_274 = tpu.vector_load_idx %parallel_loop3A_273[%and3A_151, %parallel_loop3A_268] : memref<32x129xf32, #tpu.memory_space<vmem>>[vector<16xi32>, vector<16xi32>], vector<16xf32>,
          %parallel_loop3A_275 = arith.constant 1 : i32
          %parallel_loop3A_276 = arith.index_cast %parallel_loop3A_275 : i32 to index
          %parallel_loop3A_277 = arith.index_cast %parallel_loop3A_204 : i32 to index
          %parallel_loop3A_278 = arith.constant 64 : index
          %parallel_loop3A_279 = tpu.vector_load %arg6[%parallel_loop3A_276, %parallel_loop3A_277, %parallel_loop3A_278] {strides = array<i32>} : memref<2x32x128xf32, #tpu.memory_space<vmem>>, vector<16xf32>,
          tpu.vector_store %arg6[%parallel_loop3A_276, %parallel_loop3A_277, %parallel_loop3A_278], %parallel_loop3A_274 {strides = array<i32>} : memref<2x32x128xf32, #tpu.memory_space<vmem>>, vector<16xf32>,
          %parallel_loop3A_280 = arith.constant 4 : i32
          %parallel_loop3A_281 = arith.muli %parallel_loop3A_204, %parallel_loop3A_280 : i32
          %parallel_loop3A_282 = vector.broadcast %parallel_loop3A_281 : i32 to vector<16xi32>
          %parallel_loop3A_283 = arith.addi %shift_right_logical3A_164, %parallel_loop3A_282 : vector<16xi32>
          %parallel_loop3A_284 = arith.constant 1 : i32
          %parallel_loop3A_285 = arith.constant 0 : i32
          %parallel_loop3A_286 = arith.constant 0 : i32
          %parallel_loop3A_287 = tpu.memref_slice %arg5[%parallel_loop3A_284, %parallel_loop3A_285, %parallel_loop3A_286] : memref<2x32x129xf32, #tpu.memory_space<vmem>> -> memref<1x32x129xf32, #tpu.memory_space<vmem>>
          %parallel_loop3A_288 = tpu.memref_squeeze %parallel_loop3A_287 : memref<1x32x129xf32, #tpu.memory_space<vmem>> -> memref<32x129xf32, #tpu.memory_space<vmem>>
          %parallel_loop3A_289 = tpu.vector_load_idx %parallel_loop3A_288[%and3A_161, %parallel_loop3A_283] : memref<32x129xf32, #tpu.memory_space<vmem>>[vector<16xi32>, vector<16xi32>], vector<16xf32>,
          %parallel_loop3A_290 = arith.constant 1 : i32
          %parallel_loop3A_291 = arith.index_cast %parallel_loop3A_290 : i32 to index
          %parallel_loop3A_292 = arith.index_cast %parallel_loop3A_204 : i32 to index
          %parallel_loop3A_293 = arith.constant 80 : index
          %parallel_loop3A_294 = tpu.vector_load %arg6[%parallel_loop3A_291, %parallel_loop3A_292, %parallel_loop3A_293] {strides = array<i32>} : memref<2x32x128xf32, #tpu.memory_space<vmem>>, vector<16xf32>,
          tpu.vector_store %arg6[%parallel_loop3A_291, %parallel_loop3A_292, %parallel_loop3A_293], %parallel_loop3A_289 {strides = array<i32>} : memref<2x32x128xf32, #tpu.memory_space<vmem>>, vector<16xf32>,
          %parallel_loop3A_295 = arith.constant 4 : i32
          %parallel_loop3A_296 = arith.muli %parallel_loop3A_204, %parallel_loop3A_295 : i32
          %parallel_loop3A_297 = vector.broadcast %parallel_loop3A_296 : i32 to vector<16xi32>
          %parallel_loop3A_298 = arith.addi %shift_right_logical3A_174, %parallel_loop3A_297 : vector<16xi32>
          %parallel_loop3A_299 = arith.constant 1 : i32
          %parallel_loop3A_300 = arith.constant 0 : i32
          %parallel_loop3A_301 = arith.constant 0 : i32
          %parallel_loop3A_302 = tpu.memref_slice %arg5[%parallel_loop3A_299, %parallel_loop3A_300, %parallel_loop3A_301] : memref<2x32x129xf32, #tpu.memory_space<vmem>> -> memref<1x32x129xf32, #tpu.memory_space<vmem>>
          %parallel_loop3A_303 = tpu.memref_squeeze %parallel_loop3A_302 : memref<1x32x129xf32, #tpu.memory_space<vmem>> -> memref<32x129xf32, #tpu.memory_space<vmem>>
          %parallel_loop3A_304 = tpu.vector_load_idx %parallel_loop3A_303[%and3A_171, %parallel_loop3A_298] : memref<32x129xf32, #tpu.memory_space<vmem>>[vector<16xi32>, vector<16xi32>], vector<16xf32>,
          %parallel_loop3A_305 = arith.constant 1 : i32
          %parallel_loop3A_306 = arith.index_cast %parallel_loop3A_305 : i32 to index
          %parallel_loop3A_307 = arith.index_cast %parallel_loop3A_204 : i32 to index
          %parallel_loop3A_308 = arith.constant 96 : index
          %parallel_loop3A_309 = tpu.vector_load %arg6[%parallel_loop3A_306, %parallel_loop3A_307, %parallel_loop3A_308] {strides = array<i32>} : memref<2x32x128xf32, #tpu.memory_space<vmem>>, vector<16xf32>,
          tpu.vector_store %arg6[%parallel_loop3A_306, %parallel_loop3A_307, %parallel_loop3A_308], %parallel_loop3A_304 {strides = array<i32>} : memref<2x32x128xf32, #tpu.memory_space<vmem>>, vector<16xf32>,
          %parallel_loop3A_310 = arith.constant 4 : i32
          %parallel_loop3A_311 = arith.muli %parallel_loop3A_204, %parallel_loop3A_310 : i32
          %parallel_loop3A_312 = vector.broadcast %parallel_loop3A_311 : i32 to vector<16xi32>
          %parallel_loop3A_313 = arith.addi %shift_right_logical3A_184, %parallel_loop3A_312 : vector<16xi32>
          %parallel_loop3A_314 = arith.constant 1 : i32
          %parallel_loop3A_315 = arith.constant 0 : i32
          %parallel_loop3A_316 = arith.constant 0 : i32
          %parallel_loop3A_317 = tpu.memref_slice %arg5[%parallel_loop3A_314, %parallel_loop3A_315, %parallel_loop3A_316] : memref<2x32x129xf32, #tpu.memory_space<vmem>> -> memref<1x32x129xf32, #tpu.memory_space<vmem>>
          %parallel_loop3A_318 = tpu.memref_squeeze %parallel_loop3A_317 : memref<1x32x129xf32, #tpu.memory_space<vmem>> -> memref<32x129xf32, #tpu.memory_space<vmem>>
          %parallel_loop3A_319 = tpu.vector_load_idx %parallel_loop3A_318[%and3A_181, %parallel_loop3A_313] : memref<32x129xf32, #tpu.memory_space<vmem>>[vector<16xi32>, vector<16xi32>], vector<16xf32>,
          %parallel_loop3A_320 = arith.constant 1 : i32
          %parallel_loop3A_321 = arith.index_cast %parallel_loop3A_320 : i32 to index
          %parallel_loop3A_322 = arith.index_cast %parallel_loop3A_204 : i32 to index
          %parallel_loop3A_323 = arith.constant 112 : index
          %parallel_loop3A_324 = tpu.vector_load %arg6[%parallel_loop3A_321, %parallel_loop3A_322, %parallel_loop3A_323] {strides = array<i32>} : memref<2x32x128xf32, #tpu.memory_space<vmem>>, vector<16xf32>,
          tpu.vector_store %arg6[%parallel_loop3A_321, %parallel_loop3A_322, %parallel_loop3A_323], %parallel_loop3A_319 {strides = array<i32>} : memref<2x32x128xf32, #tpu.memory_space<vmem>>, vector<16xf32>,
        } {sc.loop_unroll_factor = 8 : i64, sc.parallel_access}
        %mul3A_187 = arith.constant 32 : i32
        %mul3A_188 = arith.muli %add3A_67, %mul3A_187 : i32
        %add3A_189 = arith.addi %mul3A_188, %add3A : i32
        %mul3A_190 = arith.constant 32 : i32
        %mul3A_191 = arith.muli %add3A_189, %mul3A_190 : i32
        %dma_start3A = arith.constant 1 : i32
        %dma_start3A_192 = arith.constant 0 : i32
        %dma_start3A_193 = arith.constant 0 : i32
        %dma_start3A_194 = tpu.memref_slice %arg6[%dma_start3A, %dma_start3A_192, %dma_start3A_193] : memref<2x32x128xf32, #tpu.memory_space<vmem>> -> memref<1x32x128xf32, #tpu.memory_space<vmem>>
        %dma_start3A_195 = tpu.memref_squeeze %dma_start3A_194 : memref<1x32x128xf32, #tpu.memory_space<vmem>> -> memref<32x128xf32, #tpu.memory_space<vmem>>
        %dma_start3A_196 = arith.constant 0 : i32
        %dma_start3A_197 = tpu.memref_slice %arg4[%mul3A_191, %dma_start3A_196] : memref<250000x128xf32, #tpu.memory_space<hbm>> -> memref<32x128xf32, #tpu.memory_space<hbm>>
        %dma_start3A_198 = arith.constant 0 : i32
        %dma_start3A_199 = tpu.memref_slice %arg4[%mul3A_191, %dma_start3A_198] : memref<250000x128xf32, #tpu.memory_space<hbm>> -> memref<32x128xf32, #tpu.memory_space<hbm>>
        %dma_start3A_200 = arith.constant 0 : i32
        %dma_start3A_201 = arith.constant 0 : i32
        %dma_start3A_202 = tpu.memref_slice %arg6[%dma_start3A, %dma_start3A_200, %dma_start3A_201] : memref<2x32x128xf32, #tpu.memory_space<vmem>> -> memref<1x32x128xf32, #tpu.memory_space<vmem>>
        %dma_start3A_203 = tpu.memref_squeeze %dma_start3A_202 : memref<1x32x128xf32, #tpu.memory_space<vmem>> -> memref<32x128xf32, #tpu.memory_space<vmem>>
        tpu.enqueue_dma source(%dma_start3A_203 : memref<32x128xf32, #tpu.memory_space<vmem>>) target(%dma_start3A_199 : memref<32x128xf32, #tpu.memory_space<hbm>>) target_semaphore(%arg10 : memref<!tpu.dma_semaphore, #tpu.memory_space<semaphore_mem>>)
      } else {
      }
    }
    %scan3A_9 = arith.constant 123 : i32
    %dma_wait3A = arith.constant 0 : i32
    %dma_wait3A_10 = arith.constant 0 : i32
    %dma_wait3A_11 = arith.constant 0 : i32
    %dma_wait3A_12 = tpu.memref_slice %arg6[%dma_wait3A, %dma_wait3A_10, %dma_wait3A_11] : memref<2x32x128xf32, #tpu.memory_space<vmem>> -> memref<1x32x128xf32, #tpu.memory_space<vmem>>
    %dma_wait3A_13 = tpu.memref_squeeze %dma_wait3A_12 : memref<1x32x128xf32, #tpu.memory_space<vmem>> -> memref<32x128xf32, #tpu.memory_space<vmem>>
    %dma_wait3A_14 = arith.constant 0 : i32
    %dma_wait3A_15 = arith.constant 0 : i32
    %dma_wait3A_16 = tpu.memref_slice %arg4[%dma_wait3A_14, %dma_wait3A_15] : memref<250000x128xf32, #tpu.memory_space<hbm>> -> memref<32x128xf32, #tpu.memory_space<hbm>>
    %dma_wait3A_17 = arith.constant 0 : i32
    %dma_wait3A_18 = arith.constant 0 : i32
    %dma_wait3A_19 = tpu.memref_slice %arg4[%dma_wait3A_17, %dma_wait3A_18] : memref<250000x128xf32, #tpu.memory_space<hbm>> -> memref<32x128xf32, #tpu.memory_space<hbm>>
    %dma_wait3A_20 = arith.constant 0 : i32
    %dma_wait3A_21 = arith.constant 0 : i32
    %dma_wait3A_22 = tpu.memref_slice %arg6[%dma_wait3A, %dma_wait3A_20, %dma_wait3A_21] : memref<2x32x128xf32, #tpu.memory_space<vmem>> -> memref<1x32x128xf32, #tpu.memory_space<vmem>>
    %dma_wait3A_23 = tpu.memref_squeeze %dma_wait3A_22 : memref<1x32x128xf32, #tpu.memory_space<vmem>> -> memref<32x128xf32, #tpu.memory_space<vmem>>
    tpu.wait_dma2 semaphore(%arg9 : memref<!tpu.dma_semaphore, #tpu.memory_space<semaphore_mem>>) src(%dma_wait3A_23 : memref<32x128xf32, #tpu.memory_space<vmem>>) dst(%dma_wait3A_19 : memref<32x128xf32, #tpu.memory_space<hbm>>)
    %dma_wait3A_24 = arith.constant 1 : i32
    %dma_wait3A_25 = arith.constant 0 : i32
    %dma_wait3A_26 = arith.constant 0 : i32
    %dma_wait3A_27 = tpu.memref_slice %arg6[%dma_wait3A_24, %dma_wait3A_25, %dma_wait3A_26] : memref<2x32x128xf32, #tpu.memory_space<vmem>> -> memref<1x32x128xf32, #tpu.memory_space<vmem>>
    %dma_wait3A_28 = tpu.memref_squeeze %dma_wait3A_27 : memref<1x32x128xf32, #tpu.memory_space<vmem>> -> memref<32x128xf32, #tpu.memory_space<vmem>>
    %dma_wait3A_29 = arith.constant 0 : i32
    %dma_wait3A_30 = arith.constant 0 : i32
    %dma_wait3A_31 = tpu.memref_slice %arg4[%dma_wait3A_29, %dma_wait3A_30] : memref<250000x128xf32, #tpu.memory_space<hbm>> -> memref<32x128xf32, #tpu.memory_space<hbm>>
    %dma_wait3A_32 = arith.constant 0 : i32
    %dma_wait3A_33 = arith.constant 0 : i32
    %dma_wait3A_34 = tpu.memref_slice %arg4[%dma_wait3A_32, %dma_wait3A_33] : memref<250000x128xf32, #tpu.memory_space<hbm>> -> memref<32x128xf32, #tpu.memory_space<hbm>>
    %dma_wait3A_35 = arith.constant 0 : i32
    %dma_wait3A_36 = arith.constant 0 : i32
    %dma_wait3A_37 = tpu.memref_slice %arg6[%dma_wait3A_24, %dma_wait3A_35, %dma_wait3A_36] : memref<2x32x128xf32, #tpu.memory_space<vmem>> -> memref<1x32x128xf32, #tpu.memory_space<vmem>>
    %dma_wait3A_38 = tpu.memref_squeeze %dma_wait3A_37 : memref<1x32x128xf32, #tpu.memory_space<vmem>> -> memref<32x128xf32, #tpu.memory_space<vmem>>
    tpu.wait_dma2 semaphore(%arg10 : memref<!tpu.dma_semaphore, #tpu.memory_space<semaphore_mem>>) src(%dma_wait3A_38 : memref<32x128xf32, #tpu.memory_space<vmem>>) dst(%dma_wait3A_34 : memref<32x128xf32, #tpu.memory_space<hbm>>)
    %eq3A = arith.constant 0 : i32
    %eq3A_39 = arith.cmpi eq, %add3A, %eq3A : i32
    %convert_element_type3A_40 = arith.extui %eq3A_39 : i1 to i32
    %cond3A_41 = arith.constant 0 : i32
    %cond3A_42 = arith.cmpi ne, %convert_element_type3A_40, %cond3A_41 : i32
    scf.if %cond3A_42 {
      %run_scoped3A = arith.constant 0 : i32
      "tpu.region"() ({
        %run_scoped3A_44 = tpu.sem_alloc : memref<!tpu.dma_semaphore, #tpu.memory_space<semaphore_mem>>
        %dma_start3A = arith.constant 0 : i32
        %dma_start3A_45 = arith.constant 0 : i32
        %dma_start3A_46 = tpu.memref_slice %arg6[%run_scoped3A, %dma_start3A, %dma_start3A_45] : memref<2x32x128xf32, #tpu.memory_space<vmem>> -> memref<1x16x128xf32, #tpu.memory_space<vmem>>
        %dma_start3A_47 = tpu.memref_squeeze %dma_start3A_46 : memref<1x16x128xf32, #tpu.memory_space<vmem>> -> memref<16x128xf32, #tpu.memory_space<vmem>>
        %dma_start3A_48 = arith.constant 0 : i32
        %dma_start3A_49 = arith.constant 0 : i32
        %dma_start3A_50 = tpu.memref_slice %arg6[%run_scoped3A, %dma_start3A_48, %dma_start3A_49] : memref<2x32x128xf32, #tpu.memory_space<vmem>> -> memref<1x16x128xf32, #tpu.memory_space<vmem>>
        %dma_start3A_51 = tpu.memref_squeeze %dma_start3A_50 : memref<1x16x128xf32, #tpu.memory_space<vmem>> -> memref<16x128xf32, #tpu.memory_space<vmem>>
        tpu.enqueue_dma source(%arg3 : memref<16x128xf32, #tpu.memory_space<hbm>>) target(%dma_start3A_51 : memref<16x128xf32, #tpu.memory_space<vmem>>) target_semaphore(%run_scoped3A_44 : memref<!tpu.dma_semaphore, #tpu.memory_space<semaphore_mem>>)
        %dma_wait3A_52 = arith.constant 0 : i32
        %dma_wait3A_53 = arith.constant 0 : i32
        %dma_wait3A_54 = tpu.memref_slice %arg6[%run_scoped3A, %dma_wait3A_52, %dma_wait3A_53] : memref<2x32x128xf32, #tpu.memory_space<vmem>> -> memref<1x16x128xf32, #tpu.memory_space<vmem>>
        %dma_wait3A_55 = tpu.memref_squeeze %dma_wait3A_54 : memref<1x16x128xf32, #tpu.memory_space<vmem>> -> memref<16x128xf32, #tpu.memory_space<vmem>>
        %dma_wait3A_56 = arith.constant 0 : i32
        %dma_wait3A_57 = arith.constant 0 : i32
        %dma_wait3A_58 = tpu.memref_slice %arg6[%run_scoped3A, %dma_wait3A_56, %dma_wait3A_57] : memref<2x32x128xf32, #tpu.memory_space<vmem>> -> memref<1x16x128xf32, #tpu.memory_space<vmem>>
        %dma_wait3A_59 = tpu.memref_squeeze %dma_wait3A_58 : memref<1x16x128xf32, #tpu.memory_space<vmem>> -> memref<16x128xf32, #tpu.memory_space<vmem>>
        tpu.wait_dma2 semaphore(%run_scoped3A_44 : memref<!tpu.dma_semaphore, #tpu.memory_space<semaphore_mem>>) src(%arg3 : memref<16x128xf32, #tpu.memory_space<hbm>>) dst(%dma_wait3A_59 : memref<16x128xf32, #tpu.memory_space<vmem>>)
        tpu.yield
      }) : () -> ()
      %run_scoped3A_43 = arith.constant 0 : i32
      "tpu.region"() ({
        %run_scoped3A_44 = tpu.sem_alloc : memref<!tpu.dma_semaphore, #tpu.memory_space<semaphore_mem>>
        %dma_start3A = arith.constant 0 : i32
        %dma_start3A_45 = arith.constant 0 : i32
        %dma_start3A_46 = tpu.memref_slice %arg6[%run_scoped3A_43, %dma_start3A, %dma_start3A_45] : memref<2x32x128xf32, #tpu.memory_space<vmem>> -> memref<1x16x128xf32, #tpu.memory_space<vmem>>
        %dma_start3A_47 = tpu.memref_squeeze %dma_start3A_46 : memref<1x16x128xf32, #tpu.memory_space<vmem>> -> memref<16x128xf32, #tpu.memory_space<vmem>>
        %dma_start3A_48 = arith.constant 249984 : i32
        %dma_start3A_49 = arith.constant 0 : i32
        %dma_start3A_50 = tpu.memref_slice %arg4[%dma_start3A_48, %dma_start3A_49] : memref<250000x128xf32, #tpu.memory_space<hbm>> -> memref<16x128xf32, #tpu.memory_space<hbm>>
        %dma_start3A_51 = arith.constant 249984 : i32
        %dma_start3A_52 = arith.constant 0 : i32
        %dma_start3A_53 = tpu.memref_slice %arg4[%dma_start3A_51, %dma_start3A_52] : memref<250000x128xf32, #tpu.memory_space<hbm>> -> memref<16x128xf32, #tpu.memory_space<hbm>>
        %dma_start3A_54 = arith.constant 0 : i32
        %dma_start3A_55 = arith.constant 0 : i32
        %dma_start3A_56 = tpu.memref_slice %arg6[%run_scoped3A_43, %dma_start3A_54, %dma_start3A_55] : memref<2x32x128xf32, #tpu.memory_space<vmem>> -> memref<1x16x128xf32, #tpu.memory_space<vmem>>
        %dma_start3A_57 = tpu.memref_squeeze %dma_start3A_56 : memref<1x16x128xf32, #tpu.memory_space<vmem>> -> memref<16x128xf32, #tpu.memory_space<vmem>>
        tpu.enqueue_dma source(%dma_start3A_57 : memref<16x128xf32, #tpu.memory_space<vmem>>) target(%dma_start3A_53 : memref<16x128xf32, #tpu.memory_space<hbm>>) target_semaphore(%run_scoped3A_44 : memref<!tpu.dma_semaphore, #tpu.memory_space<semaphore_mem>>)
        %dma_wait3A_58 = arith.constant 0 : i32
        %dma_wait3A_59 = arith.constant 0 : i32
        %dma_wait3A_60 = tpu.memref_slice %arg6[%run_scoped3A_43, %dma_wait3A_58, %dma_wait3A_59] : memref<2x32x128xf32, #tpu.memory_space<vmem>> -> memref<1x16x128xf32, #tpu.memory_space<vmem>>
        %dma_wait3A_61 = tpu.memref_squeeze %dma_wait3A_60 : memref<1x16x128xf32, #tpu.memory_space<vmem>> -> memref<16x128xf32, #tpu.memory_space<vmem>>
        %dma_wait3A_62 = arith.constant 249984 : i32
        %dma_wait3A_63 = arith.constant 0 : i32
        %dma_wait3A_64 = tpu.memref_slice %arg4[%dma_wait3A_62, %dma_wait3A_63] : memref<250000x128xf32, #tpu.memory_space<hbm>> -> memref<16x128xf32, #tpu.memory_space<hbm>>
        %dma_wait3A_65 = arith.constant 249984 : i32
        %dma_wait3A_66 = arith.constant 0 : i32
        %dma_wait3A_67 = tpu.memref_slice %arg4[%dma_wait3A_65, %dma_wait3A_66] : memref<250000x128xf32, #tpu.memory_space<hbm>> -> memref<16x128xf32, #tpu.memory_space<hbm>>
        %dma_wait3A_68 = arith.constant 0 : i32
        %dma_wait3A_69 = arith.constant 0 : i32
        %dma_wait3A_70 = tpu.memref_slice %arg6[%run_scoped3A_43, %dma_wait3A_68, %dma_wait3A_69] : memref<2x32x128xf32, #tpu.memory_space<vmem>> -> memref<1x16x128xf32, #tpu.memory_space<vmem>>
        %dma_wait3A_71 = tpu.memref_squeeze %dma_wait3A_70 : memref<1x16x128xf32, #tpu.memory_space<vmem>> -> memref<16x128xf32, #tpu.memory_space<vmem>>
        tpu.wait_dma2 semaphore(%run_scoped3A_44 : memref<!tpu.dma_semaphore, #tpu.memory_space<semaphore_mem>>) src(%dma_wait3A_71 : memref<16x128xf32, #tpu.memory_space<vmem>>) dst(%dma_wait3A_67 : memref<16x128xf32, #tpu.memory_space<hbm>>)
        tpu.yield
      }) : () -> ()
    } else {
    }
    return
  }
}

#map = affine_map<(d0, d1) -> (0)>
#map1 = affine_map<(d0, d1) -> (0, 0)>
#map2 = affine_map<(d0, d1) -> (0, 0, 0)>
module attributes {stable_mosaic.version = 14 : i64} {
  func.func @_embed(%arg0: i32, %arg1: i32, %arg2: memref<425984xi32, #tpu.memory_space<hbm>>, %arg3: memref<250000x128xf32, #tpu.memory_space<hbm>>, %arg4: memref<26x32x16384xf32, #tpu.memory_space<hbm>>, %arg5: memref<13312xi32, #tpu.memory_space<vmem>>, %arg6: memref<2x128xi32, #tpu.memory_space<vmem>>, %arg7: memref<2x128xi32, #tpu.memory_space<vmem>>, %arg8: memref<2x128x128xf32, #tpu.memory_space<vmem>>, %arg9: memref<2x32x128xf32, #tpu.memory_space<vmem>>, %arg10: memref<!tpu.dma_semaphore, #tpu.memory_space<semaphore_mem>>, %arg11: memref<!tpu.dma_semaphore, #tpu.memory_space<semaphore_mem>>, %arg12: memref<!tpu.dma_semaphore, #tpu.memory_space<semaphore_mem>>, %arg13: memref<!tpu.dma_semaphore, #tpu.memory_space<semaphore_mem>>) attributes {dimension_semantics = [#tpu.dimension_semantics<core_parallel>, #tpu.dimension_semantics<subcore_parallel>], iteration_bounds = array<i64: 2, 16>, scalar_prefetch = 0 : i64, scratch_operands = 9 : i64, tpu.core_type = #tpu.core_type<sc_vector_subcore>, window_params = [{transform_indices = #map}, {transform_indices = #map1}, {transform_indices = #map2}]} {
    %mul3A = arith.constant 2 : i32
    %mul3A_0 = arith.muli %arg1, %mul3A : i32
    %add3A = arith.addi %mul3A_0, %arg0 : i32
    %mul3A_1 = arith.constant 104 : i32
    %mul3A_2 = arith.muli %add3A, %mul3A_1 : i32
    %mul3A_3 = arith.constant 13312 : i32
    %mul3A_4 = arith.muli %add3A, %mul3A_3 : i32
    "tpu.region"() ({
      %run_scoped3A = tpu.sem_alloc : memref<!tpu.dma_semaphore, #tpu.memory_space<semaphore_mem>>
      %dma_start3A_203 = tpu.memref_slice %arg2[%mul3A_4] : memref<425984xi32, #tpu.memory_space<hbm>> -> memref<13312xi32, #tpu.memory_space<hbm>>
      %dma_start3A_204 = tpu.memref_slice %arg2[%mul3A_4] : memref<425984xi32, #tpu.memory_space<hbm>> -> memref<13312xi32, #tpu.memory_space<hbm>>
      tpu.enqueue_dma source(%dma_start3A_204 : memref<13312xi32, #tpu.memory_space<hbm>>) target(%arg5 : memref<13312xi32, #tpu.memory_space<vmem>>) target_semaphore(%run_scoped3A : memref<!tpu.dma_semaphore, #tpu.memory_space<semaphore_mem>>)
      %dma_wait3A_205 = tpu.memref_slice %arg2[%mul3A_4] : memref<425984xi32, #tpu.memory_space<hbm>> -> memref<13312xi32, #tpu.memory_space<hbm>>
      %dma_wait3A_206 = tpu.memref_slice %arg2[%mul3A_4] : memref<425984xi32, #tpu.memory_space<hbm>> -> memref<13312xi32, #tpu.memory_space<hbm>>
      tpu.wait_dma2 semaphore(%run_scoped3A : memref<!tpu.dma_semaphore, #tpu.memory_space<semaphore_mem>>) src(%dma_wait3A_206 : memref<13312xi32, #tpu.memory_space<hbm>>) dst(%arg5 : memref<13312xi32, #tpu.memory_space<vmem>>)
      tpu.yield
    }) : () -> ()
    %get3A = arith.constant 0 : index
    %get3A_5 = tpu.vector_load %arg5[%get3A] {strides = array<i32>} : memref<13312xi32, #tpu.memory_space<vmem>>, vector<16xi32>,
    %shift_right_logical3A = arith.constant 2 : i32
    %shift_right_logical3A_6 = vector.broadcast %shift_right_logical3A : i32 to vector<16xi32>
    %shift_right_logical3A_7 = arith.shrui %get3A_5, %shift_right_logical3A_6 : vector<16xi32>
    %swap3A = arith.constant 0 : i32
    %swap3A_8 = arith.index_cast %swap3A : i32 to index
    %swap3A_9 = arith.constant 0 : index
    %swap3A_10 = tpu.vector_load %arg6[%swap3A_8, %swap3A_9] {strides = array<i32>} : memref<2x128xi32, #tpu.memory_space<vmem>>, vector<16xi32>,
    tpu.vector_store %arg6[%swap3A_8, %swap3A_9], %shift_right_logical3A_7 {strides = array<i32>} : memref<2x128xi32, #tpu.memory_space<vmem>>, vector<16xi32>,
    %and3A = arith.constant 3 : i32
    %and3A_11 = vector.broadcast %and3A : i32 to vector<16xi32>
    %and3A_12 = arith.andi %get3A_5, %and3A_11 : vector<16xi32>
    %shift_left3A = arith.constant 5 : i32
    %shift_left3A_13 = vector.broadcast %shift_left3A : i32 to vector<16xi32>
    %shift_left3A_14 = arith.shli %and3A_12, %shift_left3A_13 : vector<16xi32>
    %swap3A_15 = arith.constant 0 : i32
    %swap3A_16 = arith.index_cast %swap3A_15 : i32 to index
    %swap3A_17 = arith.constant 0 : index
    %swap3A_18 = tpu.vector_load %arg7[%swap3A_16, %swap3A_17] {strides = array<i32>} : memref<2x128xi32, #tpu.memory_space<vmem>>, vector<16xi32>,
    tpu.vector_store %arg7[%swap3A_16, %swap3A_17], %shift_left3A_14 {strides = array<i32>} : memref<2x128xi32, #tpu.memory_space<vmem>>, vector<16xi32>,
    %get3A_19 = arith.constant 16 : index
    %get3A_20 = tpu.vector_load %arg5[%get3A_19] {strides = array<i32>} : memref<13312xi32, #tpu.memory_space<vmem>>, vector<16xi32>,
    %shift_right_logical3A_21 = arith.constant 2 : i32
    %shift_right_logical3A_22 = vector.broadcast %shift_right_logical3A_21 : i32 to vector<16xi32>
    %shift_right_logical3A_23 = arith.shrui %get3A_20, %shift_right_logical3A_22 : vector<16xi32>
    %swap3A_24 = arith.constant 0 : i32
    %swap3A_25 = arith.index_cast %swap3A_24 : i32 to index
    %swap3A_26 = arith.constant 16 : index
    %swap3A_27 = tpu.vector_load %arg6[%swap3A_25, %swap3A_26] {strides = array<i32>} : memref<2x128xi32, #tpu.memory_space<vmem>>, vector<16xi32>,
    tpu.vector_store %arg6[%swap3A_25, %swap3A_26], %shift_right_logical3A_23 {strides = array<i32>} : memref<2x128xi32, #tpu.memory_space<vmem>>, vector<16xi32>,
    %and3A_28 = arith.constant 3 : i32
    %and3A_29 = vector.broadcast %and3A_28 : i32 to vector<16xi32>
    %and3A_30 = arith.andi %get3A_20, %and3A_29 : vector<16xi32>
    %shift_left3A_31 = arith.constant 5 : i32
    %shift_left3A_32 = vector.broadcast %shift_left3A_31 : i32 to vector<16xi32>
    %shift_left3A_33 = arith.shli %and3A_30, %shift_left3A_32 : vector<16xi32>
    %swap3A_34 = arith.constant 0 : i32
    %swap3A_35 = arith.index_cast %swap3A_34 : i32 to index
    %swap3A_36 = arith.constant 16 : index
    %swap3A_37 = tpu.vector_load %arg7[%swap3A_35, %swap3A_36] {strides = array<i32>} : memref<2x128xi32, #tpu.memory_space<vmem>>, vector<16xi32>,
    tpu.vector_store %arg7[%swap3A_35, %swap3A_36], %shift_left3A_33 {strides = array<i32>} : memref<2x128xi32, #tpu.memory_space<vmem>>, vector<16xi32>,
    %get3A_38 = arith.constant 32 : index
    %get3A_39 = tpu.vector_load %arg5[%get3A_38] {strides = array<i32>} : memref<13312xi32, #tpu.memory_space<vmem>>, vector<16xi32>,
    %shift_right_logical3A_40 = arith.constant 2 : i32
    %shift_right_logical3A_41 = vector.broadcast %shift_right_logical3A_40 : i32 to vector<16xi32>
    %shift_right_logical3A_42 = arith.shrui %get3A_39, %shift_right_logical3A_41 : vector<16xi32>
    %swap3A_43 = arith.constant 0 : i32
    %swap3A_44 = arith.index_cast %swap3A_43 : i32 to index
    %swap3A_45 = arith.constant 32 : index
    %swap3A_46 = tpu.vector_load %arg6[%swap3A_44, %swap3A_45] {strides = array<i32>} : memref<2x128xi32, #tpu.memory_space<vmem>>, vector<16xi32>,
    tpu.vector_store %arg6[%swap3A_44, %swap3A_45], %shift_right_logical3A_42 {strides = array<i32>} : memref<2x128xi32, #tpu.memory_space<vmem>>, vector<16xi32>,
    %and3A_47 = arith.constant 3 : i32
    %and3A_48 = vector.broadcast %and3A_47 : i32 to vector<16xi32>
    %and3A_49 = arith.andi %get3A_39, %and3A_48 : vector<16xi32>
    %shift_left3A_50 = arith.constant 5 : i32
    %shift_left3A_51 = vector.broadcast %shift_left3A_50 : i32 to vector<16xi32>
    %shift_left3A_52 = arith.shli %and3A_49, %shift_left3A_51 : vector<16xi32>
    %swap3A_53 = arith.constant 0 : i32
    %swap3A_54 = arith.index_cast %swap3A_53 : i32 to index
    %swap3A_55 = arith.constant 32 : index
    %swap3A_56 = tpu.vector_load %arg7[%swap3A_54, %swap3A_55] {strides = array<i32>} : memref<2x128xi32, #tpu.memory_space<vmem>>, vector<16xi32>,
    tpu.vector_store %arg7[%swap3A_54, %swap3A_55], %shift_left3A_52 {strides = array<i32>} : memref<2x128xi32, #tpu.memory_space<vmem>>, vector<16xi32>,
    %get3A_57 = arith.constant 48 : index
    %get3A_58 = tpu.vector_load %arg5[%get3A_57] {strides = array<i32>} : memref<13312xi32, #tpu.memory_space<vmem>>, vector<16xi32>,
    %shift_right_logical3A_59 = arith.constant 2 : i32
    %shift_right_logical3A_60 = vector.broadcast %shift_right_logical3A_59 : i32 to vector<16xi32>
    %shift_right_logical3A_61 = arith.shrui %get3A_58, %shift_right_logical3A_60 : vector<16xi32>
    %swap3A_62 = arith.constant 0 : i32
    %swap3A_63 = arith.index_cast %swap3A_62 : i32 to index
    %swap3A_64 = arith.constant 48 : index
    %swap3A_65 = tpu.vector_load %arg6[%swap3A_63, %swap3A_64] {strides = array<i32>} : memref<2x128xi32, #tpu.memory_space<vmem>>, vector<16xi32>,
    tpu.vector_store %arg6[%swap3A_63, %swap3A_64], %shift_right_logical3A_61 {strides = array<i32>} : memref<2x128xi32, #tpu.memory_space<vmem>>, vector<16xi32>,
    %and3A_66 = arith.constant 3 : i32
    %and3A_67 = vector.broadcast %and3A_66 : i32 to vector<16xi32>
    %and3A_68 = arith.andi %get3A_58, %and3A_67 : vector<16xi32>
    %shift_left3A_69 = arith.constant 5 : i32
    %shift_left3A_70 = vector.broadcast %shift_left3A_69 : i32 to vector<16xi32>
    %shift_left3A_71 = arith.shli %and3A_68, %shift_left3A_70 : vector<16xi32>
    %swap3A_72 = arith.constant 0 : i32
    %swap3A_73 = arith.index_cast %swap3A_72 : i32 to index
    %swap3A_74 = arith.constant 48 : index
    %swap3A_75 = tpu.vector_load %arg7[%swap3A_73, %swap3A_74] {strides = array<i32>} : memref<2x128xi32, #tpu.memory_space<vmem>>, vector<16xi32>,
    tpu.vector_store %arg7[%swap3A_73, %swap3A_74], %shift_left3A_71 {strides = array<i32>} : memref<2x128xi32, #tpu.memory_space<vmem>>, vector<16xi32>,
    %get3A_76 = arith.constant 64 : index
    %get3A_77 = tpu.vector_load %arg5[%get3A_76] {strides = array<i32>} : memref<13312xi32, #tpu.memory_space<vmem>>, vector<16xi32>,
    %shift_right_logical3A_78 = arith.constant 2 : i32
    %shift_right_logical3A_79 = vector.broadcast %shift_right_logical3A_78 : i32 to vector<16xi32>
    %shift_right_logical3A_80 = arith.shrui %get3A_77, %shift_right_logical3A_79 : vector<16xi32>
    %swap3A_81 = arith.constant 0 : i32
    %swap3A_82 = arith.index_cast %swap3A_81 : i32 to index
    %swap3A_83 = arith.constant 64 : index
    %swap3A_84 = tpu.vector_load %arg6[%swap3A_82, %swap3A_83] {strides = array<i32>} : memref<2x128xi32, #tpu.memory_space<vmem>>, vector<16xi32>,
    tpu.vector_store %arg6[%swap3A_82, %swap3A_83], %shift_right_logical3A_80 {strides = array<i32>} : memref<2x128xi32, #tpu.memory_space<vmem>>, vector<16xi32>,
    %and3A_85 = arith.constant 3 : i32
    %and3A_86 = vector.broadcast %and3A_85 : i32 to vector<16xi32>
    %and3A_87 = arith.andi %get3A_77, %and3A_86 : vector<16xi32>
    %shift_left3A_88 = arith.constant 5 : i32
    %shift_left3A_89 = vector.broadcast %shift_left3A_88 : i32 to vector<16xi32>
    %shift_left3A_90 = arith.shli %and3A_87, %shift_left3A_89 : vector<16xi32>
    %swap3A_91 = arith.constant 0 : i32
    %swap3A_92 = arith.index_cast %swap3A_91 : i32 to index
    %swap3A_93 = arith.constant 64 : index
    %swap3A_94 = tpu.vector_load %arg7[%swap3A_92, %swap3A_93] {strides = array<i32>} : memref<2x128xi32, #tpu.memory_space<vmem>>, vector<16xi32>,
    tpu.vector_store %arg7[%swap3A_92, %swap3A_93], %shift_left3A_90 {strides = array<i32>} : memref<2x128xi32, #tpu.memory_space<vmem>>, vector<16xi32>,
    %get3A_95 = arith.constant 80 : index
    %get3A_96 = tpu.vector_load %arg5[%get3A_95] {strides = array<i32>} : memref<13312xi32, #tpu.memory_space<vmem>>, vector<16xi32>,
    %shift_right_logical3A_97 = arith.constant 2 : i32
    %shift_right_logical3A_98 = vector.broadcast %shift_right_logical3A_97 : i32 to vector<16xi32>
    %shift_right_logical3A_99 = arith.shrui %get3A_96, %shift_right_logical3A_98 : vector<16xi32>
    %swap3A_100 = arith.constant 0 : i32
    %swap3A_101 = arith.index_cast %swap3A_100 : i32 to index
    %swap3A_102 = arith.constant 80 : index
    %swap3A_103 = tpu.vector_load %arg6[%swap3A_101, %swap3A_102] {strides = array<i32>} : memref<2x128xi32, #tpu.memory_space<vmem>>, vector<16xi32>,
    tpu.vector_store %arg6[%swap3A_101, %swap3A_102], %shift_right_logical3A_99 {strides = array<i32>} : memref<2x128xi32, #tpu.memory_space<vmem>>, vector<16xi32>,
    %and3A_104 = arith.constant 3 : i32
    %and3A_105 = vector.broadcast %and3A_104 : i32 to vector<16xi32>
    %and3A_106 = arith.andi %get3A_96, %and3A_105 : vector<16xi32>
    %shift_left3A_107 = arith.constant 5 : i32
    %shift_left3A_108 = vector.broadcast %shift_left3A_107 : i32 to vector<16xi32>
    %shift_left3A_109 = arith.shli %and3A_106, %shift_left3A_108 : vector<16xi32>
    %swap3A_110 = arith.constant 0 : i32
    %swap3A_111 = arith.index_cast %swap3A_110 : i32 to index
    %swap3A_112 = arith.constant 80 : index
    %swap3A_113 = tpu.vector_load %arg7[%swap3A_111, %swap3A_112] {strides = array<i32>} : memref<2x128xi32, #tpu.memory_space<vmem>>, vector<16xi32>,
    tpu.vector_store %arg7[%swap3A_111, %swap3A_112], %shift_left3A_109 {strides = array<i32>} : memref<2x128xi32, #tpu.memory_space<vmem>>, vector<16xi32>,
    %get3A_114 = arith.constant 96 : index
    %get3A_115 = tpu.vector_load %arg5[%get3A_114] {strides = array<i32>} : memref<13312xi32, #tpu.memory_space<vmem>>, vector<16xi32>,
    %shift_right_logical3A_116 = arith.constant 2 : i32
    %shift_right_logical3A_117 = vector.broadcast %shift_right_logical3A_116 : i32 to vector<16xi32>
    %shift_right_logical3A_118 = arith.shrui %get3A_115, %shift_right_logical3A_117 : vector<16xi32>
    %swap3A_119 = arith.constant 0 : i32
    %swap3A_120 = arith.index_cast %swap3A_119 : i32 to index
    %swap3A_121 = arith.constant 96 : index
    %swap3A_122 = tpu.vector_load %arg6[%swap3A_120, %swap3A_121] {strides = array<i32>} : memref<2x128xi32, #tpu.memory_space<vmem>>, vector<16xi32>,
    tpu.vector_store %arg6[%swap3A_120, %swap3A_121], %shift_right_logical3A_118 {strides = array<i32>} : memref<2x128xi32, #tpu.memory_space<vmem>>, vector<16xi32>,
    %and3A_123 = arith.constant 3 : i32
    %and3A_124 = vector.broadcast %and3A_123 : i32 to vector<16xi32>
    %and3A_125 = arith.andi %get3A_115, %and3A_124 : vector<16xi32>
    %shift_left3A_126 = arith.constant 5 : i32
    %shift_left3A_127 = vector.broadcast %shift_left3A_126 : i32 to vector<16xi32>
    %shift_left3A_128 = arith.shli %and3A_125, %shift_left3A_127 : vector<16xi32>
    %swap3A_129 = arith.constant 0 : i32
    %swap3A_130 = arith.index_cast %swap3A_129 : i32 to index
    %swap3A_131 = arith.constant 96 : index
    %swap3A_132 = tpu.vector_load %arg7[%swap3A_130, %swap3A_131] {strides = array<i32>} : memref<2x128xi32, #tpu.memory_space<vmem>>, vector<16xi32>,
    tpu.vector_store %arg7[%swap3A_130, %swap3A_131], %shift_left3A_128 {strides = array<i32>} : memref<2x128xi32, #tpu.memory_space<vmem>>, vector<16xi32>,
    %get3A_133 = arith.constant 112 : index
    %get3A_134 = tpu.vector_load %arg5[%get3A_133] {strides = array<i32>} : memref<13312xi32, #tpu.memory_space<vmem>>, vector<16xi32>,
    %shift_right_logical3A_135 = arith.constant 2 : i32
    %shift_right_logical3A_136 = vector.broadcast %shift_right_logical3A_135 : i32 to vector<16xi32>
    %shift_right_logical3A_137 = arith.shrui %get3A_134, %shift_right_logical3A_136 : vector<16xi32>
    %swap3A_138 = arith.constant 0 : i32
    %swap3A_139 = arith.index_cast %swap3A_138 : i32 to index
    %swap3A_140 = arith.constant 112 : index
    %swap3A_141 = tpu.vector_load %arg6[%swap3A_139, %swap3A_140] {strides = array<i32>} : memref<2x128xi32, #tpu.memory_space<vmem>>, vector<16xi32>,
    tpu.vector_store %arg6[%swap3A_139, %swap3A_140], %shift_right_logical3A_137 {strides = array<i32>} : memref<2x128xi32, #tpu.memory_space<vmem>>, vector<16xi32>,
    %and3A_142 = arith.constant 3 : i32
    %and3A_143 = vector.broadcast %and3A_142 : i32 to vector<16xi32>
    %and3A_144 = arith.andi %get3A_134, %and3A_143 : vector<16xi32>
    %shift_left3A_145 = arith.constant 5 : i32
    %shift_left3A_146 = vector.broadcast %shift_left3A_145 : i32 to vector<16xi32>
    %shift_left3A_147 = arith.shli %and3A_144, %shift_left3A_146 : vector<16xi32>
    %swap3A_148 = arith.constant 0 : i32
    %swap3A_149 = arith.index_cast %swap3A_148 : i32 to index
    %swap3A_150 = arith.constant 112 : index
    %swap3A_151 = tpu.vector_load %arg7[%swap3A_149, %swap3A_150] {strides = array<i32>} : memref<2x128xi32, #tpu.memory_space<vmem>>, vector<16xi32>,
    tpu.vector_store %arg7[%swap3A_149, %swap3A_150], %shift_left3A_147 {strides = array<i32>} : memref<2x128xi32, #tpu.memory_space<vmem>>, vector<16xi32>,
    %dma_start3A = arith.constant 0 : i32
    %dma_start3A_152 = arith.constant 0 : i32
    %dma_start3A_153 = arith.constant 0 : i32
    %dma_start3A_154 = arith.constant 0 : i32
    %dma_start3A_155 = tpu.memref_slice %arg8[%dma_start3A_152, %dma_start3A_153, %dma_start3A_154] : memref<2x128x128xf32, #tpu.memory_space<vmem>> -> memref<1x128x128xf32, #tpu.memory_space<vmem>>
    %dma_start3A_156 = tpu.memref_squeeze %dma_start3A_155 : memref<1x128x128xf32, #tpu.memory_space<vmem>> -> memref<128x128xf32, #tpu.memory_space<vmem>>
    %dma_start3A_157 = arith.constant 0 : i32
    %dma_start3A_158 = tpu.memref_slice %arg6[%dma_start3A, %dma_start3A_157] : memref<2x128xi32, #tpu.memory_space<vmem>> -> memref<1x128xi32, #tpu.memory_space<vmem>>
    %dma_start3A_159 = tpu.memref_squeeze %dma_start3A_158 : memref<1x128xi32, #tpu.memory_space<vmem>> -> memref<128xi32, #tpu.memory_space<vmem>>
    %dma_start3A_160 = arith.constant 0 : i32
    %dma_start3A_161 = arith.constant 0 : i32
    %dma_start3A_162 = tpu.memref_slice %arg3[%dma_start3A_160, %dma_start3A_161] : memref<250000x128xf32, #tpu.memory_space<hbm>> -> memref<250000x128xf32, #tpu.memory_space<hbm>>
    tpu.enqueue_indirect_dma source(%dma_start3A_162 : memref<250000x128xf32, #tpu.memory_space<hbm>>) target(%dma_start3A_156 : memref<128x128xf32, #tpu.memory_space<vmem>>) offsets(%dma_start3A_159 : memref<128xi32, #tpu.memory_space<vmem>>) semaphore(%arg10 : memref<!tpu.dma_semaphore, #tpu.memory_space<semaphore_mem>>)
    %scan3A = arith.constant 0 : i32
    %scan3A_163 = arith.constant 0 : i32
    %scan3A_164 = arith.constant 52 : i32
    %scan3A_165 = arith.addi %scan3A_163, %scan3A_164 : i32
    %scan3A_166 = arith.constant 1 : i32
    scf.for %scan3A_203 = %scan3A_163 to %scan3A_165 step %scan3A_166  : i32 {
      %mul3A_204 = arith.constant 2 : i32
      %mul3A_205 = arith.muli %scan3A_203, %mul3A_204 : i32
      %add3A_206 = arith.constant 1 : i32
      %add3A_207 = arith.addi %mul3A_205, %add3A_206 : i32
      %mul3A_208 = arith.constant 128 : i32
      %mul3A_209 = arith.muli %add3A_207, %mul3A_208 : i32
      %add3A_210 = arith.constant 0 : i32
      %add3A_211 = arith.addi %mul3A_209, %add3A_210 : i32
      %get3A_212 = arith.index_cast %add3A_211 : i32 to index
      %get3A_213 = tpu.vector_load %arg5[%get3A_212] {strides = array<i32>} : memref<13312xi32, #tpu.memory_space<vmem>>, vector<16xi32>,
      %shift_right_logical3A_214 = arith.constant 2 : i32
      %shift_right_logical3A_215 = vector.broadcast %shift_right_logical3A_214 : i32 to vector<16xi32>
      %shift_right_logical3A_216 = arith.shrui %get3A_213, %shift_right_logical3A_215 : vector<16xi32>
      %swap3A_217 = arith.constant 1 : i32
      %swap3A_218 = arith.index_cast %swap3A_217 : i32 to index
      %swap3A_219 = arith.constant 0 : index
      %swap3A_220 = tpu.vector_load %arg6[%swap3A_218, %swap3A_219] {strides = array<i32>} : memref<2x128xi32, #tpu.memory_space<vmem>>, vector<16xi32>,
      tpu.vector_store %arg6[%swap3A_218, %swap3A_219], %shift_right_logical3A_216 {strides = array<i32>} : memref<2x128xi32, #tpu.memory_space<vmem>>, vector<16xi32>,
      %and3A_221 = arith.constant 3 : i32
      %and3A_222 = vector.broadcast %and3A_221 : i32 to vector<16xi32>
      %and3A_223 = arith.andi %get3A_213, %and3A_222 : vector<16xi32>
      %shift_left3A_224 = arith.constant 5 : i32
      %shift_left3A_225 = vector.broadcast %shift_left3A_224 : i32 to vector<16xi32>
      %shift_left3A_226 = arith.shli %and3A_223, %shift_left3A_225 : vector<16xi32>
      %swap3A_227 = arith.constant 1 : i32
      %swap3A_228 = arith.index_cast %swap3A_227 : i32 to index
      %swap3A_229 = arith.constant 0 : index
      %swap3A_230 = tpu.vector_load %arg7[%swap3A_228, %swap3A_229] {strides = array<i32>} : memref<2x128xi32, #tpu.memory_space<vmem>>, vector<16xi32>,
      tpu.vector_store %arg7[%swap3A_228, %swap3A_229], %shift_left3A_226 {strides = array<i32>} : memref<2x128xi32, #tpu.memory_space<vmem>>, vector<16xi32>,
      %mul3A_231 = arith.constant 128 : i32
      %mul3A_232 = arith.muli %add3A_207, %mul3A_231 : i32
      %add3A_233 = arith.constant 16 : i32
      %add3A_234 = arith.addi %mul3A_232, %add3A_233 : i32
      %get3A_235 = arith.index_cast %add3A_234 : i32 to index
      %get3A_236 = tpu.vector_load %arg5[%get3A_235] {strides = array<i32>} : memref<13312xi32, #tpu.memory_space<vmem>>, vector<16xi32>,
      %shift_right_logical3A_237 = arith.constant 2 : i32
      %shift_right_logical3A_238 = vector.broadcast %shift_right_logical3A_237 : i32 to vector<16xi32>
      %shift_right_logical3A_239 = arith.shrui %get3A_236, %shift_right_logical3A_238 : vector<16xi32>
      %swap3A_240 = arith.constant 1 : i32
      %swap3A_241 = arith.index_cast %swap3A_240 : i32 to index
      %swap3A_242 = arith.constant 16 : index
      %swap3A_243 = tpu.vector_load %arg6[%swap3A_241, %swap3A_242] {strides = array<i32>} : memref<2x128xi32, #tpu.memory_space<vmem>>, vector<16xi32>,
      tpu.vector_store %arg6[%swap3A_241, %swap3A_242], %shift_right_logical3A_239 {strides = array<i32>} : memref<2x128xi32, #tpu.memory_space<vmem>>, vector<16xi32>,
      %and3A_244 = arith.constant 3 : i32
      %and3A_245 = vector.broadcast %and3A_244 : i32 to vector<16xi32>
      %and3A_246 = arith.andi %get3A_236, %and3A_245 : vector<16xi32>
      %shift_left3A_247 = arith.constant 5 : i32
      %shift_left3A_248 = vector.broadcast %shift_left3A_247 : i32 to vector<16xi32>
      %shift_left3A_249 = arith.shli %and3A_246, %shift_left3A_248 : vector<16xi32>
      %swap3A_250 = arith.constant 1 : i32
      %swap3A_251 = arith.index_cast %swap3A_250 : i32 to index
      %swap3A_252 = arith.constant 16 : index
      %swap3A_253 = tpu.vector_load %arg7[%swap3A_251, %swap3A_252] {strides = array<i32>} : memref<2x128xi32, #tpu.memory_space<vmem>>, vector<16xi32>,
      tpu.vector_store %arg7[%swap3A_251, %swap3A_252], %shift_left3A_249 {strides = array<i32>} : memref<2x128xi32, #tpu.memory_space<vmem>>, vector<16xi32>,
      %mul3A_254 = arith.constant 128 : i32
      %mul3A_255 = arith.muli %add3A_207, %mul3A_254 : i32
      %add3A_256 = arith.constant 32 : i32
      %add3A_257 = arith.addi %mul3A_255, %add3A_256 : i32
      %get3A_258 = arith.index_cast %add3A_257 : i32 to index
      %get3A_259 = tpu.vector_load %arg5[%get3A_258] {strides = array<i32>} : memref<13312xi32, #tpu.memory_space<vmem>>, vector<16xi32>,
      %shift_right_logical3A_260 = arith.constant 2 : i32
      %shift_right_logical3A_261 = vector.broadcast %shift_right_logical3A_260 : i32 to vector<16xi32>
      %shift_right_logical3A_262 = arith.shrui %get3A_259, %shift_right_logical3A_261 : vector<16xi32>
      %swap3A_263 = arith.constant 1 : i32
      %swap3A_264 = arith.index_cast %swap3A_263 : i32 to index
      %swap3A_265 = arith.constant 32 : index
      %swap3A_266 = tpu.vector_load %arg6[%swap3A_264, %swap3A_265] {strides = array<i32>} : memref<2x128xi32, #tpu.memory_space<vmem>>, vector<16xi32>,
      tpu.vector_store %arg6[%swap3A_264, %swap3A_265], %shift_right_logical3A_262 {strides = array<i32>} : memref<2x128xi32, #tpu.memory_space<vmem>>, vector<16xi32>,
      %and3A_267 = arith.constant 3 : i32
      %and3A_268 = vector.broadcast %and3A_267 : i32 to vector<16xi32>
      %and3A_269 = arith.andi %get3A_259, %and3A_268 : vector<16xi32>
      %shift_left3A_270 = arith.constant 5 : i32
      %shift_left3A_271 = vector.broadcast %shift_left3A_270 : i32 to vector<16xi32>
      %shift_left3A_272 = arith.shli %and3A_269, %shift_left3A_271 : vector<16xi32>
      %swap3A_273 = arith.constant 1 : i32
      %swap3A_274 = arith.index_cast %swap3A_273 : i32 to index
      %swap3A_275 = arith.constant 32 : index
      %swap3A_276 = tpu.vector_load %arg7[%swap3A_274, %swap3A_275] {strides = array<i32>} : memref<2x128xi32, #tpu.memory_space<vmem>>, vector<16xi32>,
      tpu.vector_store %arg7[%swap3A_274, %swap3A_275], %shift_left3A_272 {strides = array<i32>} : memref<2x128xi32, #tpu.memory_space<vmem>>, vector<16xi32>,
      %mul3A_277 = arith.constant 128 : i32
      %mul3A_278 = arith.muli %add3A_207, %mul3A_277 : i32
      %add3A_279 = arith.constant 48 : i32
      %add3A_280 = arith.addi %mul3A_278, %add3A_279 : i32
      %get3A_281 = arith.index_cast %add3A_280 : i32 to index
      %get3A_282 = tpu.vector_load %arg5[%get3A_281] {strides = array<i32>} : memref<13312xi32, #tpu.memory_space<vmem>>, vector<16xi32>,
      %shift_right_logical3A_283 = arith.constant 2 : i32
      %shift_right_logical3A_284 = vector.broadcast %shift_right_logical3A_283 : i32 to vector<16xi32>
      %shift_right_logical3A_285 = arith.shrui %get3A_282, %shift_right_logical3A_284 : vector<16xi32>
      %swap3A_286 = arith.constant 1 : i32
      %swap3A_287 = arith.index_cast %swap3A_286 : i32 to index
      %swap3A_288 = arith.constant 48 : index
      %swap3A_289 = tpu.vector_load %arg6[%swap3A_287, %swap3A_288] {strides = array<i32>} : memref<2x128xi32, #tpu.memory_space<vmem>>, vector<16xi32>,
      tpu.vector_store %arg6[%swap3A_287, %swap3A_288], %shift_right_logical3A_285 {strides = array<i32>} : memref<2x128xi32, #tpu.memory_space<vmem>>, vector<16xi32>,
      %and3A_290 = arith.constant 3 : i32
      %and3A_291 = vector.broadcast %and3A_290 : i32 to vector<16xi32>
      %and3A_292 = arith.andi %get3A_282, %and3A_291 : vector<16xi32>
      %shift_left3A_293 = arith.constant 5 : i32
      %shift_left3A_294 = vector.broadcast %shift_left3A_293 : i32 to vector<16xi32>
      %shift_left3A_295 = arith.shli %and3A_292, %shift_left3A_294 : vector<16xi32>
      %swap3A_296 = arith.constant 1 : i32
      %swap3A_297 = arith.index_cast %swap3A_296 : i32 to index
      %swap3A_298 = arith.constant 48 : index
      %swap3A_299 = tpu.vector_load %arg7[%swap3A_297, %swap3A_298] {strides = array<i32>} : memref<2x128xi32, #tpu.memory_space<vmem>>, vector<16xi32>,
      tpu.vector_store %arg7[%swap3A_297, %swap3A_298], %shift_left3A_295 {strides = array<i32>} : memref<2x128xi32, #tpu.memory_space<vmem>>, vector<16xi32>,
      %mul3A_300 = arith.constant 128 : i32
      %mul3A_301 = arith.muli %add3A_207, %mul3A_300 : i32
      %add3A_302 = arith.constant 64 : i32
      %add3A_303 = arith.addi %mul3A_301, %add3A_302 : i32
      %get3A_304 = arith.index_cast %add3A_303 : i32 to index
      %get3A_305 = tpu.vector_load %arg5[%get3A_304] {strides = array<i32>} : memref<13312xi32, #tpu.memory_space<vmem>>, vector<16xi32>,
      %shift_right_logical3A_306 = arith.constant 2 : i32
      %shift_right_logical3A_307 = vector.broadcast %shift_right_logical3A_306 : i32 to vector<16xi32>
      %shift_right_logical3A_308 = arith.shrui %get3A_305, %shift_right_logical3A_307 : vector<16xi32>
      %swap3A_309 = arith.constant 1 : i32
      %swap3A_310 = arith.index_cast %swap3A_309 : i32 to index
      %swap3A_311 = arith.constant 64 : index
      %swap3A_312 = tpu.vector_load %arg6[%swap3A_310, %swap3A_311] {strides = array<i32>} : memref<2x128xi32, #tpu.memory_space<vmem>>, vector<16xi32>,
      tpu.vector_store %arg6[%swap3A_310, %swap3A_311], %shift_right_logical3A_308 {strides = array<i32>} : memref<2x128xi32, #tpu.memory_space<vmem>>, vector<16xi32>,
      %and3A_313 = arith.constant 3 : i32
      %and3A_314 = vector.broadcast %and3A_313 : i32 to vector<16xi32>
      %and3A_315 = arith.andi %get3A_305, %and3A_314 : vector<16xi32>
      %shift_left3A_316 = arith.constant 5 : i32
      %shift_left3A_317 = vector.broadcast %shift_left3A_316 : i32 to vector<16xi32>
      %shift_left3A_318 = arith.shli %and3A_315, %shift_left3A_317 : vector<16xi32>
      %swap3A_319 = arith.constant 1 : i32
      %swap3A_320 = arith.index_cast %swap3A_319 : i32 to index
      %swap3A_321 = arith.constant 64 : index
      %swap3A_322 = tpu.vector_load %arg7[%swap3A_320, %swap3A_321] {strides = array<i32>} : memref<2x128xi32, #tpu.memory_space<vmem>>, vector<16xi32>,
      tpu.vector_store %arg7[%swap3A_320, %swap3A_321], %shift_left3A_318 {strides = array<i32>} : memref<2x128xi32, #tpu.memory_space<vmem>>, vector<16xi32>,
      %mul3A_323 = arith.constant 128 : i32
      %mul3A_324 = arith.muli %add3A_207, %mul3A_323 : i32
      %add3A_325 = arith.constant 80 : i32
      %add3A_326 = arith.addi %mul3A_324, %add3A_325 : i32
      %get3A_327 = arith.index_cast %add3A_326 : i32 to index
      %get3A_328 = tpu.vector_load %arg5[%get3A_327] {strides = array<i32>} : memref<13312xi32, #tpu.memory_space<vmem>>, vector<16xi32>,
      %shift_right_logical3A_329 = arith.constant 2 : i32
      %shift_right_logical3A_330 = vector.broadcast %shift_right_logical3A_329 : i32 to vector<16xi32>
      %shift_right_logical3A_331 = arith.shrui %get3A_328, %shift_right_logical3A_330 : vector<16xi32>
      %swap3A_332 = arith.constant 1 : i32
      %swap3A_333 = arith.index_cast %swap3A_332 : i32 to index
      %swap3A_334 = arith.constant 80 : index
      %swap3A_335 = tpu.vector_load %arg6[%swap3A_333, %swap3A_334] {strides = array<i32>} : memref<2x128xi32, #tpu.memory_space<vmem>>, vector<16xi32>,
      tpu.vector_store %arg6[%swap3A_333, %swap3A_334], %shift_right_logical3A_331 {strides = array<i32>} : memref<2x128xi32, #tpu.memory_space<vmem>>, vector<16xi32>,
      %and3A_336 = arith.constant 3 : i32
      %and3A_337 = vector.broadcast %and3A_336 : i32 to vector<16xi32>
      %and3A_338 = arith.andi %get3A_328, %and3A_337 : vector<16xi32>
      %shift_left3A_339 = arith.constant 5 : i32
      %shift_left3A_340 = vector.broadcast %shift_left3A_339 : i32 to vector<16xi32>
      %shift_left3A_341 = arith.shli %and3A_338, %shift_left3A_340 : vector<16xi32>
      %swap3A_342 = arith.constant 1 : i32
      %swap3A_343 = arith.index_cast %swap3A_342 : i32 to index
      %swap3A_344 = arith.constant 80 : index
      %swap3A_345 = tpu.vector_load %arg7[%swap3A_343, %swap3A_344] {strides = array<i32>} : memref<2x128xi32, #tpu.memory_space<vmem>>, vector<16xi32>,
      tpu.vector_store %arg7[%swap3A_343, %swap3A_344], %shift_left3A_341 {strides = array<i32>} : memref<2x128xi32, #tpu.memory_space<vmem>>, vector<16xi32>,
      %mul3A_346 = arith.constant 128 : i32
      %mul3A_347 = arith.muli %add3A_207, %mul3A_346 : i32
      %add3A_348 = arith.constant 96 : i32
      %add3A_349 = arith.addi %mul3A_347, %add3A_348 : i32
      %get3A_350 = arith.index_cast %add3A_349 : i32 to index
      %get3A_351 = tpu.vector_load %arg5[%get3A_350] {strides = array<i32>} : memref<13312xi32, #tpu.memory_space<vmem>>, vector<16xi32>,
      %shift_right_logical3A_352 = arith.constant 2 : i32
      %shift_right_logical3A_353 = vector.broadcast %shift_right_logical3A_352 : i32 to vector<16xi32>
      %shift_right_logical3A_354 = arith.shrui %get3A_351, %shift_right_logical3A_353 : vector<16xi32>
      %swap3A_355 = arith.constant 1 : i32
      %swap3A_356 = arith.index_cast %swap3A_355 : i32 to index
      %swap3A_357 = arith.constant 96 : index
      %swap3A_358 = tpu.vector_load %arg6[%swap3A_356, %swap3A_357] {strides = array<i32>} : memref<2x128xi32, #tpu.memory_space<vmem>>, vector<16xi32>,
      tpu.vector_store %arg6[%swap3A_356, %swap3A_357], %shift_right_logical3A_354 {strides = array<i32>} : memref<2x128xi32, #tpu.memory_space<vmem>>, vector<16xi32>,
      %and3A_359 = arith.constant 3 : i32
      %and3A_360 = vector.broadcast %and3A_359 : i32 to vector<16xi32>
      %and3A_361 = arith.andi %get3A_351, %and3A_360 : vector<16xi32>
      %shift_left3A_362 = arith.constant 5 : i32
      %shift_left3A_363 = vector.broadcast %shift_left3A_362 : i32 to vector<16xi32>
      %shift_left3A_364 = arith.shli %and3A_361, %shift_left3A_363 : vector<16xi32>
      %swap3A_365 = arith.constant 1 : i32
      %swap3A_366 = arith.index_cast %swap3A_365 : i32 to index
      %swap3A_367 = arith.constant 96 : index
      %swap3A_368 = tpu.vector_load %arg7[%swap3A_366, %swap3A_367] {strides = array<i32>} : memref<2x128xi32, #tpu.memory_space<vmem>>, vector<16xi32>,
      tpu.vector_store %arg7[%swap3A_366, %swap3A_367], %shift_left3A_364 {strides = array<i32>} : memref<2x128xi32, #tpu.memory_space<vmem>>, vector<16xi32>,
      %mul3A_369 = arith.constant 128 : i32
      %mul3A_370 = arith.muli %add3A_207, %mul3A_369 : i32
      %add3A_371 = arith.constant 112 : i32
      %add3A_372 = arith.addi %mul3A_370, %add3A_371 : i32
      %get3A_373 = arith.index_cast %add3A_372 : i32 to index
      %get3A_374 = tpu.vector_load %arg5[%get3A_373] {strides = array<i32>} : memref<13312xi32, #tpu.memory_space<vmem>>, vector<16xi32>,
      %shift_right_logical3A_375 = arith.constant 2 : i32
      %shift_right_logical3A_376 = vector.broadcast %shift_right_logical3A_375 : i32 to vector<16xi32>
      %shift_right_logical3A_377 = arith.shrui %get3A_374, %shift_right_logical3A_376 : vector<16xi32>
      %swap3A_378 = arith.constant 1 : i32
      %swap3A_379 = arith.index_cast %swap3A_378 : i32 to index
      %swap3A_380 = arith.constant 112 : index
      %swap3A_381 = tpu.vector_load %arg6[%swap3A_379, %swap3A_380] {strides = array<i32>} : memref<2x128xi32, #tpu.memory_space<vmem>>, vector<16xi32>,
      tpu.vector_store %arg6[%swap3A_379, %swap3A_380], %shift_right_logical3A_377 {strides = array<i32>} : memref<2x128xi32, #tpu.memory_space<vmem>>, vector<16xi32>,
      %and3A_382 = arith.constant 3 : i32
      %and3A_383 = vector.broadcast %and3A_382 : i32 to vector<16xi32>
      %and3A_384 = arith.andi %get3A_374, %and3A_383 : vector<16xi32>
      %shift_left3A_385 = arith.constant 5 : i32
      %shift_left3A_386 = vector.broadcast %shift_left3A_385 : i32 to vector<16xi32>
      %shift_left3A_387 = arith.shli %and3A_384, %shift_left3A_386 : vector<16xi32>
      %swap3A_388 = arith.constant 1 : i32
      %swap3A_389 = arith.index_cast %swap3A_388 : i32 to index
      %swap3A_390 = arith.constant 112 : index
      %swap3A_391 = tpu.vector_load %arg7[%swap3A_389, %swap3A_390] {strides = array<i32>} : memref<2x128xi32, #tpu.memory_space<vmem>>, vector<16xi32>,
      tpu.vector_store %arg7[%swap3A_389, %swap3A_390], %shift_left3A_387 {strides = array<i32>} : memref<2x128xi32, #tpu.memory_space<vmem>>, vector<16xi32>,
      %dma_start3A_392 = arith.constant 1 : i32
      %dma_start3A_393 = arith.constant 1 : i32
      %dma_start3A_394 = arith.constant 0 : i32
      %dma_start3A_395 = arith.constant 0 : i32
      %dma_start3A_396 = tpu.memref_slice %arg8[%dma_start3A_393, %dma_start3A_394, %dma_start3A_395] : memref<2x128x128xf32, #tpu.memory_space<vmem>> -> memref<1x128x128xf32, #tpu.memory_space<vmem>>
      %dma_start3A_397 = tpu.memref_squeeze %dma_start3A_396 : memref<1x128x128xf32, #tpu.memory_space<vmem>> -> memref<128x128xf32, #tpu.memory_space<vmem>>
      %dma_start3A_398 = arith.constant 0 : i32
      %dma_start3A_399 = tpu.memref_slice %arg6[%dma_start3A_392, %dma_start3A_398] : memref<2x128xi32, #tpu.memory_space<vmem>> -> memref<1x128xi32, #tpu.memory_space<vmem>>
      %dma_start3A_400 = tpu.memref_squeeze %dma_start3A_399 : memref<1x128xi32, #tpu.memory_space<vmem>> -> memref<128xi32, #tpu.memory_space<vmem>>
      %dma_start3A_401 = arith.constant 0 : i32
      %dma_start3A_402 = arith.constant 0 : i32
      %dma_start3A_403 = tpu.memref_slice %arg3[%dma_start3A_401, %dma_start3A_402] : memref<250000x128xf32, #tpu.memory_space<hbm>> -> memref<250000x128xf32, #tpu.memory_space<hbm>>
      tpu.enqueue_indirect_dma source(%dma_start3A_403 : memref<250000x128xf32, #tpu.memory_space<hbm>>) target(%dma_start3A_397 : memref<128x128xf32, #tpu.memory_space<vmem>>) offsets(%dma_start3A_400 : memref<128xi32, #tpu.memory_space<vmem>>) semaphore(%arg11 : memref<!tpu.dma_semaphore, #tpu.memory_space<semaphore_mem>>)
      %dma_wait3A_404 = arith.constant 0 : i32
      %dma_wait3A_405 = arith.constant 0 : i32
      %dma_wait3A_406 = arith.constant 0 : i32
      %dma_wait3A_407 = arith.constant 0 : i32
      %dma_wait3A_408 = tpu.memref_slice %arg8[%dma_wait3A_405, %dma_wait3A_406, %dma_wait3A_407] : memref<2x128x128xf32, #tpu.memory_space<vmem>> -> memref<1x128x128xf32, #tpu.memory_space<vmem>>
      %dma_wait3A_409 = tpu.memref_squeeze %dma_wait3A_408 : memref<1x128x128xf32, #tpu.memory_space<vmem>> -> memref<128x128xf32, #tpu.memory_space<vmem>>
      %dma_wait3A_410 = arith.constant 0 : i32
      %dma_wait3A_411 = tpu.memref_slice %arg6[%dma_wait3A_404, %dma_wait3A_410] : memref<2x128xi32, #tpu.memory_space<vmem>> -> memref<1x128xi32, #tpu.memory_space<vmem>>
      %dma_wait3A_412 = tpu.memref_squeeze %dma_wait3A_411 : memref<1x128xi32, #tpu.memory_space<vmem>> -> memref<128xi32, #tpu.memory_space<vmem>>
      %dma_wait3A_413 = arith.constant 0 : i32
      %dma_wait3A_414 = arith.constant 0 : i32
      %dma_wait3A_415 = tpu.memref_slice %arg3[%dma_wait3A_413, %dma_wait3A_414] : memref<250000x128xf32, #tpu.memory_space<hbm>> -> memref<250000x128xf32, #tpu.memory_space<hbm>>
      tpu.wait_indirect_dma semaphore(%arg10 : memref<!tpu.dma_semaphore, #tpu.memory_space<semaphore_mem>>) src(%dma_wait3A_415 : memref<250000x128xf32, #tpu.memory_space<hbm>>) dst(%dma_wait3A_409 : memref<128x128xf32, #tpu.memory_space<vmem>>)
      %ge3A = arith.constant 1 : i32
      %ge3A_416 = arith.cmpi sge, %scan3A_203, %ge3A : i32
      %convert_element_type3A = arith.extui %ge3A_416 : i1 to i32
      %cond3A = arith.constant 0 : i32
      %cond3A_417 = arith.cmpi ne, %convert_element_type3A, %cond3A : i32
      scf.if %cond3A_417 {
        %dma_wait3A_681 = arith.constant 0 : i32
        %dma_wait3A_682 = arith.constant 0 : i32
        %dma_wait3A_683 = arith.constant 0 : i32
        %dma_wait3A_684 = arith.constant 0 : i32
        %dma_wait3A_685 = tpu.memref_slice %arg9[%dma_wait3A_681, %dma_wait3A_683, %dma_wait3A_684] : memref<2x32x128xf32, #tpu.memory_space<vmem>> -> memref<1x32x128xf32, #tpu.memory_space<vmem>>
        %dma_wait3A_686 = tpu.memref_squeeze %dma_wait3A_685 : memref<1x32x128xf32, #tpu.memory_space<vmem>> -> memref<32x128xf32, #tpu.memory_space<vmem>>
        %dma_wait3A_687 = arith.constant 0 : i32
        %dma_wait3A_688 = arith.constant 0 : i32
        %dma_wait3A_689 = tpu.memref_slice %arg4[%dma_wait3A_682, %dma_wait3A_687, %dma_wait3A_688] : memref<26x32x16384xf32, #tpu.memory_space<hbm>> -> memref<1x32x128xf32, #tpu.memory_space<hbm>>
        %dma_wait3A_690 = tpu.memref_squeeze %dma_wait3A_689 : memref<1x32x128xf32, #tpu.memory_space<hbm>> -> memref<32x128xf32, #tpu.memory_space<hbm>>
        %dma_wait3A_691 = arith.constant 0 : i32
        %dma_wait3A_692 = arith.constant 0 : i32
        %dma_wait3A_693 = tpu.memref_slice %arg4[%dma_wait3A_682, %dma_wait3A_691, %dma_wait3A_692] : memref<26x32x16384xf32, #tpu.memory_space<hbm>> -> memref<1x32x128xf32, #tpu.memory_space<hbm>>
        %dma_wait3A_694 = tpu.memref_squeeze %dma_wait3A_693 : memref<1x32x128xf32, #tpu.memory_space<hbm>> -> memref<32x128xf32, #tpu.memory_space<hbm>>
        %dma_wait3A_695 = arith.constant 0 : i32
        %dma_wait3A_696 = arith.constant 0 : i32
        %dma_wait3A_697 = tpu.memref_slice %arg9[%dma_wait3A_681, %dma_wait3A_695, %dma_wait3A_696] : memref<2x32x128xf32, #tpu.memory_space<vmem>> -> memref<1x32x128xf32, #tpu.memory_space<vmem>>
        %dma_wait3A_698 = tpu.memref_squeeze %dma_wait3A_697 : memref<1x32x128xf32, #tpu.memory_space<vmem>> -> memref<32x128xf32, #tpu.memory_space<vmem>>
        tpu.wait_dma2 semaphore(%arg12 : memref<!tpu.dma_semaphore, #tpu.memory_space<semaphore_mem>>) src(%dma_wait3A_698 : memref<32x128xf32, #tpu.memory_space<vmem>>) dst(%dma_wait3A_694 : memref<32x128xf32, #tpu.memory_space<hbm>>)
      } else {
      }
      %iota3A = tpu.iota {dimensions = array<i32: 0>} : vector<16xi32>
      %add3A_418 = arith.constant 0 : i32
      %add3A_419 = vector.broadcast %add3A_418 : i32 to vector<16xi32>
      %add3A_420 = arith.addi %iota3A, %add3A_419 : vector<16xi32>
      %iota3A_421 = tpu.iota {dimensions = array<i32: 0>} : vector<16xi32>
      %add3A_422 = arith.constant 16 : i32
      %add3A_423 = vector.broadcast %add3A_422 : i32 to vector<16xi32>
      %add3A_424 = arith.addi %iota3A_421, %add3A_423 : vector<16xi32>
      %iota3A_425 = tpu.iota {dimensions = array<i32: 0>} : vector<16xi32>
      %add3A_426 = arith.constant 32 : i32
      %add3A_427 = vector.broadcast %add3A_426 : i32 to vector<16xi32>
      %add3A_428 = arith.addi %iota3A_425, %add3A_427 : vector<16xi32>
      %iota3A_429 = tpu.iota {dimensions = array<i32: 0>} : vector<16xi32>
      %add3A_430 = arith.constant 48 : i32
      %add3A_431 = vector.broadcast %add3A_430 : i32 to vector<16xi32>
      %add3A_432 = arith.addi %iota3A_429, %add3A_431 : vector<16xi32>
      %iota3A_433 = tpu.iota {dimensions = array<i32: 0>} : vector<16xi32>
      %add3A_434 = arith.constant 64 : i32
      %add3A_435 = vector.broadcast %add3A_434 : i32 to vector<16xi32>
      %add3A_436 = arith.addi %iota3A_433, %add3A_435 : vector<16xi32>
      %iota3A_437 = tpu.iota {dimensions = array<i32: 0>} : vector<16xi32>
      %add3A_438 = arith.constant 80 : i32
      %add3A_439 = vector.broadcast %add3A_438 : i32 to vector<16xi32>
      %add3A_440 = arith.addi %iota3A_437, %add3A_439 : vector<16xi32>
      %iota3A_441 = tpu.iota {dimensions = array<i32: 0>} : vector<16xi32>
      %add3A_442 = arith.constant 96 : i32
      %add3A_443 = vector.broadcast %add3A_442 : i32 to vector<16xi32>
      %add3A_444 = arith.addi %iota3A_441, %add3A_443 : vector<16xi32>
      %iota3A_445 = tpu.iota {dimensions = array<i32: 0>} : vector<16xi32>
      %add3A_446 = arith.constant 112 : i32
      %add3A_447 = vector.broadcast %add3A_446 : i32 to vector<16xi32>
      %add3A_448 = arith.addi %iota3A_445, %add3A_447 : vector<16xi32>
      %get3A_449 = arith.constant 0 : i32
      %get3A_450 = arith.index_cast %get3A_449 : i32 to index
      %get3A_451 = arith.constant 0 : index
      %get3A_452 = tpu.vector_load %arg7[%get3A_450, %get3A_451] {strides = array<i32>} : memref<2x128xi32, #tpu.memory_space<vmem>>, vector<16xi32>,
      %get3A_453 = arith.constant 0 : i32
      %get3A_454 = arith.index_cast %get3A_453 : i32 to index
      %get3A_455 = arith.constant 16 : index
      %get3A_456 = tpu.vector_load %arg7[%get3A_454, %get3A_455] {strides = array<i32>} : memref<2x128xi32, #tpu.memory_space<vmem>>, vector<16xi32>,
      %get3A_457 = arith.constant 0 : i32
      %get3A_458 = arith.index_cast %get3A_457 : i32 to index
      %get3A_459 = arith.constant 32 : index
      %get3A_460 = tpu.vector_load %arg7[%get3A_458, %get3A_459] {strides = array<i32>} : memref<2x128xi32, #tpu.memory_space<vmem>>, vector<16xi32>,
      %get3A_461 = arith.constant 0 : i32
      %get3A_462 = arith.index_cast %get3A_461 : i32 to index
      %get3A_463 = arith.constant 48 : index
      %get3A_464 = tpu.vector_load %arg7[%get3A_462, %get3A_463] {strides = array<i32>} : memref<2x128xi32, #tpu.memory_space<vmem>>, vector<16xi32>,
      %get3A_465 = arith.constant 0 : i32
      %get3A_466 = arith.index_cast %get3A_465 : i32 to index
      %get3A_467 = arith.constant 64 : index
      %get3A_468 = tpu.vector_load %arg7[%get3A_466, %get3A_467] {strides = array<i32>} : memref<2x128xi32, #tpu.memory_space<vmem>>, vector<16xi32>,
      %get3A_469 = arith.constant 0 : i32
      %get3A_470 = arith.index_cast %get3A_469 : i32 to index
      %get3A_471 = arith.constant 80 : index
      %get3A_472 = tpu.vector_load %arg7[%get3A_470, %get3A_471] {strides = array<i32>} : memref<2x128xi32, #tpu.memory_space<vmem>>, vector<16xi32>,
      %get3A_473 = arith.constant 0 : i32
      %get3A_474 = arith.index_cast %get3A_473 : i32 to index
      %get3A_475 = arith.constant 96 : index
      %get3A_476 = tpu.vector_load %arg7[%get3A_474, %get3A_475] {strides = array<i32>} : memref<2x128xi32, #tpu.memory_space<vmem>>, vector<16xi32>,
      %get3A_477 = arith.constant 0 : i32
      %get3A_478 = arith.index_cast %get3A_477 : i32 to index
      %get3A_479 = arith.constant 112 : index
      %get3A_480 = tpu.vector_load %arg7[%get3A_478, %get3A_479] {strides = array<i32>} : memref<2x128xi32, #tpu.memory_space<vmem>>, vector<16xi32>,
      %parallel_loop3A = arith.constant 0 : i32
      %parallel_loop3A_481 = arith.constant 32 : i32
      %parallel_loop3A_482 = arith.constant 1 : i32
      scf.for %parallel_loop3A_681 = %parallel_loop3A to %parallel_loop3A_481 step %parallel_loop3A_482  : i32 {
        %parallel_loop3A_682 = vector.broadcast %parallel_loop3A_681 : i32 to vector<16xi32>
        %parallel_loop3A_683 = arith.addi %get3A_452, %parallel_loop3A_682 : vector<16xi32>
        %parallel_loop3A_684 = arith.constant 0 : i32
        %parallel_loop3A_685 = arith.constant 0 : i32
        %parallel_loop3A_686 = arith.constant 0 : i32
        %parallel_loop3A_687 = tpu.memref_slice %arg8[%parallel_loop3A_684, %parallel_loop3A_685, %parallel_loop3A_686] : memref<2x128x128xf32, #tpu.memory_space<vmem>> -> memref<1x128x128xf32, #tpu.memory_space<vmem>>
        %parallel_loop3A_688 = tpu.memref_squeeze %parallel_loop3A_687 : memref<1x128x128xf32, #tpu.memory_space<vmem>> -> memref<128x128xf32, #tpu.memory_space<vmem>>
        %parallel_loop3A_689 = tpu.vector_load_idx %parallel_loop3A_688[%add3A_420, %parallel_loop3A_683] : memref<128x128xf32, #tpu.memory_space<vmem>>[vector<16xi32>, vector<16xi32>], vector<16xf32>,
        %parallel_loop3A_690 = arith.constant 0 : i32
        %parallel_loop3A_691 = arith.index_cast %parallel_loop3A_690 : i32 to index
        %parallel_loop3A_692 = arith.index_cast %parallel_loop3A_681 : i32 to index
        %parallel_loop3A_693 = arith.constant 0 : index
        %parallel_loop3A_694 = tpu.vector_load %arg9[%parallel_loop3A_691, %parallel_loop3A_692, %parallel_loop3A_693] {strides = array<i32>} : memref<2x32x128xf32, #tpu.memory_space<vmem>>, vector<16xf32>,
        tpu.vector_store %arg9[%parallel_loop3A_691, %parallel_loop3A_692, %parallel_loop3A_693], %parallel_loop3A_689 {strides = array<i32>} : memref<2x32x128xf32, #tpu.memory_space<vmem>>, vector<16xf32>,
        %parallel_loop3A_695 = vector.broadcast %parallel_loop3A_681 : i32 to vector<16xi32>
        %parallel_loop3A_696 = arith.addi %get3A_456, %parallel_loop3A_695 : vector<16xi32>
        %parallel_loop3A_697 = arith.constant 0 : i32
        %parallel_loop3A_698 = arith.constant 0 : i32
        %parallel_loop3A_699 = arith.constant 0 : i32
        %parallel_loop3A_700 = tpu.memref_slice %arg8[%parallel_loop3A_697, %parallel_loop3A_698, %parallel_loop3A_699] : memref<2x128x128xf32, #tpu.memory_space<vmem>> -> memref<1x128x128xf32, #tpu.memory_space<vmem>>
        %parallel_loop3A_701 = tpu.memref_squeeze %parallel_loop3A_700 : memref<1x128x128xf32, #tpu.memory_space<vmem>> -> memref<128x128xf32, #tpu.memory_space<vmem>>
        %parallel_loop3A_702 = tpu.vector_load_idx %parallel_loop3A_701[%add3A_424, %parallel_loop3A_696] : memref<128x128xf32, #tpu.memory_space<vmem>>[vector<16xi32>, vector<16xi32>], vector<16xf32>,
        %parallel_loop3A_703 = arith.constant 0 : i32
        %parallel_loop3A_704 = arith.index_cast %parallel_loop3A_703 : i32 to index
        %parallel_loop3A_705 = arith.index_cast %parallel_loop3A_681 : i32 to index
        %parallel_loop3A_706 = arith.constant 16 : index
        %parallel_loop3A_707 = tpu.vector_load %arg9[%parallel_loop3A_704, %parallel_loop3A_705, %parallel_loop3A_706] {strides = array<i32>} : memref<2x32x128xf32, #tpu.memory_space<vmem>>, vector<16xf32>,
        tpu.vector_store %arg9[%parallel_loop3A_704, %parallel_loop3A_705, %parallel_loop3A_706], %parallel_loop3A_702 {strides = array<i32>} : memref<2x32x128xf32, #tpu.memory_space<vmem>>, vector<16xf32>,
        %parallel_loop3A_708 = vector.broadcast %parallel_loop3A_681 : i32 to vector<16xi32>
        %parallel_loop3A_709 = arith.addi %get3A_460, %parallel_loop3A_708 : vector<16xi32>
        %parallel_loop3A_710 = arith.constant 0 : i32
        %parallel_loop3A_711 = arith.constant 0 : i32
        %parallel_loop3A_712 = arith.constant 0 : i32
        %parallel_loop3A_713 = tpu.memref_slice %arg8[%parallel_loop3A_710, %parallel_loop3A_711, %parallel_loop3A_712] : memref<2x128x128xf32, #tpu.memory_space<vmem>> -> memref<1x128x128xf32, #tpu.memory_space<vmem>>
        %parallel_loop3A_714 = tpu.memref_squeeze %parallel_loop3A_713 : memref<1x128x128xf32, #tpu.memory_space<vmem>> -> memref<128x128xf32, #tpu.memory_space<vmem>>
        %parallel_loop3A_715 = tpu.vector_load_idx %parallel_loop3A_714[%add3A_428, %parallel_loop3A_709] : memref<128x128xf32, #tpu.memory_space<vmem>>[vector<16xi32>, vector<16xi32>], vector<16xf32>,
        %parallel_loop3A_716 = arith.constant 0 : i32
        %parallel_loop3A_717 = arith.index_cast %parallel_loop3A_716 : i32 to index
        %parallel_loop3A_718 = arith.index_cast %parallel_loop3A_681 : i32 to index
        %parallel_loop3A_719 = arith.constant 32 : index
        %parallel_loop3A_720 = tpu.vector_load %arg9[%parallel_loop3A_717, %parallel_loop3A_718, %parallel_loop3A_719] {strides = array<i32>} : memref<2x32x128xf32, #tpu.memory_space<vmem>>, vector<16xf32>,
        tpu.vector_store %arg9[%parallel_loop3A_717, %parallel_loop3A_718, %parallel_loop3A_719], %parallel_loop3A_715 {strides = array<i32>} : memref<2x32x128xf32, #tpu.memory_space<vmem>>, vector<16xf32>,
        %parallel_loop3A_721 = vector.broadcast %parallel_loop3A_681 : i32 to vector<16xi32>
        %parallel_loop3A_722 = arith.addi %get3A_464, %parallel_loop3A_721 : vector<16xi32>
        %parallel_loop3A_723 = arith.constant 0 : i32
        %parallel_loop3A_724 = arith.constant 0 : i32
        %parallel_loop3A_725 = arith.constant 0 : i32
        %parallel_loop3A_726 = tpu.memref_slice %arg8[%parallel_loop3A_723, %parallel_loop3A_724, %parallel_loop3A_725] : memref<2x128x128xf32, #tpu.memory_space<vmem>> -> memref<1x128x128xf32, #tpu.memory_space<vmem>>
        %parallel_loop3A_727 = tpu.memref_squeeze %parallel_loop3A_726 : memref<1x128x128xf32, #tpu.memory_space<vmem>> -> memref<128x128xf32, #tpu.memory_space<vmem>>
        %parallel_loop3A_728 = tpu.vector_load_idx %parallel_loop3A_727[%add3A_432, %parallel_loop3A_722] : memref<128x128xf32, #tpu.memory_space<vmem>>[vector<16xi32>, vector<16xi32>], vector<16xf32>,
        %parallel_loop3A_729 = arith.constant 0 : i32
        %parallel_loop3A_730 = arith.index_cast %parallel_loop3A_729 : i32 to index
        %parallel_loop3A_731 = arith.index_cast %parallel_loop3A_681 : i32 to index
        %parallel_loop3A_732 = arith.constant 48 : index
        %parallel_loop3A_733 = tpu.vector_load %arg9[%parallel_loop3A_730, %parallel_loop3A_731, %parallel_loop3A_732] {strides = array<i32>} : memref<2x32x128xf32, #tpu.memory_space<vmem>>, vector<16xf32>,
        tpu.vector_store %arg9[%parallel_loop3A_730, %parallel_loop3A_731, %parallel_loop3A_732], %parallel_loop3A_728 {strides = array<i32>} : memref<2x32x128xf32, #tpu.memory_space<vmem>>, vector<16xf32>,
        %parallel_loop3A_734 = vector.broadcast %parallel_loop3A_681 : i32 to vector<16xi32>
        %parallel_loop3A_735 = arith.addi %get3A_468, %parallel_loop3A_734 : vector<16xi32>
        %parallel_loop3A_736 = arith.constant 0 : i32
        %parallel_loop3A_737 = arith.constant 0 : i32
        %parallel_loop3A_738 = arith.constant 0 : i32
        %parallel_loop3A_739 = tpu.memref_slice %arg8[%parallel_loop3A_736, %parallel_loop3A_737, %parallel_loop3A_738] : memref<2x128x128xf32, #tpu.memory_space<vmem>> -> memref<1x128x128xf32, #tpu.memory_space<vmem>>
        %parallel_loop3A_740 = tpu.memref_squeeze %parallel_loop3A_739 : memref<1x128x128xf32, #tpu.memory_space<vmem>> -> memref<128x128xf32, #tpu.memory_space<vmem>>
        %parallel_loop3A_741 = tpu.vector_load_idx %parallel_loop3A_740[%add3A_436, %parallel_loop3A_735] : memref<128x128xf32, #tpu.memory_space<vmem>>[vector<16xi32>, vector<16xi32>], vector<16xf32>,
        %parallel_loop3A_742 = arith.constant 0 : i32
        %parallel_loop3A_743 = arith.index_cast %parallel_loop3A_742 : i32 to index
        %parallel_loop3A_744 = arith.index_cast %parallel_loop3A_681 : i32 to index
        %parallel_loop3A_745 = arith.constant 64 : index
        %parallel_loop3A_746 = tpu.vector_load %arg9[%parallel_loop3A_743, %parallel_loop3A_744, %parallel_loop3A_745] {strides = array<i32>} : memref<2x32x128xf32, #tpu.memory_space<vmem>>, vector<16xf32>,
        tpu.vector_store %arg9[%parallel_loop3A_743, %parallel_loop3A_744, %parallel_loop3A_745], %parallel_loop3A_741 {strides = array<i32>} : memref<2x32x128xf32, #tpu.memory_space<vmem>>, vector<16xf32>,
        %parallel_loop3A_747 = vector.broadcast %parallel_loop3A_681 : i32 to vector<16xi32>
        %parallel_loop3A_748 = arith.addi %get3A_472, %parallel_loop3A_747 : vector<16xi32>
        %parallel_loop3A_749 = arith.constant 0 : i32
        %parallel_loop3A_750 = arith.constant 0 : i32
        %parallel_loop3A_751 = arith.constant 0 : i32
        %parallel_loop3A_752 = tpu.memref_slice %arg8[%parallel_loop3A_749, %parallel_loop3A_750, %parallel_loop3A_751] : memref<2x128x128xf32, #tpu.memory_space<vmem>> -> memref<1x128x128xf32, #tpu.memory_space<vmem>>
        %parallel_loop3A_753 = tpu.memref_squeeze %parallel_loop3A_752 : memref<1x128x128xf32, #tpu.memory_space<vmem>> -> memref<128x128xf32, #tpu.memory_space<vmem>>
        %parallel_loop3A_754 = tpu.vector_load_idx %parallel_loop3A_753[%add3A_440, %parallel_loop3A_748] : memref<128x128xf32, #tpu.memory_space<vmem>>[vector<16xi32>, vector<16xi32>], vector<16xf32>,
        %parallel_loop3A_755 = arith.constant 0 : i32
        %parallel_loop3A_756 = arith.index_cast %parallel_loop3A_755 : i32 to index
        %parallel_loop3A_757 = arith.index_cast %parallel_loop3A_681 : i32 to index
        %parallel_loop3A_758 = arith.constant 80 : index
        %parallel_loop3A_759 = tpu.vector_load %arg9[%parallel_loop3A_756, %parallel_loop3A_757, %parallel_loop3A_758] {strides = array<i32>} : memref<2x32x128xf32, #tpu.memory_space<vmem>>, vector<16xf32>,
        tpu.vector_store %arg9[%parallel_loop3A_756, %parallel_loop3A_757, %parallel_loop3A_758], %parallel_loop3A_754 {strides = array<i32>} : memref<2x32x128xf32, #tpu.memory_space<vmem>>, vector<16xf32>,
        %parallel_loop3A_760 = vector.broadcast %parallel_loop3A_681 : i32 to vector<16xi32>
        %parallel_loop3A_761 = arith.addi %get3A_476, %parallel_loop3A_760 : vector<16xi32>
        %parallel_loop3A_762 = arith.constant 0 : i32
        %parallel_loop3A_763 = arith.constant 0 : i32
        %parallel_loop3A_764 = arith.constant 0 : i32
        %parallel_loop3A_765 = tpu.memref_slice %arg8[%parallel_loop3A_762, %parallel_loop3A_763, %parallel_loop3A_764] : memref<2x128x128xf32, #tpu.memory_space<vmem>> -> memref<1x128x128xf32, #tpu.memory_space<vmem>>
        %parallel_loop3A_766 = tpu.memref_squeeze %parallel_loop3A_765 : memref<1x128x128xf32, #tpu.memory_space<vmem>> -> memref<128x128xf32, #tpu.memory_space<vmem>>
        %parallel_loop3A_767 = tpu.vector_load_idx %parallel_loop3A_766[%add3A_444, %parallel_loop3A_761] : memref<128x128xf32, #tpu.memory_space<vmem>>[vector<16xi32>, vector<16xi32>], vector<16xf32>,
        %parallel_loop3A_768 = arith.constant 0 : i32
        %parallel_loop3A_769 = arith.index_cast %parallel_loop3A_768 : i32 to index
        %parallel_loop3A_770 = arith.index_cast %parallel_loop3A_681 : i32 to index
        %parallel_loop3A_771 = arith.constant 96 : index
        %parallel_loop3A_772 = tpu.vector_load %arg9[%parallel_loop3A_769, %parallel_loop3A_770, %parallel_loop3A_771] {strides = array<i32>} : memref<2x32x128xf32, #tpu.memory_space<vmem>>, vector<16xf32>,
        tpu.vector_store %arg9[%parallel_loop3A_769, %parallel_loop3A_770, %parallel_loop3A_771], %parallel_loop3A_767 {strides = array<i32>} : memref<2x32x128xf32, #tpu.memory_space<vmem>>, vector<16xf32>,
        %parallel_loop3A_773 = vector.broadcast %parallel_loop3A_681 : i32 to vector<16xi32>
        %parallel_loop3A_774 = arith.addi %get3A_480, %parallel_loop3A_773 : vector<16xi32>
        %parallel_loop3A_775 = arith.constant 0 : i32
        %parallel_loop3A_776 = arith.constant 0 : i32
        %parallel_loop3A_777 = arith.constant 0 : i32
        %parallel_loop3A_778 = tpu.memref_slice %arg8[%parallel_loop3A_775, %parallel_loop3A_776, %parallel_loop3A_777] : memref<2x128x128xf32, #tpu.memory_space<vmem>> -> memref<1x128x128xf32, #tpu.memory_space<vmem>>
        %parallel_loop3A_779 = tpu.memref_squeeze %parallel_loop3A_778 : memref<1x128x128xf32, #tpu.memory_space<vmem>> -> memref<128x128xf32, #tpu.memory_space<vmem>>
        %parallel_loop3A_780 = tpu.vector_load_idx %parallel_loop3A_779[%add3A_448, %parallel_loop3A_774] : memref<128x128xf32, #tpu.memory_space<vmem>>[vector<16xi32>, vector<16xi32>], vector<16xf32>,
        %parallel_loop3A_781 = arith.constant 0 : i32
        %parallel_loop3A_782 = arith.index_cast %parallel_loop3A_781 : i32 to index
        %parallel_loop3A_783 = arith.index_cast %parallel_loop3A_681 : i32 to index
        %parallel_loop3A_784 = arith.constant 112 : index
        %parallel_loop3A_785 = tpu.vector_load %arg9[%parallel_loop3A_782, %parallel_loop3A_783, %parallel_loop3A_784] {strides = array<i32>} : memref<2x32x128xf32, #tpu.memory_space<vmem>>, vector<16xf32>,
        tpu.vector_store %arg9[%parallel_loop3A_782, %parallel_loop3A_783, %parallel_loop3A_784], %parallel_loop3A_780 {strides = array<i32>} : memref<2x32x128xf32, #tpu.memory_space<vmem>>, vector<16xf32>,
      } {sc.loop_unroll_factor = 8 : i64, sc.parallel_access}
      %add3A_483 = arith.addi %mul3A_2, %mul3A_205 : i32
      %jit3A = arith.constant 128 : i32
      %div3A = arith.divsi %add3A_483, %jit3A : i32
      %sign3A = arith.constant 0 : i32
      %sign3A_484 = arith.cmpi sgt, %add3A_483, %sign3A : i32
      %sign3A_485 = arith.extui %sign3A_484 : i1 to i32
      %sign3A_486 = arith.constant 0 : i32
      %sign3A_487 = arith.cmpi slt, %add3A_483, %sign3A_486 : i32
      %sign3A_488 = arith.extui %sign3A_487 : i1 to i32
      %sign3A_489 = arith.subi %sign3A_485, %sign3A_488 : i32
      %sign3A_490 = arith.constant 0 : i32
      %sign3A_491 = arith.cmpi sgt, %jit3A, %sign3A_490 : i32
      %sign3A_492 = arith.extui %sign3A_491 : i1 to i32
      %sign3A_493 = arith.constant 0 : i32
      %sign3A_494 = arith.cmpi slt, %jit3A, %sign3A_493 : i32
      %sign3A_495 = arith.extui %sign3A_494 : i1 to i32
      %sign3A_496 = arith.subi %sign3A_492, %sign3A_495 : i32
      %ne3A = arith.cmpi ne, %sign3A_489, %sign3A_496 : i32
      %rem3A = arith.remsi %add3A_483, %jit3A : i32
      %ne3A_497 = arith.constant 0 : i32
      %ne3A_498 = arith.cmpi ne, %rem3A, %ne3A_497 : i32
      %and3A_499 = arith.andi %ne3A, %ne3A_498 : i1
      %sub3A = arith.constant 1 : i32
      %sub3A_500 = arith.subi %div3A, %sub3A : i32
      %select_n3A = arith.select %and3A_499, %sub3A_500, %div3A : i32
      %jit3A_501 = arith.constant 128 : i32
      %eq3A = arith.constant 0 : i32
      %eq3A_502 = arith.cmpi eq, %jit3A_501, %eq3A : i32
      %jit3A_503 = arith.constant 1 : i32
      %select_n3A_504 = arith.select %eq3A_502, %jit3A_503, %jit3A_501 : i32
      %rem3A_505 = arith.remsi %add3A_483, %select_n3A_504 : i32
      %ne3A_506 = arith.constant 0 : i32
      %ne3A_507 = arith.cmpi ne, %rem3A_505, %ne3A_506 : i32
      %lt3A = arith.constant 0 : i32
      %lt3A_508 = arith.cmpi slt, %rem3A_505, %lt3A : i32
      %lt3A_509 = arith.constant 0 : i32
      %lt3A_510 = arith.cmpi slt, %select_n3A_504, %lt3A_509 : i32
      %ne3A_511 = arith.xori %lt3A_508, %lt3A_510 : i1
      %and3A_512 = arith.andi %ne3A_511, %ne3A_507 : i1
      %add3A_513 = arith.addi %rem3A_505, %select_n3A_504 : i32
      %select_n3A_514 = arith.select %and3A_512, %add3A_513, %rem3A_505 : i32
      %mul3A_515 = arith.constant 128 : i32
      %mul3A_516 = arith.muli %select_n3A_514, %mul3A_515 : i32
      %dma_start3A_517 = arith.constant 0 : i32
      %dma_start3A_518 = arith.constant 0 : i32
      %dma_start3A_519 = arith.constant 0 : i32
      %dma_start3A_520 = tpu.memref_slice %arg9[%dma_start3A_517, %dma_start3A_518, %dma_start3A_519] : memref<2x32x128xf32, #tpu.memory_space<vmem>> -> memref<1x32x128xf32, #tpu.memory_space<vmem>>
      %dma_start3A_521 = tpu.memref_squeeze %dma_start3A_520 : memref<1x32x128xf32, #tpu.memory_space<vmem>> -> memref<32x128xf32, #tpu.memory_space<vmem>>
      %dma_start3A_522 = arith.constant 0 : i32
      %dma_start3A_523 = tpu.memref_slice %arg4[%select_n3A, %dma_start3A_522, %mul3A_516] : memref<26x32x16384xf32, #tpu.memory_space<hbm>> -> memref<1x32x128xf32, #tpu.memory_space<hbm>>
      %dma_start3A_524 = tpu.memref_squeeze %dma_start3A_523 : memref<1x32x128xf32, #tpu.memory_space<hbm>> -> memref<32x128xf32, #tpu.memory_space<hbm>>
      %dma_start3A_525 = arith.constant 0 : i32
      %dma_start3A_526 = tpu.memref_slice %arg4[%select_n3A, %dma_start3A_525, %mul3A_516] : memref<26x32x16384xf32, #tpu.memory_space<hbm>> -> memref<1x32x128xf32, #tpu.memory_space<hbm>>
      %dma_start3A_527 = tpu.memref_squeeze %dma_start3A_526 : memref<1x32x128xf32, #tpu.memory_space<hbm>> -> memref<32x128xf32, #tpu.memory_space<hbm>>
      %dma_start3A_528 = arith.constant 0 : i32
      %dma_start3A_529 = arith.constant 0 : i32
      %dma_start3A_530 = tpu.memref_slice %arg9[%dma_start3A_517, %dma_start3A_528, %dma_start3A_529] : memref<2x32x128xf32, #tpu.memory_space<vmem>> -> memref<1x32x128xf32, #tpu.memory_space<vmem>>
      %dma_start3A_531 = tpu.memref_squeeze %dma_start3A_530 : memref<1x32x128xf32, #tpu.memory_space<vmem>> -> memref<32x128xf32, #tpu.memory_space<vmem>>
      tpu.enqueue_dma source(%dma_start3A_531 : memref<32x128xf32, #tpu.memory_space<vmem>>) target(%dma_start3A_527 : memref<32x128xf32, #tpu.memory_space<hbm>>) target_semaphore(%arg12 : memref<!tpu.dma_semaphore, #tpu.memory_space<semaphore_mem>>)
      %add3A_532 = arith.constant 1 : i32
      %add3A_533 = arith.addi %scan3A_203, %add3A_532 : i32
      %lt3A_534 = arith.constant 52 : i32
      %lt3A_535 = arith.cmpi slt, %add3A_533, %lt3A_534 : i32
      %convert_element_type3A_536 = arith.extui %lt3A_535 : i1 to i32
      %cond3A_537 = arith.constant 0 : i32
      %cond3A_538 = arith.cmpi ne, %convert_element_type3A_536, %cond3A_537 : i32
      scf.if %cond3A_538 {
        %add3A_681 = arith.constant 2 : i32
        %add3A_682 = arith.addi %mul3A_205, %add3A_681 : i32
        %mul3A_683 = arith.constant 128 : i32
        %mul3A_684 = arith.muli %add3A_682, %mul3A_683 : i32
        %add3A_685 = arith.constant 0 : i32
        %add3A_686 = arith.addi %mul3A_684, %add3A_685 : i32
        %get3A_687 = arith.index_cast %add3A_686 : i32 to index
        %get3A_688 = tpu.vector_load %arg5[%get3A_687] {strides = array<i32>} : memref<13312xi32, #tpu.memory_space<vmem>>, vector<16xi32>,
        %shift_right_logical3A_689 = arith.constant 2 : i32
        %shift_right_logical3A_690 = vector.broadcast %shift_right_logical3A_689 : i32 to vector<16xi32>
        %shift_right_logical3A_691 = arith.shrui %get3A_688, %shift_right_logical3A_690 : vector<16xi32>
        %swap3A_692 = arith.constant 0 : i32
        %swap3A_693 = arith.index_cast %swap3A_692 : i32 to index
        %swap3A_694 = arith.constant 0 : index
        %swap3A_695 = tpu.vector_load %arg6[%swap3A_693, %swap3A_694] {strides = array<i32>} : memref<2x128xi32, #tpu.memory_space<vmem>>, vector<16xi32>,
        tpu.vector_store %arg6[%swap3A_693, %swap3A_694], %shift_right_logical3A_691 {strides = array<i32>} : memref<2x128xi32, #tpu.memory_space<vmem>>, vector<16xi32>,
        %and3A_696 = arith.constant 3 : i32
        %and3A_697 = vector.broadcast %and3A_696 : i32 to vector<16xi32>
        %and3A_698 = arith.andi %get3A_688, %and3A_697 : vector<16xi32>
        %shift_left3A_699 = arith.constant 5 : i32
        %shift_left3A_700 = vector.broadcast %shift_left3A_699 : i32 to vector<16xi32>
        %shift_left3A_701 = arith.shli %and3A_698, %shift_left3A_700 : vector<16xi32>
        %swap3A_702 = arith.constant 0 : i32
        %swap3A_703 = arith.index_cast %swap3A_702 : i32 to index
        %swap3A_704 = arith.constant 0 : index
        %swap3A_705 = tpu.vector_load %arg7[%swap3A_703, %swap3A_704] {strides = array<i32>} : memref<2x128xi32, #tpu.memory_space<vmem>>, vector<16xi32>,
        tpu.vector_store %arg7[%swap3A_703, %swap3A_704], %shift_left3A_701 {strides = array<i32>} : memref<2x128xi32, #tpu.memory_space<vmem>>, vector<16xi32>,
        %mul3A_706 = arith.constant 128 : i32
        %mul3A_707 = arith.muli %add3A_682, %mul3A_706 : i32
        %add3A_708 = arith.constant 16 : i32
        %add3A_709 = arith.addi %mul3A_707, %add3A_708 : i32
        %get3A_710 = arith.index_cast %add3A_709 : i32 to index
        %get3A_711 = tpu.vector_load %arg5[%get3A_710] {strides = array<i32>} : memref<13312xi32, #tpu.memory_space<vmem>>, vector<16xi32>,
        %shift_right_logical3A_712 = arith.constant 2 : i32
        %shift_right_logical3A_713 = vector.broadcast %shift_right_logical3A_712 : i32 to vector<16xi32>
        %shift_right_logical3A_714 = arith.shrui %get3A_711, %shift_right_logical3A_713 : vector<16xi32>
        %swap3A_715 = arith.constant 0 : i32
        %swap3A_716 = arith.index_cast %swap3A_715 : i32 to index
        %swap3A_717 = arith.constant 16 : index
        %swap3A_718 = tpu.vector_load %arg6[%swap3A_716, %swap3A_717] {strides = array<i32>} : memref<2x128xi32, #tpu.memory_space<vmem>>, vector<16xi32>,
        tpu.vector_store %arg6[%swap3A_716, %swap3A_717], %shift_right_logical3A_714 {strides = array<i32>} : memref<2x128xi32, #tpu.memory_space<vmem>>, vector<16xi32>,
        %and3A_719 = arith.constant 3 : i32
        %and3A_720 = vector.broadcast %and3A_719 : i32 to vector<16xi32>
        %and3A_721 = arith.andi %get3A_711, %and3A_720 : vector<16xi32>
        %shift_left3A_722 = arith.constant 5 : i32
        %shift_left3A_723 = vector.broadcast %shift_left3A_722 : i32 to vector<16xi32>
        %shift_left3A_724 = arith.shli %and3A_721, %shift_left3A_723 : vector<16xi32>
        %swap3A_725 = arith.constant 0 : i32
        %swap3A_726 = arith.index_cast %swap3A_725 : i32 to index
        %swap3A_727 = arith.constant 16 : index
        %swap3A_728 = tpu.vector_load %arg7[%swap3A_726, %swap3A_727] {strides = array<i32>} : memref<2x128xi32, #tpu.memory_space<vmem>>, vector<16xi32>,
        tpu.vector_store %arg7[%swap3A_726, %swap3A_727], %shift_left3A_724 {strides = array<i32>} : memref<2x128xi32, #tpu.memory_space<vmem>>, vector<16xi32>,
        %mul3A_729 = arith.constant 128 : i32
        %mul3A_730 = arith.muli %add3A_682, %mul3A_729 : i32
        %add3A_731 = arith.constant 32 : i32
        %add3A_732 = arith.addi %mul3A_730, %add3A_731 : i32
        %get3A_733 = arith.index_cast %add3A_732 : i32 to index
        %get3A_734 = tpu.vector_load %arg5[%get3A_733] {strides = array<i32>} : memref<13312xi32, #tpu.memory_space<vmem>>, vector<16xi32>,
        %shift_right_logical3A_735 = arith.constant 2 : i32
        %shift_right_logical3A_736 = vector.broadcast %shift_right_logical3A_735 : i32 to vector<16xi32>
        %shift_right_logical3A_737 = arith.shrui %get3A_734, %shift_right_logical3A_736 : vector<16xi32>
        %swap3A_738 = arith.constant 0 : i32
        %swap3A_739 = arith.index_cast %swap3A_738 : i32 to index
        %swap3A_740 = arith.constant 32 : index
        %swap3A_741 = tpu.vector_load %arg6[%swap3A_739, %swap3A_740] {strides = array<i32>} : memref<2x128xi32, #tpu.memory_space<vmem>>, vector<16xi32>,
        tpu.vector_store %arg6[%swap3A_739, %swap3A_740], %shift_right_logical3A_737 {strides = array<i32>} : memref<2x128xi32, #tpu.memory_space<vmem>>, vector<16xi32>,
        %and3A_742 = arith.constant 3 : i32
        %and3A_743 = vector.broadcast %and3A_742 : i32 to vector<16xi32>
        %and3A_744 = arith.andi %get3A_734, %and3A_743 : vector<16xi32>
        %shift_left3A_745 = arith.constant 5 : i32
        %shift_left3A_746 = vector.broadcast %shift_left3A_745 : i32 to vector<16xi32>
        %shift_left3A_747 = arith.shli %and3A_744, %shift_left3A_746 : vector<16xi32>
        %swap3A_748 = arith.constant 0 : i32
        %swap3A_749 = arith.index_cast %swap3A_748 : i32 to index
        %swap3A_750 = arith.constant 32 : index
        %swap3A_751 = tpu.vector_load %arg7[%swap3A_749, %swap3A_750] {strides = array<i32>} : memref<2x128xi32, #tpu.memory_space<vmem>>, vector<16xi32>,
        tpu.vector_store %arg7[%swap3A_749, %swap3A_750], %shift_left3A_747 {strides = array<i32>} : memref<2x128xi32, #tpu.memory_space<vmem>>, vector<16xi32>,
        %mul3A_752 = arith.constant 128 : i32
        %mul3A_753 = arith.muli %add3A_682, %mul3A_752 : i32
        %add3A_754 = arith.constant 48 : i32
        %add3A_755 = arith.addi %mul3A_753, %add3A_754 : i32
        %get3A_756 = arith.index_cast %add3A_755 : i32 to index
        %get3A_757 = tpu.vector_load %arg5[%get3A_756] {strides = array<i32>} : memref<13312xi32, #tpu.memory_space<vmem>>, vector<16xi32>,
        %shift_right_logical3A_758 = arith.constant 2 : i32
        %shift_right_logical3A_759 = vector.broadcast %shift_right_logical3A_758 : i32 to vector<16xi32>
        %shift_right_logical3A_760 = arith.shrui %get3A_757, %shift_right_logical3A_759 : vector<16xi32>
        %swap3A_761 = arith.constant 0 : i32
        %swap3A_762 = arith.index_cast %swap3A_761 : i32 to index
        %swap3A_763 = arith.constant 48 : index
        %swap3A_764 = tpu.vector_load %arg6[%swap3A_762, %swap3A_763] {strides = array<i32>} : memref<2x128xi32, #tpu.memory_space<vmem>>, vector<16xi32>,
        tpu.vector_store %arg6[%swap3A_762, %swap3A_763], %shift_right_logical3A_760 {strides = array<i32>} : memref<2x128xi32, #tpu.memory_space<vmem>>, vector<16xi32>,
        %and3A_765 = arith.constant 3 : i32
        %and3A_766 = vector.broadcast %and3A_765 : i32 to vector<16xi32>
        %and3A_767 = arith.andi %get3A_757, %and3A_766 : vector<16xi32>
        %shift_left3A_768 = arith.constant 5 : i32
        %shift_left3A_769 = vector.broadcast %shift_left3A_768 : i32 to vector<16xi32>
        %shift_left3A_770 = arith.shli %and3A_767, %shift_left3A_769 : vector<16xi32>
        %swap3A_771 = arith.constant 0 : i32
        %swap3A_772 = arith.index_cast %swap3A_771 : i32 to index
        %swap3A_773 = arith.constant 48 : index
        %swap3A_774 = tpu.vector_load %arg7[%swap3A_772, %swap3A_773] {strides = array<i32>} : memref<2x128xi32, #tpu.memory_space<vmem>>, vector<16xi32>,
        tpu.vector_store %arg7[%swap3A_772, %swap3A_773], %shift_left3A_770 {strides = array<i32>} : memref<2x128xi32, #tpu.memory_space<vmem>>, vector<16xi32>,
        %mul3A_775 = arith.constant 128 : i32
        %mul3A_776 = arith.muli %add3A_682, %mul3A_775 : i32
        %add3A_777 = arith.constant 64 : i32
        %add3A_778 = arith.addi %mul3A_776, %add3A_777 : i32
        %get3A_779 = arith.index_cast %add3A_778 : i32 to index
        %get3A_780 = tpu.vector_load %arg5[%get3A_779] {strides = array<i32>} : memref<13312xi32, #tpu.memory_space<vmem>>, vector<16xi32>,
        %shift_right_logical3A_781 = arith.constant 2 : i32
        %shift_right_logical3A_782 = vector.broadcast %shift_right_logical3A_781 : i32 to vector<16xi32>
        %shift_right_logical3A_783 = arith.shrui %get3A_780, %shift_right_logical3A_782 : vector<16xi32>
        %swap3A_784 = arith.constant 0 : i32
        %swap3A_785 = arith.index_cast %swap3A_784 : i32 to index
        %swap3A_786 = arith.constant 64 : index
        %swap3A_787 = tpu.vector_load %arg6[%swap3A_785, %swap3A_786] {strides = array<i32>} : memref<2x128xi32, #tpu.memory_space<vmem>>, vector<16xi32>,
        tpu.vector_store %arg6[%swap3A_785, %swap3A_786], %shift_right_logical3A_783 {strides = array<i32>} : memref<2x128xi32, #tpu.memory_space<vmem>>, vector<16xi32>,
        %and3A_788 = arith.constant 3 : i32
        %and3A_789 = vector.broadcast %and3A_788 : i32 to vector<16xi32>
        %and3A_790 = arith.andi %get3A_780, %and3A_789 : vector<16xi32>
        %shift_left3A_791 = arith.constant 5 : i32
        %shift_left3A_792 = vector.broadcast %shift_left3A_791 : i32 to vector<16xi32>
        %shift_left3A_793 = arith.shli %and3A_790, %shift_left3A_792 : vector<16xi32>
        %swap3A_794 = arith.constant 0 : i32
        %swap3A_795 = arith.index_cast %swap3A_794 : i32 to index
        %swap3A_796 = arith.constant 64 : index
        %swap3A_797 = tpu.vector_load %arg7[%swap3A_795, %swap3A_796] {strides = array<i32>} : memref<2x128xi32, #tpu.memory_space<vmem>>, vector<16xi32>,
        tpu.vector_store %arg7[%swap3A_795, %swap3A_796], %shift_left3A_793 {strides = array<i32>} : memref<2x128xi32, #tpu.memory_space<vmem>>, vector<16xi32>,
        %mul3A_798 = arith.constant 128 : i32
        %mul3A_799 = arith.muli %add3A_682, %mul3A_798 : i32
        %add3A_800 = arith.constant 80 : i32
        %add3A_801 = arith.addi %mul3A_799, %add3A_800 : i32
        %get3A_802 = arith.index_cast %add3A_801 : i32 to index
        %get3A_803 = tpu.vector_load %arg5[%get3A_802] {strides = array<i32>} : memref<13312xi32, #tpu.memory_space<vmem>>, vector<16xi32>,
        %shift_right_logical3A_804 = arith.constant 2 : i32
        %shift_right_logical3A_805 = vector.broadcast %shift_right_logical3A_804 : i32 to vector<16xi32>
        %shift_right_logical3A_806 = arith.shrui %get3A_803, %shift_right_logical3A_805 : vector<16xi32>
        %swap3A_807 = arith.constant 0 : i32
        %swap3A_808 = arith.index_cast %swap3A_807 : i32 to index
        %swap3A_809 = arith.constant 80 : index
        %swap3A_810 = tpu.vector_load %arg6[%swap3A_808, %swap3A_809] {strides = array<i32>} : memref<2x128xi32, #tpu.memory_space<vmem>>, vector<16xi32>,
        tpu.vector_store %arg6[%swap3A_808, %swap3A_809], %shift_right_logical3A_806 {strides = array<i32>} : memref<2x128xi32, #tpu.memory_space<vmem>>, vector<16xi32>,
        %and3A_811 = arith.constant 3 : i32
        %and3A_812 = vector.broadcast %and3A_811 : i32 to vector<16xi32>
        %and3A_813 = arith.andi %get3A_803, %and3A_812 : vector<16xi32>
        %shift_left3A_814 = arith.constant 5 : i32
        %shift_left3A_815 = vector.broadcast %shift_left3A_814 : i32 to vector<16xi32>
        %shift_left3A_816 = arith.shli %and3A_813, %shift_left3A_815 : vector<16xi32>
        %swap3A_817 = arith.constant 0 : i32
        %swap3A_818 = arith.index_cast %swap3A_817 : i32 to index
        %swap3A_819 = arith.constant 80 : index
        %swap3A_820 = tpu.vector_load %arg7[%swap3A_818, %swap3A_819] {strides = array<i32>} : memref<2x128xi32, #tpu.memory_space<vmem>>, vector<16xi32>,
        tpu.vector_store %arg7[%swap3A_818, %swap3A_819], %shift_left3A_816 {strides = array<i32>} : memref<2x128xi32, #tpu.memory_space<vmem>>, vector<16xi32>,
        %mul3A_821 = arith.constant 128 : i32
        %mul3A_822 = arith.muli %add3A_682, %mul3A_821 : i32
        %add3A_823 = arith.constant 96 : i32
        %add3A_824 = arith.addi %mul3A_822, %add3A_823 : i32
        %get3A_825 = arith.index_cast %add3A_824 : i32 to index
        %get3A_826 = tpu.vector_load %arg5[%get3A_825] {strides = array<i32>} : memref<13312xi32, #tpu.memory_space<vmem>>, vector<16xi32>,
        %shift_right_logical3A_827 = arith.constant 2 : i32
        %shift_right_logical3A_828 = vector.broadcast %shift_right_logical3A_827 : i32 to vector<16xi32>
        %shift_right_logical3A_829 = arith.shrui %get3A_826, %shift_right_logical3A_828 : vector<16xi32>
        %swap3A_830 = arith.constant 0 : i32
        %swap3A_831 = arith.index_cast %swap3A_830 : i32 to index
        %swap3A_832 = arith.constant 96 : index
        %swap3A_833 = tpu.vector_load %arg6[%swap3A_831, %swap3A_832] {strides = array<i32>} : memref<2x128xi32, #tpu.memory_space<vmem>>, vector<16xi32>,
        tpu.vector_store %arg6[%swap3A_831, %swap3A_832], %shift_right_logical3A_829 {strides = array<i32>} : memref<2x128xi32, #tpu.memory_space<vmem>>, vector<16xi32>,
        %and3A_834 = arith.constant 3 : i32
        %and3A_835 = vector.broadcast %and3A_834 : i32 to vector<16xi32>
        %and3A_836 = arith.andi %get3A_826, %and3A_835 : vector<16xi32>
        %shift_left3A_837 = arith.constant 5 : i32
        %shift_left3A_838 = vector.broadcast %shift_left3A_837 : i32 to vector<16xi32>
        %shift_left3A_839 = arith.shli %and3A_836, %shift_left3A_838 : vector<16xi32>
        %swap3A_840 = arith.constant 0 : i32
        %swap3A_841 = arith.index_cast %swap3A_840 : i32 to index
        %swap3A_842 = arith.constant 96 : index
        %swap3A_843 = tpu.vector_load %arg7[%swap3A_841, %swap3A_842] {strides = array<i32>} : memref<2x128xi32, #tpu.memory_space<vmem>>, vector<16xi32>,
        tpu.vector_store %arg7[%swap3A_841, %swap3A_842], %shift_left3A_839 {strides = array<i32>} : memref<2x128xi32, #tpu.memory_space<vmem>>, vector<16xi32>,
        %mul3A_844 = arith.constant 128 : i32
        %mul3A_845 = arith.muli %add3A_682, %mul3A_844 : i32
        %add3A_846 = arith.constant 112 : i32
        %add3A_847 = arith.addi %mul3A_845, %add3A_846 : i32
        %get3A_848 = arith.index_cast %add3A_847 : i32 to index
        %get3A_849 = tpu.vector_load %arg5[%get3A_848] {strides = array<i32>} : memref<13312xi32, #tpu.memory_space<vmem>>, vector<16xi32>,
        %shift_right_logical3A_850 = arith.constant 2 : i32
        %shift_right_logical3A_851 = vector.broadcast %shift_right_logical3A_850 : i32 to vector<16xi32>
        %shift_right_logical3A_852 = arith.shrui %get3A_849, %shift_right_logical3A_851 : vector<16xi32>
        %swap3A_853 = arith.constant 0 : i32
        %swap3A_854 = arith.index_cast %swap3A_853 : i32 to index
        %swap3A_855 = arith.constant 112 : index
        %swap3A_856 = tpu.vector_load %arg6[%swap3A_854, %swap3A_855] {strides = array<i32>} : memref<2x128xi32, #tpu.memory_space<vmem>>, vector<16xi32>,
        tpu.vector_store %arg6[%swap3A_854, %swap3A_855], %shift_right_logical3A_852 {strides = array<i32>} : memref<2x128xi32, #tpu.memory_space<vmem>>, vector<16xi32>,
        %and3A_857 = arith.constant 3 : i32
        %and3A_858 = vector.broadcast %and3A_857 : i32 to vector<16xi32>
        %and3A_859 = arith.andi %get3A_849, %and3A_858 : vector<16xi32>
        %shift_left3A_860 = arith.constant 5 : i32
        %shift_left3A_861 = vector.broadcast %shift_left3A_860 : i32 to vector<16xi32>
        %shift_left3A_862 = arith.shli %and3A_859, %shift_left3A_861 : vector<16xi32>
        %swap3A_863 = arith.constant 0 : i32
        %swap3A_864 = arith.index_cast %swap3A_863 : i32 to index
        %swap3A_865 = arith.constant 112 : index
        %swap3A_866 = tpu.vector_load %arg7[%swap3A_864, %swap3A_865] {strides = array<i32>} : memref<2x128xi32, #tpu.memory_space<vmem>>, vector<16xi32>,
        tpu.vector_store %arg7[%swap3A_864, %swap3A_865], %shift_left3A_862 {strides = array<i32>} : memref<2x128xi32, #tpu.memory_space<vmem>>, vector<16xi32>,
        %dma_start3A_867 = arith.constant 0 : i32
        %dma_start3A_868 = arith.constant 0 : i32
        %dma_start3A_869 = arith.constant 0 : i32
        %dma_start3A_870 = arith.constant 0 : i32
        %dma_start3A_871 = tpu.memref_slice %arg8[%dma_start3A_868, %dma_start3A_869, %dma_start3A_870] : memref<2x128x128xf32, #tpu.memory_space<vmem>> -> memref<1x128x128xf32, #tpu.memory_space<vmem>>
        %dma_start3A_872 = tpu.memref_squeeze %dma_start3A_871 : memref<1x128x128xf32, #tpu.memory_space<vmem>> -> memref<128x128xf32, #tpu.memory_space<vmem>>
        %dma_start3A_873 = arith.constant 0 : i32
        %dma_start3A_874 = tpu.memref_slice %arg6[%dma_start3A_867, %dma_start3A_873] : memref<2x128xi32, #tpu.memory_space<vmem>> -> memref<1x128xi32, #tpu.memory_space<vmem>>
        %dma_start3A_875 = tpu.memref_squeeze %dma_start3A_874 : memref<1x128xi32, #tpu.memory_space<vmem>> -> memref<128xi32, #tpu.memory_space<vmem>>
        %dma_start3A_876 = arith.constant 0 : i32
        %dma_start3A_877 = arith.constant 0 : i32
        %dma_start3A_878 = tpu.memref_slice %arg3[%dma_start3A_876, %dma_start3A_877] : memref<250000x128xf32, #tpu.memory_space<hbm>> -> memref<250000x128xf32, #tpu.memory_space<hbm>>
        tpu.enqueue_indirect_dma source(%dma_start3A_878 : memref<250000x128xf32, #tpu.memory_space<hbm>>) target(%dma_start3A_872 : memref<128x128xf32, #tpu.memory_space<vmem>>) offsets(%dma_start3A_875 : memref<128xi32, #tpu.memory_space<vmem>>) semaphore(%arg10 : memref<!tpu.dma_semaphore, #tpu.memory_space<semaphore_mem>>)
      } else {
      }
      %dma_wait3A_539 = arith.constant 1 : i32
      %dma_wait3A_540 = arith.constant 1 : i32
      %dma_wait3A_541 = arith.constant 0 : i32
      %dma_wait3A_542 = arith.constant 0 : i32
      %dma_wait3A_543 = tpu.memref_slice %arg8[%dma_wait3A_540, %dma_wait3A_541, %dma_wait3A_542] : memref<2x128x128xf32, #tpu.memory_space<vmem>> -> memref<1x128x128xf32, #tpu.memory_space<vmem>>
      %dma_wait3A_544 = tpu.memref_squeeze %dma_wait3A_543 : memref<1x128x128xf32, #tpu.memory_space<vmem>> -> memref<128x128xf32, #tpu.memory_space<vmem>>
      %dma_wait3A_545 = arith.constant 0 : i32
      %dma_wait3A_546 = tpu.memref_slice %arg6[%dma_wait3A_539, %dma_wait3A_545] : memref<2x128xi32, #tpu.memory_space<vmem>> -> memref<1x128xi32, #tpu.memory_space<vmem>>
      %dma_wait3A_547 = tpu.memref_squeeze %dma_wait3A_546 : memref<1x128xi32, #tpu.memory_space<vmem>> -> memref<128xi32, #tpu.memory_space<vmem>>
      %dma_wait3A_548 = arith.constant 0 : i32
      %dma_wait3A_549 = arith.constant 0 : i32
      %dma_wait3A_550 = tpu.memref_slice %arg3[%dma_wait3A_548, %dma_wait3A_549] : memref<250000x128xf32, #tpu.memory_space<hbm>> -> memref<250000x128xf32, #tpu.memory_space<hbm>>
      tpu.wait_indirect_dma semaphore(%arg11 : memref<!tpu.dma_semaphore, #tpu.memory_space<semaphore_mem>>) src(%dma_wait3A_550 : memref<250000x128xf32, #tpu.memory_space<hbm>>) dst(%dma_wait3A_544 : memref<128x128xf32, #tpu.memory_space<vmem>>)
      %ge3A_551 = arith.constant 1 : i32
      %ge3A_552 = arith.cmpi sge, %scan3A_203, %ge3A_551 : i32
      %convert_element_type3A_553 = arith.extui %ge3A_552 : i1 to i32
      %cond3A_554 = arith.constant 0 : i32
      %cond3A_555 = arith.cmpi ne, %convert_element_type3A_553, %cond3A_554 : i32
      scf.if %cond3A_555 {
        %dma_wait3A_681 = arith.constant 1 : i32
        %dma_wait3A_682 = arith.constant 0 : i32
        %dma_wait3A_683 = arith.constant 0 : i32
        %dma_wait3A_684 = arith.constant 0 : i32
        %dma_wait3A_685 = tpu.memref_slice %arg9[%dma_wait3A_681, %dma_wait3A_683, %dma_wait3A_684] : memref<2x32x128xf32, #tpu.memory_space<vmem>> -> memref<1x32x128xf32, #tpu.memory_space<vmem>>
        %dma_wait3A_686 = tpu.memref_squeeze %dma_wait3A_685 : memref<1x32x128xf32, #tpu.memory_space<vmem>> -> memref<32x128xf32, #tpu.memory_space<vmem>>
        %dma_wait3A_687 = arith.constant 0 : i32
        %dma_wait3A_688 = arith.constant 0 : i32
        %dma_wait3A_689 = tpu.memref_slice %arg4[%dma_wait3A_682, %dma_wait3A_687, %dma_wait3A_688] : memref<26x32x16384xf32, #tpu.memory_space<hbm>> -> memref<1x32x128xf32, #tpu.memory_space<hbm>>
        %dma_wait3A_690 = tpu.memref_squeeze %dma_wait3A_689 : memref<1x32x128xf32, #tpu.memory_space<hbm>> -> memref<32x128xf32, #tpu.memory_space<hbm>>
        %dma_wait3A_691 = arith.constant 0 : i32
        %dma_wait3A_692 = arith.constant 0 : i32
        %dma_wait3A_693 = tpu.memref_slice %arg4[%dma_wait3A_682, %dma_wait3A_691, %dma_wait3A_692] : memref<26x32x16384xf32, #tpu.memory_space<hbm>> -> memref<1x32x128xf32, #tpu.memory_space<hbm>>
        %dma_wait3A_694 = tpu.memref_squeeze %dma_wait3A_693 : memref<1x32x128xf32, #tpu.memory_space<hbm>> -> memref<32x128xf32, #tpu.memory_space<hbm>>
        %dma_wait3A_695 = arith.constant 0 : i32
        %dma_wait3A_696 = arith.constant 0 : i32
        %dma_wait3A_697 = tpu.memref_slice %arg9[%dma_wait3A_681, %dma_wait3A_695, %dma_wait3A_696] : memref<2x32x128xf32, #tpu.memory_space<vmem>> -> memref<1x32x128xf32, #tpu.memory_space<vmem>>
        %dma_wait3A_698 = tpu.memref_squeeze %dma_wait3A_697 : memref<1x32x128xf32, #tpu.memory_space<vmem>> -> memref<32x128xf32, #tpu.memory_space<vmem>>
        tpu.wait_dma2 semaphore(%arg13 : memref<!tpu.dma_semaphore, #tpu.memory_space<semaphore_mem>>) src(%dma_wait3A_698 : memref<32x128xf32, #tpu.memory_space<vmem>>) dst(%dma_wait3A_694 : memref<32x128xf32, #tpu.memory_space<hbm>>)
      } else {
      }
      %iota3A_556 = tpu.iota {dimensions = array<i32: 0>} : vector<16xi32>
      %add3A_557 = arith.constant 0 : i32
      %add3A_558 = vector.broadcast %add3A_557 : i32 to vector<16xi32>
      %add3A_559 = arith.addi %iota3A_556, %add3A_558 : vector<16xi32>
      %iota3A_560 = tpu.iota {dimensions = array<i32: 0>} : vector<16xi32>
      %add3A_561 = arith.constant 16 : i32
      %add3A_562 = vector.broadcast %add3A_561 : i32 to vector<16xi32>
      %add3A_563 = arith.addi %iota3A_560, %add3A_562 : vector<16xi32>
      %iota3A_564 = tpu.iota {dimensions = array<i32: 0>} : vector<16xi32>
      %add3A_565 = arith.constant 32 : i32
      %add3A_566 = vector.broadcast %add3A_565 : i32 to vector<16xi32>
      %add3A_567 = arith.addi %iota3A_564, %add3A_566 : vector<16xi32>
      %iota3A_568 = tpu.iota {dimensions = array<i32: 0>} : vector<16xi32>
      %add3A_569 = arith.constant 48 : i32
      %add3A_570 = vector.broadcast %add3A_569 : i32 to vector<16xi32>
      %add3A_571 = arith.addi %iota3A_568, %add3A_570 : vector<16xi32>
      %iota3A_572 = tpu.iota {dimensions = array<i32: 0>} : vector<16xi32>
      %add3A_573 = arith.constant 64 : i32
      %add3A_574 = vector.broadcast %add3A_573 : i32 to vector<16xi32>
      %add3A_575 = arith.addi %iota3A_572, %add3A_574 : vector<16xi32>
      %iota3A_576 = tpu.iota {dimensions = array<i32: 0>} : vector<16xi32>
      %add3A_577 = arith.constant 80 : i32
      %add3A_578 = vector.broadcast %add3A_577 : i32 to vector<16xi32>
      %add3A_579 = arith.addi %iota3A_576, %add3A_578 : vector<16xi32>
      %iota3A_580 = tpu.iota {dimensions = array<i32: 0>} : vector<16xi32>
      %add3A_581 = arith.constant 96 : i32
      %add3A_582 = vector.broadcast %add3A_581 : i32 to vector<16xi32>
      %add3A_583 = arith.addi %iota3A_580, %add3A_582 : vector<16xi32>
      %iota3A_584 = tpu.iota {dimensions = array<i32: 0>} : vector<16xi32>
      %add3A_585 = arith.constant 112 : i32
      %add3A_586 = vector.broadcast %add3A_585 : i32 to vector<16xi32>
      %add3A_587 = arith.addi %iota3A_584, %add3A_586 : vector<16xi32>
      %get3A_588 = arith.constant 1 : i32
      %get3A_589 = arith.index_cast %get3A_588 : i32 to index
      %get3A_590 = arith.constant 0 : index
      %get3A_591 = tpu.vector_load %arg7[%get3A_589, %get3A_590] {strides = array<i32>} : memref<2x128xi32, #tpu.memory_space<vmem>>, vector<16xi32>,
      %get3A_592 = arith.constant 1 : i32
      %get3A_593 = arith.index_cast %get3A_592 : i32 to index
      %get3A_594 = arith.constant 16 : index
      %get3A_595 = tpu.vector_load %arg7[%get3A_593, %get3A_594] {strides = array<i32>} : memref<2x128xi32, #tpu.memory_space<vmem>>, vector<16xi32>,
      %get3A_596 = arith.constant 1 : i32
      %get3A_597 = arith.index_cast %get3A_596 : i32 to index
      %get3A_598 = arith.constant 32 : index
      %get3A_599 = tpu.vector_load %arg7[%get3A_597, %get3A_598] {strides = array<i32>} : memref<2x128xi32, #tpu.memory_space<vmem>>, vector<16xi32>,
      %get3A_600 = arith.constant 1 : i32
      %get3A_601 = arith.index_cast %get3A_600 : i32 to index
      %get3A_602 = arith.constant 48 : index
      %get3A_603 = tpu.vector_load %arg7[%get3A_601, %get3A_602] {strides = array<i32>} : memref<2x128xi32, #tpu.memory_space<vmem>>, vector<16xi32>,
      %get3A_604 = arith.constant 1 : i32
      %get3A_605 = arith.index_cast %get3A_604 : i32 to index
      %get3A_606 = arith.constant 64 : index
      %get3A_607 = tpu.vector_load %arg7[%get3A_605, %get3A_606] {strides = array<i32>} : memref<2x128xi32, #tpu.memory_space<vmem>>, vector<16xi32>,
      %get3A_608 = arith.constant 1 : i32
      %get3A_609 = arith.index_cast %get3A_608 : i32 to index
      %get3A_610 = arith.constant 80 : index
      %get3A_611 = tpu.vector_load %arg7[%get3A_609, %get3A_610] {strides = array<i32>} : memref<2x128xi32, #tpu.memory_space<vmem>>, vector<16xi32>,
      %get3A_612 = arith.constant 1 : i32
      %get3A_613 = arith.index_cast %get3A_612 : i32 to index
      %get3A_614 = arith.constant 96 : index
      %get3A_615 = tpu.vector_load %arg7[%get3A_613, %get3A_614] {strides = array<i32>} : memref<2x128xi32, #tpu.memory_space<vmem>>, vector<16xi32>,
      %get3A_616 = arith.constant 1 : i32
      %get3A_617 = arith.index_cast %get3A_616 : i32 to index
      %get3A_618 = arith.constant 112 : index
      %get3A_619 = tpu.vector_load %arg7[%get3A_617, %get3A_618] {strides = array<i32>} : memref<2x128xi32, #tpu.memory_space<vmem>>, vector<16xi32>,
      %parallel_loop3A_620 = arith.constant 0 : i32
      %parallel_loop3A_621 = arith.constant 32 : i32
      %parallel_loop3A_622 = arith.constant 1 : i32
      scf.for %parallel_loop3A_681 = %parallel_loop3A_620 to %parallel_loop3A_621 step %parallel_loop3A_622  : i32 {
        %parallel_loop3A_682 = vector.broadcast %parallel_loop3A_681 : i32 to vector<16xi32>
        %parallel_loop3A_683 = arith.addi %get3A_591, %parallel_loop3A_682 : vector<16xi32>
        %parallel_loop3A_684 = arith.constant 1 : i32
        %parallel_loop3A_685 = arith.constant 0 : i32
        %parallel_loop3A_686 = arith.constant 0 : i32
        %parallel_loop3A_687 = tpu.memref_slice %arg8[%parallel_loop3A_684, %parallel_loop3A_685, %parallel_loop3A_686] : memref<2x128x128xf32, #tpu.memory_space<vmem>> -> memref<1x128x128xf32, #tpu.memory_space<vmem>>
        %parallel_loop3A_688 = tpu.memref_squeeze %parallel_loop3A_687 : memref<1x128x128xf32, #tpu.memory_space<vmem>> -> memref<128x128xf32, #tpu.memory_space<vmem>>
        %parallel_loop3A_689 = tpu.vector_load_idx %parallel_loop3A_688[%add3A_559, %parallel_loop3A_683] : memref<128x128xf32, #tpu.memory_space<vmem>>[vector<16xi32>, vector<16xi32>], vector<16xf32>,
        %parallel_loop3A_690 = arith.constant 1 : i32
        %parallel_loop3A_691 = arith.index_cast %parallel_loop3A_690 : i32 to index
        %parallel_loop3A_692 = arith.index_cast %parallel_loop3A_681 : i32 to index
        %parallel_loop3A_693 = arith.constant 0 : index
        %parallel_loop3A_694 = tpu.vector_load %arg9[%parallel_loop3A_691, %parallel_loop3A_692, %parallel_loop3A_693] {strides = array<i32>} : memref<2x32x128xf32, #tpu.memory_space<vmem>>, vector<16xf32>,
        tpu.vector_store %arg9[%parallel_loop3A_691, %parallel_loop3A_692, %parallel_loop3A_693], %parallel_loop3A_689 {strides = array<i32>} : memref<2x32x128xf32, #tpu.memory_space<vmem>>, vector<16xf32>,
        %parallel_loop3A_695 = vector.broadcast %parallel_loop3A_681 : i32 to vector<16xi32>
        %parallel_loop3A_696 = arith.addi %get3A_595, %parallel_loop3A_695 : vector<16xi32>
        %parallel_loop3A_697 = arith.constant 1 : i32
        %parallel_loop3A_698 = arith.constant 0 : i32
        %parallel_loop3A_699 = arith.constant 0 : i32
        %parallel_loop3A_700 = tpu.memref_slice %arg8[%parallel_loop3A_697, %parallel_loop3A_698, %parallel_loop3A_699] : memref<2x128x128xf32, #tpu.memory_space<vmem>> -> memref<1x128x128xf32, #tpu.memory_space<vmem>>
        %parallel_loop3A_701 = tpu.memref_squeeze %parallel_loop3A_700 : memref<1x128x128xf32, #tpu.memory_space<vmem>> -> memref<128x128xf32, #tpu.memory_space<vmem>>
        %parallel_loop3A_702 = tpu.vector_load_idx %parallel_loop3A_701[%add3A_563, %parallel_loop3A_696] : memref<128x128xf32, #tpu.memory_space<vmem>>[vector<16xi32>, vector<16xi32>], vector<16xf32>,
        %parallel_loop3A_703 = arith.constant 1 : i32
        %parallel_loop3A_704 = arith.index_cast %parallel_loop3A_703 : i32 to index
        %parallel_loop3A_705 = arith.index_cast %parallel_loop3A_681 : i32 to index
        %parallel_loop3A_706 = arith.constant 16 : index
        %parallel_loop3A_707 = tpu.vector_load %arg9[%parallel_loop3A_704, %parallel_loop3A_705, %parallel_loop3A_706] {strides = array<i32>} : memref<2x32x128xf32, #tpu.memory_space<vmem>>, vector<16xf32>,
        tpu.vector_store %arg9[%parallel_loop3A_704, %parallel_loop3A_705, %parallel_loop3A_706], %parallel_loop3A_702 {strides = array<i32>} : memref<2x32x128xf32, #tpu.memory_space<vmem>>, vector<16xf32>,
        %parallel_loop3A_708 = vector.broadcast %parallel_loop3A_681 : i32 to vector<16xi32>
        %parallel_loop3A_709 = arith.addi %get3A_599, %parallel_loop3A_708 : vector<16xi32>
        %parallel_loop3A_710 = arith.constant 1 : i32
        %parallel_loop3A_711 = arith.constant 0 : i32
        %parallel_loop3A_712 = arith.constant 0 : i32
        %parallel_loop3A_713 = tpu.memref_slice %arg8[%parallel_loop3A_710, %parallel_loop3A_711, %parallel_loop3A_712] : memref<2x128x128xf32, #tpu.memory_space<vmem>> -> memref<1x128x128xf32, #tpu.memory_space<vmem>>
        %parallel_loop3A_714 = tpu.memref_squeeze %parallel_loop3A_713 : memref<1x128x128xf32, #tpu.memory_space<vmem>> -> memref<128x128xf32, #tpu.memory_space<vmem>>
        %parallel_loop3A_715 = tpu.vector_load_idx %parallel_loop3A_714[%add3A_567, %parallel_loop3A_709] : memref<128x128xf32, #tpu.memory_space<vmem>>[vector<16xi32>, vector<16xi32>], vector<16xf32>,
        %parallel_loop3A_716 = arith.constant 1 : i32
        %parallel_loop3A_717 = arith.index_cast %parallel_loop3A_716 : i32 to index
        %parallel_loop3A_718 = arith.index_cast %parallel_loop3A_681 : i32 to index
        %parallel_loop3A_719 = arith.constant 32 : index
        %parallel_loop3A_720 = tpu.vector_load %arg9[%parallel_loop3A_717, %parallel_loop3A_718, %parallel_loop3A_719] {strides = array<i32>} : memref<2x32x128xf32, #tpu.memory_space<vmem>>, vector<16xf32>,
        tpu.vector_store %arg9[%parallel_loop3A_717, %parallel_loop3A_718, %parallel_loop3A_719], %parallel_loop3A_715 {strides = array<i32>} : memref<2x32x128xf32, #tpu.memory_space<vmem>>, vector<16xf32>,
        %parallel_loop3A_721 = vector.broadcast %parallel_loop3A_681 : i32 to vector<16xi32>
        %parallel_loop3A_722 = arith.addi %get3A_603, %parallel_loop3A_721 : vector<16xi32>
        %parallel_loop3A_723 = arith.constant 1 : i32
        %parallel_loop3A_724 = arith.constant 0 : i32
        %parallel_loop3A_725 = arith.constant 0 : i32
        %parallel_loop3A_726 = tpu.memref_slice %arg8[%parallel_loop3A_723, %parallel_loop3A_724, %parallel_loop3A_725] : memref<2x128x128xf32, #tpu.memory_space<vmem>> -> memref<1x128x128xf32, #tpu.memory_space<vmem>>
        %parallel_loop3A_727 = tpu.memref_squeeze %parallel_loop3A_726 : memref<1x128x128xf32, #tpu.memory_space<vmem>> -> memref<128x128xf32, #tpu.memory_space<vmem>>
        %parallel_loop3A_728 = tpu.vector_load_idx %parallel_loop3A_727[%add3A_571, %parallel_loop3A_722] : memref<128x128xf32, #tpu.memory_space<vmem>>[vector<16xi32>, vector<16xi32>], vector<16xf32>,
        %parallel_loop3A_729 = arith.constant 1 : i32
        %parallel_loop3A_730 = arith.index_cast %parallel_loop3A_729 : i32 to index
        %parallel_loop3A_731 = arith.index_cast %parallel_loop3A_681 : i32 to index
        %parallel_loop3A_732 = arith.constant 48 : index
        %parallel_loop3A_733 = tpu.vector_load %arg9[%parallel_loop3A_730, %parallel_loop3A_731, %parallel_loop3A_732] {strides = array<i32>} : memref<2x32x128xf32, #tpu.memory_space<vmem>>, vector<16xf32>,
        tpu.vector_store %arg9[%parallel_loop3A_730, %parallel_loop3A_731, %parallel_loop3A_732], %parallel_loop3A_728 {strides = array<i32>} : memref<2x32x128xf32, #tpu.memory_space<vmem>>, vector<16xf32>,
        %parallel_loop3A_734 = vector.broadcast %parallel_loop3A_681 : i32 to vector<16xi32>
        %parallel_loop3A_735 = arith.addi %get3A_607, %parallel_loop3A_734 : vector<16xi32>
        %parallel_loop3A_736 = arith.constant 1 : i32
        %parallel_loop3A_737 = arith.constant 0 : i32
        %parallel_loop3A_738 = arith.constant 0 : i32
        %parallel_loop3A_739 = tpu.memref_slice %arg8[%parallel_loop3A_736, %parallel_loop3A_737, %parallel_loop3A_738] : memref<2x128x128xf32, #tpu.memory_space<vmem>> -> memref<1x128x128xf32, #tpu.memory_space<vmem>>
        %parallel_loop3A_740 = tpu.memref_squeeze %parallel_loop3A_739 : memref<1x128x128xf32, #tpu.memory_space<vmem>> -> memref<128x128xf32, #tpu.memory_space<vmem>>
        %parallel_loop3A_741 = tpu.vector_load_idx %parallel_loop3A_740[%add3A_575, %parallel_loop3A_735] : memref<128x128xf32, #tpu.memory_space<vmem>>[vector<16xi32>, vector<16xi32>], vector<16xf32>,
        %parallel_loop3A_742 = arith.constant 1 : i32
        %parallel_loop3A_743 = arith.index_cast %parallel_loop3A_742 : i32 to index
        %parallel_loop3A_744 = arith.index_cast %parallel_loop3A_681 : i32 to index
        %parallel_loop3A_745 = arith.constant 64 : index
        %parallel_loop3A_746 = tpu.vector_load %arg9[%parallel_loop3A_743, %parallel_loop3A_744, %parallel_loop3A_745] {strides = array<i32>} : memref<2x32x128xf32, #tpu.memory_space<vmem>>, vector<16xf32>,
        tpu.vector_store %arg9[%parallel_loop3A_743, %parallel_loop3A_744, %parallel_loop3A_745], %parallel_loop3A_741 {strides = array<i32>} : memref<2x32x128xf32, #tpu.memory_space<vmem>>, vector<16xf32>,
        %parallel_loop3A_747 = vector.broadcast %parallel_loop3A_681 : i32 to vector<16xi32>
        %parallel_loop3A_748 = arith.addi %get3A_611, %parallel_loop3A_747 : vector<16xi32>
        %parallel_loop3A_749 = arith.constant 1 : i32
        %parallel_loop3A_750 = arith.constant 0 : i32
        %parallel_loop3A_751 = arith.constant 0 : i32
        %parallel_loop3A_752 = tpu.memref_slice %arg8[%parallel_loop3A_749, %parallel_loop3A_750, %parallel_loop3A_751] : memref<2x128x128xf32, #tpu.memory_space<vmem>> -> memref<1x128x128xf32, #tpu.memory_space<vmem>>
        %parallel_loop3A_753 = tpu.memref_squeeze %parallel_loop3A_752 : memref<1x128x128xf32, #tpu.memory_space<vmem>> -> memref<128x128xf32, #tpu.memory_space<vmem>>
        %parallel_loop3A_754 = tpu.vector_load_idx %parallel_loop3A_753[%add3A_579, %parallel_loop3A_748] : memref<128x128xf32, #tpu.memory_space<vmem>>[vector<16xi32>, vector<16xi32>], vector<16xf32>,
        %parallel_loop3A_755 = arith.constant 1 : i32
        %parallel_loop3A_756 = arith.index_cast %parallel_loop3A_755 : i32 to index
        %parallel_loop3A_757 = arith.index_cast %parallel_loop3A_681 : i32 to index
        %parallel_loop3A_758 = arith.constant 80 : index
        %parallel_loop3A_759 = tpu.vector_load %arg9[%parallel_loop3A_756, %parallel_loop3A_757, %parallel_loop3A_758] {strides = array<i32>} : memref<2x32x128xf32, #tpu.memory_space<vmem>>, vector<16xf32>,
        tpu.vector_store %arg9[%parallel_loop3A_756, %parallel_loop3A_757, %parallel_loop3A_758], %parallel_loop3A_754 {strides = array<i32>} : memref<2x32x128xf32, #tpu.memory_space<vmem>>, vector<16xf32>,
        %parallel_loop3A_760 = vector.broadcast %parallel_loop3A_681 : i32 to vector<16xi32>
        %parallel_loop3A_761 = arith.addi %get3A_615, %parallel_loop3A_760 : vector<16xi32>
        %parallel_loop3A_762 = arith.constant 1 : i32
        %parallel_loop3A_763 = arith.constant 0 : i32
        %parallel_loop3A_764 = arith.constant 0 : i32
        %parallel_loop3A_765 = tpu.memref_slice %arg8[%parallel_loop3A_762, %parallel_loop3A_763, %parallel_loop3A_764] : memref<2x128x128xf32, #tpu.memory_space<vmem>> -> memref<1x128x128xf32, #tpu.memory_space<vmem>>
        %parallel_loop3A_766 = tpu.memref_squeeze %parallel_loop3A_765 : memref<1x128x128xf32, #tpu.memory_space<vmem>> -> memref<128x128xf32, #tpu.memory_space<vmem>>
        %parallel_loop3A_767 = tpu.vector_load_idx %parallel_loop3A_766[%add3A_583, %parallel_loop3A_761] : memref<128x128xf32, #tpu.memory_space<vmem>>[vector<16xi32>, vector<16xi32>], vector<16xf32>,
        %parallel_loop3A_768 = arith.constant 1 : i32
        %parallel_loop3A_769 = arith.index_cast %parallel_loop3A_768 : i32 to index
        %parallel_loop3A_770 = arith.index_cast %parallel_loop3A_681 : i32 to index
        %parallel_loop3A_771 = arith.constant 96 : index
        %parallel_loop3A_772 = tpu.vector_load %arg9[%parallel_loop3A_769, %parallel_loop3A_770, %parallel_loop3A_771] {strides = array<i32>} : memref<2x32x128xf32, #tpu.memory_space<vmem>>, vector<16xf32>,
        tpu.vector_store %arg9[%parallel_loop3A_769, %parallel_loop3A_770, %parallel_loop3A_771], %parallel_loop3A_767 {strides = array<i32>} : memref<2x32x128xf32, #tpu.memory_space<vmem>>, vector<16xf32>,
        %parallel_loop3A_773 = vector.broadcast %parallel_loop3A_681 : i32 to vector<16xi32>
        %parallel_loop3A_774 = arith.addi %get3A_619, %parallel_loop3A_773 : vector<16xi32>
        %parallel_loop3A_775 = arith.constant 1 : i32
        %parallel_loop3A_776 = arith.constant 0 : i32
        %parallel_loop3A_777 = arith.constant 0 : i32
        %parallel_loop3A_778 = tpu.memref_slice %arg8[%parallel_loop3A_775, %parallel_loop3A_776, %parallel_loop3A_777] : memref<2x128x128xf32, #tpu.memory_space<vmem>> -> memref<1x128x128xf32, #tpu.memory_space<vmem>>
        %parallel_loop3A_779 = tpu.memref_squeeze %parallel_loop3A_778 : memref<1x128x128xf32, #tpu.memory_space<vmem>> -> memref<128x128xf32, #tpu.memory_space<vmem>>
        %parallel_loop3A_780 = tpu.vector_load_idx %parallel_loop3A_779[%add3A_587, %parallel_loop3A_774] : memref<128x128xf32, #tpu.memory_space<vmem>>[vector<16xi32>, vector<16xi32>], vector<16xf32>,
        %parallel_loop3A_781 = arith.constant 1 : i32
        %parallel_loop3A_782 = arith.index_cast %parallel_loop3A_781 : i32 to index
        %parallel_loop3A_783 = arith.index_cast %parallel_loop3A_681 : i32 to index
        %parallel_loop3A_784 = arith.constant 112 : index
        %parallel_loop3A_785 = tpu.vector_load %arg9[%parallel_loop3A_782, %parallel_loop3A_783, %parallel_loop3A_784] {strides = array<i32>} : memref<2x32x128xf32, #tpu.memory_space<vmem>>, vector<16xf32>,
        tpu.vector_store %arg9[%parallel_loop3A_782, %parallel_loop3A_783, %parallel_loop3A_784], %parallel_loop3A_780 {strides = array<i32>} : memref<2x32x128xf32, #tpu.memory_space<vmem>>, vector<16xf32>,
      } {sc.loop_unroll_factor = 8 : i64, sc.parallel_access}
      %add3A_623 = arith.addi %mul3A_2, %add3A_207 : i32
      %jit3A_624 = arith.constant 128 : i32
      %div3A_625 = arith.divsi %add3A_623, %jit3A_624 : i32
      %sign3A_626 = arith.constant 0 : i32
      %sign3A_627 = arith.cmpi sgt, %add3A_623, %sign3A_626 : i32
      %sign3A_628 = arith.extui %sign3A_627 : i1 to i32
      %sign3A_629 = arith.constant 0 : i32
      %sign3A_630 = arith.cmpi slt, %add3A_623, %sign3A_629 : i32
      %sign3A_631 = arith.extui %sign3A_630 : i1 to i32
      %sign3A_632 = arith.subi %sign3A_628, %sign3A_631 : i32
      %sign3A_633 = arith.constant 0 : i32
      %sign3A_634 = arith.cmpi sgt, %jit3A_624, %sign3A_633 : i32
      %sign3A_635 = arith.extui %sign3A_634 : i1 to i32
      %sign3A_636 = arith.constant 0 : i32
      %sign3A_637 = arith.cmpi slt, %jit3A_624, %sign3A_636 : i32
      %sign3A_638 = arith.extui %sign3A_637 : i1 to i32
      %sign3A_639 = arith.subi %sign3A_635, %sign3A_638 : i32
      %ne3A_640 = arith.cmpi ne, %sign3A_632, %sign3A_639 : i32
      %rem3A_641 = arith.remsi %add3A_623, %jit3A_624 : i32
      %ne3A_642 = arith.constant 0 : i32
      %ne3A_643 = arith.cmpi ne, %rem3A_641, %ne3A_642 : i32
      %and3A_644 = arith.andi %ne3A_640, %ne3A_643 : i1
      %sub3A_645 = arith.constant 1 : i32
      %sub3A_646 = arith.subi %div3A_625, %sub3A_645 : i32
      %select_n3A_647 = arith.select %and3A_644, %sub3A_646, %div3A_625 : i32
      %jit3A_648 = arith.constant 128 : i32
      %eq3A_649 = arith.constant 0 : i32
      %eq3A_650 = arith.cmpi eq, %jit3A_648, %eq3A_649 : i32
      %jit3A_651 = arith.constant 1 : i32
      %select_n3A_652 = arith.select %eq3A_650, %jit3A_651, %jit3A_648 : i32
      %rem3A_653 = arith.remsi %add3A_623, %select_n3A_652 : i32
      %ne3A_654 = arith.constant 0 : i32
      %ne3A_655 = arith.cmpi ne, %rem3A_653, %ne3A_654 : i32
      %lt3A_656 = arith.constant 0 : i32
      %lt3A_657 = arith.cmpi slt, %rem3A_653, %lt3A_656 : i32
      %lt3A_658 = arith.constant 0 : i32
      %lt3A_659 = arith.cmpi slt, %select_n3A_652, %lt3A_658 : i32
      %ne3A_660 = arith.xori %lt3A_657, %lt3A_659 : i1
      %and3A_661 = arith.andi %ne3A_660, %ne3A_655 : i1
      %add3A_662 = arith.addi %rem3A_653, %select_n3A_652 : i32
      %select_n3A_663 = arith.select %and3A_661, %add3A_662, %rem3A_653 : i32
      %mul3A_664 = arith.constant 128 : i32
      %mul3A_665 = arith.muli %select_n3A_663, %mul3A_664 : i32
      %dma_start3A_666 = arith.constant 1 : i32
      %dma_start3A_667 = arith.constant 0 : i32
      %dma_start3A_668 = arith.constant 0 : i32
      %dma_start3A_669 = tpu.memref_slice %arg9[%dma_start3A_666, %dma_start3A_667, %dma_start3A_668] : memref<2x32x128xf32, #tpu.memory_space<vmem>> -> memref<1x32x128xf32, #tpu.memory_space<vmem>>
      %dma_start3A_670 = tpu.memref_squeeze %dma_start3A_669 : memref<1x32x128xf32, #tpu.memory_space<vmem>> -> memref<32x128xf32, #tpu.memory_space<vmem>>
      %dma_start3A_671 = arith.constant 0 : i32
      %dma_start3A_672 = tpu.memref_slice %arg4[%select_n3A_647, %dma_start3A_671, %mul3A_665] : memref<26x32x16384xf32, #tpu.memory_space<hbm>> -> memref<1x32x128xf32, #tpu.memory_space<hbm>>
      %dma_start3A_673 = tpu.memref_squeeze %dma_start3A_672 : memref<1x32x128xf32, #tpu.memory_space<hbm>> -> memref<32x128xf32, #tpu.memory_space<hbm>>
      %dma_start3A_674 = arith.constant 0 : i32
      %dma_start3A_675 = tpu.memref_slice %arg4[%select_n3A_647, %dma_start3A_674, %mul3A_665] : memref<26x32x16384xf32, #tpu.memory_space<hbm>> -> memref<1x32x128xf32, #tpu.memory_space<hbm>>
      %dma_start3A_676 = tpu.memref_squeeze %dma_start3A_675 : memref<1x32x128xf32, #tpu.memory_space<hbm>> -> memref<32x128xf32, #tpu.memory_space<hbm>>
      %dma_start3A_677 = arith.constant 0 : i32
      %dma_start3A_678 = arith.constant 0 : i32
      %dma_start3A_679 = tpu.memref_slice %arg9[%dma_start3A_666, %dma_start3A_677, %dma_start3A_678] : memref<2x32x128xf32, #tpu.memory_space<vmem>> -> memref<1x32x128xf32, #tpu.memory_space<vmem>>
      %dma_start3A_680 = tpu.memref_squeeze %dma_start3A_679 : memref<1x32x128xf32, #tpu.memory_space<vmem>> -> memref<32x128xf32, #tpu.memory_space<vmem>>
      tpu.enqueue_dma source(%dma_start3A_680 : memref<32x128xf32, #tpu.memory_space<vmem>>) target(%dma_start3A_676 : memref<32x128xf32, #tpu.memory_space<hbm>>) target_semaphore(%arg13 : memref<!tpu.dma_semaphore, #tpu.memory_space<semaphore_mem>>)
    }
    %scan3A_167 = arith.constant 52 : i32
    %dma_wait3A = arith.constant 0 : i32
    %dma_wait3A_168 = arith.constant 0 : i32
    %dma_wait3A_169 = arith.constant 0 : i32
    %dma_wait3A_170 = arith.constant 0 : i32
    %dma_wait3A_171 = tpu.memref_slice %arg9[%dma_wait3A, %dma_wait3A_169, %dma_wait3A_170] : memref<2x32x128xf32, #tpu.memory_space<vmem>> -> memref<1x32x128xf32, #tpu.memory_space<vmem>>
    %dma_wait3A_172 = tpu.memref_squeeze %dma_wait3A_171 : memref<1x32x128xf32, #tpu.memory_space<vmem>> -> memref<32x128xf32, #tpu.memory_space<vmem>>
    %dma_wait3A_173 = arith.constant 0 : i32
    %dma_wait3A_174 = arith.constant 0 : i32
    %dma_wait3A_175 = tpu.memref_slice %arg4[%dma_wait3A_168, %dma_wait3A_173, %dma_wait3A_174] : memref<26x32x16384xf32, #tpu.memory_space<hbm>> -> memref<1x32x128xf32, #tpu.memory_space<hbm>>
    %dma_wait3A_176 = tpu.memref_squeeze %dma_wait3A_175 : memref<1x32x128xf32, #tpu.memory_space<hbm>> -> memref<32x128xf32, #tpu.memory_space<hbm>>
    %dma_wait3A_177 = arith.constant 0 : i32
    %dma_wait3A_178 = arith.constant 0 : i32
    %dma_wait3A_179 = tpu.memref_slice %arg4[%dma_wait3A_168, %dma_wait3A_177, %dma_wait3A_178] : memref<26x32x16384xf32, #tpu.memory_space<hbm>> -> memref<1x32x128xf32, #tpu.memory_space<hbm>>
    %dma_wait3A_180 = tpu.memref_squeeze %dma_wait3A_179 : memref<1x32x128xf32, #tpu.memory_space<hbm>> -> memref<32x128xf32, #tpu.memory_space<hbm>>
    %dma_wait3A_181 = arith.constant 0 : i32
    %dma_wait3A_182 = arith.constant 0 : i32
    %dma_wait3A_183 = tpu.memref_slice %arg9[%dma_wait3A, %dma_wait3A_181, %dma_wait3A_182] : memref<2x32x128xf32, #tpu.memory_space<vmem>> -> memref<1x32x128xf32, #tpu.memory_space<vmem>>
    %dma_wait3A_184 = tpu.memref_squeeze %dma_wait3A_183 : memref<1x32x128xf32, #tpu.memory_space<vmem>> -> memref<32x128xf32, #tpu.memory_space<vmem>>
    tpu.wait_dma2 semaphore(%arg12 : memref<!tpu.dma_semaphore, #tpu.memory_space<semaphore_mem>>) src(%dma_wait3A_184 : memref<32x128xf32, #tpu.memory_space<vmem>>) dst(%dma_wait3A_180 : memref<32x128xf32, #tpu.memory_space<hbm>>)
    %dma_wait3A_185 = arith.constant 1 : i32
    %dma_wait3A_186 = arith.constant 0 : i32
    %dma_wait3A_187 = arith.constant 0 : i32
    %dma_wait3A_188 = arith.constant 0 : i32
    %dma_wait3A_189 = tpu.memref_slice %arg9[%dma_wait3A_185, %dma_wait3A_187, %dma_wait3A_188] : memref<2x32x128xf32, #tpu.memory_space<vmem>> -> memref<1x32x128xf32, #tpu.memory_space<vmem>>
    %dma_wait3A_190 = tpu.memref_squeeze %dma_wait3A_189 : memref<1x32x128xf32, #tpu.memory_space<vmem>> -> memref<32x128xf32, #tpu.memory_space<vmem>>
    %dma_wait3A_191 = arith.constant 0 : i32
    %dma_wait3A_192 = arith.constant 0 : i32
    %dma_wait3A_193 = tpu.memref_slice %arg4[%dma_wait3A_186, %dma_wait3A_191, %dma_wait3A_192] : memref<26x32x16384xf32, #tpu.memory_space<hbm>> -> memref<1x32x128xf32, #tpu.memory_space<hbm>>
    %dma_wait3A_194 = tpu.memref_squeeze %dma_wait3A_193 : memref<1x32x128xf32, #tpu.memory_space<hbm>> -> memref<32x128xf32, #tpu.memory_space<hbm>>
    %dma_wait3A_195 = arith.constant 0 : i32
    %dma_wait3A_196 = arith.constant 0 : i32
    %dma_wait3A_197 = tpu.memref_slice %arg4[%dma_wait3A_186, %dma_wait3A_195, %dma_wait3A_196] : memref<26x32x16384xf32, #tpu.memory_space<hbm>> -> memref<1x32x128xf32, #tpu.memory_space<hbm>>
    %dma_wait3A_198 = tpu.memref_squeeze %dma_wait3A_197 : memref<1x32x128xf32, #tpu.memory_space<hbm>> -> memref<32x128xf32, #tpu.memory_space<hbm>>
    %dma_wait3A_199 = arith.constant 0 : i32
    %dma_wait3A_200 = arith.constant 0 : i32
    %dma_wait3A_201 = tpu.memref_slice %arg9[%dma_wait3A_185, %dma_wait3A_199, %dma_wait3A_200] : memref<2x32x128xf32, #tpu.memory_space<vmem>> -> memref<1x32x128xf32, #tpu.memory_space<vmem>>
    %dma_wait3A_202 = tpu.memref_squeeze %dma_wait3A_201 : memref<1x32x128xf32, #tpu.memory_space<vmem>> -> memref<32x128xf32, #tpu.memory_space<vmem>>
    tpu.wait_dma2 semaphore(%arg13 : memref<!tpu.dma_semaphore, #tpu.memory_space<semaphore_mem>>) src(%dma_wait3A_202 : memref<32x128xf32, #tpu.memory_space<vmem>>) dst(%dma_wait3A_198 : memref<32x128xf32, #tpu.memory_space<hbm>>)
    return
  }
}

</mosaic_0001>

<sc_bundles>
// kernel: kernel.4.cloned.1.call-start
scs
__scs_entry_jumppad:
0x0: {  	(pc) =	sbr.rel $0x88, $3  }
0x1: {  	(tag) =	ssettag $0x0;
	lr =	simm.s32 $0x1  }
0x2: {  	[smem:$0x3F9F] =	sst lr;
	_ =	strace $0xD0000000  }
0x3: {  	_ = 	snop  }
0x4: {  	_ = 	snop  }
0x5: {  	_ = 	snop  }
0x6: {  	_ = 	snop  }
0x7: {  	_ = 	snop  }
__scs_overlays_trampoline_lowered:
0x8: {  	[smem:$0x3FAE] =	sst s0  }
0x9: {  	[smem:$0x3FAF] =	sst s1  }
0xa: {  	[smem:$0x3FB0] =	sst s2  }
0xb: {  	[smem:$0x3FB1] =	sst s3  }
0xc: {  	[smem:$0x3FB2] =	sst s4  }
0xd: {  	[smem:$0x3FB3] =	sst s5  }
0xe: {  	[smem:$0x3FB4] =	sst s6  }
0xf: {  	[smem:$0x3FB5] =	sst s7  }
0x10: {  	[smem:$0x3FB6] =	sst s8  }
0x11: {  	[smem:$0x3FB7] =	sst s9;
	s0 =	simm.s32 @!p0 $0x0  }
0x12: {  	s1 =	sld [smem:$0x3F9D];
	s0 =	simm.s32 @p0 $0x1  }
0x13: {  	[smem:$0x3FB8] =	sst s0;
	s0 =	simm.s32 @!p1 $0x0  }
0x14: {  	s2 =	sld [smem:$0x3F9C];
	s0 =	simm.s32 @p1 $0x1  }
0x15: {  	[smem:$0x3FB9] =	sst s0;
	s0 =	simm.s32 @!p2 $0x0  }
0x16: {  	s3 =	sld [smem:$0x3FDB];
	s0 =	simm.s32 @p2 $0x1  }
0x17: {  	s4 =	simm.s32 $0x1BF5;
	[smem:$0x3FBB] =	sst s0  }
0x18: {  	s0 =	sld [smem:$0x3F9E];
	_ =	swait.ge [sflag:s4], $0x0  }
0x19: {  	s7 =	sld [smem:$0x3F9F]  }
0x1a: {  	s8 =	sadd.s32 $0xFFFFE003, lr  }
0x1b: {  	s9 =	sadd.s32 $0xFFFFFEF7, lr;
	s5 =	simm.s32 $0xFFFFFFFF;
	p2 =	slt.u32 s8, $0xFFFFF086  }
0x1c: {  	p1 =	slt.u32 s9, $0xF7A;
	s5 =	simm.s32 @!p2 $0x0  }
0x1d: {  	s5 =	simm.s32 @p1 $0x1;
	p0 =	seq.s32 s7, s2  }
0x1e: {  	s7 =	smul.u32 @!p0 $0xF7A, s2;
	p2 =	seq.s32 @!p0 s5, $0x0  }
0x1f: {  	s9 =	smul.u32 $0xF7A, s1;
	s8 =	simm.s32 @!p0 $0x1BF5;
	p2 =	por !p2, p0  }
0x20: {  	[sflag:s8] =	ssyncset.s32 @!p0 $0xFFFFF086;
	s6 =	sadd.s32 @!p0 s3, s7;
	s7 =	simm.s32 @!p0 $0x108  }
0x21: {  	s3 =	sadd.s32 s3, s9;
	s6 =	sadd.s32 @!p0 $0x88, s6;
	s7 =	simm.s32 @p2 $0x1082  }
0x22: {  	[simem:s7], [sflag:s8] =	dma.local @!p0 [hbm:s6], $0xF7A  }
0x23: {  	s9 =	sor.u32 $0xD0000000, s2;
	s6 =	simm.s32 $0x108;
	_ =	swait.ge @!p0 [sflag:s8], $0x0  }
0x24: {  	s3 =	sadd.s32 $0x88, s3;
	s6 =	simm.s32 @!p1 $0x1082;
	[sflag:s4] =	ssyncset.s32 $0xFFFFF086  }
0x25: {  	[simem:s6], [sflag:s4] =	dma.local [hbm:s3], $0xF7A  }
0x26: {  	[smem:$0x3F9F] =	sst s1;
	(tag) =	ssettag s2;
	_ =	strace s9  }
0x27: {  	s1 =	sld [smem:$0x3FAF]  }
0x28: {  	s2 =	sld [smem:$0x3FB0]  }
0x29: {  	s4 =	sld [smem:$0x3FB2]  }
0x2a: {  	p0 =	seq.s32 s5, $0x0;
	s5 =	sld [smem:$0x3FB3]  }
0x2b: {  	s6 =	sld [smem:$0x3FB4]  }
0x2c: {  	s7 =	sld [smem:$0x3FB5]  }
0x2d: {  	s3 =	simm.s32 $0x108;
	s8 =	sld [smem:$0x3FB6]  }
0x2e: {  	s3 =	simm.s32 @!p0 $0x1082;
	s9 =	sld [smem:$0x3FB7]  }
0x2f: {  	lr =	sadd.s32 s0, s3;
	s0 =	sld [smem:$0x3FAE]  }
0x30: {  	s3 =	sld [smem:$0x3FB1]  }
0x31: {  	[smem:$0x3FBA] =	sst s10  }
0x32: {  	s10 =	sld [smem:$0x3FB8];
	_ =	sdelay $0x3  }
0x33: {  	p0 =	seq.s32 s10, $0x1;
	s10 =	sld [smem:$0x3FBA];
	_ =	sdelay $0x3  }
0x34: {  	[smem:$0x3FBA] =	sst s10  }
0x35: {  	s10 =	sld [smem:$0x3FB9];
	_ =	sdelay $0x3  }
0x36: {  	p1 =	seq.s32 s10, $0x1;
	s10 =	sld [smem:$0x3FBA];
	_ =	sdelay $0x3  }
0x37: {  	[smem:$0x3FBA] =	sst s10  }
0x38: {  	s10 =	sld [smem:$0x3FBB]  }
0x39: {  	_ = 	snop;
	(pc) =	sbr.ind lr, $3  }
0x3a: {  	_ = 	snop  }
0x3b: {  	_ = 	snop  }
0x3c: {  	p2 =	seq.s32 s10, $0x1;
	s10 =	sld [smem:$0x3FBA]  }
0x3d: {  	_ =	shalt  }
0x3e: {  	_ =	shalt  }
0x3f: {  	_ =	shalt  }
0x40: {  	_ =	shalt  }
0x41: {  	_ =	shalt  }
0x42: {  	_ =	shalt  }
0x43: {  	_ =	shalt  }
0x44: {  	_ =	shalt  }
0x45: {  	_ =	shalt  }
0x46: {  	_ =	shalt  }
0x47: {  	_ =	shalt  }
0x48: {  	_ =	shalt  }
0x49: {  	_ =	shalt  }
0x4a: {  	_ =	shalt  }
0x4b: {  	_ =	shalt  }
0x4c: {  	_ =	shalt  }
0x4d: {  	_ =	shalt  }
0x4e: {  	_ =	shalt  }
0x4f: {  	_ =	shalt  }
0x50: {  	_ =	shalt  }
0x51: {  	_ =	shalt  }
0x52: {  	_ =	shalt  }
0x53: {  	_ =	shalt  }
0x54: {  	_ =	shalt  }
0x55: {  	_ =	shalt  }
0x56: {  	_ =	shalt  }
0x57: {  	_ =	shalt  }
0x58: {  	_ =	shalt  }
0x59: {  	_ =	shalt  }
0x5a: {  	_ =	shalt  }
0x5b: {  	_ =	shalt  }
0x5c: {  	_ =	shalt  }
0x5d: {  	_ =	shalt  }
0x5e: {  	_ =	shalt  }
0x5f: {  	_ =	shalt  }
0x60: {  	_ =	shalt  }
0x61: {  	_ =	shalt  }
0x62: {  	_ =	shalt  }
0x63: {  	_ =	shalt  }
0x64: {  	_ =	shalt  }
0x65: {  	_ =	shalt  }
0x66: {  	_ =	shalt  }
0x67: {  	_ =	shalt  }
0x68: {  	_ =	shalt  }
0x69: {  	_ =	shalt  }
0x6a: {  	_ =	shalt  }
0x6b: {  	_ =	shalt  }
0x6c: {  	_ =	shalt  }
0x6d: {  	_ =	shalt  }
0x6e: {  	_ =	shalt  }
0x6f: {  	_ =	shalt  }
0x70: {  	_ =	shalt  }
0x71: {  	_ =	shalt  }
0x72: {  	_ =	shalt  }
0x73: {  	_ =	shalt  }
0x74: {  	_ =	shalt  }
0x75: {  	_ =	shalt  }
0x76: {  	_ =	shalt  }
0x77: {  	_ =	shalt  }
0x78: {  	_ =	shalt  }
0x79: {  	_ =	shalt  }
0x7a: {  	_ =	shalt  }
0x7b: {  	_ =	shalt  }
0x7c: {  	_ =	shalt  }
0x7d: {  	_ =	shalt  }
0x7e: {  	_ =	shalt  }
0x7f: {  	_ =	shalt  }
0x80: {  	_ =	shalt  }
0x81: {  	_ =	shalt  }
0x82: {  	_ =	shalt  }
0x83: {  	_ =	shalt  }
0x84: {  	_ =	shalt  }
0x85: {  	_ =	shalt  }
0x86: {  	_ =	shalt  }
0x87: {  	_ =	shalt  }
.Lfunc_end0:
.L_simem_size_0:
called_computation_lowered:
.L_overlay_start_0:
0x88: {  	s2 =	sld [smem:$0x3FD9]  }
0x89: {  	s3 =	sld [smem:$0x3FFE];
	_ =	sdelay $0x1  }
0x8a: {  	s1 =	srdreg.scid  }
0x8b: {  	s0 =	sand.u32 $0x1, s1  }
0x8c: {  	s17 =	sshll.u32 s0, $0xA;
	s2 =	sadd.s32 s3, s2  }
0x8d: {  	s2 =	sadd.s32 s2, s17  }
0x8e: {  	[smem:$0x3FC6] =	sst s2  }
0x8f: {  	_ = 	snop  }
0x90: {  	s2 =	sld [smem:$0x3FC8]  }
0x91: {  	s18 =	sld [smem:$0x3FD0];
	(tm) =	ssettm $0x1  }
0x92: {  	s4 =	sld [smem:$0x3FFB];
	_ =	sdelay $0x3  }
0x93: {  	_ =	strace s4  }
0x94: {  	s4 =	sld [smem:$0x3FFC];
	_ =	sdelay $0x3  }
0x95: {  	_ =	strace s4  }
0x96: {  	s4 =	sld [smem:$0x3FFD];
	_ =	sdelay $0x3  }
0x97: {  	_ =	strace s4  }
0x98: {  	_ =	strace $0x8FFFFFFF  }
0x99: {  	s19 =	sld [smem:$0x3FDB];
	_ =	sdelay $0x1  }
0x9a: {  	s5 =	simm.s32 $_scs_section_size  }
0x9b: {  	s6 =	simm.s32 $_size__tile_overlayer_lowered;
	s7 =	simm.s32 $_tile_overlayer_lowered  }
0x9c: {  	s22 =	simm.s32 $0x1BFF;
	s21 =	sshll.u32 s7, $0x1;
	s4 =	sadd.s32 s5, s19  }
0x9d: {  	s8 =	simm.s32 $0x0;
	s20 =	sshll.u32 s6, $0x1;
	s6 =	sadd.s32 s21, s4  }
0x9e: {  	[timem:s8], [sflag:s22] =	dma.local [hbm:s6], s20  }
0x9f: {  	_ =	swait.ge [sflag:s22], s20  }
0xa0: {  	s5 =	ssub.s32 $0x0, s20;
	[sflag:s22] =	ssyncset.done $0x0  }
0xa1: {  	[sflag:s22] =	ssyncadd.s32 s5;
	_ =	sdelay $0x1  }
0xa2: {  	s23 =	simm.s32 $0x1B8B  }
0xa3: {  	_ =	swait.ge [sflag:s23], $0x1  }
0xa4: {  	[sflag:s23] =	ssyncset.done $0x0  }
0xa5: {  	s25 =	simm.s32 $0x1B8E;
	s24 =	sld [smem:$0x3FFE];
	[sflag:s23] =	ssyncadd.s32 $0xFFFFFFFF  }
0xa6: {  	s26 =	simm.s32 $execute0_lowered;
	[smem:$0x3FD2] =	sst s25  }
0xa7: {  	s6 =	sshll.u32 s26, $0x1;
	_ =	strace $0x80000046;
	[dreg:$0x1] =	wrdreg $0xFFFFFFFF  }
0xa8: {  	s28 =	simm.s32 $_size_execute0_lowered;
	s4 =	sadd.s32 s4, s6;
	[dreg:$0x0] =	wrdreg $0x0  }
0xa9: {  	s6 =	sshll.u32 s28, $0x1;
	[dreg:$0x2] =	wrdreg s4  }
0xaa: {  	[dreg:$0x3] =	wrdreg s6  }
0xab: {  	[dreg:$0x4] =	wrdreg $0xC0  }
0xac: {  	_ =	task [dreg:s8], $0x5FFFF  }
0xad: {  	[dreg:$0x1] =	wrdreg $0xFFFFFFFF  }
0xae: {  	[dreg:$0x0] =	wrdreg $0x60  }
0xaf: {  	[dreg:$0x2] =	wrdreg s2  }
0xb0: {  	[dreg:$0x3] =	wrdreg s18  }
0xb1: {  	[dreg:$0x4] =	wrdreg s24  }
0xb2: {  	[dreg:$0x5] =	wrdreg $0x9  }
0xb3: {  	_ =	task.clear_ibuf [dreg:s8], $0x6FFFF;
	_ =	strace $0x90000046  }
0xb4: {  	s29 =	simm.s32 $0x9;
	_ =	strace $0x80000048  }
0xb5: {  	_ =	swait.ge [sflag:s29], $0x1  }
0xb6: {  	[sflag:s29] =	ssyncadd.s32 $0xFFFFFFFF  }
0xb7: {  	_ =	strace $0x90000048  }
0xb8: {  	_ =	sfence  }
0xb9: {  	s30 =	sld [smem:$0x0];
	_ =	sdelay $0x2  }
0xba: {  	s31 =	sshll.u32 s1, $0xD;
	s1 =	sshrl.u32 s1, $0x2  }
0xbb: {  	s3 =	sand.u32 $0x4000, s31;
	s1 =	sadd.s32 s1, s30  }
0xbc: {  	s0 =	sor.u32 s3, s0;
	s1 =	sshll.u32 s1, $0x11  }
0xbd: {  	s0 =	sor.u32 s1, s0  }
0xbe: {  	s0 =	sadd.s32 $0x8F2B, s0  }
0xbf: {  	[sflag:s0] =	ssyncadd.remote.s32 $0x1  }
0xc0: {  	_ =	sfence.sel $0xFFFF  }
0xc1: {  	[dreg:$0x0] =	wrdreg $0xFFFFFFFF;
	(pc) =	sbr.abs _section_cstart, $3  }
0xc2: {  	[dreg:$0x1] =	wrdreg $0xFFFFFFFF  }
0xc3: {  	_ =	task.clear_ibuf [dreg:s8], $0x2FFFF;
	_ =	strace $0x9FFFFFFF  }
0xc4: {  	(tm) =	ssettm $0x7FFFFFFF  }
0xc5: {  	_ =	shalt  }
tec
execute0_lowered:
.L_overlay_start_1:
0x0: {  	(tag) =	ssettag $0x1  }
0x1: {  	v0 =	vimm.s32 $0xB80;
	vm14 =	vcmask $0x300  }
0x2: {  	v1 =	vimm.s32 $0x1B80;
	vm13 =	vcmask $0x704;
	vm12 =	vcmask $0xB08  }
0x3: {  	vm11 =	vcmask $0xF0C;
	vm10 =	vcmask $0x1310;
	vm9 =	vcmask $0x1714  }
0x4: {  	vm8 =	vcmask $0x1B18;
	vm7 =	vcmask $0x1F1C;
	vm6 =	vcmask $0x2320  }
0x5: {  	vm5 =	vcmask $0x2724;
	vm4 =	vcmask $0x2B28;
	vm3 =	vcmask $0x2F2C  }
0x6: {  	vm2 =	vcmask $0x3330;
	vm1 =	vcmask $0x3734;
	vm0 =	vcmask $0x3B38  }
0x7: {  	v2 =	vimm.s32 $0xB81;
	v3 =	vimm.s32 $0x1B81;
	v4 =	vimm.s32 $0xB82  }
0x8: {  	v5 =	vimm.s32 $0x1B82;
	v6 =	vimm.s32 $0xB83;
	v7 =	vimm.s32 $0x1B83  }
0x9: {  	v0 =	vsel vm14, $0x0, v0;
	v1 =	vsel vm14, $0x1000, v1;
	v2 =	vsel vm14, $0x1, v2  }
0xa: {  	v3 =	vsel vm14, $0x1001, v3;
	v4 =	vsel vm14, $0x2, v4;
	v5 =	vsel vm14, $0x1002, v5  }
0xb: {  	v6 =	vsel vm14, $0x3, v6;
	v7 =	vsel vm14, $0x1003, v7;
	v0 =	vsel vm13, $0x80, v0  }
0xc: {  	v1 =	vsel vm13, $0x1080, v1;
	v2 =	vsel vm13, $0x81, v2;
	v3 =	vsel vm13, $0x1081, v3  }
0xd: {  	v4 =	vsel vm13, $0x82, v4;
	v5 =	vsel vm13, $0x1082, v5;
	v6 =	vsel vm13, $0x83, v6  }
0xe: {  	v7 =	vsel vm13, $0x1083, v7;
	v0 =	vsel vm12, $0x100, v0;
	v1 =	vsel vm12, $0x1100, v1  }
0xf: {  	v2 =	vsel vm12, $0x101, v2;
	v3 =	vsel vm12, $0x1101, v3;
	v4 =	vsel vm12, $0x102, v4  }
0x10: {  	v5 =	vsel vm12, $0x1102, v5;
	v6 =	vsel vm12, $0x103, v6;
	v7 =	vsel vm12, $0x1103, v7  }
0x11: {  	v0 =	vsel vm11, $0x180, v0;
	v1 =	vsel vm11, $0x1180, v1;
	v2 =	vsel vm11, $0x181, v2  }
0x12: {  	v3 =	vsel vm11, $0x1181, v3;
	v4 =	vsel vm11, $0x182, v4;
	v5 =	vsel vm11, $0x1182, v5  }
0x13: {  	v6 =	vsel vm11, $0x183, v6;
	v7 =	vsel vm11, $0x1183, v7;
	v0 =	vsel vm10, $0x200, v0  }
0x14: {  	v1 =	vsel vm10, $0x1200, v1;
	v2 =	vsel vm10, $0x201, v2;
	v3 =	vsel vm10, $0x1201, v3  }
0x15: {  	v4 =	vsel vm10, $0x202, v4;
	v5 =	vsel vm10, $0x1202, v5;
	v6 =	vsel vm10, $0x203, v6  }
0x16: {  	v7 =	vsel vm10, $0x1203, v7;
	v0 =	vsel vm9, $0x280, v0;
	v1 =	vsel vm9, $0x1280, v1  }
0x17: {  	v2 =	vsel vm9, $0x281, v2;
	v3 =	vsel vm9, $0x1281, v3;
	v4 =	vsel vm9, $0x282, v4  }
0x18: {  	v5 =	vsel vm9, $0x1282, v5;
	v6 =	vsel vm9, $0x283, v6;
	v7 =	vsel vm9, $0x1283, v7  }
0x19: {  	v0 =	vsel vm8, $0x300, v0;
	v1 =	vsel vm8, $0x1300, v1;
	v2 =	vsel vm8, $0x301, v2  }
0x1a: {  	v3 =	vsel vm8, $0x1301, v3;
	v4 =	vsel vm8, $0x302, v4;
	v5 =	vsel vm8, $0x1302, v5  }
0x1b: {  	v6 =	vsel vm8, $0x303, v6;
	v7 =	vsel vm8, $0x1303, v7;
	v0 =	vsel vm7, $0x380, v0  }
0x1c: {  	v1 =	vsel vm7, $0x1380, v1;
	v2 =	vsel vm7, $0x381, v2;
	v3 =	vsel vm7, $0x1381, v3  }
0x1d: {  	v4 =	vsel vm7, $0x382, v4;
	v5 =	vsel vm7, $0x1382, v5;
	v6 =	vsel vm7, $0x383, v6  }
0x1e: {  	v7 =	vsel vm7, $0x1383, v7;
	v0 =	vsel vm6, $0x800, v0;
	v1 =	vsel vm6, $0x1800, v1  }
0x1f: {  	v2 =	vsel vm6, $0x801, v2;
	v3 =	vsel vm6, $0x1801, v3;
	v4 =	vsel vm6, $0x802, v4  }
0x20: {  	v5 =	vsel vm6, $0x1802, v5;
	v6 =	vsel vm6, $0x803, v6;
	v7 =	vsel vm6, $0x1803, v7  }
0x21: {  	v0 =	vsel vm5, $0x880, v0;
	v1 =	vsel vm5, $0x1880, v1;
	v2 =	vsel vm5, $0x881, v2  }
0x22: {  	v3 =	vsel vm5, $0x1881, v3;
	v4 =	vsel vm5, $0x882, v4;
	v5 =	vsel vm5, $0x1882, v5  }
0x23: {  	v6 =	vsel vm5, $0x883, v6;
	v7 =	vsel vm5, $0x1883, v7;
	v0 =	vsel vm4, $0x900, v0  }
0x24: {  	s0 =	rddreg [dreg:$0x0];
	v1 =	vsel vm4, $0x1900, v1;
	v2 =	vsel vm4, $0x901, v2;
	v3 =	vsel vm4, $0x1901, v3  }
0x25: {  	s1 =	rddreg [dreg:$0x2];
	v4 =	vsel vm4, $0x902, v4;
	v5 =	vsel vm4, $0x1902, v5;
	v6 =	vsel vm4, $0x903, v6  }
0x26: {  	s4 =	simm.s32 $0x0;
	s2 =	srdreg.scid;
	s3 =	stileid.u32;
	v7 =	vsel vm4, $0x1903, v7;
	v0 =	vsel vm3, $0x980, v0;
	v1 =	vsel vm3, $0x1980, v1  }
0x27: {  	s17 =	simm.s32 $0x1;
	s19 =	simm.s32 $0x2;
	[smem:$0x7FF] =	sst s4;
	v2 =	vsel vm3, $0x981, v2;
	v3 =	vsel vm3, $0x1981, v3;
	v4 =	vsel vm3, $0x982, v4  }
0x28: {  	s2 =	sand.u32 $0x1, s2;
	s3 =	sshll.u32 s3, $0x1;
	s6 =	sadd.s32 $0xA00, s1;
	v5 =	vsel vm3, $0x1982, v5;
	v6 =	vsel vm3, $0x983, v6;
	v7 =	vsel vm3, $0x1983, v7  }
0x29: {  	s1 =	sadd.s32 $0x3D1200, s1;
	s5 =	sor.u32 s2, s3;
	s2 =	ssub.s32 $0x2, s2;
	v0 =	vsel vm2, $0xA00, v0;
	v1 =	vsel vm2, $0x1A00, v1;
	v2 =	vsel vm2, $0xA01, v2  }
0x2a: {  	_ =	strace $0x80000047;
	s3 =	sshll.u32 s5, $0x7;
	s7 =	sshrl.u32 s2, $0x1;
	v3 =	vsel vm2, $0x1A01, v3;
	v4 =	vsel vm2, $0xA02, v4;
	v5 =	vsel vm2, $0x1A02, v5  }
0x2b: {  	[dreg:$0x5] =	wrdreg s1;
	s3 =	sadd.s32 s0, s3;
	s28 =	ssub.s32 s2, s7;
	v6 =	vsel vm2, $0xA03, v6;
	v7 =	vsel vm2, $0x1A03, v7;
	v0 =	vsel vm1, $0xA80, v0  }
.Ltmp0:
0x2c: {  	s29 =	sadd.s32 $0x1E8500, s3;
	[dreg:$0x4] =	wrdreg s3;
	v1 =	vsel vm1, $0x1A80, v1;
	v2 =	vsel vm1, $0xA81, v2;
	v3 =	vsel vm1, $0x1A81, v3;
	(pc) =	sbr.rel .LBB2_1-.Ltmp0, $4  }
0x2d: {  	s20 =	simm.s32 $0x2000;
	s1 =	smax.u32 s28, $0x1;
	[dreg:$0x6] =	wrdreg s29;
	v4 =	vsel vm1, $0xA82, v4;
	v5 =	vsel vm1, $0x1A82, v5;
	v6 =	vsel vm1, $0xA83, v6  }
0x2e: {  	s21 =	simm.s32 $0x5000;
	s30 =	sadd.s32 $0xF4280, s3;
	[dreg:$0x7] =	wrdreg s1;
	v7 =	vsel vm1, $0x1A83, v7;
	v0 =	vsel vm0, $0xB00, v0;
	v1 =	vsel vm0, $0x1B00, v1  }
0x2f: {  	s9 =	sor.u32 $0x40, s5;
	s31 =	sadd.s32 $0x2DC780, s3;
	[dreg:$0x8] =	wrdreg s30;
	v2 =	vsel vm0, $0xB01, v2;
	v3 =	vsel vm0, $0x1B01, v3;
	v4 =	vsel vm0, $0xB02, v4  }
0x30: {  	p0 =	sne.s32 s5, $0x0;
	s2 =	simm.s32 $0x0;
	[dreg:$0x9] =	wrdreg s31;
	v5 =	vsel vm0, $0x1B02, v5;
	v6 =	vsel vm0, $0xB03, v6;
	v7 =	vsel vm0, $0x1B03, v7  }
.LBB2_11:
0x31: {  	s1 =	simm.s32 $0x3  }
0x32: {  	_ =	swait.ge [sflag:s1], $0x1000  }
0x33: {  	[sflag:s1] =	ssyncset.done $0x0  }
0x34: {  	s29 =	simm.s32 $0x4;
	[sflag:s1] =	ssyncadd.s32 $0xFFFFF000  }
0x35: {  	_ =	swait.ge [sflag:s29], $0x1000  }
0x36: {  	[sflag:s29] =	ssyncset.done $0x0  }
0x37: {  	[sflag:s29] =	ssyncadd.s32 $0xFFFFF000  }
0x38: {  	s2 =	simm.s32 @!p0 $0x4000;
	s1 =	simm.s32 @!p0 $0x0;
	s3 =	rddreg [dreg:$0x1]  }
0x39: {  	[tilespmem:s2], [sflag:$0x5] =	stream.linear.gather @!p0 [hbm4b:s3+s1], $0x800, $0x38;
	[tilespmem:$0x6000] =	vst v63  }
0x3a: {  	s3 =	simm.s32 @!p0 $0x5  }
0x3b: {  	_ =	swait.ge @!p0 [sflag:s3], $0x800  }
0x3c: {  	[sflag:s3] =	ssyncset.done @!p0 $0x0  }
0x3d: {  	s7 =	rddreg [dreg:$0x5];
	[sflag:s3] =	ssyncadd.s32 @!p0 $0xFFFFF800  }
0x3e: {  	[hbm4b:s7+s1] =	stream.linear.scatter @!p0 [tilespmem:s2], [sflag:$0x5], $0x800, $0x38;
	[tilespmem:$0x6000] =	vst v63  }
0x3f: {  	_ =	swait.ge @!p0 [sflag:s3], $0x800  }
0x40: {  	s30 =	rddreg [dreg:$0xa]  }
0x41: {  	s31 =	rddreg [dreg:$0x7];
	s2 =	sadd.s32 $0x1, s30  }
0x42: {  	p1 =	sne.s32 s2, s31  }
.Ltmp1:
0x43: {  	_ = 	snop;
	(pc) =	sbr.rel @!p1 .LBB2_12-.Ltmp1, $3  }
0x44: {  	_ =	sdelay $0x1  }
0x45: {  	[sflag:s3] =	ssyncset.done @!p0 $0x0  }
0x46: {  	[sflag:s3] =	ssyncadd.s32 @!p0 $0xFFFFF800  }
.LBB2_1:
0x47: {  	s1 =	rddreg [dreg:$0x4]  }
0x48: {  	[tilespmem:s4], [sflag:$0x1] =	stream.linear.gather [hbm4b:s1+s4], $0x400, $0x38;
	[tilespmem:$0x6000] =	vst v63  }
0x49: {  	s25 =	rddreg [dreg:$0x8];
	s26 =	simm.s32 $0x800  }
0x4a: {  	[tilespmem:s26], [sflag:$0x1] =	stream.linear.gather [hbm4b:s25+s4], $0x400, $0x38;
	[tilespmem:$0x6000] =	vst v63  }
.Ltmp2:
0x4b: {  	[dreg:$0xa] =	wrdreg s2;
	(pc) =	sbr.rel .LBB2_2-.Ltmp2, $4  }
0x4c: {  	s28 =	rddreg [dreg:$0x6];
	s29 =	simm.s32 $0x1000  }
0x4d: {  	[tilespmem:s29], [sflag:$0x1] =	stream.linear.gather [hbm4b:s28+s4], $0x400, $0x38;
	[tilespmem:$0x6000] =	vst v63  }
0x4e: {  	s30 =	rddreg [dreg:$0x9];
	s31 =	simm.s32 $0x1800;
	s25 =	simm.s32 $0x0  }
0x4f: {  	[tilespmem:s31], [sflag:$0x1] =	stream.linear.gather [hbm4b:s30+s4], $0x400, $0x38;
	[tilespmem:$0x6000] =	vst v63  }
.LBB2_10:
0x50: {  	s25 =	sadd.s32 $0x1, s25  }
0x51: {  	p1 =	sne.s32 s25, $0x7B  }
.Ltmp3:
0x52: {  	_ = 	snop;
	(pc) =	sbr.rel @!p1 .LBB2_11-.Ltmp3, $1  }
0x53: {  	_ =	sdelay $0x3  }
.LBB2_2:
0x54: {  	s28 =	sshll.u32 s25, $0x6  }
0x55: {  	s29 =	sor.u32 s5, s28  }
0x56: {  	s26 =	sor.u32 $0x20, s29  }
0x57: {  	p1 =	sgt.u32 s26, $0x1E83  }
0x58: {  	s1 =	sshll.u32 @!p1 s26, $0x7  }
0x59: {  	s2 =	simm.s32 @!p1 $0x0;
	s3 =	simm.s32 @!p1 $0x2000;
	s1 =	sadd.s32 @!p1 s0, s1  }
0x5a: {  	[tilespmem:s3], [sflag:$0x2] =	stream.linear.gather @!p1 [hbm4b:s1+s2], $0x400, $0x38;
	[tilespmem:$0x6000] =	vst v63  }
0x5b: {  	p3 =	sgt.u32 s29, $0x1E83;
	s7 =	simm.s32 @!p1 $0x2800;
	s3 =	sadd.s32 @!p1 $0xF4280, s1  }
0x5c: {  	[tilespmem:s7], [sflag:$0x2] =	stream.linear.gather @!p1 [hbm4b:s3+s2], $0x400, $0x38;
	[tilespmem:$0x6000] =	vst v63  }
.Ltmp4:
0x5d: {  	_ = 	snop;
	(pc) =	sbr.rel @p3 .LBB2_6-.Ltmp4, $4  }
0x5e: {  	s3 =	sadd.s32 @!p1 $0x1E8500, s1;
	s7 =	simm.s32 @!p1 $0x3000  }
0x5f: {  	[tilespmem:s7], [sflag:$0x2] =	stream.linear.gather @!p1 [hbm4b:s3+s2], $0x400, $0x38;
	[tilespmem:$0x6000] =	vst v63  }
0x60: {  	p2 =	seq.s32 s25, $0x0;
	s1 =	sadd.s32 @!p1 $0x2DC780, s1;
	s3 =	simm.s32 @!p1 $0x3800  }
0x61: {  	[tilespmem:s3], [sflag:$0x2] =	stream.linear.gather @!p1 [hbm4b:s1+s2], $0x400, $0x38;
	[tilespmem:$0x6000] =	vst v63  }
0x62: {  	_ =	swait.ge [sflag:s17], $0x1000;
	s7 =	simm.s32 $0x14  }
0x63: {  	[sflag:s17] =	ssyncset.done $0x0;
	v8 =	vor.u32 s7, v0  }
0x64: {  	s1 =	simm.s32 @!p2 $0x3;
	[sflag:s17] =	ssyncadd.s32 $0xFFFFF000  }
0x65: {  	_ =	swait.ge @!p2 [sflag:s1], $0x1000  }
0x66: {  	s16 =	simm.s32 $0xC;
	[sflag:s1] =	ssyncset.done @!p2 $0x0  }
0x67: {  	s31 =	simm.s32 $0x0;
	v10 =	vor.u32 s16, v0;
	[sflag:s1] =	ssyncadd.s32 @!p2 $0xFFFFF000  }
0x68: {  	v11 =	vor.u32 s31, v0;
	v8 =	vld.idx.msk [tilespmem:v8+s4+$0x0], $0xffff  }
0x69: {  	s2 =	simm.s32 $0x18;
	v9 =	vor.u32 s7, v1  }
0x6a: {  	v12 =	vor.u32 s2, v0;
	_ =	sdelay $0x1  }
0x6b: {  	s30 =	simm.s32 $0x4200;
	s14 =	simm.s32 $0x1C;
	v10 =	vld.idx.msk [tilespmem:v10+s4+$0x0], $0xffff  }
0x6c: {  	v15 =	vor.u32 s14, v0;
	v11 =	vld.idx.msk [tilespmem:v11+s4+$0x0], $0xffff;
	[tilespmem:s30+$0x80] =	vst v8  }
0x6d: {  	v16 =	vor.u32 s31, v1;
	v9 =	vld.idx.msk [tilespmem:v9+s4+$0x0], $0xffff  }
0x6e: {  	v13 =	vor.u32 s7, v2;
	v12 =	vld.idx.msk [tilespmem:v12+s4+$0x0], $0xffff  }
0x6f: {  	v14 =	vor.u32 s16, v1  }
0x70: {  	s3 =	simm.s32 $0x8;
	v17 =	vor.u32 s2, v1;
	[tilespmem:s30+$0xFFFFFF80] =	vst v10  }
0x71: {  	s1 =	simm.s32 $0x4;
	v8 =	vor.u32 s3, v0;
	[tilespmem:s30+$0xFFFFFE00] =	vst v11;
	v11 =	vld.idx.msk [tilespmem:v15+s4+$0x0], $0xffff  }
0x72: {  	s15 =	simm.s32 $0x10;
	v16 =	vld.idx.msk [tilespmem:v16+s4+$0x0], $0xffff;
	[tilespmem:s30+$0x90] =	vst v9;
	v9 =	vor.u32 s1, v0  }
0x73: {  	[tilespmem:s30+$0x100] =	vst v12;
	v12 =	vor.u32 s15, v0;
	v10 =	vld.idx.msk [tilespmem:v13+s4+$0x0], $0xffff  }
0x74: {  	v18 =	vor.u32 s14, v1;
	v13 =	vld.idx.msk [tilespmem:v14+s4+$0x0], $0xffff  }
0x75: {  	v15 =	vor.u32 s16, v2;
	v17 =	vld.idx.msk [tilespmem:v17+s4+$0x0], $0xffff  }
0x76: {  	v8 =	vld.idx.msk [tilespmem:v8+s4+$0x0], $0xffff;
	v14 =	vor.u32 s7, v3  }
0x77: {  	v19 =	vor.u32 s31, v2;
	[tilespmem:s30+$0x180] =	vst v11;
	v9 =	vld.idx.msk [tilespmem:v9+s4+$0x0], $0xffff  }
0x78: {  	v12 =	vld.idx.msk [tilespmem:v12+s4+$0x0], $0xffff;
	[tilespmem:s30+$0xA0] =	vst v10;
	v10 =	vor.u32 s1, v1  }
0x79: {  	v18 =	vld.idx.msk [tilespmem:v18+s4+$0x0], $0xffff;
	[tilespmem:s30+$0xFFFFFF90] =	vst v13;
	v13 =	vor.u32 s3, v1  }
0x7a: {  	v20 =	vor.u32 s14, v2;
	[tilespmem:s30+$0xFFFFFE10] =	vst v16;
	v11 =	vld.idx.msk [tilespmem:v15+s4+$0x0], $0xffff  }
0x7b: {  	[tilespmem:s30+$0xFFFFFF00] =	vst v8;
	v14 =	vld.idx.msk [tilespmem:v14+s4+$0x0], $0xffff;
	v15 =	vor.u32 s16, v3  }
0x7c: {  	v16 =	vor.u32 s7, v4;
	[tilespmem:s30+$0xFFFFFE80] =	vst v9;
	v9 =	vld.idx.msk [tilespmem:v19+s4+$0x0], $0xffff  }
0x7d: {  	[tilespmem:s30+$0x0] =	vst v12;
	v19 =	vor.u32 s15, v1;
	v8 =	vld.idx.msk [tilespmem:v10+s4+$0x0], $0xffff  }
0x7e: {  	[tilespmem:s30+$0x190] =	vst v18;
	v10 =	vld.idx.msk [tilespmem:v13+s4+$0x0], $0xffff;
	v13 =	vor.u32 s31, v3  }
0x7f: {  	v12 =	vld.idx.msk [tilespmem:v20+s4+$0x0], $0xffff;
	[tilespmem:s30+$0xFFFFFFA0] =	vst v11;
	v11 =	vor.u32 s2, v2  }
0x80: {  	[tilespmem:s30+$0xB0] =	vst v14;
	v14 =	vld.idx.msk [tilespmem:v15+s4+$0x0], $0xffff;
	v15 =	vor.u32 s3, v2  }
0x81: {  	v18 =	vor.u32 s16, v4;
	v16 =	vld.idx.msk [tilespmem:v16+s4+$0x0], $0xffff  }
0x82: {  	v20 =	vor.u32 s7, v5;
	v19 =	vld.idx.msk [tilespmem:v19+s4+$0x0], $0xffff;
	[tilespmem:s30+$0xFFFFFE20] =	vst v9  }
0x83: {  	[tilespmem:s30+$0x110] =	vst v17;
	v17 =	vor.u32 s14, v3;
	v13 =	vld.idx.msk [tilespmem:v13+s4+$0x0], $0xffff  }
0x84: {  	v21 =	vor.u32 s15, v2;
	[tilespmem:s30+$0xFFFFFF10] =	vst v10;
	v11 =	vld.idx.msk [tilespmem:v11+s4+$0x0], $0xffff  }
0x85: {  	v10 =	vor.u32 s2, v3;
	v9 =	vld.idx.msk [tilespmem:v15+s4+$0x0], $0xffff;
	[tilespmem:s30+$0xFFFFFFB0] =	vst v14  }
0x86: {  	v14 =	vor.u32 s31, v4;
	[tilespmem:s30+$0xC0] =	vst v16;
	v15 =	vld.idx.msk [tilespmem:v18+s4+$0x0], $0xffff  }
0x87: {  	[tilespmem:s30+$0x1A0] =	vst v12;
	v18 =	vld.idx.msk [tilespmem:v20+s4+$0x0], $0xffff;
	v20 =	vor.u32 s16, v5  }
0x88: {  	v16 =	vor.u32 s1, v2;
	[tilespmem:s30+$0x10] =	vst v19;
	v19 =	vld.idx.msk [tilespmem:v17+s4+$0x0], $0xffff  }
0x89: {  	v22 =	vor.u32 s7, v6;
	v21 =	vld.idx.msk [tilespmem:v21+s4+$0x0], $0xffff;
	[tilespmem:s30+$0x120] =	vst v11  }
0x8a: {  	v23 =	vor.u32 s14, v4;
	[tilespmem:s30+$0xFFFFFE30] =	vst v13;
	v13 =	vld.idx.msk [tilespmem:v10+s4+$0x0], $0xffff  }
0x8b: {  	v11 =	vor.u32 s15, v3;
	v12 =	vld.idx.msk [tilespmem:v14+s4+$0x0], $0xffff;
	[tilespmem:s30+$0xFFFFFFC0] =	vst v15  }
0x8c: {  	[tilespmem:s30+$0xFFFFFE90] =	vst v8;
	v15 =	vld.idx.msk [tilespmem:v20+s4+$0x0], $0xffff;
	v20 =	vor.u32 s3, v3  }
0x8d: {  	v14 =	vld.idx.msk [tilespmem:v16+s4+$0x0], $0xffff;
	[tilespmem:s30+$0xD0] =	vst v18  }
0x8e: {  	v8 =	vor.u32 s7, v7;
	v17 =	vor.u32 s1, v3;
	v16 =	vld.idx.msk [tilespmem:v22+s4+$0x0], $0xffff;
	[tilespmem:s30+$0x1B0] =	vst v19  }
0x8f: {  	s8 =	simm.s32 $0x0;
	s10 =	simm.s32 $0x20;
	s11 =	simm.s32 $0x4600;
	v10 =	vor.u32 s15, v4;
	v18 =	vor.u32 s16, v6;
	[tilespmem:s30+$0x20] =	vst v21;
	v19 =	vld.idx.msk [tilespmem:v23+s4+$0x0], $0xffff  }
.LBB2_4:
0x90: {  	v21 =	vor.u32 s10, v0;
	s13 =	sadd.s32 $0x4, s10;
	s23 =	sadd.s32 $0x10, s10;
	s7 =	sadd.s32 $0x18, s10;
	[tilespmem:s30+$0xFFFFFF20] =	vst v9;
	v22 =	vld.idx.msk [tilespmem:v11+s4+$0x0], $0xffff;
	v23 =	vor.u32 s14, v5  }
0x91: {  	s22 =	sadd.s32 $0x8, s10;
	s12 =	sadd.s32 $0x14, s10;
	s24 =	sadd.s32 $0x1C, s10;
	v11 =	vor.u32 s13, v0;
	v9 =	vor.u32 s23, v0;
	v24 =	vor.u32 s7, v0;
	v20 =	vld.idx.msk [tilespmem:v20+s4+$0x0], $0xffff  }
0x92: {  	s18 =	sadd.s32 $0xC, s10;
	s8 =	sadd.s32 $0x8, s8;
	v25 =	vor.u32 s22, v0;
	v26 =	vor.u32 s12, v0;
	v27 =	vor.u32 s24, v0;
	[tilespmem:s30+$0xFFFFFEA0] =	vst v14  }
0x93: {  	v28 =	vor.u32 s12, v7;
	p3 =	slt.u32 s8, $0x18;
	v14 =	vor.u32 s18, v0;
	v17 =	vld.idx.msk [tilespmem:v17+s4+$0x0], $0xffff;
	[tilespmem:s30+$0xFFFFFFD0] =	vst v15  }
0x94: {  	v29 =	vor.u32 s3, v4;
	v18 =	vld.idx.msk [tilespmem:v18+s4+$0x0], $0xffff;
	[tilespmem:s30+$0xE0] =	vst v16  }
0x95: {  	v30 =	vor.u32 s1, v4;
	v31 =	vld.idx.msk [tilespmem:v8+s4+$0x0], $0xffff;
	[tilespmem:s30+$0x1C0] =	vst v19;
	v8 =	vmov v28  }
0x96: {  	v19 =	vld.idx.msk [tilespmem:v21+s4+$0x0], $0xffff;
	v21 =	vor.u32 s16, v7;
	[tilespmem:s30+$0x30] =	vst v22;
	s16 =	smov.u32 s18  }
0x97: {  	v22 =	vor.u32 s10, v1;
	[tilespmem:s30+$0xFFFFFF30] =	vst v20;
	v20 =	vld.idx.msk [tilespmem:v23+s4+$0x0], $0xffff  }
0x98: {  	v15 =	vor.u32 s13, v1;
	[tilespmem:s30+$0xFFFFFE40] =	vst v12;
	v10 =	vld.idx.msk [tilespmem:v10+s4+$0x0], $0xffff  }
0x99: {  	v16 =	vor.u32 s24, v1;
	[tilespmem:s30+$0xFFFFFEB0] =	vst v17;
	v23 =	vld.idx.msk [tilespmem:v29+s4+$0x0], $0xffff  }
0x9a: {  	v12 =	vor.u32 s23, v1;
	v28 =	vld.idx.msk [tilespmem:v30+s4+$0x0], $0xffff;
	[tilespmem:s30+$0xFFFFFFE0] =	vst v18;
	v18 =	vor.u32 s15, v5  }
0x9b: {  	v29 =	vor.u32 s12, v1;
	v21 =	vld.idx.msk [tilespmem:v21+s4+$0x0], $0xffff;
	[tilespmem:s30+$0xF0] =	vst v31  }
0x9c: {  	[tilespmem:s11+$0xFFFFFE00] =	vst v19;
	v19 =	vld.idx.msk [tilespmem:v26+s4+$0x0], $0xffff;
	v26 =	vor.u32 s3, v5  }
0x9d: {  	v17 =	vor.u32 s22, v1;
	v30 =	vor.u32 s2, v4;
	v25 =	vld.idx.msk [tilespmem:v25+s4+$0x0], $0xffff;
	[tilespmem:s30+$0x1D0] =	vst v20  }
0x9e: {  	v31 =	vor.u32 s14, v6;
	v20 =	vor.u32 s16, v1;
	v27 =	vld.idx.msk [tilespmem:v27+s4+$0x0], $0xffff;
	[tilespmem:s30+$0x40] =	vst v10  }
0x9f: {  	v32 =	vor.u32 s10, v2;
	v10 =	vor.u32 s13, v2;
	[tilespmem:s30+$0xFFFFFF40] =	vst v23;
	v23 =	vld.idx.msk [tilespmem:v18+s4+$0x0], $0xffff  }
0xa0: {  	v18 =	vor.u32 s24, v2;
	v33 =	vld.idx.msk [tilespmem:v14+s4+$0x0], $0xffff;
	[tilespmem:s30+$0xFFFFFEC0] =	vst v28  }
0xa1: {  	v14 =	vor.u32 s23, v2;
	v28 =	vor.u32 s31, v5;
	v26 =	vld.idx.msk [tilespmem:v26+s4+$0x0], $0xffff;
	[tilespmem:s30+$0x130] =	vst v13  }
0xa2: {  	v34 =	vor.u32 s1, v5;
	[tilespmem:s11+$0x80] =	vst v19;
	v19 =	vor.u32 s12, v2;
	v30 =	vld.idx.msk [tilespmem:v30+s4+$0x0], $0xffff  }
0xa3: {  	v35 =	vor.u32 s7, v1;
	[tilespmem:s30+$0xFFFFFFF0] =	vst v21;
	v21 =	vor.u32 s15, v6;
	v31 =	vld.idx.msk [tilespmem:v31+s4+$0x0], $0xffff  }
0xa4: {  	v13 =	vor.u32 s22, v2;
	v24 =	vld.idx.msk [tilespmem:v24+s4+$0x0], $0xffff;
	[tilespmem:s11+$0x180] =	vst v27;
	v27 =	vor.u32 s2, v5  }
0xa5: {  	v36 =	vor.u32 s16, v2;
	v29 =	vld.idx.msk [tilespmem:v29+s4+$0x0], $0xffff;
	[tilespmem:s30+$0x50] =	vst v23;
	v23 =	vor.u32 s14, v7;
	s14 =	smov.u32 s24  }
0xa6: {  	[tilespmem:s11+$0xFFFFFF00] =	vst v25;
	v25 =	vld.idx.msk [tilespmem:v28+s4+$0x0], $0xffff;
	v28 =	vor.u32 s3, v6  }
0xa7: {  	v34 =	vld.idx.msk [tilespmem:v34+s4+$0x0], $0xffff;
	[tilespmem:s30+$0xFFFFFF50] =	vst v26  }
0xa8: {  	v21 =	vld.idx.msk [tilespmem:v21+s4+$0x0], $0xffff;
	[tilespmem:s30+$0x140] =	vst v30  }
0xa9: {  	v26 =	vor.u32 s31, v6;
	v27 =	vld.idx.msk [tilespmem:v27+s4+$0x0], $0xffff;
	[tilespmem:s30+$0x1E0] =	vst v31  }
0xaa: {  	v30 =	vor.u32 s1, v6;
	[tilespmem:s11+$0xFFFFFF80] =	vst v33;
	v23 =	vld.idx.msk [tilespmem:v23+s4+$0x0], $0xffff  }
0xab: {  	[tilespmem:s11+$0x90] =	vst v29;
	v28 =	vld.idx.msk [tilespmem:v28+s4+$0x0], $0xffff  }
0xac: {  	v19 =	vld.idx.msk [tilespmem:v19+s4+$0x0], $0xffff;
	[tilespmem:s30+$0xFFFFFE50] =	vst v25;
	v25 =	vor.u32 s2, v6  }
0xad: {  	v29 =	vor.u32 s15, v7;
	s15 =	smov.u32 s23;
	v22 =	vld.idx.msk [tilespmem:v22+s4+$0x0], $0xffff;
	[tilespmem:s30+$0xFFFFFED0] =	vst v34  }
0xae: {  	v26 =	vld.idx.msk [tilespmem:v26+s4+$0x0], $0xffff;
	[tilespmem:s30+$0x60] =	vst v21  }
0xaf: {  	v21 =	vld.idx.msk [tilespmem:v30+s4+$0x0], $0xffff;
	v30 =	vor.u32 s3, v7;
	[tilespmem:s30+$0x150] =	vst v27;
	s3 =	smov.u32 s22  }
0xb0: {  	v27 =	vor.u32 s12, v3;
	v20 =	vld.idx.msk [tilespmem:v20+s4+$0x0], $0xffff;
	[tilespmem:s30+$0x1F0] =	vst v23  }
0xb1: {  	[tilespmem:s11+$0x100] =	vst v24;
	v23 =	vld.idx.msk [tilespmem:v25+s4+$0x0], $0xffff  }
0xb2: {  	[tilespmem:s11+$0xA0] =	vst v19;
	v19 =	vld.idx.msk [tilespmem:v29+s4+$0x0], $0xffff  }
0xb3: {  	v25 =	vor.u32 s2, v7;
	s2 =	smov.u32 s7;
	v24 =	vld.idx.msk [tilespmem:v35+s4+$0x0], $0xffff;
	[tilespmem:s30+$0xFFFFFF60] =	vst v28  }
0xb4: {  	v28 =	vor.u32 s1, v7;
	s1 =	smov.u32 s13;
	[tilespmem:s11+$0xFFFFFE10] =	vst v22;
	v22 =	vor.u32 s31, v7;
	v29 =	vld.idx.msk [tilespmem:v30+s4+$0x0], $0xffff;
	s31 =	smov.u32 s10  }
0xb5: {  	v27 =	vld.idx.msk [tilespmem:v27+s4+$0x0], $0xffff;
	[tilespmem:s30+$0xFFFFFEE0] =	vst v21  }
0xb6: {  	v11 =	vld.idx.msk [tilespmem:v11+s4+$0x0], $0xffff;
	[tilespmem:s11+$0xFFFFFF90] =	vst v20  }
0xb7: {  	v20 =	vld.idx.msk [tilespmem:v36+s4+$0x0], $0xffff;
	[tilespmem:s30+$0x160] =	vst v23  }
0xb8: {  	[tilespmem:s30+$0xFFFFFE60] =	vst v26;
	v21 =	vld.idx.msk [tilespmem:v25+s4+$0x0], $0xffff  }
0xb9: {  	v22 =	vld.idx.msk [tilespmem:v22+s4+$0x0], $0xffff;
	[tilespmem:s30+$0x70] =	vst v19  }
0xba: {  	v19 =	vld.idx.msk [tilespmem:v28+s4+$0x0], $0xffff;
	[tilespmem:s30+$0xFFFFFF70] =	vst v29  }
0xbb: {  	v23 =	vor.u32 s16, v3;
	[tilespmem:s11+$0xB0] =	vst v27;
	v16 =	vld.idx.msk [tilespmem:v16+s4+$0x0], $0xffff  }
0xbc: {  	[tilespmem:s11+$0xFFFFFE80] =	vst v11;
	v9 =	vld.idx.msk [tilespmem:v9+s4+$0x0], $0xffff;
	v11 =	vor.u32 s12, v4  }
0xbd: {  	v25 =	vld.idx.msk [tilespmem:v32+s4+$0x0], $0xffff;
	[tilespmem:s11+$0xFFFFFFA0] =	vst v20  }
0xbe: {  	v15 =	vld.idx.msk [tilespmem:v15+s4+$0x0], $0xffff;
	[tilespmem:s30+$0x170] =	vst v21  }
0xbf: {  	v20 =	vor.u32 s2, v2;
	v17 =	vld.idx.msk [tilespmem:v17+s4+$0x0], $0xffff;
	[tilespmem:s30+$0xFFFFFE70] =	vst v22  }
0xc0: {  	v21 =	vor.u32 s10, v3;
	v22 =	vld.idx.msk [tilespmem:v23+s4+$0x0], $0xffff;
	[tilespmem:s30+$0xFFFFFEF0] =	vst v19;
	s30 =	smov.u32 s11  }
0xc1: {  	v11 =	vld.idx.msk [tilespmem:v11+s4+$0x0], $0xffff;
	[tilespmem:s11+$0x190] =	vst v16  }
0xc2: {  	v16 =	vor.u32 s16, v4;
	[tilespmem:s11+$0x0] =	vst v9;
	v18 =	vld.idx.msk [tilespmem:v18+s4+$0x0], $0xffff  }
0xc3: {  	v19 =	vor.u32 s12, v5;
	v12 =	vld.idx.msk [tilespmem:v12+s4+$0x0], $0xffff;
	[tilespmem:s11+$0x110] =	vst v24  }
0xc4: {  	v23 =	vor.u32 s14, v3;
	[tilespmem:s11+$0xFFFFFE20] =	vst v25;
	v20 =	vld.idx.msk [tilespmem:v20+s4+$0x0], $0xffff  }
0xc5: {  	v21 =	vld.idx.msk [tilespmem:v21+s4+$0x0], $0xffff;
	[tilespmem:s11+$0xFFFFFF10] =	vst v17  }
0xc6: {  	v9 =	vld.idx.msk [tilespmem:v13+s4+$0x0], $0xffff;
	[tilespmem:s11+$0xFFFFFFB0] =	vst v22;
	v13 =	vor.u32 s2, v3  }
0xc7: {  	v17 =	vor.u32 s10, v4;
	v16 =	vld.idx.msk [tilespmem:v16+s4+$0x0], $0xffff;
	[tilespmem:s11+$0xC0] =	vst v11  }
0xc8: {  	v19 =	vld.idx.msk [tilespmem:v19+s4+$0x0], $0xffff;
	[tilespmem:s11+$0x1A0] =	vst v18  }
0xc9: {  	v18 =	vor.u32 s16, v5;
	[tilespmem:s11+$0x10] =	vst v12;
	v22 =	vld.idx.msk [tilespmem:v23+s4+$0x0], $0xffff  }
0xca: {  	v24 =	vor.u32 s12, v6;
	v23 =	vld.idx.msk [tilespmem:v14+s4+$0x0], $0xffff;
	[tilespmem:s11+$0x120] =	vst v20  }
0xcb: {  	[tilespmem:s11+$0xFFFFFE30] =	vst v21;
	v13 =	vld.idx.msk [tilespmem:v13+s4+$0x0], $0xffff;
	v21 =	vor.u32 s14, v4  }
.Ltmp5:
0xcc: {  	v11 =	vor.u32 s15, v3;
	v12 =	vld.idx.msk [tilespmem:v17+s4+$0x0], $0xffff;
	[tilespmem:s11+$0xFFFFFE90] =	vst v15;
	(pc) =	sbr.rel @p3 .LBB2_4-.Ltmp5, $4  }
0xcd: {  	v20 =	vor.u32 s3, v3;
	v14 =	vld.idx.msk [tilespmem:v10+s4+$0x0], $0xffff;
	[tilespmem:s11+$0xFFFFFFC0] =	vst v16  }
0xce: {  	v15 =	vld.idx.msk [tilespmem:v18+s4+$0x0], $0xffff;
	[tilespmem:s11+$0xD0] =	vst v19  }
0xcf: {  	v17 =	vor.u32 s1, v3;
	v16 =	vld.idx.msk [tilespmem:v24+s4+$0x0], $0xffff;
	[tilespmem:s11+$0x1B0] =	vst v22  }
0xd0: {  	s10 =	sadd.s32 $0x20, s10;
	v10 =	vor.u32 s15, v4;
	v18 =	vor.u32 s16, v6;
	s11 =	sadd.s32 $0x400, s11;
	[tilespmem:s30+$0x20] =	vst v23;
	v19 =	vld.idx.msk [tilespmem:v21+s4+$0x0], $0xffff  }
0xd1: {  	_ =	sdelay $0x1  }
0xd2: {  	[tilespmem:s30+$0xFFFFFF20] =	vst v9  }
0xd3: {  	[tilespmem:s30+$0xFFFFFE40] =	vst v12  }
0xd4: {  	v31 =	vld.idx.msk [tilespmem:v11+s4+$0x0], $0xffff;
	v35 =	vor.u32 s2, v4;
	[tilespmem:s30+$0x130] =	vst v13  }
0xd5: {  	v32 =	vld.idx.msk [tilespmem:v20+s4+$0x0], $0xffff;
	[tilespmem:s30+$0xFFFFFEA0] =	vst v14  }
0xd6: {  	v33 =	vor.u32 s3, v4;
	[tilespmem:s30+$0xFFFFFFD0] =	vst v15;
	v34 =	vld.idx.msk [tilespmem:v17+s4+$0x0], $0xffff  }
0xd7: {  	v36 =	vor.u32 s14, v5;
	[tilespmem:s30+$0xE0] =	vst v16;
	v18 =	vld.idx.msk [tilespmem:v18+s4+$0x0], $0xffff  }
0xd8: {  	v37 =	vor.u32 s1, v4;
	[tilespmem:s30+$0x1C0] =	vst v19;
	v8 =	vld.idx.msk [tilespmem:v8+s4+$0x0], $0xffff  }
0xd9: {  	v38 =	vor.u32 s16, v7;
	[tilespmem:s30+$0x30] =	vst v31;
	v42 =	vld.idx.msk [tilespmem:v35+s4+$0x0], $0xffff  }
0xda: {  	v44 =	vor.u32 s2, v5;
	[tilespmem:s30+$0xFFFFFF30] =	vst v32;
	v10 =	vld.idx.msk [tilespmem:v10+s4+$0x0], $0xffff  }
0xdb: {  	v40 =	vor.u32 s15, v5;
	v39 =	vld.idx.msk [tilespmem:v33+s4+$0x0], $0xffff;
	[tilespmem:s30+$0xFFFFFEB0] =	vst v34  }
0xdc: {  	v41 =	vor.u32 s3, v5;
	v43 =	vld.idx.msk [tilespmem:v36+s4+$0x0], $0xffff;
	[tilespmem:s30+$0xFFFFFFE0] =	vst v18  }
0xdd: {  	v9 =	vld.idx.msk [tilespmem:v37+s4+$0x0], $0xffff;
	[tilespmem:s30+$0xF0] =	vst v8;
	v8 =	vor.u32 s31, v5  }
0xde: {  	v45 =	vor.u32 s1, v5;
	v11 =	vld.idx.msk [tilespmem:v38+s4+$0x0], $0xffff;
	[tilespmem:s30+$0x140] =	vst v42  }
0xdf: {  	v46 =	vor.u32 s14, v6;
	[tilespmem:s30+$0x40] =	vst v10;
	v50 =	vld.idx.msk [tilespmem:v44+s4+$0x0], $0xffff  }
0xe0: {  	v51 =	vor.u32 s2, v6;
	[tilespmem:s30+$0xFFFFFF40] =	vst v39;
	v47 =	vld.idx.msk [tilespmem:v40+s4+$0x0], $0xffff  }
0xe1: {  	v48 =	vor.u32 s15, v6;
	[tilespmem:s30+$0x1D0] =	vst v43;
	v13 =	vld.idx.msk [tilespmem:v41+s4+$0x0], $0xffff  }
0xe2: {  	v49 =	vor.u32 s3, v6;
	[tilespmem:s30+$0xFFFFFEC0] =	vst v9;
	v8 =	vld.idx.msk [tilespmem:v8+s4+$0x0], $0xffff  }
0xe3: {  	v52 =	vor.u32 s31, v6;
	[tilespmem:s30+$0xFFFFFFF0] =	vst v11;
	v10 =	vld.idx.msk [tilespmem:v45+s4+$0x0], $0xffff  }
0xe4: {  	v54 =	vor.u32 s1, v6;
	v53 =	vld.idx.msk [tilespmem:v46+s4+$0x0], $0xffff;
	[tilespmem:s30+$0x150] =	vst v50  }
0xe5: {  	v55 =	vor.u32 s14, v7;
	[tilespmem:s30+$0x50] =	vst v47;
	v9 =	vld.idx.msk [tilespmem:v51+s4+$0x0], $0xffff  }
0xe6: {  	v60 =	vor.u32 s2, v7;
	[tilespmem:s30+$0xFFFFFF50] =	vst v13;
	v56 =	vld.idx.msk [tilespmem:v48+s4+$0x0], $0xffff  }
0xe7: {  	v58 =	vor.u32 s15, v7;
	v57 =	vld.idx.msk [tilespmem:v49+s4+$0x0], $0xffff;
	[tilespmem:s30+$0xFFFFFE50] =	vst v8  }
0xe8: {  	v8 =	vor.u32 s3, v7;
	[tilespmem:s30+$0xFFFFFED0] =	vst v10;
	v59 =	vld.idx.msk [tilespmem:v52+s4+$0x0], $0xffff  }
0xe9: {  	v61 =	vor.u32 s31, v7;
	[tilespmem:s30+$0x1E0] =	vst v53;
	v12 =	vld.idx.msk [tilespmem:v54+s4+$0x0], $0xffff  }
0xea: {  	v62 =	vor.u32 s1, v7;
	v17 =	vld.idx.msk [tilespmem:v55+s4+$0x0], $0xffff;
	[tilespmem:s30+$0x160] =	vst v9  }
0xeb: {  	[tilespmem:s30+$0x60] =	vst v56;
	v9 =	vld.idx.msk [tilespmem:v60+s4+$0x0], $0xffff  }
0xec: {  	v15 =	vld.idx.msk [tilespmem:v58+s4+$0x0], $0xffff;
	[tilespmem:s30+$0xFFFFFF60] =	vst v57  }
0xed: {  	v8 =	vld.idx.msk [tilespmem:v8+s4+$0x0], $0xffff;
	[tilespmem:s30+$0xFFFFFE60] =	vst v59  }
0xee: {  	[tilespmem:s30+$0xFFFFFEE0] =	vst v12;
	v10 =	vld.idx.msk [tilespmem:v61+s4+$0x0], $0xffff  }
0xef: {  	[tilespmem:s30+$0x1F0] =	vst v17;
	v63 =	vld.idx.msk [tilespmem:v62+s4+$0x0], $0xffff  }
0xf0: {  	[tilespmem:s30+$0x170] =	vst v9  }
0xf1: {  	[tilespmem:s30+$0x70] =	vst v15  }
0xf2: {  	[tilespmem:s30+$0xFFFFFF70] =	vst v8  }
0xf3: {  	s29 =	sshll.u32 s29, $0x9;
	[tilespmem:s30+$0xFFFFFE70] =	vst v10  }
0xf4: {  	s1 =	sadd.s32 s6, s29;
	s31 =	simm.s32 $0x4000;
	[tilespmem:s30+$0xFFFFFEF0] =	vst v63  }
0xf5: {  	[hbm4b:s1+s4] =	stream.linear.scatter [tilespmem:s31], [sflag:$0x3], $0x1000, $0x38;
	[tilespmem:$0x6000] =	vst v63  }
.LBB2_6:
0xf6: {  	s1 =	sadd.s32 s9, s28  }
0xf7: {  	p3 =	sgt.u32 s1, $0x1E83  }
0xf8: {  	s1 =	sshll.u32 @!p3 s1, $0x7  }
0xf9: {  	s2 =	simm.s32 @!p3 $0x0;
	s1 =	sadd.s32 @!p3 s0, s1  }
0xfa: {  	[tilespmem:s2], [sflag:$0x1] =	stream.linear.gather @!p3 [hbm4b:s1+s2], $0x400, $0x38;
	[tilespmem:$0x6000] =	vst v63  }
0xfb: {  	s7 =	simm.s32 @!p3 $0x800;
	s3 =	sadd.s32 @!p3 $0xF4280, s1  }
0xfc: {  	[tilespmem:s7], [sflag:$0x1] =	stream.linear.gather @!p3 [hbm4b:s3+s2], $0x400, $0x38;
	[tilespmem:$0x6000] =	vst v63  }
.Ltmp6:
0xfd: {  	_ = 	snop;
	(pc) =	sbr.rel @p1 .LBB2_10-.Ltmp6, $4  }
0xfe: {  	s3 =	sadd.s32 @!p3 $0x1E8500, s1;
	s7 =	simm.s32 @!p3 $0x1000  }
0xff: {  	[tilespmem:s7], [sflag:$0x1] =	stream.linear.gather @!p3 [hbm4b:s3+s2], $0x400, $0x38;
	[tilespmem:$0x6000] =	vst v63  }
0x100: {  	s1 =	sadd.s32 @!p3 $0x2DC780, s1;
	s3 =	simm.s32 @!p3 $0x1800  }
0x101: {  	[tilespmem:s3], [sflag:$0x1] =	stream.linear.gather @!p3 [hbm4b:s1+s2], $0x400, $0x38;
	[tilespmem:$0x6000] =	vst v63  }
0x102: {  	_ =	swait.ge [sflag:s19], $0x1000;
	s7 =	simm.s32 $0x14  }
0x103: {  	[sflag:s19] =	ssyncset.done $0x0;
	v8 =	vor.u32 s7, v0  }
0x104: {  	s1 =	simm.s32 @!p2 $0x4;
	[sflag:s19] =	ssyncadd.s32 $0xFFFFF000  }
0x105: {  	_ =	swait.ge @!p2 [sflag:s1], $0x1000  }
0x106: {  	s16 =	simm.s32 $0xC;
	[sflag:s1] =	ssyncset.done @!p2 $0x0  }
0x107: {  	s29 =	simm.s32 $0x0;
	v10 =	vor.u32 s16, v0;
	[sflag:s1] =	ssyncadd.s32 @!p2 $0xFFFFF000  }
0x108: {  	v11 =	vor.u32 s29, v0;
	v8 =	vld.idx.msk [tilespmem:v8+s20+$0x0], $0xffff  }
0x109: {  	s2 =	simm.s32 $0x18;
	v9 =	vor.u32 s7, v1  }
0x10a: {  	v12 =	vor.u32 s2, v0;
	_ =	sdelay $0x1  }
0x10b: {  	s28 =	simm.s32 $0x53F0;
	s14 =	simm.s32 $0x1C;
	v10 =	vld.idx.msk [tilespmem:v10+s20+$0x0], $0xffff  }
0x10c: {  	v15 =	vor.u32 s14, v0;
	v11 =	vld.idx.msk [tilespmem:v11+s20+$0x0], $0xffff;
	[tilespmem:s28+$0xFFFFFE90] =	vst v8  }
0x10d: {  	v16 =	vor.u32 s29, v1;
	v9 =	vld.idx.msk [tilespmem:v9+s20+$0x0], $0xffff  }
0x10e: {  	v13 =	vor.u32 s7, v2;
	v12 =	vld.idx.msk [tilespmem:v12+s20+$0x0], $0xffff  }
0x10f: {  	v14 =	vor.u32 s16, v1  }
0x110: {  	s3 =	simm.s32 $0x8;
	v17 =	vor.u32 s2, v1;
	[tilespmem:s28+$0xFFFFFD90] =	vst v10  }
0x111: {  	s1 =	simm.s32 $0x4;
	v8 =	vor.u32 s3, v0;
	[tilespmem:s28+$0xFFFFFC10] =	vst v11;
	v11 =	vld.idx.msk [tilespmem:v15+s20+$0x0], $0xffff  }
0x112: {  	s15 =	simm.s32 $0x10;
	v16 =	vld.idx.msk [tilespmem:v16+s20+$0x0], $0xffff;
	[tilespmem:s28+$0xFFFFFEA0] =	vst v9;
	v9 =	vor.u32 s1, v0  }
0x113: {  	[tilespmem:s28+$0xFFFFFF10] =	vst v12;
	v12 =	vor.u32 s15, v0;
	v10 =	vld.idx.msk [tilespmem:v13+s20+$0x0], $0xffff  }
0x114: {  	v18 =	vor.u32 s14, v1;
	v13 =	vld.idx.msk [tilespmem:v14+s20+$0x0], $0xffff  }
0x115: {  	v15 =	vor.u32 s16, v2;
	v17 =	vld.idx.msk [tilespmem:v17+s20+$0x0], $0xffff  }
0x116: {  	v8 =	vld.idx.msk [tilespmem:v8+s20+$0x0], $0xffff;
	v14 =	vor.u32 s7, v3  }
0x117: {  	v19 =	vor.u32 s29, v2;
	[tilespmem:s28+$0xFFFFFF90] =	vst v11;
	v9 =	vld.idx.msk [tilespmem:v9+s20+$0x0], $0xffff  }
0x118: {  	v12 =	vld.idx.msk [tilespmem:v12+s20+$0x0], $0xffff;
	[tilespmem:s28+$0xFFFFFEB0] =	vst v10;
	v10 =	vor.u32 s1, v1  }
0x119: {  	v18 =	vld.idx.msk [tilespmem:v18+s20+$0x0], $0xffff;
	[tilespmem:s28+$0xFFFFFDA0] =	vst v13;
	v13 =	vor.u32 s3, v1  }
0x11a: {  	v20 =	vor.u32 s14, v2;
	[tilespmem:s28+$0xFFFFFC20] =	vst v16;
	v11 =	vld.idx.msk [tilespmem:v15+s20+$0x0], $0xffff  }
0x11b: {  	[tilespmem:s28+$0xFFFFFD10] =	vst v8;
	v14 =	vld.idx.msk [tilespmem:v14+s20+$0x0], $0xffff;
	v15 =	vor.u32 s16, v3  }
0x11c: {  	v16 =	vor.u32 s7, v4;
	[tilespmem:s28+$0xFFFFFC90] =	vst v9;
	v9 =	vld.idx.msk [tilespmem:v19+s20+$0x0], $0xffff  }
0x11d: {  	[tilespmem:s28+$0xFFFFFE10] =	vst v12;
	v19 =	vor.u32 s15, v1;
	v8 =	vld.idx.msk [tilespmem:v10+s20+$0x0], $0xffff  }
0x11e: {  	[tilespmem:s28+$0xFFFFFFA0] =	vst v18;
	v10 =	vld.idx.msk [tilespmem:v13+s20+$0x0], $0xffff;
	v13 =	vor.u32 s29, v3  }
0x11f: {  	v12 =	vld.idx.msk [tilespmem:v20+s20+$0x0], $0xffff;
	[tilespmem:s28+$0xFFFFFDB0] =	vst v11;
	v11 =	vor.u32 s2, v2  }
0x120: {  	[tilespmem:s28+$0xFFFFFEC0] =	vst v14;
	v14 =	vld.idx.msk [tilespmem:v15+s20+$0x0], $0xffff;
	v15 =	vor.u32 s3, v2  }
0x121: {  	v18 =	vor.u32 s16, v4;
	v16 =	vld.idx.msk [tilespmem:v16+s20+$0x0], $0xffff  }
0x122: {  	v20 =	vor.u32 s7, v5;
	v19 =	vld.idx.msk [tilespmem:v19+s20+$0x0], $0xffff;
	[tilespmem:s28+$0xFFFFFC30] =	vst v9  }
0x123: {  	[tilespmem:s28+$0xFFFFFF20] =	vst v17;
	v17 =	vor.u32 s14, v3;
	v13 =	vld.idx.msk [tilespmem:v13+s20+$0x0], $0xffff  }
0x124: {  	v21 =	vor.u32 s15, v2;
	[tilespmem:s28+$0xFFFFFD20] =	vst v10;
	v11 =	vld.idx.msk [tilespmem:v11+s20+$0x0], $0xffff  }
0x125: {  	v10 =	vor.u32 s2, v3;
	v9 =	vld.idx.msk [tilespmem:v15+s20+$0x0], $0xffff;
	[tilespmem:s28+$0xFFFFFDC0] =	vst v14  }
0x126: {  	v14 =	vor.u32 s29, v4;
	[tilespmem:s28+$0xFFFFFED0] =	vst v16;
	v15 =	vld.idx.msk [tilespmem:v18+s20+$0x0], $0xffff  }
0x127: {  	[tilespmem:s28+$0xFFFFFFB0] =	vst v12;
	v18 =	vld.idx.msk [tilespmem:v20+s20+$0x0], $0xffff;
	v20 =	vor.u32 s16, v5  }
0x128: {  	v16 =	vor.u32 s1, v2;
	[tilespmem:s28+$0xFFFFFE20] =	vst v19;
	v19 =	vld.idx.msk [tilespmem:v17+s20+$0x0], $0xffff  }
0x129: {  	v22 =	vor.u32 s7, v6;
	v21 =	vld.idx.msk [tilespmem:v21+s20+$0x0], $0xffff;
	[tilespmem:s28+$0xFFFFFF30] =	vst v11  }
0x12a: {  	v23 =	vor.u32 s14, v4;
	[tilespmem:s28+$0xFFFFFC40] =	vst v13;
	v13 =	vld.idx.msk [tilespmem:v10+s20+$0x0], $0xffff  }
0x12b: {  	v11 =	vor.u32 s15, v3;
	v12 =	vld.idx.msk [tilespmem:v14+s20+$0x0], $0xffff;
	[tilespmem:s28+$0xFFFFFDD0] =	vst v15  }
0x12c: {  	[tilespmem:s28+$0xFFFFFCA0] =	vst v8;
	v15 =	vld.idx.msk [tilespmem:v20+s20+$0x0], $0xffff;
	v20 =	vor.u32 s3, v3  }
0x12d: {  	v14 =	vld.idx.msk [tilespmem:v16+s20+$0x0], $0xffff;
	[tilespmem:s28+$0xFFFFFEE0] =	vst v18  }
0x12e: {  	v8 =	vor.u32 s7, v7;
	v17 =	vor.u32 s1, v3;
	v16 =	vld.idx.msk [tilespmem:v22+s20+$0x0], $0xffff;
	[tilespmem:s28+$0xFFFFFFC0] =	vst v19  }
0x12f: {  	s8 =	simm.s32 $0x0;
	s10 =	simm.s32 $0x20;
	s11 =	simm.s32 $0x57F0;
	v10 =	vor.u32 s15, v4;
	v18 =	vor.u32 s16, v6;
	[tilespmem:s28+$0xFFFFFE30] =	vst v21;
	v19 =	vld.idx.msk [tilespmem:v23+s20+$0x0], $0xffff  }
.LBB2_8:
0x130: {  	v21 =	vor.u32 s10, v0;
	s13 =	sadd.s32 $0x4, s10;
	s23 =	sadd.s32 $0x10, s10;
	s7 =	sadd.s32 $0x18, s10;
	[tilespmem:s28+$0xFFFFFD30] =	vst v9;
	v22 =	vld.idx.msk [tilespmem:v11+s20+$0x0], $0xffff;
	v23 =	vor.u32 s14, v5  }
0x131: {  	s22 =	sadd.s32 $0x8, s10;
	s12 =	sadd.s32 $0x14, s10;
	s24 =	sadd.s32 $0x1C, s10;
	v11 =	vor.u32 s13, v0;
	v9 =	vor.u32 s23, v0;
	v24 =	vor.u32 s7, v0;
	v20 =	vld.idx.msk [tilespmem:v20+s20+$0x0], $0xffff  }
0x132: {  	s18 =	sadd.s32 $0xC, s10;
	s8 =	sadd.s32 $0x8, s8;
	v25 =	vor.u32 s22, v0;
	v26 =	vor.u32 s12, v0;
	v27 =	vor.u32 s24, v0;
	[tilespmem:s28+$0xFFFFFCB0] =	vst v14  }
0x133: {  	v28 =	vor.u32 s12, v7;
	p1 =	slt.u32 s8, $0x18;
	v14 =	vor.u32 s18, v0;
	v17 =	vld.idx.msk [tilespmem:v17+s20+$0x0], $0xffff;
	[tilespmem:s28+$0xFFFFFDE0] =	vst v15  }
0x134: {  	v29 =	vor.u32 s3, v4;
	v18 =	vld.idx.msk [tilespmem:v18+s20+$0x0], $0xffff;
	[tilespmem:s28+$0xFFFFFEF0] =	vst v16  }
0x135: {  	v30 =	vor.u32 s1, v4;
	v31 =	vld.idx.msk [tilespmem:v8+s20+$0x0], $0xffff;
	[tilespmem:s28+$0xFFFFFFD0] =	vst v19;
	v8 =	vmov v28  }
0x136: {  	v19 =	vld.idx.msk [tilespmem:v21+s20+$0x0], $0xffff;
	v21 =	vor.u32 s16, v7;
	[tilespmem:s28+$0xFFFFFE40] =	vst v22;
	s16 =	smov.u32 s18  }
0x137: {  	v22 =	vor.u32 s10, v1;
	[tilespmem:s28+$0xFFFFFD40] =	vst v20;
	v20 =	vld.idx.msk [tilespmem:v23+s20+$0x0], $0xffff  }
0x138: {  	v15 =	vor.u32 s13, v1;
	[tilespmem:s28+$0xFFFFFC50] =	vst v12;
	v10 =	vld.idx.msk [tilespmem:v10+s20+$0x0], $0xffff  }
0x139: {  	v16 =	vor.u32 s24, v1;
	[tilespmem:s28+$0xFFFFFCC0] =	vst v17;
	v23 =	vld.idx.msk [tilespmem:v29+s20+$0x0], $0xffff  }
0x13a: {  	v12 =	vor.u32 s23, v1;
	v28 =	vld.idx.msk [tilespmem:v30+s20+$0x0], $0xffff;
	[tilespmem:s28+$0xFFFFFDF0] =	vst v18;
	v18 =	vor.u32 s15, v5  }
0x13b: {  	v29 =	vor.u32 s12, v1;
	v21 =	vld.idx.msk [tilespmem:v21+s20+$0x0], $0xffff;
	[tilespmem:s28+$0xFFFFFF00] =	vst v31  }
0x13c: {  	[tilespmem:s11+$0xFFFFFC10] =	vst v19;
	v19 =	vld.idx.msk [tilespmem:v26+s20+$0x0], $0xffff;
	v26 =	vor.u32 s3, v5  }
0x13d: {  	v17 =	vor.u32 s22, v1;
	v30 =	vor.u32 s2, v4;
	v25 =	vld.idx.msk [tilespmem:v25+s20+$0x0], $0xffff;
	[tilespmem:s28+$0xFFFFFFE0] =	vst v20  }
0x13e: {  	v31 =	vor.u32 s14, v6;
	v20 =	vor.u32 s16, v1;
	v27 =	vld.idx.msk [tilespmem:v27+s20+$0x0], $0xffff;
	[tilespmem:s28+$0xFFFFFE50] =	vst v10  }
0x13f: {  	v32 =	vor.u32 s10, v2;
	v10 =	vor.u32 s13, v2;
	[tilespmem:s28+$0xFFFFFD50] =	vst v23;
	v23 =	vld.idx.msk [tilespmem:v18+s20+$0x0], $0xffff  }
0x140: {  	v18 =	vor.u32 s24, v2;
	v33 =	vld.idx.msk [tilespmem:v14+s20+$0x0], $0xffff;
	[tilespmem:s28+$0xFFFFFCD0] =	vst v28  }
0x141: {  	v14 =	vor.u32 s23, v2;
	v28 =	vor.u32 s29, v5;
	v26 =	vld.idx.msk [tilespmem:v26+s20+$0x0], $0xffff;
	[tilespmem:s28+$0xFFFFFF40] =	vst v13  }
0x142: {  	v34 =	vor.u32 s1, v5;
	[tilespmem:s11+$0xFFFFFE90] =	vst v19;
	v19 =	vor.u32 s12, v2;
	v30 =	vld.idx.msk [tilespmem:v30+s20+$0x0], $0xffff  }
0x143: {  	v35 =	vor.u32 s7, v1;
	[tilespmem:s28+$0xFFFFFE00] =	vst v21;
	v21 =	vor.u32 s15, v6;
	v31 =	vld.idx.msk [tilespmem:v31+s20+$0x0], $0xffff  }
0x144: {  	v13 =	vor.u32 s22, v2;
	v24 =	vld.idx.msk [tilespmem:v24+s20+$0x0], $0xffff;
	[tilespmem:s11+$0xFFFFFF90] =	vst v27;
	v27 =	vor.u32 s2, v5  }
0x145: {  	v36 =	vor.u32 s16, v2;
	v29 =	vld.idx.msk [tilespmem:v29+s20+$0x0], $0xffff;
	[tilespmem:s28+$0xFFFFFE60] =	vst v23;
	v23 =	vor.u32 s14, v7;
	s14 =	smov.u32 s24  }
0x146: {  	[tilespmem:s11+$0xFFFFFD10] =	vst v25;
	v25 =	vld.idx.msk [tilespmem:v28+s20+$0x0], $0xffff;
	v28 =	vor.u32 s3, v6  }
0x147: {  	v34 =	vld.idx.msk [tilespmem:v34+s20+$0x0], $0xffff;
	[tilespmem:s28+$0xFFFFFD60] =	vst v26  }
0x148: {  	v21 =	vld.idx.msk [tilespmem:v21+s20+$0x0], $0xffff;
	[tilespmem:s28+$0xFFFFFF50] =	vst v30  }
0x149: {  	v26 =	vor.u32 s29, v6;
	v27 =	vld.idx.msk [tilespmem:v27+s20+$0x0], $0xffff;
	[tilespmem:s28+$0xFFFFFFF0] =	vst v31  }
0x14a: {  	v30 =	vor.u32 s1, v6;
	[tilespmem:s11+$0xFFFFFD90] =	vst v33;
	v23 =	vld.idx.msk [tilespmem:v23+s20+$0x0], $0xffff  }
0x14b: {  	[tilespmem:s11+$0xFFFFFEA0] =	vst v29;
	v28 =	vld.idx.msk [tilespmem:v28+s20+$0x0], $0xffff  }
0x14c: {  	v19 =	vld.idx.msk [tilespmem:v19+s20+$0x0], $0xffff;
	[tilespmem:s28+$0xFFFFFC60] =	vst v25;
	v25 =	vor.u32 s2, v6  }
0x14d: {  	v29 =	vor.u32 s15, v7;
	s15 =	smov.u32 s23;
	v22 =	vld.idx.msk [tilespmem:v22+s20+$0x0], $0xffff;
	[tilespmem:s28+$0xFFFFFCE0] =	vst v34  }
0x14e: {  	v26 =	vld.idx.msk [tilespmem:v26+s20+$0x0], $0xffff;
	[tilespmem:s28+$0xFFFFFE70] =	vst v21  }
0x14f: {  	v21 =	vld.idx.msk [tilespmem:v30+s20+$0x0], $0xffff;
	v30 =	vor.u32 s3, v7;
	[tilespmem:s28+$0xFFFFFF60] =	vst v27;
	s3 =	smov.u32 s22  }
0x150: {  	v27 =	vor.u32 s12, v3;
	v20 =	vld.idx.msk [tilespmem:v20+s20+$0x0], $0xffff;
	[tilespmem:s28+$0x0] =	vst v23  }
0x151: {  	[tilespmem:s11+$0xFFFFFF10] =	vst v24;
	v23 =	vld.idx.msk [tilespmem:v25+s20+$0x0], $0xffff  }
0x152: {  	[tilespmem:s11+$0xFFFFFEB0] =	vst v19;
	v19 =	vld.idx.msk [tilespmem:v29+s20+$0x0], $0xffff  }
0x153: {  	v25 =	vor.u32 s2, v7;
	s2 =	smov.u32 s7;
	v24 =	vld.idx.msk [tilespmem:v35+s20+$0x0], $0xffff;
	[tilespmem:s28+$0xFFFFFD70] =	vst v28  }
0x154: {  	v28 =	vor.u32 s1, v7;
	s1 =	smov.u32 s13;
	[tilespmem:s11+$0xFFFFFC20] =	vst v22;
	v22 =	vor.u32 s29, v7;
	v29 =	vld.idx.msk [tilespmem:v30+s20+$0x0], $0xffff;
	s29 =	smov.u32 s10  }
0x155: {  	v27 =	vld.idx.msk [tilespmem:v27+s20+$0x0], $0xffff;
	[tilespmem:s28+$0xFFFFFCF0] =	vst v21  }
0x156: {  	v11 =	vld.idx.msk [tilespmem:v11+s20+$0x0], $0xffff;
	[tilespmem:s11+$0xFFFFFDA0] =	vst v20  }
0x157: {  	v20 =	vld.idx.msk [tilespmem:v36+s20+$0x0], $0xffff;
	[tilespmem:s28+$0xFFFFFF70] =	vst v23  }
0x158: {  	[tilespmem:s28+$0xFFFFFC70] =	vst v26;
	v21 =	vld.idx.msk [tilespmem:v25+s20+$0x0], $0xffff  }
0x159: {  	v22 =	vld.idx.msk [tilespmem:v22+s20+$0x0], $0xffff;
	[tilespmem:s28+$0xFFFFFE80] =	vst v19  }
0x15a: {  	v19 =	vld.idx.msk [tilespmem:v28+s20+$0x0], $0xffff;
	[tilespmem:s28+$0xFFFFFD80] =	vst v29  }
0x15b: {  	v23 =	vor.u32 s16, v3;
	[tilespmem:s11+$0xFFFFFEC0] =	vst v27;
	v16 =	vld.idx.msk [tilespmem:v16+s20+$0x0], $0xffff  }
0x15c: {  	[tilespmem:s11+$0xFFFFFC90] =	vst v11;
	v9 =	vld.idx.msk [tilespmem:v9+s20+$0x0], $0xffff;
	v11 =	vor.u32 s12, v4  }
0x15d: {  	v25 =	vld.idx.msk [tilespmem:v32+s20+$0x0], $0xffff;
	[tilespmem:s11+$0xFFFFFDB0] =	vst v20  }
0x15e: {  	v15 =	vld.idx.msk [tilespmem:v15+s20+$0x0], $0xffff;
	[tilespmem:s28+$0xFFFFFF80] =	vst v21  }
0x15f: {  	v20 =	vor.u32 s2, v2;
	v17 =	vld.idx.msk [tilespmem:v17+s20+$0x0], $0xffff;
	[tilespmem:s28+$0xFFFFFC80] =	vst v22  }
0x160: {  	v21 =	vor.u32 s10, v3;
	v22 =	vld.idx.msk [tilespmem:v23+s20+$0x0], $0xffff;
	[tilespmem:s28+$0xFFFFFD00] =	vst v19;
	s28 =	smov.u32 s11  }
0x161: {  	v11 =	vld.idx.msk [tilespmem:v11+s20+$0x0], $0xffff;
	[tilespmem:s11+$0xFFFFFFA0] =	vst v16  }
0x162: {  	v16 =	vor.u32 s16, v4;
	[tilespmem:s11+$0xFFFFFE10] =	vst v9;
	v18 =	vld.idx.msk [tilespmem:v18+s20+$0x0], $0xffff  }
0x163: {  	v19 =	vor.u32 s12, v5;
	v12 =	vld.idx.msk [tilespmem:v12+s20+$0x0], $0xffff;
	[tilespmem:s11+$0xFFFFFF20] =	vst v24  }
0x164: {  	v23 =	vor.u32 s14, v3;
	[tilespmem:s11+$0xFFFFFC30] =	vst v25;
	v20 =	vld.idx.msk [tilespmem:v20+s20+$0x0], $0xffff  }
0x165: {  	v21 =	vld.idx.msk [tilespmem:v21+s20+$0x0], $0xffff;
	[tilespmem:s11+$0xFFFFFD20] =	vst v17  }
0x166: {  	v9 =	vld.idx.msk [tilespmem:v13+s20+$0x0], $0xffff;
	[tilespmem:s11+$0xFFFFFDC0] =	vst v22;
	v13 =	vor.u32 s2, v3  }
0x167: {  	v17 =	vor.u32 s10, v4;
	v16 =	vld.idx.msk [tilespmem:v16+s20+$0x0], $0xffff;
	[tilespmem:s11+$0xFFFFFED0] =	vst v11  }
0x168: {  	v19 =	vld.idx.msk [tilespmem:v19+s20+$0x0], $0xffff;
	[tilespmem:s11+$0xFFFFFFB0] =	vst v18  }
0x169: {  	v18 =	vor.u32 s16, v5;
	[tilespmem:s11+$0xFFFFFE20] =	vst v12;
	v22 =	vld.idx.msk [tilespmem:v23+s20+$0x0], $0xffff  }
0x16a: {  	v24 =	vor.u32 s12, v6;
	v23 =	vld.idx.msk [tilespmem:v14+s20+$0x0], $0xffff;
	[tilespmem:s11+$0xFFFFFF30] =	vst v20  }
0x16b: {  	[tilespmem:s11+$0xFFFFFC40] =	vst v21;
	v13 =	vld.idx.msk [tilespmem:v13+s20+$0x0], $0xffff;
	v21 =	vor.u32 s14, v4  }
.Ltmp7:
0x16c: {  	v11 =	vor.u32 s15, v3;
	v12 =	vld.idx.msk [tilespmem:v17+s20+$0x0], $0xffff;
	[tilespmem:s11+$0xFFFFFCA0] =	vst v15;
	(pc) =	sbr.rel @p1 .LBB2_8-.Ltmp7, $4  }
0x16d: {  	v20 =	vor.u32 s3, v3;
	v14 =	vld.idx.msk [tilespmem:v10+s20+$0x0], $0xffff;
	[tilespmem:s11+$0xFFFFFDD0] =	vst v16  }
0x16e: {  	v15 =	vld.idx.msk [tilespmem:v18+s20+$0x0], $0xffff;
	[tilespmem:s11+$0xFFFFFEE0] =	vst v19  }
0x16f: {  	v17 =	vor.u32 s1, v3;
	v16 =	vld.idx.msk [tilespmem:v24+s20+$0x0], $0xffff;
	[tilespmem:s11+$0xFFFFFFC0] =	vst v22  }
0x170: {  	s10 =	sadd.s32 $0x20, s10;
	v10 =	vor.u32 s15, v4;
	v18 =	vor.u32 s16, v6;
	s11 =	sadd.s32 $0x400, s11;
	[tilespmem:s28+$0xFFFFFE30] =	vst v23;
	v19 =	vld.idx.msk [tilespmem:v21+s20+$0x0], $0xffff  }
0x171: {  	_ =	sdelay $0x1  }
0x172: {  	[tilespmem:s28+$0xFFFFFD30] =	vst v9  }
0x173: {  	[tilespmem:s28+$0xFFFFFC50] =	vst v12  }
0x174: {  	v31 =	vld.idx.msk [tilespmem:v11+s20+$0x0], $0xffff;
	v35 =	vor.u32 s2, v4;
	[tilespmem:s28+$0xFFFFFF40] =	vst v13  }
0x175: {  	v32 =	vld.idx.msk [tilespmem:v20+s20+$0x0], $0xffff;
	[tilespmem:s28+$0xFFFFFCB0] =	vst v14  }
0x176: {  	v33 =	vor.u32 s3, v4;
	[tilespmem:s28+$0xFFFFFDE0] =	vst v15;
	v34 =	vld.idx.msk [tilespmem:v17+s20+$0x0], $0xffff  }
0x177: {  	v36 =	vor.u32 s14, v5;
	[tilespmem:s28+$0xFFFFFEF0] =	vst v16;
	v18 =	vld.idx.msk [tilespmem:v18+s20+$0x0], $0xffff  }
0x178: {  	v37 =	vor.u32 s1, v4;
	[tilespmem:s28+$0xFFFFFFD0] =	vst v19;
	v8 =	vld.idx.msk [tilespmem:v8+s20+$0x0], $0xffff  }
0x179: {  	v38 =	vor.u32 s16, v7;
	[tilespmem:s28+$0xFFFFFE40] =	vst v31;
	v42 =	vld.idx.msk [tilespmem:v35+s20+$0x0], $0xffff  }
0x17a: {  	v44 =	vor.u32 s2, v5;
	[tilespmem:s28+$0xFFFFFD40] =	vst v32;
	v10 =	vld.idx.msk [tilespmem:v10+s20+$0x0], $0xffff  }
0x17b: {  	v40 =	vor.u32 s15, v5;
	v39 =	vld.idx.msk [tilespmem:v33+s20+$0x0], $0xffff;
	[tilespmem:s28+$0xFFFFFCC0] =	vst v34  }
0x17c: {  	v41 =	vor.u32 s3, v5;
	v43 =	vld.idx.msk [tilespmem:v36+s20+$0x0], $0xffff;
	[tilespmem:s28+$0xFFFFFDF0] =	vst v18  }
0x17d: {  	v9 =	vld.idx.msk [tilespmem:v37+s20+$0x0], $0xffff;
	[tilespmem:s28+$0xFFFFFF00] =	vst v8;
	v8 =	vor.u32 s29, v5  }
0x17e: {  	v45 =	vor.u32 s1, v5;
	v11 =	vld.idx.msk [tilespmem:v38+s20+$0x0], $0xffff;
	[tilespmem:s28+$0xFFFFFF50] =	vst v42  }
0x17f: {  	v46 =	vor.u32 s14, v6;
	[tilespmem:s28+$0xFFFFFE50] =	vst v10;
	v50 =	vld.idx.msk [tilespmem:v44+s20+$0x0], $0xffff  }
0x180: {  	v51 =	vor.u32 s2, v6;
	[tilespmem:s28+$0xFFFFFD50] =	vst v39;
	v47 =	vld.idx.msk [tilespmem:v40+s20+$0x0], $0xffff  }
0x181: {  	v48 =	vor.u32 s15, v6;
	[tilespmem:s28+$0xFFFFFFE0] =	vst v43;
	v13 =	vld.idx.msk [tilespmem:v41+s20+$0x0], $0xffff  }
0x182: {  	v49 =	vor.u32 s3, v6;
	[tilespmem:s28+$0xFFFFFCD0] =	vst v9;
	v8 =	vld.idx.msk [tilespmem:v8+s20+$0x0], $0xffff  }
0x183: {  	v52 =	vor.u32 s29, v6;
	[tilespmem:s28+$0xFFFFFE00] =	vst v11;
	v10 =	vld.idx.msk [tilespmem:v45+s20+$0x0], $0xffff  }
0x184: {  	v54 =	vor.u32 s1, v6;
	v53 =	vld.idx.msk [tilespmem:v46+s20+$0x0], $0xffff;
	[tilespmem:s28+$0xFFFFFF60] =	vst v50  }
0x185: {  	v55 =	vor.u32 s14, v7;
	[tilespmem:s28+$0xFFFFFE60] =	vst v47;
	v9 =	vld.idx.msk [tilespmem:v51+s20+$0x0], $0xffff  }
0x186: {  	v60 =	vor.u32 s2, v7;
	[tilespmem:s28+$0xFFFFFD60] =	vst v13;
	v56 =	vld.idx.msk [tilespmem:v48+s20+$0x0], $0xffff  }
0x187: {  	v58 =	vor.u32 s15, v7;
	v57 =	vld.idx.msk [tilespmem:v49+s20+$0x0], $0xffff;
	[tilespmem:s28+$0xFFFFFC60] =	vst v8  }
0x188: {  	v8 =	vor.u32 s3, v7;
	[tilespmem:s28+$0xFFFFFCE0] =	vst v10;
	v59 =	vld.idx.msk [tilespmem:v52+s20+$0x0], $0xffff  }
0x189: {  	v61 =	vor.u32 s29, v7;
	[tilespmem:s28+$0xFFFFFFF0] =	vst v53;
	v12 =	vld.idx.msk [tilespmem:v54+s20+$0x0], $0xffff  }
0x18a: {  	v62 =	vor.u32 s1, v7;
	v17 =	vld.idx.msk [tilespmem:v55+s20+$0x0], $0xffff;
	[tilespmem:s28+$0xFFFFFF70] =	vst v9  }
0x18b: {  	[tilespmem:s28+$0xFFFFFE70] =	vst v56;
	v9 =	vld.idx.msk [tilespmem:v60+s20+$0x0], $0xffff  }
0x18c: {  	v15 =	vld.idx.msk [tilespmem:v58+s20+$0x0], $0xffff;
	[tilespmem:s28+$0xFFFFFD70] =	vst v57  }
0x18d: {  	v8 =	vld.idx.msk [tilespmem:v8+s20+$0x0], $0xffff;
	[tilespmem:s28+$0xFFFFFC70] =	vst v59  }
0x18e: {  	[tilespmem:s28+$0xFFFFFCF0] =	vst v12;
	v10 =	vld.idx.msk [tilespmem:v61+s20+$0x0], $0xffff  }
0x18f: {  	[tilespmem:s28+$0x0] =	vst v17;
	v63 =	vld.idx.msk [tilespmem:v62+s20+$0x0], $0xffff  }
0x190: {  	[tilespmem:s28+$0xFFFFFF80] =	vst v9  }
.Ltmp8:
0x191: {  	[tilespmem:s28+$0xFFFFFE80] =	vst v15;
	(pc) =	sbr.rel .LBB2_10-.Ltmp8, $4  }
0x192: {  	[tilespmem:s28+$0xFFFFFD80] =	vst v8  }
0x193: {  	s31 =	sshll.u32 s26, $0x9;
	[tilespmem:s28+$0xFFFFFC80] =	vst v10  }
0x194: {  	s1 =	sadd.s32 s6, s31;
	[tilespmem:s28+$0xFFFFFD00] =	vst v63  }
0x195: {  	[hbm4b:s1+s4] =	stream.linear.scatter [tilespmem:s21], [sflag:$0x4], $0x1000, $0x38;
	[tilespmem:$0x6000] =	vst v63  }
.LBB2_12:
0x196: {  	_ =	sfence.sel $0x180000  }
0x197: {  	[bflag:$0x0] =	sbarrier.arrive $0xFFFF  }
0x198: {  	_ =	strace $0x90000047  }
0x199: {  	s0 =	stileid.u32;
	[bflag:$0x2] =	sbarrier.arrive $0xFFFF  }
0x19a: {  	p0 =	sne.s32 s0, $0x0;
	s0 =	rddreg [dreg:$0x3]  }
0x19b: {  	s0 =	sadd.s32 @!p0 $0x100000, s0  }
0x19c: {  	[sflag:s0] =	ssyncadd.tile.s32 @!p0 $0x1;
	_ =	shalt  }
.Lfunc_end2:
_tile_overlayer_lowered:
.L_overlay_start_2:
0x19d: {  	(tag) =	ssettag $0x2  }
0x19e: {  	s0 =	rddreg [dreg:$0x0];
	s2 =	stileid.u32  }
0x19f: {  	s1 =	rddreg [dreg:$0x1];
	p0 =	sne.s32 s2, $0x0  }
0x1a0: {  	s3 =	rddreg [dreg:$0x2];
	[bflag:$0x3] =	sbarrier.arrive $0xFFFF;
	s2 =	simm.s32 @!p0 $0x1C05  }
0x1a1: {  	[timem:s3], [sflag:s2] =	dma.local @!p0 [hbm:s0], s1  }
0x1a2: {  	s0 =	simm.s32 @!p0 $0x5  }
0x1a3: {  	_ =	swait.ge @!p0 [sflag:s0], s1  }
0x1a4: {  	s1 =	ssub.s32 @!p0 $0x0, s1;
	[sflag:s0] =	ssyncset.done @!p0 $0x0  }
0x1a5: {  	[sflag:s0] =	ssyncadd.s32 @!p0 s1  }
0x1a6: {  	[bflag:$0x3] =	sbarrier.arrive $0xFFFF  }
0x1a7: {  	_ =	shalt  }

// kernel: kernel.7.cloned.1.call-start
scs
__scs_entry_jumppad:
0x0: {  	(pc) =	sbr.rel $0x88, $3  }
0x1: {  	(tag) =	ssettag $0x0;
	lr =	simm.s32 $0x1  }
0x2: {  	[smem:$0x3F9F] =	sst lr;
	_ =	strace $0xD0000000  }
0x3: {  	_ = 	snop  }
0x4: {  	_ = 	snop  }
0x5: {  	_ = 	snop  }
0x6: {  	_ = 	snop  }
0x7: {  	_ = 	snop  }
__scs_overlays_trampoline_lowered:
0x8: {  	[smem:$0x3FAE] =	sst s0  }
0x9: {  	[smem:$0x3FAF] =	sst s1  }
0xa: {  	[smem:$0x3FB0] =	sst s2  }
0xb: {  	[smem:$0x3FB1] =	sst s3  }
0xc: {  	[smem:$0x3FB2] =	sst s4  }
0xd: {  	[smem:$0x3FB3] =	sst s5  }
0xe: {  	[smem:$0x3FB4] =	sst s6  }
0xf: {  	[smem:$0x3FB5] =	sst s7  }
0x10: {  	[smem:$0x3FB6] =	sst s8  }
0x11: {  	[smem:$0x3FB7] =	sst s9;
	s0 =	simm.s32 @!p0 $0x0  }
0x12: {  	s1 =	sld [smem:$0x3F9D];
	s0 =	simm.s32 @p0 $0x1  }
0x13: {  	[smem:$0x3FB8] =	sst s0;
	s0 =	simm.s32 @!p1 $0x0  }
0x14: {  	s2 =	sld [smem:$0x3F9C];
	s0 =	simm.s32 @p1 $0x1  }
0x15: {  	[smem:$0x3FB9] =	sst s0;
	s0 =	simm.s32 @!p2 $0x0  }
0x16: {  	s3 =	sld [smem:$0x3FDB];
	s0 =	simm.s32 @p2 $0x1  }
0x17: {  	s4 =	simm.s32 $0x1BF5;
	[smem:$0x3FBB] =	sst s0  }
0x18: {  	s0 =	sld [smem:$0x3F9E];
	_ =	swait.ge [sflag:s4], $0x0  }
0x19: {  	s7 =	sld [smem:$0x3F9F]  }
0x1a: {  	s8 =	sadd.s32 $0xFFFFE003, lr  }
0x1b: {  	s9 =	sadd.s32 $0xFFFFFEF7, lr;
	s5 =	simm.s32 $0xFFFFFFFF;
	p2 =	slt.u32 s8, $0xFFFFF086  }
0x1c: {  	p1 =	slt.u32 s9, $0xF7A;
	s5 =	simm.s32 @!p2 $0x0  }
0x1d: {  	s5 =	simm.s32 @p1 $0x1;
	p0 =	seq.s32 s7, s2  }
0x1e: {  	s7 =	smul.u32 @!p0 $0xF7A, s2;
	p2 =	seq.s32 @!p0 s5, $0x0  }
0x1f: {  	s9 =	smul.u32 $0xF7A, s1;
	s8 =	simm.s32 @!p0 $0x1BF5;
	p2 =	por !p2, p0  }
0x20: {  	[sflag:s8] =	ssyncset.s32 @!p0 $0xFFFFF086;
	s6 =	sadd.s32 @!p0 s3, s7;
	s7 =	simm.s32 @!p0 $0x108  }
0x21: {  	s3 =	sadd.s32 s3, s9;
	s6 =	sadd.s32 @!p0 $0x88, s6;
	s7 =	simm.s32 @p2 $0x1082  }
0x22: {  	[simem:s7], [sflag:s8] =	dma.local @!p0 [hbm:s6], $0xF7A  }
0x23: {  	s9 =	sor.u32 $0xD0000000, s2;
	s6 =	simm.s32 $0x108;
	_ =	swait.ge @!p0 [sflag:s8], $0x0  }
0x24: {  	s3 =	sadd.s32 $0x88, s3;
	s6 =	simm.s32 @!p1 $0x1082;
	[sflag:s4] =	ssyncset.s32 $0xFFFFF086  }
0x25: {  	[simem:s6], [sflag:s4] =	dma.local [hbm:s3], $0xF7A  }
0x26: {  	[smem:$0x3F9F] =	sst s1;
	(tag) =	ssettag s2;
	_ =	strace s9  }
0x27: {  	s1 =	sld [smem:$0x3FAF]  }
0x28: {  	s2 =	sld [smem:$0x3FB0]  }
0x29: {  	s4 =	sld [smem:$0x3FB2]  }
0x2a: {  	p0 =	seq.s32 s5, $0x0;
	s5 =	sld [smem:$0x3FB3]  }
0x2b: {  	s6 =	sld [smem:$0x3FB4]  }
0x2c: {  	s7 =	sld [smem:$0x3FB5]  }
0x2d: {  	s3 =	simm.s32 $0x108;
	s8 =	sld [smem:$0x3FB6]  }
0x2e: {  	s3 =	simm.s32 @!p0 $0x1082;
	s9 =	sld [smem:$0x3FB7]  }
0x2f: {  	lr =	sadd.s32 s0, s3;
	s0 =	sld [smem:$0x3FAE]  }
0x30: {  	s3 =	sld [smem:$0x3FB1]  }
0x31: {  	[smem:$0x3FBA] =	sst s10  }
0x32: {  	s10 =	sld [smem:$0x3FB8];
	_ =	sdelay $0x3  }
0x33: {  	p0 =	seq.s32 s10, $0x1;
	s10 =	sld [smem:$0x3FBA];
	_ =	sdelay $0x3  }
0x34: {  	[smem:$0x3FBA] =	sst s10  }
0x35: {  	s10 =	sld [smem:$0x3FB9];
	_ =	sdelay $0x3  }
0x36: {  	p1 =	seq.s32 s10, $0x1;
	s10 =	sld [smem:$0x3FBA];
	_ =	sdelay $0x3  }
0x37: {  	[smem:$0x3FBA] =	sst s10  }
0x38: {  	s10 =	sld [smem:$0x3FBB]  }
0x39: {  	_ = 	snop;
	(pc) =	sbr.ind lr, $3  }
0x3a: {  	_ = 	snop  }
0x3b: {  	_ = 	snop  }
0x3c: {  	p2 =	seq.s32 s10, $0x1;
	s10 =	sld [smem:$0x3FBA]  }
0x3d: {  	_ =	shalt  }
0x3e: {  	_ =	shalt  }
0x3f: {  	_ =	shalt  }
0x40: {  	_ =	shalt  }
0x41: {  	_ =	shalt  }
0x42: {  	_ =	shalt  }
0x43: {  	_ =	shalt  }
0x44: {  	_ =	shalt  }
0x45: {  	_ =	shalt  }
0x46: {  	_ =	shalt  }
0x47: {  	_ =	shalt  }
0x48: {  	_ =	shalt  }
0x49: {  	_ =	shalt  }
0x4a: {  	_ =	shalt  }
0x4b: {  	_ =	shalt  }
0x4c: {  	_ =	shalt  }
0x4d: {  	_ =	shalt  }
0x4e: {  	_ =	shalt  }
0x4f: {  	_ =	shalt  }
0x50: {  	_ =	shalt  }
0x51: {  	_ =	shalt  }
0x52: {  	_ =	shalt  }
0x53: {  	_ =	shalt  }
0x54: {  	_ =	shalt  }
0x55: {  	_ =	shalt  }
0x56: {  	_ =	shalt  }
0x57: {  	_ =	shalt  }
0x58: {  	_ =	shalt  }
0x59: {  	_ =	shalt  }
0x5a: {  	_ =	shalt  }
0x5b: {  	_ =	shalt  }
0x5c: {  	_ =	shalt  }
0x5d: {  	_ =	shalt  }
0x5e: {  	_ =	shalt  }
0x5f: {  	_ =	shalt  }
0x60: {  	_ =	shalt  }
0x61: {  	_ =	shalt  }
0x62: {  	_ =	shalt  }
0x63: {  	_ =	shalt  }
0x64: {  	_ =	shalt  }
0x65: {  	_ =	shalt  }
0x66: {  	_ =	shalt  }
0x67: {  	_ =	shalt  }
0x68: {  	_ =	shalt  }
0x69: {  	_ =	shalt  }
0x6a: {  	_ =	shalt  }
0x6b: {  	_ =	shalt  }
0x6c: {  	_ =	shalt  }
0x6d: {  	_ =	shalt  }
0x6e: {  	_ =	shalt  }
0x6f: {  	_ =	shalt  }
0x70: {  	_ =	shalt  }
0x71: {  	_ =	shalt  }
0x72: {  	_ =	shalt  }
0x73: {  	_ =	shalt  }
0x74: {  	_ =	shalt  }
0x75: {  	_ =	shalt  }
0x76: {  	_ =	shalt  }
0x77: {  	_ =	shalt  }
0x78: {  	_ =	shalt  }
0x79: {  	_ =	shalt  }
0x7a: {  	_ =	shalt  }
0x7b: {  	_ =	shalt  }
0x7c: {  	_ =	shalt  }
0x7d: {  	_ =	shalt  }
0x7e: {  	_ =	shalt  }
0x7f: {  	_ =	shalt  }
0x80: {  	_ =	shalt  }
0x81: {  	_ =	shalt  }
0x82: {  	_ =	shalt  }
0x83: {  	_ =	shalt  }
0x84: {  	_ =	shalt  }
0x85: {  	_ =	shalt  }
0x86: {  	_ =	shalt  }
0x87: {  	_ =	shalt  }
.Lfunc_end0:
.L_simem_size_0:
called_computation.1_lowered:
.L_overlay_start_0:
0x88: {  	s2 =	sld [smem:$0x3FD9]  }
0x89: {  	s3 =	sld [smem:$0x3FFE];
	_ =	sdelay $0x1  }
0x8a: {  	s1 =	srdreg.scid  }
0x8b: {  	s0 =	sand.u32 $0x1, s1  }
0x8c: {  	s17 =	sshll.u32 s0, $0xA;
	s2 =	sadd.s32 s3, s2  }
0x8d: {  	s2 =	sadd.s32 s2, s17  }
0x8e: {  	[smem:$0x3FC6] =	sst s2  }
0x8f: {  	_ = 	snop  }
0x90: {  	s2 =	sld [smem:$0x3FD0];
	(tm) =	ssettm $0x1  }
0x91: {  	s18 =	sld [smem:$0x3FFB];
	_ =	sdelay $0x3  }
0x92: {  	_ =	strace s18  }
0x93: {  	s3 =	sld [smem:$0x3FFC];
	_ =	sdelay $0x3  }
0x94: {  	_ =	strace s3  }
0x95: {  	s3 =	sld [smem:$0x3FFD];
	_ =	sdelay $0x3  }
0x96: {  	_ =	strace s3  }
0x97: {  	_ =	strace $0x8FFFFFFF  }
0x98: {  	s19 =	sld [smem:$0x3FDB];
	_ =	sdelay $0x1  }
0x99: {  	s4 =	simm.s32 $_scs_section_size  }
0x9a: {  	s5 =	simm.s32 $_size__tile_overlayer_lowered;
	s6 =	simm.s32 $_tile_overlayer_lowered  }
0x9b: {  	s22 =	simm.s32 $0x1BFF;
	s21 =	sshll.u32 s6, $0x1;
	s3 =	sadd.s32 s4, s19  }
0x9c: {  	s7 =	simm.s32 $0x0;
	s20 =	sshll.u32 s5, $0x1;
	s5 =	sadd.s32 s21, s3  }
0x9d: {  	[timem:s7], [sflag:s22] =	dma.local [hbm:s5], s20  }
0x9e: {  	_ =	swait.ge [sflag:s22], s20  }
0x9f: {  	s4 =	ssub.s32 $0x0, s20;
	[sflag:s22] =	ssyncset.done $0x0  }
0xa0: {  	[sflag:s22] =	ssyncadd.s32 s4;
	_ =	sdelay $0x1  }
0xa1: {  	s23 =	simm.s32 $0x1B8B  }
0xa2: {  	_ =	swait.ge [sflag:s23], $0x1  }
0xa3: {  	[sflag:s23] =	ssyncset.done $0x0  }
0xa4: {  	s25 =	simm.s32 $0x1B8E;
	s24 =	sld [smem:$0x3FFE];
	[sflag:s23] =	ssyncadd.s32 $0xFFFFFFFF  }
0xa5: {  	s26 =	simm.s32 $execute0_lowered;
	[smem:$0x3FD2] =	sst s25  }
0xa6: {  	s5 =	sshll.u32 s26, $0x1;
	_ =	strace $0x80000049;
	[dreg:$0x1] =	wrdreg $0xFFFFFFFF  }
0xa7: {  	s28 =	simm.s32 $_size_execute0_lowered;
	s3 =	sadd.s32 s3, s5;
	[dreg:$0x0] =	wrdreg $0x0  }
0xa8: {  	s5 =	sshll.u32 s28, $0x1;
	[dreg:$0x2] =	wrdreg s3  }
0xa9: {  	[dreg:$0x3] =	wrdreg s5  }
0xaa: {  	[dreg:$0x4] =	wrdreg $0xC0  }
0xab: {  	_ =	task [dreg:s7], $0x5FFFF  }
0xac: {  	[dreg:$0x1] =	wrdreg $0xFFFFFFFF  }
0xad: {  	[dreg:$0x0] =	wrdreg $0x60  }
0xae: {  	[dreg:$0x2] =	wrdreg s24  }
0xaf: {  	[dreg:$0x3] =	wrdreg s2  }
0xb0: {  	[dreg:$0x4] =	wrdreg $0x9  }
0xb1: {  	_ =	task.clear_ibuf [dreg:s7], $0x5FFFF;
	_ =	strace $0x90000049  }
0xb2: {  	s29 =	simm.s32 $0x9;
	_ =	strace $0x8000004B  }
0xb3: {  	_ =	swait.ge [sflag:s29], $0x1  }
0xb4: {  	[sflag:s29] =	ssyncadd.s32 $0xFFFFFFFF  }
0xb5: {  	_ =	strace $0x9000004B  }
0xb6: {  	_ =	sfence  }
0xb7: {  	s30 =	sld [smem:$0x0];
	_ =	sdelay $0x2  }
0xb8: {  	s31 =	sshll.u32 s1, $0xD;
	s1 =	sshrl.u32 s1, $0x2  }
0xb9: {  	s3 =	sand.u32 $0x4000, s31;
	s1 =	sadd.s32 s1, s30  }
0xba: {  	s0 =	sor.u32 s3, s0;
	s1 =	sshll.u32 s1, $0x11  }
0xbb: {  	s0 =	sor.u32 s1, s0  }
0xbc: {  	s0 =	sadd.s32 $0x8F2B, s0  }
0xbd: {  	[sflag:s0] =	ssyncadd.remote.s32 $0x1  }
0xbe: {  	_ =	sfence.sel $0xFFFF  }
0xbf: {  	[dreg:$0x0] =	wrdreg $0xFFFFFFFF;
	(pc) =	sbr.abs _section_cstart, $3  }
0xc0: {  	[dreg:$0x1] =	wrdreg $0xFFFFFFFF  }
0xc1: {  	_ =	task.clear_ibuf [dreg:s7], $0x2FFFF;
	_ =	strace $0x9FFFFFFF  }
0xc2: {  	(tm) =	ssettm $0x7FFFFFFF  }
0xc3: {  	_ =	shalt  }
tec
execute0_lowered:
.L_overlay_start_1:
0x0: {  	(tag) =	ssettag $0x1  }
0x1: {  	s0 =	rddreg [dreg:$0x0]  }
0x2: {  	s1 =	srdreg.scid;
	s3 =	stileid.u32  }
0x3: {  	s2 =	rddreg [dreg:$0x1];
	s4 =	simm.s32 $0x0;
	s8 =	simm.s32 $0x5  }
0x4: {  	s9 =	simm.s32 $0x80;
	s10 =	simm.s32 $0x3400;
	s11 =	simm.s32 $0x3600  }
0x5: {  	s12 =	simm.s32 $0x3480;
	s13 =	simm.s32 $0x7600;
	s14 =	simm.s32 $0x1  }
0x6: {  	s15 =	simm.s32 $0x400;
	s16 =	simm.s32 $0x20000;
	s17 =	simm.s32 $0xB600  }
0x7: {  	s18 =	simm.s32 $0x2;
	s1 =	sand.u32 $0x1, s1;
	s3 =	sshll.u32 s3, $0x1  }
0x8: {  	v0 =	vlaneseq.u32;
	s19 =	simm.s32 $0x4;
	s3 =	sor.u32 s1, s3;
	s1 =	ssub.s32 $0x2, s1  }
0x9: {  	s20 =	simm.s32 $0xC600;
	v0 =	vmul.u32 $0x80, v0;
	s29 =	smul.u32 $0x680, s3;
	s5 =	sshrl.u32 s1, $0x1  }
0xa: {  	[smem:$0x7FF] =	sst s4;
	s4 =	sadd.s32 $0xA00, s0;
	s30 =	ssub.s32 s1, s5  }
0xb: {  	_ =	strace $0x8000004A;
	v1 =	vor.u32 $0x800, v0;
	s6 =	sadd.s32 s29, s0;
	s0 =	smax.u32 s30, $0x1  }
0xc: {  	s21 =	simm.s32 $0x3;
	v2 =	vor.u32 $0x1000, v0;
	v3 =	vor.u32 $0x1800, v0;
	v4 =	vor.u32 $0x2000, v0;
	s31 =	sadd.s32 $0x3D1400, s6;
	[dreg:$0x4] =	wrdreg s0  }
0xd: {  	s22 =	simm.s32 $0x0;
	v5 =	vor.u32 $0x2800, v0;
	v6 =	vor.u32 $0x3000, v0;
	v7 =	vor.u32 $0x3800, v0;
	s5 =	smul.u32 $0x68, s3;
	[dreg:$0x3] =	wrdreg s31  }
.LBB2_1:
0xe: {  	s0 =	simm.s32 $0x0;
	s1 =	rddreg [dreg:$0x3]  }
0xf: {  	[tilespmem:s0], [sflag:$0x5] =	stream.linear.gather [hbm4b:s1+s0], $0x3400, $0x38;
	[tilespmem:$0xD600] =	vst v63  }
0x10: {  	_ =	swait.ge [sflag:s8], $0x3400  }
0x11: {  	[sflag:s8] =	ssyncset.done $0x0  }
0x12: {  	[sflag:s8] =	ssyncadd.s32 $0xFFFFCC00  }
0x13: {  	v8 =	vld [tilespmem:$0x0];
	_ =	sdelay $0x1  }
0x14: {  	v9 =	vld [tilespmem:$0x10];
	_ =	sdelay $0x1  }
0x15: {  	v10 =	vld [tilespmem:$0x20]  }
0x16: {  	v11 =	vshrl.u32 v8, $0x2;
	v8 =	vshll.u32 v8, $0x5  }
0x17: {  	v58 =	vld [tilespmem:$0x30];
	[tilespmem:$0x3400] =	vst v11;
	v8 =	vand.u32 $0x60, v8  }
0x18: {  	[tilespmem:$0x3500] =	vst v8;
	v8 =	vshrl.u32 v9, $0x2;
	v9 =	vshll.u32 v9, $0x5  }
0x19: {  	v59 =	vld [tilespmem:$0x40];
	[tilespmem:$0x3410] =	vst v8;
	v8 =	vand.u32 $0x60, v9  }
0x1a: {  	[tilespmem:$0x3510] =	vst v8;
	v8 =	vshrl.u32 v10, $0x2;
	v10 =	vshll.u32 v10, $0x5  }
0x1b: {  	v60 =	vld [tilespmem:$0x50];
	[tilespmem:$0x3420] =	vst v8;
	v8 =	vand.u32 $0x60, v10  }
0x1c: {  	v11 =	vshll.u32 v58, $0x5;
	[tilespmem:$0x3520] =	vst v8;
	v8 =	vshrl.u32 v58, $0x2  }
0x1d: {  	v61 =	vld [tilespmem:$0x60];
	[tilespmem:$0x3430] =	vst v8;
	v8 =	vand.u32 $0x60, v11  }
0x1e: {  	v9 =	vshll.u32 v59, $0x5;
	[tilespmem:$0x3530] =	vst v8;
	v8 =	vshrl.u32 v59, $0x2  }
0x1f: {  	v62 =	vld [tilespmem:$0x70];
	[tilespmem:$0x3440] =	vst v8;
	v8 =	vand.u32 $0x60, v9  }
0x20: {  	v10 =	vshll.u32 v60, $0x5;
	[tilespmem:$0x3540] =	vst v8;
	v8 =	vshrl.u32 v60, $0x2  }
0x21: {  	[tilespmem:$0x3450] =	vst v8;
	v8 =	vand.u32 $0x60, v10  }
0x22: {  	v63 =	vshll.u32 v61, $0x5;
	[tilespmem:$0x3550] =	vst v8;
	v8 =	vshrl.u32 v61, $0x2  }
0x23: {  	[tilespmem:$0x3460] =	vst v8;
	v8 =	vand.u32 $0x60, v63  }
0x24: {  	v9 =	vshll.u32 v62, $0x5;
	[tilespmem:$0x3560] =	vst v8;
	v8 =	vshrl.u32 v62, $0x2  }
0x25: {  	[tilespmem:$0x3470] =	vst v8;
	v8 =	vand.u32 $0x60, v9  }
0x26: {  	s23 =	simm.s32 $0x0;
	[tilespmem:$0x3570] =	vst v8  }
0x27: {  	[tilespmem:s11], [sflag:$0x1] =	stream.indirect.gather [hbm4b:s4+s9], $0x80, s10, s9, $0xb8;
	[tilespmem:$0xD600] =	vst v63  }
.LBB2_2:
0x28: {  	s24 =	sshllo.u32 s23, $0x1  }
0x29: {  	s0 =	sshll.u32 s24, $0x7  }
0x2a: {  	s0 =	sand.u32 $0x3FFFFF80, s0  }
0x2b: {  	v8 =	vld [tilespmem:s0+$0x0];
	_ =	sdelay $0x4  }
0x2c: {  	v9 =	vshrl.u32 v8, $0x2;
	v8 =	vshll.u32 v8, $0x5  }
0x2d: {  	[tilespmem:$0x3480] =	vst v9;
	v8 =	vand.u32 $0x60, v8  }
0x2e: {  	[tilespmem:$0x3580] =	vst v8  }
0x2f: {  	v8 =	vld [tilespmem:s0+$0x10];
	_ =	sdelay $0x4  }
0x30: {  	v9 =	vshrl.u32 v8, $0x2;
	v8 =	vshll.u32 v8, $0x5  }
0x31: {  	[tilespmem:$0x3490] =	vst v9;
	v8 =	vand.u32 $0x60, v8  }
0x32: {  	[tilespmem:$0x3590] =	vst v8  }
0x33: {  	v8 =	vld [tilespmem:s0+$0x20];
	_ =	sdelay $0x4  }
0x34: {  	v9 =	vshrl.u32 v8, $0x2;
	v8 =	vshll.u32 v8, $0x5  }
0x35: {  	[tilespmem:$0x34A0] =	vst v9;
	v8 =	vand.u32 $0x60, v8  }
0x36: {  	[tilespmem:$0x35A0] =	vst v8  }
0x37: {  	v8 =	vld [tilespmem:s0+$0x30];
	_ =	sdelay $0x4  }
0x38: {  	v9 =	vshrl.u32 v8, $0x2;
	v8 =	vshll.u32 v8, $0x5  }
0x39: {  	[tilespmem:$0x34B0] =	vst v9;
	v8 =	vand.u32 $0x60, v8  }
0x3a: {  	[tilespmem:$0x35B0] =	vst v8  }
0x3b: {  	v8 =	vld [tilespmem:s0+$0x40];
	_ =	sdelay $0x4  }
0x3c: {  	v9 =	vshrl.u32 v8, $0x2;
	v8 =	vshll.u32 v8, $0x5  }
0x3d: {  	[tilespmem:$0x34C0] =	vst v9;
	v8 =	vand.u32 $0x60, v8  }
0x3e: {  	[tilespmem:$0x35C0] =	vst v8  }
0x3f: {  	v8 =	vld [tilespmem:s0+$0x50];
	_ =	sdelay $0x4  }
0x40: {  	v9 =	vshrl.u32 v8, $0x2;
	v8 =	vshll.u32 v8, $0x5  }
0x41: {  	[tilespmem:$0x34D0] =	vst v9;
	v8 =	vand.u32 $0x60, v8  }
0x42: {  	[tilespmem:$0x35D0] =	vst v8  }
0x43: {  	v8 =	vld [tilespmem:s0+$0x60];
	_ =	sdelay $0x4  }
0x44: {  	v9 =	vshrl.u32 v8, $0x2;
	v8 =	vshll.u32 v8, $0x5  }
0x45: {  	[tilespmem:$0x34E0] =	vst v9;
	v8 =	vand.u32 $0x60, v8  }
0x46: {  	[tilespmem:$0x35E0] =	vst v8  }
0x47: {  	v8 =	vld [tilespmem:s0+$0x70];
	_ =	sdelay $0x4  }
0x48: {  	v9 =	vshrl.u32 v8, $0x2;
	v8 =	vshll.u32 v8, $0x5  }
0x49: {  	[tilespmem:$0x34F0] =	vst v9;
	v8 =	vand.u32 $0x60, v8  }
0x4a: {  	[tilespmem:$0x35F0] =	vst v8  }
0x4b: {  	[tilespmem:s13], [sflag:$0x2] =	stream.indirect.gather [hbm4b:s4+s9], $0x80, s12, s9, $0xb8;
	[tilespmem:$0xD600] =	vst v63  }
0x4c: {  	_ =	swait.ge [sflag:s14], $0x4000  }
0x4d: {  	p0 =	seq.s32 s23, $0x0;
	[sflag:s14] =	ssyncset.done $0x0  }
0x4e: {  	s0 =	simm.s32 @!p0 $0x3;
	[sflag:s14] =	ssyncadd.s32 $0xFFFFC000  }
0x4f: {  	_ =	swait.ge @!p0 [sflag:s0], $0x1000  }
0x50: {  	[sflag:s0] =	ssyncset.done @!p0 $0x0  }
0x51: {  	[sflag:s0] =	ssyncadd.s32 @!p0 $0xFFFFF000  }
0x52: {  	v15 =	vld [tilespmem:$0x3500];
	_ =	sdelay $0x3  }
0x53: {  	s7 =	simm.s32 $0x1;
	v14 =	vld [tilespmem:$0x3510]  }
0x54: {  	s26 =	simm.s32 $0x3;
	v13 =	vld [tilespmem:$0x3520];
	v9 =	vadd.s32 s7, v15  }
0x55: {  	s31 =	simm.s32 $0x0;
	s3 =	simm.s32 $0x4;
	v12 =	vld [tilespmem:$0x3530];
	v20 =	vadd.s32 s26, v15;
	v18 =	vadd.s32 v0, v9  }
0x56: {  	s25 =	simm.s32 $0x7;
	v11 =	vld [tilespmem:$0x3540];
	v8 =	vadd.s32 s31, v15;
	v21 =	vadd.s32 s3, v15;
	v20 =	vadd.s32 v0, v20  }
0x57: {  	s1 =	simm.s32 $0x2;
	s6 =	simm.s32 $0x5;
	v10 =	vld [tilespmem:$0x3550];
	v16 =	vadd.s32 v0, v8;
	v8 =	vadd.s32 s25, v15;
	v21 =	vadd.s32 v0, v21  }
0x58: {  	v22 =	vadd.s32 s6, v15;
	v9 =	vld [tilespmem:$0x3560];
	v17 =	vadd.s32 v0, v8;
	v8 =	vadd.s32 s1, v15  }
0x59: {  	s29 =	simm.s32 $0x6;
	v22 =	vadd.s32 v0, v22;
	v19 =	vadd.s32 v0, v8;
	v8 =	vld [tilespmem:$0x3570]  }
0x5a: {  	v23 =	vadd.s32 s29, v15;
	v18 =	vld.idx.msk [tilespmem:v18+s11+$0x0], $0xffff  }
0x5b: {  	v23 =	vadd.s32 v0, v23;
	v20 =	vld.idx.msk [tilespmem:v20+s11+$0x0], $0xffff  }
0x5c: {  	v25 =	vadd.s32 s7, v14;
	v21 =	vld.idx.msk [tilespmem:v21+s11+$0x0], $0xffff  }
0x5d: {  	v27 =	vadd.s32 s26, v14;
	v25 =	vadd.s32 v1, v25;
	v17 =	vld.idx.msk [tilespmem:v17+s11+$0x0], $0xffff  }
0x5e: {  	s28 =	simm.s32 $0xB800;
	v24 =	vadd.s32 s25, v14;
	v27 =	vadd.s32 v1, v27;
	v22 =	vld.idx.msk [tilespmem:v22+s11+$0x0], $0xffff  }
0x5f: {  	v28 =	vadd.s32 s3, v14;
	v24 =	vadd.s32 v1, v24;
	v19 =	vld.idx.msk [tilespmem:v19+s11+$0x0], $0xffff;
	[tilespmem:s28+$0xFFFFFE80] =	vst v18  }
0x60: {  	v26 =	vadd.s32 s1, v14;
	v28 =	vadd.s32 v1, v28;
	v23 =	vld.idx.msk [tilespmem:v23+s11+$0x0], $0xffff;
	[tilespmem:s28+$0xFFFFFF80] =	vst v20  }
0x61: {  	v29 =	vadd.s32 s6, v14;
	v26 =	vadd.s32 v1, v26;
	v16 =	vld.idx.msk [tilespmem:v16+s11+$0x0], $0xffff;
	[tilespmem:s28+$0x0] =	vst v21  }
0x62: {  	v18 =	vadd.s32 s29, v14;
	[tilespmem:s28+$0x180] =	vst v17;
	v17 =	vadd.s32 v1, v29;
	v25 =	vld.idx.msk [tilespmem:v25+s11+$0x0], $0xffff  }
0x63: {  	[tilespmem:s28+$0x80] =	vst v22;
	v18 =	vadd.s32 v1, v18;
	v29 =	vadd.s32 s31, v14;
	v27 =	vld.idx.msk [tilespmem:v27+s11+$0x0], $0xffff  }
0x64: {  	v24 =	vld.idx.msk [tilespmem:v24+s11+$0x0], $0xffff;
	[tilespmem:s28+$0xFFFFFF00] =	vst v19;
	v19 =	vadd.s32 s25, v13;
	v20 =	vadd.s32 v1, v29  }
0x65: {  	[tilespmem:s28+$0x100] =	vst v23;
	v28 =	vld.idx.msk [tilespmem:v28+s11+$0x0], $0xffff;
	v29 =	vadd.s32 s7, v13;
	v19 =	vadd.s32 v2, v19  }
0x66: {  	[tilespmem:s28+$0xFFFFFE00] =	vst v16;
	v26 =	vld.idx.msk [tilespmem:v26+s11+$0x0], $0xffff;
	v21 =	vadd.s32 v2, v29;
	v29 =	vadd.s32 s1, v13  }
0x67: {  	v22 =	vadd.s32 v2, v29;
	v29 =	vadd.s32 s26, v13;
	v17 =	vld.idx.msk [tilespmem:v17+s11+$0x0], $0xffff;
	[tilespmem:s28+$0xFFFFFE90] =	vst v25  }
0x68: {  	v23 =	vadd.s32 v2, v29;
	v29 =	vadd.s32 s3, v13;
	v18 =	vld.idx.msk [tilespmem:v18+s11+$0x0], $0xffff;
	[tilespmem:s28+$0xFFFFFF90] =	vst v27  }
0x69: {  	v16 =	vadd.s32 v2, v29;
	[tilespmem:s28+$0x190] =	vst v24;
	v24 =	vadd.s32 s6, v13;
	v20 =	vld.idx.msk [tilespmem:v20+s11+$0x0], $0xffff  }
0x6a: {  	v29 =	vadd.s32 s31, v13;
	[tilespmem:s28+$0x10] =	vst v28;
	v19 =	vld.idx.msk [tilespmem:v19+s11+$0x0], $0xffff;
	v24 =	vadd.s32 v2, v24  }
0x6b: {  	v25 =	vadd.s32 s25, v12;
	v27 =	vadd.s32 v2, v29;
	v21 =	vld.idx.msk [tilespmem:v21+s11+$0x0], $0xffff;
	[tilespmem:s28+$0xFFFFFF10] =	vst v26  }
0x6c: {  	v25 =	vadd.s32 v3, v25;
	v26 =	vadd.s32 s29, v13;
	v22 =	vld.idx.msk [tilespmem:v22+s11+$0x0], $0xffff;
	[tilespmem:s28+$0x90] =	vst v17  }
0x6d: {  	v29 =	vadd.s32 s7, v12;
	v26 =	vadd.s32 v2, v26;
	v23 =	vld.idx.msk [tilespmem:v23+s11+$0x0], $0xffff;
	[tilespmem:s28+$0x110] =	vst v18  }
0x6e: {  	v28 =	vadd.s32 v3, v29;
	v29 =	vadd.s32 s1, v12;
	v16 =	vld.idx.msk [tilespmem:v16+s11+$0x0], $0xffff;
	[tilespmem:s28+$0xFFFFFE10] =	vst v20  }
0x6f: {  	v17 =	vadd.s32 v3, v29;
	v29 =	vadd.s32 s26, v12;
	v24 =	vld.idx.msk [tilespmem:v24+s11+$0x0], $0xffff;
	[tilespmem:s28+$0x1A0] =	vst v19  }
0x70: {  	v19 =	vadd.s32 v3, v29;
	v29 =	vadd.s32 s3, v12;
	v27 =	vld.idx.msk [tilespmem:v27+s11+$0x0], $0xffff;
	[tilespmem:s28+$0xFFFFFEA0] =	vst v21  }
0x71: {  	v21 =	vadd.s32 s6, v12;
	v18 =	vld.idx.msk [tilespmem:v25+s11+$0x0], $0xffff;
	v20 =	vadd.s32 v3, v29;
	[tilespmem:s28+$0xFFFFFF20] =	vst v22  }
0x72: {  	v25 =	vld.idx.msk [tilespmem:v26+s11+$0x0], $0xffff;
	v26 =	vadd.s32 s25, v11;
	v21 =	vadd.s32 v3, v21;
	[tilespmem:s28+$0xFFFFFFA0] =	vst v23  }
0x73: {  	v28 =	vld.idx.msk [tilespmem:v28+s11+$0x0], $0xffff;
	v22 =	vadd.s32 s29, v12;
	v26 =	vadd.s32 v4, v26;
	[tilespmem:s28+$0x20] =	vst v16  }
0x74: {  	v29 =	vadd.s32 s31, v12;
	v22 =	vadd.s32 v3, v22;
	v17 =	vld.idx.msk [tilespmem:v17+s11+$0x0], $0xffff;
	[tilespmem:s28+$0xA0] =	vst v24  }
0x75: {  	v23 =	vadd.s32 v3, v29;
	v29 =	vadd.s32 s7, v11;
	v19 =	vld.idx.msk [tilespmem:v19+s11+$0x0], $0xffff;
	[tilespmem:s28+$0xFFFFFE20] =	vst v27  }
0x76: {  	v16 =	vadd.s32 v4, v29;
	v29 =	vadd.s32 s1, v11;
	v20 =	vld.idx.msk [tilespmem:v20+s11+$0x0], $0xffff;
	[tilespmem:s28+$0x1B0] =	vst v18  }
0x77: {  	v18 =	vadd.s32 v4, v29;
	v29 =	vadd.s32 s26, v11;
	v21 =	vld.idx.msk [tilespmem:v21+s11+$0x0], $0xffff;
	[tilespmem:s28+$0x120] =	vst v25  }
0x78: {  	v27 =	vadd.s32 s3, v11;
	[tilespmem:s28+$0xFFFFFEB0] =	vst v28;
	v24 =	vld.idx.msk [tilespmem:v26+s11+$0x0], $0xffff;
	v26 =	vadd.s32 v4, v29  }
0x79: {  	v25 =	vadd.s32 s25, v10;
	v27 =	vadd.s32 v4, v27;
	v22 =	vld.idx.msk [tilespmem:v22+s11+$0x0], $0xffff;
	[tilespmem:s28+$0xFFFFFF30] =	vst v17  }
0x7a: {  	v28 =	vadd.s32 s6, v11;
	v25 =	vadd.s32 v5, v25;
	v23 =	vld.idx.msk [tilespmem:v23+s11+$0x0], $0xffff;
	[tilespmem:s28+$0xFFFFFFB0] =	vst v19  }
0x7b: {  	v16 =	vld.idx.msk [tilespmem:v16+s11+$0x0], $0xffff;
	v17 =	vadd.s32 v4, v28;
	v28 =	vadd.s32 s29, v11;
	[tilespmem:s28+$0x30] =	vst v20  }
0x7c: {  	v29 =	vadd.s32 s31, v11;
	v19 =	vadd.s32 v4, v28;
	v18 =	vld.idx.msk [tilespmem:v18+s11+$0x0], $0xffff;
	[tilespmem:s28+$0xB0] =	vst v21  }
0x7d: {  	v28 =	vadd.s32 v4, v29;
	v29 =	vadd.s32 s7, v10;
	v26 =	vld.idx.msk [tilespmem:v26+s11+$0x0], $0xffff;
	[tilespmem:s28+$0x1C0] =	vst v24  }
0x7e: {  	v24 =	vadd.s32 v5, v29;
	v29 =	vadd.s32 s1, v10;
	v27 =	vld.idx.msk [tilespmem:v27+s11+$0x0], $0xffff;
	[tilespmem:s28+$0x130] =	vst v22  }
0x7f: {  	[tilespmem:s28+$0xFFFFFE30] =	vst v23;
	v23 =	vadd.s32 s3, v10;
	v20 =	vld.idx.msk [tilespmem:v25+s11+$0x0], $0xffff;
	v25 =	vadd.s32 v5, v29  }
0x80: {  	v21 =	vadd.s32 s25, v9;
	v17 =	vld.idx.msk [tilespmem:v17+s11+$0x0], $0xffff;
	[tilespmem:s28+$0xFFFFFEC0] =	vst v16;
	v16 =	vadd.s32 v5, v23  }
0x81: {  	v21 =	vadd.s32 v6, v21;
	v29 =	vadd.s32 s26, v10;
	v19 =	vld.idx.msk [tilespmem:v19+s11+$0x0], $0xffff  }
0x82: {  	v23 =	vadd.s32 s6, v10;
	v22 =	vadd.s32 v5, v29;
	v28 =	vld.idx.msk [tilespmem:v28+s11+$0x0], $0xffff  }
0x83: {  	[tilespmem:s28+$0xFFFFFF40] =	vst v18;
	v18 =	vadd.s32 v5, v23;
	v23 =	vadd.s32 s29, v10;
	v24 =	vld.idx.msk [tilespmem:v24+s11+$0x0], $0xffff  }
0x84: {  	v29 =	vadd.s32 s31, v10;
	v23 =	vadd.s32 v5, v23;
	[tilespmem:s28+$0x40] =	vst v27;
	v25 =	vld.idx.msk [tilespmem:v25+s11+$0x0], $0xffff  }
0x85: {  	[tilespmem:s28+$0x1D0] =	vst v20;
	v20 =	vadd.s32 v5, v29;
	v29 =	vadd.s32 s7, v9;
	v16 =	vld.idx.msk [tilespmem:v16+s11+$0x0], $0xffff  }
0x86: {  	[tilespmem:s28+$0xFFFFFFC0] =	vst v26;
	v27 =	vadd.s32 s25, v8;
	v21 =	vld.idx.msk [tilespmem:v21+s11+$0x0], $0xffff;
	v26 =	vadd.s32 v6, v29  }
0x87: {  	[tilespmem:s28+$0xC0] =	vst v17;
	v17 =	vadd.s32 v7, v27;
	v22 =	vld.idx.msk [tilespmem:v22+s11+$0x0], $0xffff;
	v29 =	vadd.s32 s1, v9  }
0x88: {  	v27 =	vadd.s32 v6, v29;
	v29 =	vadd.s32 s26, v9;
	[tilespmem:s28+$0x140] =	vst v19;
	v18 =	vld.idx.msk [tilespmem:v18+s11+$0x0], $0xffff  }
0x89: {  	[tilespmem:s28+$0xFFFFFE40] =	vst v28;
	v28 =	vadd.s32 s3, v9;
	v19 =	vadd.s32 v6, v29;
	v23 =	vld.idx.msk [tilespmem:v23+s11+$0x0], $0xffff  }
0x8a: {  	[tilespmem:s28+$0xFFFFFED0] =	vst v24;
	v24 =	vadd.s32 s6, v9;
	v29 =	vld.idx.msk [tilespmem:v20+s11+$0x0], $0xffff;
	v20 =	vadd.s32 v6, v28  }
0x8b: {  	v24 =	vadd.s32 v6, v24;
	v28 =	vadd.s32 s29, v9;
	v26 =	vld.idx.msk [tilespmem:v26+s11+$0x0], $0xffff;
	[tilespmem:s28+$0x1E0] =	vst v21  }
0x8c: {  	s25 =	simm.s32 $0x8;
	[tilespmem:s28+$0xFFFFFF50] =	vst v25;
	v21 =	vadd.s32 s31, v9;
	v25 =	vadd.s32 v6, v28;
	v28 =	vld.idx.msk [tilespmem:v17+s11+$0x0], $0xffff  }
0x8d: {  	[tilespmem:s28+$0xFFFFFFD0] =	vst v22;
	v17 =	vadd.s32 s25, v15;
	v30 =	vadd.s32 v6, v21;
	v31 =	vld.idx.msk [tilespmem:v27+s11+$0x0], $0xffff  }
0x8e: {  	[tilespmem:s28+$0x50] =	vst v16;
	v22 =	vadd.s32 v0, v17;
	v17 =	vadd.s32 s7, v8;
	v21 =	vld.idx.msk [tilespmem:v19+s11+$0x0], $0xffff  }
0x8f: {  	v16 =	vadd.s32 s1, v8;
	[tilespmem:s28+$0xD0] =	vst v18;
	v32 =	vadd.s32 v7, v17;
	v20 =	vld.idx.msk [tilespmem:v20+s11+$0x0], $0xffff  }
0x90: {  	v27 =	vadd.s32 v7, v16;
	[tilespmem:s28+$0x150] =	vst v23;
	v17 =	vadd.s32 s26, v8;
	v18 =	vld.idx.msk [tilespmem:v24+s11+$0x0], $0xffff  }
0x91: {  	v16 =	vadd.s32 s3, v8;
	[tilespmem:s28+$0xFFFFFE50] =	vst v29;
	v19 =	vld.idx.msk [tilespmem:v25+s11+$0x0], $0xffff;
	v25 =	vadd.s32 v7, v17  }
0x92: {  	v23 =	vadd.s32 v7, v16;
	v24 =	vadd.s32 s6, v8;
	[tilespmem:s28+$0xFFFFFEE0] =	vst v26;
	v17 =	vld.idx.msk [tilespmem:v30+s11+$0x0], $0xffff  }
0x93: {  	v26 =	vadd.s32 s29, v8;
	v24 =	vadd.s32 v7, v24;
	[tilespmem:s28+$0x1F0] =	vst v28;
	v16 =	vld.idx.msk [tilespmem:v22+s11+$0x0], $0xffff  }
0x94: {  	s30 =	simm.s32 $0x10;
	s26 =	sshll.u32 s23, $0x1;
	s29 =	simm.s32 $0xF;
	v28 =	vadd.s32 s31, v8;
	[tilespmem:s28+$0xFFFFFF60] =	vst v31;
	v26 =	vadd.s32 v7, v26;
	v22 =	vld.idx.msk [tilespmem:v32+s11+$0x0], $0xffff  }
.LBB2_3:
0x95: {  	p1 =	slt.u32 s30, $0x18;
	s31 =	sadd.s32 $0x1, s25;
	v29 =	vadd.s32 s29, v15;
	v28 =	vadd.s32 v7, v28;
	v27 =	vld.idx.msk [tilespmem:v27+s11+$0x0], $0xffff;
	[tilespmem:s28+$0xFFFFFFE0] =	vst v21  }
0x96: {  	s1 =	sadd.s32 $0x2, s25;
	v21 =	vadd.s32 s31, v15;
	v29 =	vadd.s32 v0, v29;
	v25 =	vld.idx.msk [tilespmem:v25+s11+$0x0], $0xffff;
	[tilespmem:s28+$0x60] =	vst v20  }
0x97: {  	s0 =	sadd.s32 $0x3, s25;
	v20 =	vadd.s32 v0, v21;
	v21 =	vadd.s32 s1, v15;
	v23 =	vld.idx.msk [tilespmem:v23+s11+$0x0], $0xffff;
	[tilespmem:s28+$0xE0] =	vst v18  }
0x98: {  	s3 =	sadd.s32 $0x4, s25;
	v18 =	vadd.s32 v0, v21;
	v21 =	vadd.s32 s0, v15;
	v24 =	vld.idx.msk [tilespmem:v24+s11+$0x0], $0xffff;
	[tilespmem:s28+$0x160] =	vst v19  }
0x99: {  	s6 =	sadd.s32 $0x5, s25;
	v19 =	vadd.s32 v0, v21;
	v21 =	vadd.s32 s3, v15;
	[tilespmem:s28+$0xFFFFFE60] =	vst v17;
	v17 =	vld.idx.msk [tilespmem:v26+s11+$0x0], $0xffff  }
0x9a: {  	s7 =	sadd.s32 $0x6, s25;
	v26 =	vadd.s32 s6, v15;
	v21 =	vadd.s32 v0, v21;
	v28 =	vld.idx.msk [tilespmem:v28+s11+$0x0], $0xffff;
	[tilespmem:s28+$0xFFFFFEF0] =	vst v22  }
0x9b: {  	v22 =	vadd.s32 v0, v26;
	v26 =	vadd.s32 s7, v15;
	v29 =	vld.idx.msk [tilespmem:v29+s11+$0x0], $0xffff;
	[tilespmem:s28+$0xFFFFFF70] =	vst v27  }
0x9c: {  	v26 =	vadd.s32 v0, v26;
	v27 =	vadd.s32 s29, v14;
	v20 =	vld.idx.msk [tilespmem:v20+s11+$0x0], $0xffff;
	[tilespmem:s28+$0xFFFFFFF0] =	vst v25  }
0x9d: {  	v25 =	vadd.s32 s31, v14;
	v27 =	vadd.s32 v1, v27;
	v18 =	vld.idx.msk [tilespmem:v18+s11+$0x0], $0xffff;
	[tilespmem:s28+$0x70] =	vst v23  }
0x9e: {  	v23 =	vadd.s32 v1, v25;
	v25 =	vadd.s32 s1, v14;
	v19 =	vld.idx.msk [tilespmem:v19+s11+$0x0], $0xffff;
	[tilespmem:s28+$0xF0] =	vst v24  }
0x9f: {  	v24 =	vadd.s32 v1, v25;
	v25 =	vadd.s32 s0, v14;
	v21 =	vld.idx.msk [tilespmem:v21+s11+$0x0], $0xffff;
	[tilespmem:s28+$0x170] =	vst v17  }
0xa0: {  	v17 =	vadd.s32 v1, v25;
	v25 =	vadd.s32 s3, v14;
	v22 =	vld.idx.msk [tilespmem:v22+s11+$0x0], $0xffff;
	[tilespmem:s28+$0xFFFFFE70] =	vst v28;
	s28 =	sadd.s32 $0x400, s28  }
0xa1: {  	v25 =	vadd.s32 v1, v25;
	v28 =	vadd.s32 s6, v14;
	v26 =	vld.idx.msk [tilespmem:v26+s11+$0x0], $0xffff;
	[tilespmem:s28+$0x180] =	vst v29  }
0xa2: {  	[tilespmem:s28+$0xFFFFFE80] =	vst v20;
	v20 =	vadd.s32 v1, v28;
	v28 =	vadd.s32 s7, v14;
	v27 =	vld.idx.msk [tilespmem:v27+s11+$0x0], $0xffff  }
0xa3: {  	v23 =	vld.idx.msk [tilespmem:v23+s11+$0x0], $0xffff;
	[tilespmem:s28+$0xFFFFFF00] =	vst v18;
	v18 =	vadd.s32 v1, v28;
	v28 =	vadd.s32 s29, v13  }
0xa4: {  	v29 =	vadd.s32 s25, v14;
	v24 =	vld.idx.msk [tilespmem:v24+s11+$0x0], $0xffff;
	[tilespmem:s28+$0xFFFFFF80] =	vst v19;
	v19 =	vadd.s32 v2, v28  }
0xa5: {  	v28 =	vadd.s32 v1, v29;
	v29 =	vadd.s32 s31, v13;
	v17 =	vld.idx.msk [tilespmem:v17+s11+$0x0], $0xffff;
	[tilespmem:s28+$0x0] =	vst v21  }
0xa6: {  	v21 =	vadd.s32 v2, v29;
	v29 =	vadd.s32 s1, v13;
	v25 =	vld.idx.msk [tilespmem:v25+s11+$0x0], $0xffff;
	[tilespmem:s28+$0x80] =	vst v22  }
0xa7: {  	v22 =	vadd.s32 v2, v29;
	v29 =	vadd.s32 s0, v13;
	v20 =	vld.idx.msk [tilespmem:v20+s11+$0x0], $0xffff;
	[tilespmem:s28+$0x100] =	vst v26  }
0xa8: {  	v26 =	vadd.s32 v2, v29;
	v29 =	vadd.s32 s3, v13;
	v18 =	vld.idx.msk [tilespmem:v18+s11+$0x0], $0xffff;
	[tilespmem:s28+$0x190] =	vst v27  }
0xa9: {  	v27 =	vadd.s32 s6, v13;
	[tilespmem:s28+$0xFFFFFE00] =	vst v16;
	v16 =	vadd.s32 v2, v29;
	v19 =	vld.idx.msk [tilespmem:v19+s11+$0x0], $0xffff  }
0xaa: {  	v28 =	vld.idx.msk [tilespmem:v28+s11+$0x0], $0xffff;
	[tilespmem:s28+$0xFFFFFE90] =	vst v23;
	v23 =	vadd.s32 v2, v27;
	v27 =	vadd.s32 s29, v12  }
0xab: {  	v21 =	vld.idx.msk [tilespmem:v21+s11+$0x0], $0xffff;
	[tilespmem:s28+$0xFFFFFF10] =	vst v24;
	v24 =	vadd.s32 s7, v13;
	v27 =	vadd.s32 v3, v27  }
0xac: {  	v29 =	vadd.s32 s25, v13;
	v22 =	vld.idx.msk [tilespmem:v22+s11+$0x0], $0xffff;
	[tilespmem:s28+$0xFFFFFF90] =	vst v17;
	v17 =	vadd.s32 v2, v24  }
0xad: {  	v24 =	vadd.s32 v2, v29;
	v29 =	vadd.s32 s31, v12;
	v26 =	vld.idx.msk [tilespmem:v26+s11+$0x0], $0xffff;
	[tilespmem:s28+$0x10] =	vst v25  }
0xae: {  	v25 =	vadd.s32 v3, v29;
	v29 =	vadd.s32 s1, v12;
	v16 =	vld.idx.msk [tilespmem:v16+s11+$0x0], $0xffff;
	[tilespmem:s28+$0x90] =	vst v20  }
0xaf: {  	v20 =	vadd.s32 v3, v29;
	v29 =	vadd.s32 s0, v12;
	v23 =	vld.idx.msk [tilespmem:v23+s11+$0x0], $0xffff;
	[tilespmem:s28+$0x1A0] =	vst v19  }
0xb0: {  	v19 =	vadd.s32 v3, v29;
	v29 =	vadd.s32 s3, v12;
	[tilespmem:s28+$0x110] =	vst v18;
	v18 =	vld.idx.msk [tilespmem:v27+s11+$0x0], $0xffff  }
0xb1: {  	v27 =	vadd.s32 v3, v29;
	[tilespmem:s28+$0xFFFFFE10] =	vst v28;
	v17 =	vld.idx.msk [tilespmem:v17+s11+$0x0], $0xffff;
	v28 =	vadd.s32 s29, v11  }
0xb2: {  	v24 =	vld.idx.msk [tilespmem:v24+s11+$0x0], $0xffff;
	[tilespmem:s28+$0xFFFFFEA0] =	vst v21;
	v21 =	vadd.s32 s6, v12;
	v28 =	vadd.s32 v4, v28  }
0xb3: {  	v25 =	vld.idx.msk [tilespmem:v25+s11+$0x0], $0xffff;
	[tilespmem:s28+$0xFFFFFF20] =	vst v22;
	v21 =	vadd.s32 v3, v21;
	v22 =	vadd.s32 s7, v12  }
0xb4: {  	v29 =	vadd.s32 s25, v12;
	v20 =	vld.idx.msk [tilespmem:v20+s11+$0x0], $0xffff;
	[tilespmem:s28+$0xFFFFFFA0] =	vst v26;
	v22 =	vadd.s32 v3, v22  }
0xb5: {  	v26 =	vadd.s32 v3, v29;
	v29 =	vadd.s32 s31, v11;
	v19 =	vld.idx.msk [tilespmem:v19+s11+$0x0], $0xffff;
	[tilespmem:s28+$0x20] =	vst v16  }
0xb6: {  	v16 =	vadd.s32 v4, v29;
	v29 =	vadd.s32 s1, v11;
	v27 =	vld.idx.msk [tilespmem:v27+s11+$0x0], $0xffff;
	[tilespmem:s28+$0x1B0] =	vst v18  }
0xb7: {  	v18 =	vadd.s32 v4, v29;
	v29 =	vadd.s32 s0, v11;
	[tilespmem:s28+$0xA0] =	vst v23;
	v23 =	vld.idx.msk [tilespmem:v28+s11+$0x0], $0xffff  }
0xb8: {  	v28 =	vadd.s32 v4, v29;
	v21 =	vld.idx.msk [tilespmem:v21+s11+$0x0], $0xffff;
	[tilespmem:s28+$0x120] =	vst v17;
	v17 =	vadd.s32 s29, v10  }
0xb9: {  	[tilespmem:s28+$0xFFFFFE20] =	vst v24;
	v24 =	vadd.s32 s3, v11;
	v22 =	vld.idx.msk [tilespmem:v22+s11+$0x0], $0xffff;
	v17 =	vadd.s32 v5, v17  }
0xba: {  	v26 =	vld.idx.msk [tilespmem:v26+s11+$0x0], $0xffff;
	[tilespmem:s28+$0xFFFFFEB0] =	vst v25;
	v24 =	vadd.s32 v4, v24;
	v25 =	vadd.s32 s6, v11  }
0xbb: {  	v16 =	vld.idx.msk [tilespmem:v16+s11+$0x0], $0xffff;
	[tilespmem:s28+$0xFFFFFF30] =	vst v20;
	v20 =	vadd.s32 v4, v25;
	v25 =	vadd.s32 s7, v11  }
0xbc: {  	v29 =	vadd.s32 s25, v11;
	v18 =	vld.idx.msk [tilespmem:v18+s11+$0x0], $0xffff;
	[tilespmem:s28+$0xFFFFFFB0] =	vst v19;
	v19 =	vadd.s32 v4, v25  }
0xbd: {  	v25 =	vadd.s32 v4, v29;
	v29 =	vadd.s32 s31, v10;
	v28 =	vld.idx.msk [tilespmem:v28+s11+$0x0], $0xffff;
	[tilespmem:s28+$0x1C0] =	vst v23  }
0xbe: {  	v23 =	vadd.s32 v5, v29;
	v29 =	vadd.s32 s1, v10;
	[tilespmem:s28+$0x30] =	vst v27;
	v17 =	vld.idx.msk [tilespmem:v17+s11+$0x0], $0xffff  }
0xbf: {  	v27 =	vadd.s32 v5, v29;
	v24 =	vld.idx.msk [tilespmem:v24+s11+$0x0], $0xffff;
	[tilespmem:s28+$0xB0] =	vst v21;
	v21 =	vadd.s32 s29, v9  }
0xc0: {  	v29 =	vadd.s32 s0, v10;
	v20 =	vld.idx.msk [tilespmem:v20+s11+$0x0], $0xffff;
	[tilespmem:s28+$0x130] =	vst v22;
	v21 =	vadd.s32 v6, v21  }
0xc1: {  	v22 =	vadd.s32 v5, v29;
	[tilespmem:s28+$0xFFFFFE30] =	vst v26;
	v26 =	vadd.s32 s3, v10;
	v19 =	vld.idx.msk [tilespmem:v19+s11+$0x0], $0xffff  }
0xc2: {  	v25 =	vld.idx.msk [tilespmem:v25+s11+$0x0], $0xffff;
	[tilespmem:s28+$0xFFFFFEC0] =	vst v16;
	v16 =	vadd.s32 v5, v26;
	v26 =	vadd.s32 s6, v10  }
0xc3: {  	v23 =	vld.idx.msk [tilespmem:v23+s11+$0x0], $0xffff;
	[tilespmem:s28+$0xFFFFFF40] =	vst v18;
	v18 =	vadd.s32 v5, v26;
	v26 =	vadd.s32 s7, v10  }
0xc4: {  	v29 =	vadd.s32 s25, v10;
	v27 =	vld.idx.msk [tilespmem:v27+s11+$0x0], $0xffff;
	v26 =	vadd.s32 v5, v26;
	[tilespmem:s28+$0x1D0] =	vst v17  }
0xc5: {  	v17 =	vadd.s32 v5, v29;
	v29 =	vadd.s32 s31, v9;
	[tilespmem:s28+$0xFFFFFFC0] =	vst v28;
	v21 =	vld.idx.msk [tilespmem:v21+s11+$0x0], $0xffff  }
0xc6: {  	v28 =	vadd.s32 v6, v29;
	v22 =	vld.idx.msk [tilespmem:v22+s11+$0x0], $0xffff;
	[tilespmem:s28+$0x40] =	vst v24;
	v24 =	vadd.s32 s29, v8  }
0xc7: {  	v29 =	vadd.s32 s1, v9;
	v16 =	vld.idx.msk [tilespmem:v16+s11+$0x0], $0xffff;
	[tilespmem:s28+$0xC0] =	vst v20;
	v20 =	vadd.s32 v7, v24  }
0xc8: {  	v24 =	vadd.s32 v6, v29;
	v29 =	vadd.s32 s0, v9;
	v18 =	vld.idx.msk [tilespmem:v18+s11+$0x0], $0xffff;
	[tilespmem:s28+$0x140] =	vst v19  }
0xc9: {  	v19 =	vadd.s32 v6, v29;
	[tilespmem:s28+$0xFFFFFE40] =	vst v25;
	v25 =	vadd.s32 s3, v9;
	v26 =	vld.idx.msk [tilespmem:v26+s11+$0x0], $0xffff  }
0xca: {  	v17 =	vld.idx.msk [tilespmem:v17+s11+$0x0], $0xffff;
	[tilespmem:s28+$0xFFFFFED0] =	vst v23;
	v23 =	vadd.s32 v6, v25;
	v25 =	vadd.s32 s6, v9  }
0xcb: {  	v29 =	vadd.s32 s7, v9;
	v28 =	vld.idx.msk [tilespmem:v28+s11+$0x0], $0xffff;
	v25 =	vadd.s32 v6, v25;
	[tilespmem:s28+$0x1E0] =	vst v21  }
0xcc: {  	v29 =	vadd.s32 v6, v29;
	v21 =	vadd.s32 s25, v9;
	[tilespmem:s28+$0xFFFFFF50] =	vst v27;
	v30 =	vld.idx.msk [tilespmem:v20+s11+$0x0], $0xffff  }
0xcd: {  	v20 =	vadd.s32 s30, v15;
	v31 =	vadd.s32 v6, v21;
	v32 =	vld.idx.msk [tilespmem:v24+s11+$0x0], $0xffff;
	[tilespmem:s28+$0xFFFFFFD0] =	vst v22  }
0xce: {  	v22 =	vadd.s32 v0, v20;
	v20 =	vadd.s32 s31, v8;
	v21 =	vld.idx.msk [tilespmem:v19+s11+$0x0], $0xffff;
	[tilespmem:s28+$0x50] =	vst v16  }
0xcf: {  	v33 =	vadd.s32 v7, v20;
	v16 =	vadd.s32 s1, v8;
	v20 =	vld.idx.msk [tilespmem:v23+s11+$0x0], $0xffff;
	[tilespmem:s28+$0xD0] =	vst v18  }
.Ltmp0:
0xd0: {  	v27 =	vadd.s32 v7, v16;
	v16 =	vadd.s32 s0, v8;
	v18 =	vld.idx.msk [tilespmem:v25+s11+$0x0], $0xffff;
	[tilespmem:s28+$0x150] =	vst v26;
	(pc) =	sbr.rel @p1 .LBB2_3-.Ltmp0, $4  }
0xd1: {  	v25 =	vadd.s32 v7, v16;
	v16 =	vadd.s32 s3, v8;
	[tilespmem:s28+$0xFFFFFE50] =	vst v17;
	v19 =	vld.idx.msk [tilespmem:v29+s11+$0x0], $0xffff  }
0xd2: {  	v24 =	vadd.s32 s6, v8;
	v23 =	vadd.s32 v7, v16;
	v17 =	vld.idx.msk [tilespmem:v31+s11+$0x0], $0xffff;
	[tilespmem:s28+$0x1F0] =	vst v30  }
0xd3: {  	v24 =	vadd.s32 v7, v24;
	v26 =	vadd.s32 s7, v8;
	v16 =	vld.idx.msk [tilespmem:v22+s11+$0x0], $0xffff;
	[tilespmem:s28+$0xFFFFFEE0] =	vst v28  }
0xd4: {  	s29 =	sadd.s32 $0x7, s30;
	v26 =	vadd.s32 v7, v26;
	v28 =	vadd.s32 s25, v8;
	s25 =	smov.u32 s30;
	s30 =	sadd.s32 $0x8, s30;
	v22 =	vld.idx.msk [tilespmem:v33+s11+$0x0], $0xffff;
	[tilespmem:s28+$0xFFFFFF60] =	vst v32  }
0xd5: {  	_ =	sdelay $0x2  }
0xd6: {  	[tilespmem:s28+$0xFFFFFFE0] =	vst v21;
	v38 =	vadd.s32 s29, v15  }
0xd7: {  	s1 =	sadd.s32 $0x1, s25;
	v28 =	vadd.s32 v7, v28;
	v27 =	vld.idx.msk [tilespmem:v27+s11+$0x0], $0xffff;
	[tilespmem:s28+$0x60] =	vst v20;
	v48 =	vadd.s32 s29, v14;
	v60 =	vadd.s32 s25, v14  }
0xd8: {  	s3 =	sadd.s32 $0x2, s25;
	[tilespmem:s28+$0xE0] =	vst v18;
	s6 =	sadd.s32 $0x3, s25;
	s7 =	sadd.s32 $0x4, s25;
	v39 =	vadd.s32 s1, v15;
	v21 =	vadd.s32 v0, v38;
	v25 =	vld.idx.msk [tilespmem:v25+s11+$0x0], $0xffff;
	v50 =	vadd.s32 s1, v14  }
0xd9: {  	s30 =	sadd.s32 $0x5, s25;
	s31 =	sadd.s32 $0x6, s25;
	[tilespmem:s28+$0x160] =	vst v19;
	v51 =	vadd.s32 s3, v14;
	v52 =	vadd.s32 s6, v14;
	v54 =	vadd.s32 s7, v14  }
0xda: {  	s0 =	sadd.s32 $0x400, s28;
	v23 =	vld.idx.msk [tilespmem:v23+s11+$0x0], $0xffff;
	v56 =	vadd.s32 s30, v14;
	v59 =	vadd.s32 s31, v14;
	v14 =	vadd.s32 v1, v60;
	[tilespmem:s28+$0xFFFFFE60] =	vst v17  }
0xdb: {  	v41 =	vadd.s32 s3, v15;
	v24 =	vld.idx.msk [tilespmem:v24+s11+$0x0], $0xffff;
	v40 =	vadd.s32 v0, v39;
	[tilespmem:s0+$0xFFFFFE00] =	vst v16  }
0xdc: {  	v43 =	vadd.s32 s6, v15;
	v42 =	vadd.s32 v0, v41;
	v26 =	vld.idx.msk [tilespmem:v26+s11+$0x0], $0xffff;
	[tilespmem:s28+$0xFFFFFEF0] =	vst v22  }
0xdd: {  	v45 =	vadd.s32 s7, v15;
	v44 =	vadd.s32 v0, v43;
	v28 =	vld.idx.msk [tilespmem:v28+s11+$0x0], $0xffff;
	[tilespmem:s28+$0xFFFFFF70] =	vst v27  }
0xde: {  	v47 =	vadd.s32 s31, v15;
	v20 =	vadd.s32 v0, v45;
	v21 =	vld.idx.msk [tilespmem:v21+s11+$0x0], $0xffff;
	[tilespmem:s28+$0xFFFFFFF0] =	vst v25  }
0xdf: {  	v46 =	vadd.s32 s30, v15;
	v15 =	vadd.s32 v0, v47;
	[tilespmem:s28+$0x70] =	vst v23;
	v14 =	vld.idx.msk [tilespmem:v14+s11+$0x0], $0xffff  }
0xe0: {  	v22 =	vadd.s32 v0, v46;
	[tilespmem:s28+$0xF0] =	vst v24;
	v18 =	vld.idx.msk [tilespmem:v40+s11+$0x0], $0xffff  }
0xe1: {  	v49 =	vadd.s32 v1, v48;
	v19 =	vld.idx.msk [tilespmem:v42+s11+$0x0], $0xffff;
	[tilespmem:s28+$0x170] =	vst v26  }
0xe2: {  	v24 =	vadd.s32 v1, v50;
	v17 =	vld.idx.msk [tilespmem:v44+s11+$0x0], $0xffff;
	[tilespmem:s28+$0xFFFFFE70] =	vst v28  }
0xe3: {  	v25 =	vadd.s32 v1, v51;
	v20 =	vld.idx.msk [tilespmem:v20+s11+$0x0], $0xffff;
	[tilespmem:s0+$0x180] =	vst v21  }
0xe4: {  	v58 =	vadd.s32 s29, v13;
	v36 =	vadd.s32 s25, v13;
	v53 =	vadd.s32 v1, v52;
	v15 =	vld.idx.msk [tilespmem:v15+s11+$0x0], $0xffff;
	[tilespmem:s0+$0xFFFFFE10] =	vst v14  }
0xe5: {  	v62 =	vadd.s32 s1, v13;
	v29 =	vadd.s32 s6, v13;
	v55 =	vadd.s32 v1, v54;
	v22 =	vld.idx.msk [tilespmem:v22+s11+$0x0], $0xffff;
	[tilespmem:s0+$0xFFFFFE80] =	vst v18  }
0xe6: {  	v31 =	vadd.s32 s7, v13;
	v34 =	vadd.s32 s30, v13;
	v57 =	vadd.s32 v1, v56;
	v23 =	vld.idx.msk [tilespmem:v49+s11+$0x0], $0xffff;
	[tilespmem:s0+$0xFFFFFF00] =	vst v19  }
0xe7: {  	v35 =	vadd.s32 s31, v13;
	v28 =	vadd.s32 s3, v13;
	v13 =	vadd.s32 v2, v36;
	[tilespmem:s0+$0xFFFFFF80] =	vst v17;
	v24 =	vld.idx.msk [tilespmem:v24+s11+$0x0], $0xffff  }
0xe8: {  	[tilespmem:s0+$0x0] =	vst v20;
	v17 =	vadd.s32 v1, v59;
	v61 =	vld.idx.msk [tilespmem:v25+s11+$0x0], $0xffff  }
0xe9: {  	v26 =	vadd.s32 v2, v58;
	[tilespmem:s0+$0x100] =	vst v15;
	v21 =	vld.idx.msk [tilespmem:v53+s11+$0x0], $0xffff  }
0xea: {  	v63 =	vadd.s32 v2, v62;
	v18 =	vld.idx.msk [tilespmem:v55+s11+$0x0], $0xffff;
	[tilespmem:s0+$0x80] =	vst v22  }
0xeb: {  	v33 =	vadd.s32 s29, v12;
	v38 =	vadd.s32 s1, v12;
	v22 =	vadd.s32 v2, v28;
	v19 =	vld.idx.msk [tilespmem:v57+s11+$0x0], $0xffff;
	[tilespmem:s0+$0x190] =	vst v23  }
0xec: {  	v48 =	vadd.s32 s31, v12;
	v30 =	vadd.s32 v2, v29;
	v39 =	vadd.s32 s3, v12;
	v13 =	vld.idx.msk [tilespmem:v13+s11+$0x0], $0xffff;
	[tilespmem:s0+$0xFFFFFE90] =	vst v24  }
0xed: {  	v41 =	vadd.s32 s6, v12;
	v20 =	vadd.s32 v2, v34;
	v49 =	vadd.s32 s25, v12;
	v17 =	vld.idx.msk [tilespmem:v17+s11+$0x0], $0xffff;
	[tilespmem:s0+$0xFFFFFF10] =	vst v61  }
0xee: {  	v45 =	vadd.s32 s7, v12;
	v46 =	vadd.s32 s30, v12;
	v12 =	vadd.s32 v3, v49;
	v32 =	vld.idx.msk [tilespmem:v26+s11+$0x0], $0xffff;
	[tilespmem:s0+$0xFFFFFF90] =	vst v21  }
0xef: {  	v23 =	vadd.s32 v2, v31;
	[tilespmem:s0+$0x10] =	vst v18;
	v15 =	vld.idx.msk [tilespmem:v63+s11+$0x0], $0xffff  }
0xf0: {  	v21 =	vadd.s32 v2, v35;
	v37 =	vld.idx.msk [tilespmem:v22+s11+$0x0], $0xffff;
	[tilespmem:s0+$0x90] =	vst v19  }
0xf1: {  	v24 =	vadd.s32 v3, v33;
	v16 =	vld.idx.msk [tilespmem:v30+s11+$0x0], $0xffff;
	[tilespmem:s0+$0xFFFFFE20] =	vst v13  }
0xf2: {  	v19 =	vadd.s32 v3, v38;
	v42 =	vld.idx.msk [tilespmem:v20+s11+$0x0], $0xffff;
	[tilespmem:s0+$0x110] =	vst v17  }
0xf3: {  	v52 =	vadd.s32 s3, v11;
	v56 =	vadd.s32 s7, v11;
	v40 =	vadd.s32 v3, v39;
	v12 =	vld.idx.msk [tilespmem:v12+s11+$0x0], $0xffff;
	[tilespmem:s0+$0x1A0] =	vst v32  }
0xf4: {  	v43 =	vadd.s32 v3, v41;
	v50 =	vadd.s32 s1, v11;
	v44 =	vadd.s32 s29, v11;
	v23 =	vld.idx.msk [tilespmem:v23+s11+$0x0], $0xffff;
	[tilespmem:s0+$0xFFFFFEA0] =	vst v15  }
0xf5: {  	v58 =	vadd.s32 s31, v11;
	v59 =	vadd.s32 s25, v11;
	v18 =	vadd.s32 v3, v46;
	v21 =	vld.idx.msk [tilespmem:v21+s11+$0x0], $0xffff;
	[tilespmem:s0+$0xFFFFFF20] =	vst v37  }
0xf6: {  	v55 =	vadd.s32 s6, v11;
	v57 =	vadd.s32 s30, v11;
	v11 =	vadd.s32 v4, v59;
	v24 =	vld.idx.msk [tilespmem:v24+s11+$0x0], $0xffff;
	[tilespmem:s0+$0xFFFFFFA0] =	vst v16  }
0xf7: {  	v15 =	vadd.s32 v3, v45;
	v47 =	vld.idx.msk [tilespmem:v19+s11+$0x0], $0xffff;
	[tilespmem:s0+$0xA0] =	vst v42  }
0xf8: {  	v22 =	vadd.s32 v4, v44;
	v17 =	vld.idx.msk [tilespmem:v40+s11+$0x0], $0xffff;
	[tilespmem:s0+$0xFFFFFE30] =	vst v12  }
0xf9: {  	v19 =	vadd.s32 v3, v48;
	v20 =	vld.idx.msk [tilespmem:v43+s11+$0x0], $0xffff;
	[tilespmem:s0+$0x20] =	vst v23  }
0xfa: {  	v60 =	vadd.s32 s1, v10;
	v54 =	vadd.s32 s29, v10;
	v51 =	vadd.s32 v4, v50;
	v18 =	vld.idx.msk [tilespmem:v18+s11+$0x0], $0xffff;
	[tilespmem:s0+$0x120] =	vst v21  }
0xfb: {  	v62 =	vadd.s32 s3, v10;
	v29 =	vadd.s32 s25, v10;
	v53 =	vadd.s32 v4, v52;
	v11 =	vld.idx.msk [tilespmem:v11+s11+$0x0], $0xffff;
	[tilespmem:s0+$0x1B0] =	vst v24  }
0xfc: {  	v27 =	vadd.s32 s30, v10;
	v28 =	vadd.s32 s31, v10;
	v13 =	vadd.s32 v4, v55;
	v15 =	vld.idx.msk [tilespmem:v15+s11+$0x0], $0xffff;
	[tilespmem:s0+$0xFFFFFEB0] =	vst v47  }
0xfd: {  	v26 =	vadd.s32 s7, v10;
	v24 =	vadd.s32 s6, v10;
	v10 =	vadd.s32 v5, v29;
	v22 =	vld.idx.msk [tilespmem:v22+s11+$0x0], $0xffff;
	[tilespmem:s0+$0xFFFFFF30] =	vst v17  }
0xfe: {  	v16 =	vadd.s32 v4, v56;
	v19 =	vld.idx.msk [tilespmem:v19+s11+$0x0], $0xffff;
	[tilespmem:s0+$0xFFFFFFB0] =	vst v20  }
0xff: {  	v17 =	vadd.s32 v4, v57;
	v14 =	vld.idx.msk [tilespmem:v51+s11+$0x0], $0xffff;
	[tilespmem:s0+$0xB0] =	vst v18  }
0x100: {  	v23 =	vadd.s32 v5, v54;
	v21 =	vld.idx.msk [tilespmem:v53+s11+$0x0], $0xffff;
	[tilespmem:s0+$0xFFFFFE40] =	vst v11  }
0x101: {  	v20 =	vadd.s32 v4, v58;
	v13 =	vld.idx.msk [tilespmem:v13+s11+$0x0], $0xffff;
	[tilespmem:s0+$0x30] =	vst v15  }
0x102: {  	v41 =	vadd.s32 s31, v9;
	v39 =	vadd.s32 s30, v9;
	v63 =	vadd.s32 v5, v62;
	v10 =	vld.idx.msk [tilespmem:v10+s11+$0x0], $0xffff;
	[tilespmem:s0+$0x1C0] =	vst v22  }
0x103: {  	v61 =	vadd.s32 s29, v9;
	v33 =	vadd.s32 s3, v9;
	v25 =	vadd.s32 v5, v24;
	[tilespmem:s0+$0x130] =	vst v19;
	v16 =	vld.idx.msk [tilespmem:v16+s11+$0x0], $0xffff  }
0x104: {  	v35 =	vadd.s32 s6, v9;
	v43 =	vadd.s32 s25, v9;
	v15 =	vadd.s32 v5, v60;
	v17 =	vld.idx.msk [tilespmem:v17+s11+$0x0], $0xffff;
	[tilespmem:s0+$0xFFFFFEC0] =	vst v14  }
0x105: {  	v32 =	vadd.s32 s1, v9;
	v37 =	vadd.s32 s7, v9;
	v9 =	vadd.s32 v6, v43;
	v22 =	vld.idx.msk [tilespmem:v23+s11+$0x0], $0xffff;
	[tilespmem:s0+$0xFFFFFF40] =	vst v21  }
0x106: {  	v19 =	vadd.s32 v5, v26;
	v20 =	vld.idx.msk [tilespmem:v20+s11+$0x0], $0xffff;
	[tilespmem:s0+$0xFFFFFFC0] =	vst v13  }
0x107: {  	v21 =	vadd.s32 v5, v27;
	v12 =	vld.idx.msk [tilespmem:v63+s11+$0x0], $0xffff;
	[tilespmem:s0+$0xFFFFFE50] =	vst v10  }
0x108: {  	v18 =	vadd.s32 v6, v61;
	v14 =	vld.idx.msk [tilespmem:v25+s11+$0x0], $0xffff;
	[tilespmem:s0+$0x40] =	vst v16  }
0x109: {  	v49 =	vadd.s32 s6, v8;
	v52 =	vadd.s32 s7, v8;
	v30 =	vadd.s32 v5, v28;
	v15 =	vld.idx.msk [tilespmem:v15+s11+$0x0], $0xffff;
	[tilespmem:s0+$0xC0] =	vst v17  }
0x10a: {  	v31 =	vadd.s32 s29, v8;
	v46 =	vadd.s32 s3, v8;
	v34 =	vadd.s32 v6, v33;
	v9 =	vld.idx.msk [tilespmem:v9+s11+$0x0], $0xffff;
	[tilespmem:s0+$0x1D0] =	vst v22  }
0x10b: {  	v36 =	vadd.s32 v6, v35;
	v55 =	vadd.s32 s30, v8;
	v45 =	vadd.s32 s1, v8;
	[tilespmem:s0+$0x140] =	vst v20;
	v19 =	vld.idx.msk [tilespmem:v19+s11+$0x0], $0xffff  }
0x10c: {  	v57 =	vadd.s32 s31, v8;
	v8 =	vadd.s32 s25, v8;
	v17 =	vadd.s32 v6, v32;
	v21 =	vld.idx.msk [tilespmem:v21+s11+$0x0], $0xffff;
	[tilespmem:s0+$0xFFFFFF50] =	vst v12  }
0x10d: {  	v8 =	vadd.s32 v7, v8;
	v18 =	vld.idx.msk [tilespmem:v18+s11+$0x0], $0xffff;
	[tilespmem:s0+$0xFFFFFFD0] =	vst v14  }
0x10e: {  	v38 =	vadd.s32 v6, v37;
	v13 =	vld.idx.msk [tilespmem:v30+s11+$0x0], $0xffff;
	[tilespmem:s0+$0xFFFFFED0] =	vst v15  }
0x10f: {  	v40 =	vadd.s32 v6, v39;
	v11 =	vld.idx.msk [tilespmem:v34+s11+$0x0], $0xffff;
	[tilespmem:s0+$0xFFFFFE60] =	vst v9  }
0x110: {  	v16 =	vadd.s32 v7, v31;
	v15 =	vld.idx.msk [tilespmem:v36+s11+$0x0], $0xffff;
	[tilespmem:s0+$0x50] =	vst v19  }
0x111: {  	v44 =	vadd.s32 v6, v41;
	v42 =	vld.idx.msk [tilespmem:v17+s11+$0x0], $0xffff;
	[tilespmem:s0+$0xD0] =	vst v21  }
0x112: {  	v48 =	vadd.s32 v7, v46;
	v8 =	vld.idx.msk [tilespmem:v8+s11+$0x0], $0xffff;
	[tilespmem:s0+$0x1E0] =	vst v18  }
0x113: {  	v51 =	vadd.s32 v7, v49;
	[tilespmem:s0+$0x150] =	vst v13;
	v47 =	vld.idx.msk [tilespmem:v38+s11+$0x0], $0xffff  }
0x114: {  	v19 =	vadd.s32 v7, v45;
	v50 =	vld.idx.msk [tilespmem:v40+s11+$0x0], $0xffff;
	[tilespmem:s0+$0xFFFFFF60] =	vst v11  }
0x115: {  	v54 =	vadd.s32 v7, v52;
	v16 =	vld.idx.msk [tilespmem:v16+s11+$0x0], $0xffff;
	[tilespmem:s0+$0xFFFFFFE0] =	vst v15  }
0x116: {  	v56 =	vadd.s32 v7, v55;
	v53 =	vld.idx.msk [tilespmem:v44+s11+$0x0], $0xffff;
	[tilespmem:s0+$0xFFFFFEE0] =	vst v42  }
0x117: {  	v59 =	vadd.s32 v7, v57;
	v60 =	vld.idx.msk [tilespmem:v48+s11+$0x0], $0xffff;
	[tilespmem:s0+$0xFFFFFE70] =	vst v8  }
0x118: {  	v12 =	vld.idx.msk [tilespmem:v51+s11+$0x0], $0xffff;
	[tilespmem:s0+$0x60] =	vst v47  }
0x119: {  	v58 =	vld.idx.msk [tilespmem:v19+s11+$0x0], $0xffff;
	[tilespmem:s0+$0xE0] =	vst v50  }
0x11a: {  	[tilespmem:s0+$0x1F0] =	vst v16;
	v61 =	vld.idx.msk [tilespmem:v54+s11+$0x0], $0xffff  }
0x11b: {  	[tilespmem:s0+$0x160] =	vst v53;
	v62 =	vld.idx.msk [tilespmem:v56+s11+$0x0], $0xffff  }
0x11c: {  	v63 =	vld.idx.msk [tilespmem:v59+s11+$0x0], $0xffff;
	[tilespmem:s0+$0xFFFFFF70] =	vst v60  }
0x11d: {  	p1 =	sne.s32 s23, $0x33;
	s29 =	sadd.s32 s5, s26;
	[tilespmem:s0+$0xFFFFFFF0] =	vst v12  }
.Ltmp1:
0x11e: {  	s30 =	sshll.u32 s29, $0x7;
	[tilespmem:s0+$0xFFFFFEF0] =	vst v58;
	(pc) =	sbr.rel @p1 .LBB2_6-.Ltmp1, $4  }
0x11f: {  	s3 =	sand.u32 $0x3F00, s30;
	s1 =	sshll.u32 s29, $0x9;
	[tilespmem:s0+$0x70] =	vst v61  }
0x120: {  	s3 =	sadd.s32 s2, s3;
	s1 =	sand.u32 $0xFFF0000, s1;
	[tilespmem:s0+$0xF0] =	vst v62  }
0x121: {  	s31 =	sadd.s32 s1, s3;
	[tilespmem:s0+$0x170] =	vst v63  }
0x122: {  	[hbm4b:s31+s15] =	stream.strided.scatter [tilespmem:s17], [sflag:$0x3], $0x1000, s16, s15, $0x38;
	[tilespmem:$0xD600] =	vst v63  }
.Ltmp2:
0x123: {  	(pc) =	sbr.rel .LBB2_7-.Ltmp2, $4  }
0x124: {  	_ = 	snop  }
0x125: {  	_ =	swait.ge [sflag:s18], $0x4000  }
0x126: {  	[sflag:s18] =	ssyncset.done $0x0  }
0x127: {  	[sflag:s18] =	ssyncadd.s32 $0xFFFFC000  }
.LBB2_6:
0x128: {  	s0 =	sshll.u32 s23, $0x8  }
0x129: {  	s0 =	sand.u32 $0x3FFFFF00, s0  }
0x12a: {  	v8 =	vld [tilespmem:s0+$0x100];
	_ =	sdelay $0x4  }
0x12b: {  	v9 =	vshrl.u32 v8, $0x2;
	v8 =	vshll.u32 v8, $0x5  }
0x12c: {  	[tilespmem:$0x3400] =	vst v9;
	v8 =	vand.u32 $0x60, v8  }
0x12d: {  	[tilespmem:$0x3500] =	vst v8  }
0x12e: {  	v8 =	vld [tilespmem:s0+$0x110];
	_ =	sdelay $0x4  }
0x12f: {  	v57 =	vshrl.u32 v8, $0x2;
	v8 =	vshll.u32 v8, $0x5  }
0x130: {  	[tilespmem:$0x3410] =	vst v57;
	v8 =	vand.u32 $0x60, v8  }
0x131: {  	[tilespmem:$0x3510] =	vst v8  }
0x132: {  	v8 =	vld [tilespmem:s0+$0x120];
	_ =	sdelay $0x4  }
0x133: {  	v58 =	vshrl.u32 v8, $0x2;
	v8 =	vshll.u32 v8, $0x5  }
0x134: {  	[tilespmem:$0x3420] =	vst v58;
	v8 =	vand.u32 $0x60, v8  }
0x135: {  	[tilespmem:$0x3520] =	vst v8  }
0x136: {  	v8 =	vld [tilespmem:s0+$0x130];
	_ =	sdelay $0x4  }
0x137: {  	v59 =	vshrl.u32 v8, $0x2;
	v8 =	vshll.u32 v8, $0x5  }
0x138: {  	[tilespmem:$0x3430] =	vst v59;
	v8 =	vand.u32 $0x60, v8  }
0x139: {  	[tilespmem:$0x3530] =	vst v8  }
0x13a: {  	v8 =	vld [tilespmem:s0+$0x140];
	_ =	sdelay $0x4  }
0x13b: {  	v60 =	vshrl.u32 v8, $0x2;
	v8 =	vshll.u32 v8, $0x5  }
0x13c: {  	[tilespmem:$0x3440] =	vst v60;
	v8 =	vand.u32 $0x60, v8  }
0x13d: {  	[tilespmem:$0x3540] =	vst v8  }
0x13e: {  	v8 =	vld [tilespmem:s0+$0x150];
	_ =	sdelay $0x4  }
0x13f: {  	v61 =	vshrl.u32 v8, $0x2;
	v8 =	vshll.u32 v8, $0x5  }
0x140: {  	[tilespmem:$0x3450] =	vst v61;
	v8 =	vand.u32 $0x60, v8  }
0x141: {  	[tilespmem:$0x3550] =	vst v8  }
0x142: {  	v8 =	vld [tilespmem:s0+$0x160];
	_ =	sdelay $0x4  }
0x143: {  	v62 =	vshrl.u32 v8, $0x2;
	v8 =	vshll.u32 v8, $0x5  }
0x144: {  	[tilespmem:$0x3460] =	vst v62;
	v8 =	vand.u32 $0x60, v8  }
0x145: {  	[tilespmem:$0x3560] =	vst v8  }
0x146: {  	v8 =	vld [tilespmem:s0+$0x170];
	_ =	sdelay $0x4  }
0x147: {  	v63 =	vshrl.u32 v8, $0x2;
	v8 =	vshll.u32 v8, $0x5  }
0x148: {  	[tilespmem:$0x3470] =	vst v63;
	v8 =	vand.u32 $0x60, v8  }
.Ltmp3:
0x149: {  	[tilespmem:$0x3570] =	vst v8;
	(pc) =	sbr.rel @p0 .LBB2_8-.Ltmp3, $4  }
0x14a: {  	[tilespmem:s11], [sflag:$0x1] =	stream.indirect.gather [hbm4b:s4+s9], $0x80, s10, s9, $0xb8;
	[tilespmem:$0xD600] =	vst v63  }
0x14b: {  	_ =	swait.ge [sflag:s18], $0x4000  }
0x14c: {  	[sflag:s18] =	ssyncset.done $0x0  }
0x14d: {  	[sflag:s18] =	ssyncadd.s32 $0xFFFFC000  }
.LBB2_7:
0x14e: {  	_ =	swait.ge [sflag:s19], $0x1000  }
0x14f: {  	[sflag:s19] =	ssyncset.done $0x0  }
0x150: {  	[sflag:s19] =	ssyncadd.s32 $0xFFFFF000  }
.LBB2_8:
0x151: {  	v15 =	vld [tilespmem:$0x3580];
	_ =	sdelay $0x3  }
0x152: {  	v14 =	vld [tilespmem:$0x3590];
	s7 =	simm.s32 $0x1  }
0x153: {  	v13 =	vld [tilespmem:$0x35A0];
	s28 =	simm.s32 $0x3;
	v9 =	vadd.s32 s7, v15  }
0x154: {  	s0 =	simm.s32 $0x0;
	v12 =	vld [tilespmem:$0x35B0];
	s3 =	simm.s32 $0x4;
	v20 =	vadd.s32 s28, v15;
	v18 =	vadd.s32 v0, v9  }
0x155: {  	s25 =	simm.s32 $0x7;
	v11 =	vld [tilespmem:$0x35C0];
	v8 =	vadd.s32 s0, v15;
	v21 =	vadd.s32 s3, v15;
	v20 =	vadd.s32 v0, v20  }
0x156: {  	s1 =	simm.s32 $0x2;
	v10 =	vld [tilespmem:$0x35D0];
	s6 =	simm.s32 $0x5;
	v16 =	vadd.s32 v0, v8;
	v8 =	vadd.s32 s25, v15;
	v21 =	vadd.s32 v0, v21  }
0x157: {  	v22 =	vadd.s32 s6, v15;
	v9 =	vld [tilespmem:$0x35E0];
	v17 =	vadd.s32 v0, v8;
	v8 =	vadd.s32 s1, v15  }
0x158: {  	s29 =	simm.s32 $0x6;
	v22 =	vadd.s32 v0, v22;
	v19 =	vadd.s32 v0, v8;
	v8 =	vld [tilespmem:$0x35F0]  }
0x159: {  	v23 =	vadd.s32 s29, v15;
	v18 =	vld.idx.msk [tilespmem:v18+s13+$0x0], $0xffff  }
0x15a: {  	v23 =	vadd.s32 v0, v23;
	v20 =	vld.idx.msk [tilespmem:v20+s13+$0x0], $0xffff  }
0x15b: {  	v25 =	vadd.s32 s7, v14;
	v21 =	vld.idx.msk [tilespmem:v21+s13+$0x0], $0xffff  }
0x15c: {  	v27 =	vadd.s32 s28, v14;
	v25 =	vadd.s32 v1, v25;
	v17 =	vld.idx.msk [tilespmem:v17+s13+$0x0], $0xffff  }
0x15d: {  	s26 =	simm.s32 $0xC9F0;
	v24 =	vadd.s32 s25, v14;
	v27 =	vadd.s32 v1, v27;
	v22 =	vld.idx.msk [tilespmem:v22+s13+$0x0], $0xffff  }
0x15e: {  	v28 =	vadd.s32 s3, v14;
	v24 =	vadd.s32 v1, v24;
	v19 =	vld.idx.msk [tilespmem:v19+s13+$0x0], $0xffff;
	[tilespmem:s26+$0xFFFFFC90] =	vst v18  }
0x15f: {  	v26 =	vadd.s32 s1, v14;
	v28 =	vadd.s32 v1, v28;
	v23 =	vld.idx.msk [tilespmem:v23+s13+$0x0], $0xffff;
	[tilespmem:s26+$0xFFFFFD90] =	vst v20  }
0x160: {  	v29 =	vadd.s32 s6, v14;
	v26 =	vadd.s32 v1, v26;
	v16 =	vld.idx.msk [tilespmem:v16+s13+$0x0], $0xffff;
	[tilespmem:s26+$0xFFFFFE10] =	vst v21  }
0x161: {  	v18 =	vadd.s32 s29, v14;
	[tilespmem:s26+$0xFFFFFF90] =	vst v17;
	v17 =	vadd.s32 v1, v29;
	v25 =	vld.idx.msk [tilespmem:v25+s13+$0x0], $0xffff  }
0x162: {  	[tilespmem:s26+$0xFFFFFE90] =	vst v22;
	v18 =	vadd.s32 v1, v18;
	v29 =	vadd.s32 s0, v14;
	v27 =	vld.idx.msk [tilespmem:v27+s13+$0x0], $0xffff  }
0x163: {  	v24 =	vld.idx.msk [tilespmem:v24+s13+$0x0], $0xffff;
	[tilespmem:s26+$0xFFFFFD10] =	vst v19;
	v19 =	vadd.s32 s25, v13;
	v20 =	vadd.s32 v1, v29  }
0x164: {  	[tilespmem:s26+$0xFFFFFF10] =	vst v23;
	v28 =	vld.idx.msk [tilespmem:v28+s13+$0x0], $0xffff;
	v29 =	vadd.s32 s7, v13;
	v19 =	vadd.s32 v2, v19  }
0x165: {  	[tilespmem:s26+$0xFFFFFC10] =	vst v16;
	v26 =	vld.idx.msk [tilespmem:v26+s13+$0x0], $0xffff;
	v21 =	vadd.s32 v2, v29;
	v29 =	vadd.s32 s1, v13  }
0x166: {  	v22 =	vadd.s32 v2, v29;
	v29 =	vadd.s32 s28, v13;
	v17 =	vld.idx.msk [tilespmem:v17+s13+$0x0], $0xffff;
	[tilespmem:s26+$0xFFFFFCA0] =	vst v25  }
0x167: {  	v23 =	vadd.s32 v2, v29;
	v29 =	vadd.s32 s3, v13;
	v18 =	vld.idx.msk [tilespmem:v18+s13+$0x0], $0xffff;
	[tilespmem:s26+$0xFFFFFDA0] =	vst v27  }
0x168: {  	v16 =	vadd.s32 v2, v29;
	[tilespmem:s26+$0xFFFFFFA0] =	vst v24;
	v24 =	vadd.s32 s6, v13;
	v20 =	vld.idx.msk [tilespmem:v20+s13+$0x0], $0xffff  }
0x169: {  	v29 =	vadd.s32 s0, v13;
	[tilespmem:s26+$0xFFFFFE20] =	vst v28;
	v19 =	vld.idx.msk [tilespmem:v19+s13+$0x0], $0xffff;
	v24 =	vadd.s32 v2, v24  }
0x16a: {  	v25 =	vadd.s32 s25, v12;
	v27 =	vadd.s32 v2, v29;
	v21 =	vld.idx.msk [tilespmem:v21+s13+$0x0], $0xffff;
	[tilespmem:s26+$0xFFFFFD20] =	vst v26  }
0x16b: {  	v25 =	vadd.s32 v3, v25;
	v26 =	vadd.s32 s29, v13;
	v22 =	vld.idx.msk [tilespmem:v22+s13+$0x0], $0xffff;
	[tilespmem:s26+$0xFFFFFEA0] =	vst v17  }
0x16c: {  	v29 =	vadd.s32 s7, v12;
	v26 =	vadd.s32 v2, v26;
	v23 =	vld.idx.msk [tilespmem:v23+s13+$0x0], $0xffff;
	[tilespmem:s26+$0xFFFFFF20] =	vst v18  }
0x16d: {  	v28 =	vadd.s32 v3, v29;
	v29 =	vadd.s32 s1, v12;
	v16 =	vld.idx.msk [tilespmem:v16+s13+$0x0], $0xffff;
	[tilespmem:s26+$0xFFFFFC20] =	vst v20  }
0x16e: {  	v17 =	vadd.s32 v3, v29;
	v29 =	vadd.s32 s28, v12;
	v24 =	vld.idx.msk [tilespmem:v24+s13+$0x0], $0xffff;
	[tilespmem:s26+$0xFFFFFFB0] =	vst v19  }
0x16f: {  	v19 =	vadd.s32 v3, v29;
	v29 =	vadd.s32 s3, v12;
	v27 =	vld.idx.msk [tilespmem:v27+s13+$0x0], $0xffff;
	[tilespmem:s26+$0xFFFFFCB0] =	vst v21  }
0x170: {  	v21 =	vadd.s32 s6, v12;
	v18 =	vld.idx.msk [tilespmem:v25+s13+$0x0], $0xffff;
	v20 =	vadd.s32 v3, v29;
	[tilespmem:s26+$0xFFFFFD30] =	vst v22  }
0x171: {  	v25 =	vld.idx.msk [tilespmem:v26+s13+$0x0], $0xffff;
	v26 =	vadd.s32 s25, v11;
	v21 =	vadd.s32 v3, v21;
	[tilespmem:s26+$0xFFFFFDB0] =	vst v23  }
0x172: {  	v28 =	vld.idx.msk [tilespmem:v28+s13+$0x0], $0xffff;
	v22 =	vadd.s32 s29, v12;
	v26 =	vadd.s32 v4, v26;
	[tilespmem:s26+$0xFFFFFE30] =	vst v16  }
0x173: {  	v29 =	vadd.s32 s0, v12;
	v22 =	vadd.s32 v3, v22;
	v17 =	vld.idx.msk [tilespmem:v17+s13+$0x0], $0xffff;
	[tilespmem:s26+$0xFFFFFEB0] =	vst v24  }
0x174: {  	v23 =	vadd.s32 v3, v29;
	v29 =	vadd.s32 s7, v11;
	v19 =	vld.idx.msk [tilespmem:v19+s13+$0x0], $0xffff;
	[tilespmem:s26+$0xFFFFFC30] =	vst v27  }
0x175: {  	v16 =	vadd.s32 v4, v29;
	v29 =	vadd.s32 s1, v11;
	v20 =	vld.idx.msk [tilespmem:v20+s13+$0x0], $0xffff;
	[tilespmem:s26+$0xFFFFFFC0] =	vst v18  }
0x176: {  	v18 =	vadd.s32 v4, v29;
	v29 =	vadd.s32 s28, v11;
	v21 =	vld.idx.msk [tilespmem:v21+s13+$0x0], $0xffff;
	[tilespmem:s26+$0xFFFFFF30] =	vst v25  }
0x177: {  	v27 =	vadd.s32 s3, v11;
	[tilespmem:s26+$0xFFFFFCC0] =	vst v28;
	v24 =	vld.idx.msk [tilespmem:v26+s13+$0x0], $0xffff;
	v26 =	vadd.s32 v4, v29  }
0x178: {  	v25 =	vadd.s32 s25, v10;
	v27 =	vadd.s32 v4, v27;
	v22 =	vld.idx.msk [tilespmem:v22+s13+$0x0], $0xffff;
	[tilespmem:s26+$0xFFFFFD40] =	vst v17  }
0x179: {  	v28 =	vadd.s32 s6, v11;
	v25 =	vadd.s32 v5, v25;
	v23 =	vld.idx.msk [tilespmem:v23+s13+$0x0], $0xffff;
	[tilespmem:s26+$0xFFFFFDC0] =	vst v19  }
0x17a: {  	v16 =	vld.idx.msk [tilespmem:v16+s13+$0x0], $0xffff;
	v17 =	vadd.s32 v4, v28;
	v28 =	vadd.s32 s29, v11;
	[tilespmem:s26+$0xFFFFFE40] =	vst v20  }
0x17b: {  	v29 =	vadd.s32 s0, v11;
	v19 =	vadd.s32 v4, v28;
	v18 =	vld.idx.msk [tilespmem:v18+s13+$0x0], $0xffff;
	[tilespmem:s26+$0xFFFFFEC0] =	vst v21  }
0x17c: {  	v28 =	vadd.s32 v4, v29;
	v29 =	vadd.s32 s7, v10;
	v26 =	vld.idx.msk [tilespmem:v26+s13+$0x0], $0xffff;
	[tilespmem:s26+$0xFFFFFFD0] =	vst v24  }
0x17d: {  	v24 =	vadd.s32 v5, v29;
	v29 =	vadd.s32 s1, v10;
	v27 =	vld.idx.msk [tilespmem:v27+s13+$0x0], $0xffff;
	[tilespmem:s26+$0xFFFFFF40] =	vst v22  }
0x17e: {  	[tilespmem:s26+$0xFFFFFC40] =	vst v23;
	v23 =	vadd.s32 s3, v10;
	v20 =	vld.idx.msk [tilespmem:v25+s13+$0x0], $0xffff;
	v25 =	vadd.s32 v5, v29  }
0x17f: {  	v21 =	vadd.s32 s25, v9;
	v17 =	vld.idx.msk [tilespmem:v17+s13+$0x0], $0xffff;
	[tilespmem:s26+$0xFFFFFCD0] =	vst v16;
	v16 =	vadd.s32 v5, v23  }
0x180: {  	v21 =	vadd.s32 v6, v21;
	v29 =	vadd.s32 s28, v10;
	v19 =	vld.idx.msk [tilespmem:v19+s13+$0x0], $0xffff  }
0x181: {  	v23 =	vadd.s32 s6, v10;
	v22 =	vadd.s32 v5, v29;
	v28 =	vld.idx.msk [tilespmem:v28+s13+$0x0], $0xffff  }
0x182: {  	[tilespmem:s26+$0xFFFFFD50] =	vst v18;
	v18 =	vadd.s32 v5, v23;
	v23 =	vadd.s32 s29, v10;
	v24 =	vld.idx.msk [tilespmem:v24+s13+$0x0], $0xffff  }
0x183: {  	v29 =	vadd.s32 s0, v10;
	v23 =	vadd.s32 v5, v23;
	[tilespmem:s26+$0xFFFFFE50] =	vst v27;
	v25 =	vld.idx.msk [tilespmem:v25+s13+$0x0], $0xffff  }
0x184: {  	[tilespmem:s26+$0xFFFFFFE0] =	vst v20;
	v20 =	vadd.s32 v5, v29;
	v29 =	vadd.s32 s7, v9;
	v16 =	vld.idx.msk [tilespmem:v16+s13+$0x0], $0xffff  }
0x185: {  	[tilespmem:s26+$0xFFFFFDD0] =	vst v26;
	v27 =	vadd.s32 s25, v8;
	v21 =	vld.idx.msk [tilespmem:v21+s13+$0x0], $0xffff;
	v26 =	vadd.s32 v6, v29  }
0x186: {  	[tilespmem:s26+$0xFFFFFED0] =	vst v17;
	v17 =	vadd.s32 v7, v27;
	v22 =	vld.idx.msk [tilespmem:v22+s13+$0x0], $0xffff;
	v29 =	vadd.s32 s1, v9  }
0x187: {  	v27 =	vadd.s32 v6, v29;
	v29 =	vadd.s32 s28, v9;
	[tilespmem:s26+$0xFFFFFF50] =	vst v19;
	v18 =	vld.idx.msk [tilespmem:v18+s13+$0x0], $0xffff  }
0x188: {  	[tilespmem:s26+$0xFFFFFC50] =	vst v28;
	v28 =	vadd.s32 s3, v9;
	v19 =	vadd.s32 v6, v29;
	v23 =	vld.idx.msk [tilespmem:v23+s13+$0x0], $0xffff  }
0x189: {  	[tilespmem:s26+$0xFFFFFCE0] =	vst v24;
	v24 =	vadd.s32 s6, v9;
	v29 =	vld.idx.msk [tilespmem:v20+s13+$0x0], $0xffff;
	v20 =	vadd.s32 v6, v28  }
0x18a: {  	v24 =	vadd.s32 v6, v24;
	v28 =	vadd.s32 s29, v9;
	v26 =	vld.idx.msk [tilespmem:v26+s13+$0x0], $0xffff;
	[tilespmem:s26+$0xFFFFFFF0] =	vst v21  }
0x18b: {  	s25 =	simm.s32 $0x8;
	[tilespmem:s26+$0xFFFFFD60] =	vst v25;
	v21 =	vadd.s32 s0, v9;
	v25 =	vadd.s32 v6, v28;
	v28 =	vld.idx.msk [tilespmem:v17+s13+$0x0], $0xffff  }
0x18c: {  	[tilespmem:s26+$0xFFFFFDE0] =	vst v22;
	v17 =	vadd.s32 s25, v15;
	v30 =	vadd.s32 v6, v21;
	v31 =	vld.idx.msk [tilespmem:v27+s13+$0x0], $0xffff  }
0x18d: {  	[tilespmem:s26+$0xFFFFFE60] =	vst v16;
	v22 =	vadd.s32 v0, v17;
	v17 =	vadd.s32 s7, v8;
	v21 =	vld.idx.msk [tilespmem:v19+s13+$0x0], $0xffff  }
0x18e: {  	v16 =	vadd.s32 s1, v8;
	[tilespmem:s26+$0xFFFFFEE0] =	vst v18;
	v32 =	vadd.s32 v7, v17;
	v20 =	vld.idx.msk [tilespmem:v20+s13+$0x0], $0xffff  }
0x18f: {  	v27 =	vadd.s32 v7, v16;
	[tilespmem:s26+$0xFFFFFF60] =	vst v23;
	v17 =	vadd.s32 s28, v8;
	v18 =	vld.idx.msk [tilespmem:v24+s13+$0x0], $0xffff  }
0x190: {  	v16 =	vadd.s32 s3, v8;
	[tilespmem:s26+$0xFFFFFC60] =	vst v29;
	v19 =	vld.idx.msk [tilespmem:v25+s13+$0x0], $0xffff;
	v25 =	vadd.s32 v7, v17  }
0x191: {  	v23 =	vadd.s32 v7, v16;
	v24 =	vadd.s32 s6, v8;
	[tilespmem:s26+$0xFFFFFCF0] =	vst v26;
	v17 =	vld.idx.msk [tilespmem:v30+s13+$0x0], $0xffff  }
0x192: {  	v26 =	vadd.s32 s29, v8;
	v24 =	vadd.s32 v7, v24;
	[tilespmem:s26+$0x0] =	vst v28;
	v16 =	vld.idx.msk [tilespmem:v22+s13+$0x0], $0xffff  }
0x193: {  	s23 =	sadd.s32 $0x1, s23;
	s28 =	simm.s32 $0xF;
	s29 =	simm.s32 $0x10;
	v28 =	vadd.s32 s0, v8;
	[tilespmem:s26+$0xFFFFFD70] =	vst v31;
	v26 =	vadd.s32 v7, v26;
	v22 =	vld.idx.msk [tilespmem:v32+s13+$0x0], $0xffff  }
.LBB2_9:
0x194: {  	p0 =	slt.u32 s29, $0x18;
	s30 =	sadd.s32 $0x1, s25;
	v29 =	vadd.s32 s28, v15;
	v28 =	vadd.s32 v7, v28;
	v27 =	vld.idx.msk [tilespmem:v27+s13+$0x0], $0xffff;
	[tilespmem:s26+$0xFFFFFDF0] =	vst v21  }
0x195: {  	s1 =	sadd.s32 $0x2, s25;
	v21 =	vadd.s32 s30, v15;
	v29 =	vadd.s32 v0, v29;
	v25 =	vld.idx.msk [tilespmem:v25+s13+$0x0], $0xffff;
	[tilespmem:s26+$0xFFFFFE70] =	vst v20  }
0x196: {  	s0 =	sadd.s32 $0x3, s25;
	v20 =	vadd.s32 v0, v21;
	v21 =	vadd.s32 s1, v15;
	v23 =	vld.idx.msk [tilespmem:v23+s13+$0x0], $0xffff;
	[tilespmem:s26+$0xFFFFFEF0] =	vst v18  }
0x197: {  	s3 =	sadd.s32 $0x4, s25;
	v18 =	vadd.s32 v0, v21;
	v21 =	vadd.s32 s0, v15;
	v24 =	vld.idx.msk [tilespmem:v24+s13+$0x0], $0xffff;
	[tilespmem:s26+$0xFFFFFF70] =	vst v19  }
0x198: {  	s6 =	sadd.s32 $0x5, s25;
	v19 =	vadd.s32 v0, v21;
	v21 =	vadd.s32 s3, v15;
	[tilespmem:s26+$0xFFFFFC70] =	vst v17;
	v17 =	vld.idx.msk [tilespmem:v26+s13+$0x0], $0xffff  }
0x199: {  	s7 =	sadd.s32 $0x6, s25;
	v26 =	vadd.s32 s6, v15;
	v21 =	vadd.s32 v0, v21;
	v28 =	vld.idx.msk [tilespmem:v28+s13+$0x0], $0xffff;
	[tilespmem:s26+$0xFFFFFD00] =	vst v22  }
0x19a: {  	v22 =	vadd.s32 v0, v26;
	v26 =	vadd.s32 s7, v15;
	v29 =	vld.idx.msk [tilespmem:v29+s13+$0x0], $0xffff;
	[tilespmem:s26+$0xFFFFFD80] =	vst v27  }
0x19b: {  	v26 =	vadd.s32 v0, v26;
	v27 =	vadd.s32 s28, v14;
	v20 =	vld.idx.msk [tilespmem:v20+s13+$0x0], $0xffff;
	[tilespmem:s26+$0xFFFFFE00] =	vst v25  }
0x19c: {  	v25 =	vadd.s32 s30, v14;
	v27 =	vadd.s32 v1, v27;
	v18 =	vld.idx.msk [tilespmem:v18+s13+$0x0], $0xffff;
	[tilespmem:s26+$0xFFFFFE80] =	vst v23  }
0x19d: {  	v23 =	vadd.s32 v1, v25;
	v25 =	vadd.s32 s1, v14;
	v19 =	vld.idx.msk [tilespmem:v19+s13+$0x0], $0xffff;
	[tilespmem:s26+$0xFFFFFF00] =	vst v24  }
0x19e: {  	v24 =	vadd.s32 v1, v25;
	v25 =	vadd.s32 s0, v14;
	v21 =	vld.idx.msk [tilespmem:v21+s13+$0x0], $0xffff;
	[tilespmem:s26+$0xFFFFFF80] =	vst v17  }
0x19f: {  	v17 =	vadd.s32 v1, v25;
	v25 =	vadd.s32 s3, v14;
	v22 =	vld.idx.msk [tilespmem:v22+s13+$0x0], $0xffff;
	[tilespmem:s26+$0xFFFFFC80] =	vst v28;
	s26 =	sadd.s32 $0x400, s26  }
0x1a0: {  	v25 =	vadd.s32 v1, v25;
	v28 =	vadd.s32 s6, v14;
	v26 =	vld.idx.msk [tilespmem:v26+s13+$0x0], $0xffff;
	[tilespmem:s26+$0xFFFFFF90] =	vst v29  }
0x1a1: {  	[tilespmem:s26+$0xFFFFFC90] =	vst v20;
	v20 =	vadd.s32 v1, v28;
	v28 =	vadd.s32 s7, v14;
	v27 =	vld.idx.msk [tilespmem:v27+s13+$0x0], $0xffff  }
0x1a2: {  	v23 =	vld.idx.msk [tilespmem:v23+s13+$0x0], $0xffff;
	[tilespmem:s26+$0xFFFFFD10] =	vst v18;
	v18 =	vadd.s32 v1, v28;
	v28 =	vadd.s32 s28, v13  }
0x1a3: {  	v29 =	vadd.s32 s25, v14;
	v24 =	vld.idx.msk [tilespmem:v24+s13+$0x0], $0xffff;
	[tilespmem:s26+$0xFFFFFD90] =	vst v19;
	v19 =	vadd.s32 v2, v28  }
0x1a4: {  	v28 =	vadd.s32 v1, v29;
	v29 =	vadd.s32 s30, v13;
	v17 =	vld.idx.msk [tilespmem:v17+s13+$0x0], $0xffff;
	[tilespmem:s26+$0xFFFFFE10] =	vst v21  }
0x1a5: {  	v21 =	vadd.s32 v2, v29;
	v29 =	vadd.s32 s1, v13;
	v25 =	vld.idx.msk [tilespmem:v25+s13+$0x0], $0xffff;
	[tilespmem:s26+$0xFFFFFE90] =	vst v22  }
0x1a6: {  	v22 =	vadd.s32 v2, v29;
	v29 =	vadd.s32 s0, v13;
	v20 =	vld.idx.msk [tilespmem:v20+s13+$0x0], $0xffff;
	[tilespmem:s26+$0xFFFFFF10] =	vst v26  }
0x1a7: {  	v26 =	vadd.s32 v2, v29;
	v29 =	vadd.s32 s3, v13;
	v18 =	vld.idx.msk [tilespmem:v18+s13+$0x0], $0xffff;
	[tilespmem:s26+$0xFFFFFFA0] =	vst v27  }
0x1a8: {  	v27 =	vadd.s32 s6, v13;
	[tilespmem:s26+$0xFFFFFC10] =	vst v16;
	v16 =	vadd.s32 v2, v29;
	v19 =	vld.idx.msk [tilespmem:v19+s13+$0x0], $0xffff  }
0x1a9: {  	v28 =	vld.idx.msk [tilespmem:v28+s13+$0x0], $0xffff;
	[tilespmem:s26+$0xFFFFFCA0] =	vst v23;
	v23 =	vadd.s32 v2, v27;
	v27 =	vadd.s32 s28, v12  }
0x1aa: {  	v21 =	vld.idx.msk [tilespmem:v21+s13+$0x0], $0xffff;
	[tilespmem:s26+$0xFFFFFD20] =	vst v24;
	v24 =	vadd.s32 s7, v13;
	v27 =	vadd.s32 v3, v27  }
0x1ab: {  	v29 =	vadd.s32 s25, v13;
	v22 =	vld.idx.msk [tilespmem:v22+s13+$0x0], $0xffff;
	[tilespmem:s26+$0xFFFFFDA0] =	vst v17;
	v17 =	vadd.s32 v2, v24  }
0x1ac: {  	v24 =	vadd.s32 v2, v29;
	v29 =	vadd.s32 s30, v12;
	v26 =	vld.idx.msk [tilespmem:v26+s13+$0x0], $0xffff;
	[tilespmem:s26+$0xFFFFFE20] =	vst v25  }
0x1ad: {  	v25 =	vadd.s32 v3, v29;
	v29 =	vadd.s32 s1, v12;
	v16 =	vld.idx.msk [tilespmem:v16+s13+$0x0], $0xffff;
	[tilespmem:s26+$0xFFFFFEA0] =	vst v20  }
0x1ae: {  	v20 =	vadd.s32 v3, v29;
	v29 =	vadd.s32 s0, v12;
	v23 =	vld.idx.msk [tilespmem:v23+s13+$0x0], $0xffff;
	[tilespmem:s26+$0xFFFFFFB0] =	vst v19  }
0x1af: {  	v19 =	vadd.s32 v3, v29;
	v29 =	vadd.s32 s3, v12;
	[tilespmem:s26+$0xFFFFFF20] =	vst v18;
	v18 =	vld.idx.msk [tilespmem:v27+s13+$0x0], $0xffff  }
0x1b0: {  	v27 =	vadd.s32 v3, v29;
	[tilespmem:s26+$0xFFFFFC20] =	vst v28;
	v17 =	vld.idx.msk [tilespmem:v17+s13+$0x0], $0xffff;
	v28 =	vadd.s32 s28, v11  }
0x1b1: {  	v24 =	vld.idx.msk [tilespmem:v24+s13+$0x0], $0xffff;
	[tilespmem:s26+$0xFFFFFCB0] =	vst v21;
	v21 =	vadd.s32 s6, v12;
	v28 =	vadd.s32 v4, v28  }
0x1b2: {  	v25 =	vld.idx.msk [tilespmem:v25+s13+$0x0], $0xffff;
	[tilespmem:s26+$0xFFFFFD30] =	vst v22;
	v21 =	vadd.s32 v3, v21;
	v22 =	vadd.s32 s7, v12  }
0x1b3: {  	v29 =	vadd.s32 s25, v12;
	v20 =	vld.idx.msk [tilespmem:v20+s13+$0x0], $0xffff;
	[tilespmem:s26+$0xFFFFFDB0] =	vst v26;
	v22 =	vadd.s32 v3, v22  }
0x1b4: {  	v26 =	vadd.s32 v3, v29;
	v29 =	vadd.s32 s30, v11;
	v19 =	vld.idx.msk [tilespmem:v19+s13+$0x0], $0xffff;
	[tilespmem:s26+$0xFFFFFE30] =	vst v16  }
0x1b5: {  	v16 =	vadd.s32 v4, v29;
	v29 =	vadd.s32 s1, v11;
	v27 =	vld.idx.msk [tilespmem:v27+s13+$0x0], $0xffff;
	[tilespmem:s26+$0xFFFFFFC0] =	vst v18  }
0x1b6: {  	v18 =	vadd.s32 v4, v29;
	v29 =	vadd.s32 s0, v11;
	[tilespmem:s26+$0xFFFFFEB0] =	vst v23;
	v23 =	vld.idx.msk [tilespmem:v28+s13+$0x0], $0xffff  }
0x1b7: {  	v28 =	vadd.s32 v4, v29;
	v21 =	vld.idx.msk [tilespmem:v21+s13+$0x0], $0xffff;
	[tilespmem:s26+$0xFFFFFF30] =	vst v17;
	v17 =	vadd.s32 s28, v10  }
0x1b8: {  	[tilespmem:s26+$0xFFFFFC30] =	vst v24;
	v24 =	vadd.s32 s3, v11;
	v22 =	vld.idx.msk [tilespmem:v22+s13+$0x0], $0xffff;
	v17 =	vadd.s32 v5, v17  }
0x1b9: {  	v26 =	vld.idx.msk [tilespmem:v26+s13+$0x0], $0xffff;
	[tilespmem:s26+$0xFFFFFCC0] =	vst v25;
	v24 =	vadd.s32 v4, v24;
	v25 =	vadd.s32 s6, v11  }
0x1ba: {  	v16 =	vld.idx.msk [tilespmem:v16+s13+$0x0], $0xffff;
	[tilespmem:s26+$0xFFFFFD40] =	vst v20;
	v20 =	vadd.s32 v4, v25;
	v25 =	vadd.s32 s7, v11  }
0x1bb: {  	v29 =	vadd.s32 s25, v11;
	v18 =	vld.idx.msk [tilespmem:v18+s13+$0x0], $0xffff;
	[tilespmem:s26+$0xFFFFFDC0] =	vst v19;
	v19 =	vadd.s32 v4, v25  }
0x1bc: {  	v25 =	vadd.s32 v4, v29;
	v29 =	vadd.s32 s30, v10;
	v28 =	vld.idx.msk [tilespmem:v28+s13+$0x0], $0xffff;
	[tilespmem:s26+$0xFFFFFFD0] =	vst v23  }
0x1bd: {  	v23 =	vadd.s32 v5, v29;
	v29 =	vadd.s32 s1, v10;
	[tilespmem:s26+$0xFFFFFE40] =	vst v27;
	v17 =	vld.idx.msk [tilespmem:v17+s13+$0x0], $0xffff  }
0x1be: {  	v27 =	vadd.s32 v5, v29;
	v24 =	vld.idx.msk [tilespmem:v24+s13+$0x0], $0xffff;
	[tilespmem:s26+$0xFFFFFEC0] =	vst v21;
	v21 =	vadd.s32 s28, v9  }
0x1bf: {  	v29 =	vadd.s32 s0, v10;
	v20 =	vld.idx.msk [tilespmem:v20+s13+$0x0], $0xffff;
	[tilespmem:s26+$0xFFFFFF40] =	vst v22;
	v21 =	vadd.s32 v6, v21  }
0x1c0: {  	v22 =	vadd.s32 v5, v29;
	[tilespmem:s26+$0xFFFFFC40] =	vst v26;
	v26 =	vadd.s32 s3, v10;
	v19 =	vld.idx.msk [tilespmem:v19+s13+$0x0], $0xffff  }
0x1c1: {  	v25 =	vld.idx.msk [tilespmem:v25+s13+$0x0], $0xffff;
	[tilespmem:s26+$0xFFFFFCD0] =	vst v16;
	v16 =	vadd.s32 v5, v26;
	v26 =	vadd.s32 s6, v10  }
0x1c2: {  	v23 =	vld.idx.msk [tilespmem:v23+s13+$0x0], $0xffff;
	[tilespmem:s26+$0xFFFFFD50] =	vst v18;
	v18 =	vadd.s32 v5, v26;
	v26 =	vadd.s32 s7, v10  }
0x1c3: {  	v29 =	vadd.s32 s25, v10;
	v27 =	vld.idx.msk [tilespmem:v27+s13+$0x0], $0xffff;
	v26 =	vadd.s32 v5, v26;
	[tilespmem:s26+$0xFFFFFFE0] =	vst v17  }
0x1c4: {  	v17 =	vadd.s32 v5, v29;
	v29 =	vadd.s32 s30, v9;
	[tilespmem:s26+$0xFFFFFDD0] =	vst v28;
	v21 =	vld.idx.msk [tilespmem:v21+s13+$0x0], $0xffff  }
0x1c5: {  	v28 =	vadd.s32 v6, v29;
	v22 =	vld.idx.msk [tilespmem:v22+s13+$0x0], $0xffff;
	[tilespmem:s26+$0xFFFFFE50] =	vst v24;
	v24 =	vadd.s32 s28, v8  }
0x1c6: {  	v29 =	vadd.s32 s1, v9;
	v16 =	vld.idx.msk [tilespmem:v16+s13+$0x0], $0xffff;
	[tilespmem:s26+$0xFFFFFED0] =	vst v20;
	v20 =	vadd.s32 v7, v24  }
0x1c7: {  	v24 =	vadd.s32 v6, v29;
	v29 =	vadd.s32 s0, v9;
	v18 =	vld.idx.msk [tilespmem:v18+s13+$0x0], $0xffff;
	[tilespmem:s26+$0xFFFFFF50] =	vst v19  }
0x1c8: {  	v19 =	vadd.s32 v6, v29;
	[tilespmem:s26+$0xFFFFFC50] =	vst v25;
	v25 =	vadd.s32 s3, v9;
	v26 =	vld.idx.msk [tilespmem:v26+s13+$0x0], $0xffff  }
0x1c9: {  	v17 =	vld.idx.msk [tilespmem:v17+s13+$0x0], $0xffff;
	[tilespmem:s26+$0xFFFFFCE0] =	vst v23;
	v23 =	vadd.s32 v6, v25;
	v25 =	vadd.s32 s6, v9  }
0x1ca: {  	v29 =	vadd.s32 s7, v9;
	v28 =	vld.idx.msk [tilespmem:v28+s13+$0x0], $0xffff;
	v25 =	vadd.s32 v6, v25;
	[tilespmem:s26+$0xFFFFFFF0] =	vst v21  }
0x1cb: {  	v29 =	vadd.s32 v6, v29;
	v21 =	vadd.s32 s25, v9;
	[tilespmem:s26+$0xFFFFFD60] =	vst v27;
	v30 =	vld.idx.msk [tilespmem:v20+s13+$0x0], $0xffff  }
0x1cc: {  	v20 =	vadd.s32 s29, v15;
	v31 =	vadd.s32 v6, v21;
	v32 =	vld.idx.msk [tilespmem:v24+s13+$0x0], $0xffff;
	[tilespmem:s26+$0xFFFFFDE0] =	vst v22  }
0x1cd: {  	v22 =	vadd.s32 v0, v20;
	v20 =	vadd.s32 s30, v8;
	v21 =	vld.idx.msk [tilespmem:v19+s13+$0x0], $0xffff;
	[tilespmem:s26+$0xFFFFFE60] =	vst v16  }
0x1ce: {  	v33 =	vadd.s32 v7, v20;
	v16 =	vadd.s32 s1, v8;
	v20 =	vld.idx.msk [tilespmem:v23+s13+$0x0], $0xffff;
	[tilespmem:s26+$0xFFFFFEE0] =	vst v18  }
.Ltmp4:
0x1cf: {  	v27 =	vadd.s32 v7, v16;
	v16 =	vadd.s32 s0, v8;
	v18 =	vld.idx.msk [tilespmem:v25+s13+$0x0], $0xffff;
	[tilespmem:s26+$0xFFFFFF60] =	vst v26;
	(pc) =	sbr.rel @p0 .LBB2_9-.Ltmp4, $4  }
0x1d0: {  	v25 =	vadd.s32 v7, v16;
	v16 =	vadd.s32 s3, v8;
	[tilespmem:s26+$0xFFFFFC60] =	vst v17;
	v19 =	vld.idx.msk [tilespmem:v29+s13+$0x0], $0xffff  }
0x1d1: {  	v24 =	vadd.s32 s6, v8;
	v23 =	vadd.s32 v7, v16;
	v17 =	vld.idx.msk [tilespmem:v31+s13+$0x0], $0xffff;
	[tilespmem:s26+$0x0] =	vst v30  }
0x1d2: {  	v24 =	vadd.s32 v7, v24;
	v26 =	vadd.s32 s7, v8;
	v16 =	vld.idx.msk [tilespmem:v22+s13+$0x0], $0xffff;
	[tilespmem:s26+$0xFFFFFCF0] =	vst v28  }
0x1d3: {  	s28 =	sadd.s32 $0x7, s29;
	v26 =	vadd.s32 v7, v26;
	v28 =	vadd.s32 s25, v8;
	s25 =	smov.u32 s29;
	s29 =	sadd.s32 $0x8, s29;
	v22 =	vld.idx.msk [tilespmem:v33+s13+$0x0], $0xffff;
	[tilespmem:s26+$0xFFFFFD70] =	vst v32  }
0x1d4: {  	_ =	sdelay $0x2  }
0x1d5: {  	[tilespmem:s26+$0xFFFFFDF0] =	vst v21;
	v38 =	vadd.s32 s28, v15  }
0x1d6: {  	s1 =	sadd.s32 $0x1, s25;
	v28 =	vadd.s32 v7, v28;
	v27 =	vld.idx.msk [tilespmem:v27+s13+$0x0], $0xffff;
	[tilespmem:s26+$0xFFFFFE70] =	vst v20;
	v48 =	vadd.s32 s28, v14;
	v60 =	vadd.s32 s25, v14  }
0x1d7: {  	s3 =	sadd.s32 $0x2, s25;
	[tilespmem:s26+$0xFFFFFEF0] =	vst v18;
	s6 =	sadd.s32 $0x3, s25;
	s7 =	sadd.s32 $0x4, s25;
	v39 =	vadd.s32 s1, v15;
	v21 =	vadd.s32 v0, v38;
	v25 =	vld.idx.msk [tilespmem:v25+s13+$0x0], $0xffff;
	v50 =	vadd.s32 s1, v14  }
0x1d8: {  	s29 =	sadd.s32 $0x5, s25;
	s30 =	sadd.s32 $0x6, s25;
	[tilespmem:s26+$0xFFFFFF70] =	vst v19;
	v51 =	vadd.s32 s3, v14;
	v52 =	vadd.s32 s6, v14;
	v54 =	vadd.s32 s7, v14  }
0x1d9: {  	s0 =	sadd.s32 $0x400, s26;
	v23 =	vld.idx.msk [tilespmem:v23+s13+$0x0], $0xffff;
	v56 =	vadd.s32 s29, v14;
	v59 =	vadd.s32 s30, v14;
	v14 =	vadd.s32 v1, v60;
	[tilespmem:s26+$0xFFFFFC70] =	vst v17  }
0x1da: {  	v41 =	vadd.s32 s3, v15;
	v24 =	vld.idx.msk [tilespmem:v24+s13+$0x0], $0xffff;
	v40 =	vadd.s32 v0, v39;
	[tilespmem:s0+$0xFFFFFC10] =	vst v16  }
0x1db: {  	v43 =	vadd.s32 s6, v15;
	v42 =	vadd.s32 v0, v41;
	v26 =	vld.idx.msk [tilespmem:v26+s13+$0x0], $0xffff;
	[tilespmem:s26+$0xFFFFFD00] =	vst v22  }
0x1dc: {  	v45 =	vadd.s32 s7, v15;
	v44 =	vadd.s32 v0, v43;
	v28 =	vld.idx.msk [tilespmem:v28+s13+$0x0], $0xffff;
	[tilespmem:s26+$0xFFFFFD80] =	vst v27  }
0x1dd: {  	v47 =	vadd.s32 s30, v15;
	v20 =	vadd.s32 v0, v45;
	v21 =	vld.idx.msk [tilespmem:v21+s13+$0x0], $0xffff;
	[tilespmem:s26+$0xFFFFFE00] =	vst v25  }
0x1de: {  	v46 =	vadd.s32 s29, v15;
	v15 =	vadd.s32 v0, v47;
	[tilespmem:s26+$0xFFFFFE80] =	vst v23;
	v14 =	vld.idx.msk [tilespmem:v14+s13+$0x0], $0xffff  }
0x1df: {  	v22 =	vadd.s32 v0, v46;
	[tilespmem:s26+$0xFFFFFF00] =	vst v24;
	v18 =	vld.idx.msk [tilespmem:v40+s13+$0x0], $0xffff  }
0x1e0: {  	v49 =	vadd.s32 v1, v48;
	v19 =	vld.idx.msk [tilespmem:v42+s13+$0x0], $0xffff;
	[tilespmem:s26+$0xFFFFFF80] =	vst v26  }
0x1e1: {  	v24 =	vadd.s32 v1, v50;
	v17 =	vld.idx.msk [tilespmem:v44+s13+$0x0], $0xffff;
	[tilespmem:s26+$0xFFFFFC80] =	vst v28  }
0x1e2: {  	v25 =	vadd.s32 v1, v51;
	v20 =	vld.idx.msk [tilespmem:v20+s13+$0x0], $0xffff;
	[tilespmem:s0+$0xFFFFFF90] =	vst v21  }
0x1e3: {  	v58 =	vadd.s32 s28, v13;
	v36 =	vadd.s32 s25, v13;
	v53 =	vadd.s32 v1, v52;
	v15 =	vld.idx.msk [tilespmem:v15+s13+$0x0], $0xffff;
	[tilespmem:s0+$0xFFFFFC20] =	vst v14  }
0x1e4: {  	v62 =	vadd.s32 s1, v13;
	v29 =	vadd.s32 s6, v13;
	v55 =	vadd.s32 v1, v54;
	v22 =	vld.idx.msk [tilespmem:v22+s13+$0x0], $0xffff;
	[tilespmem:s0+$0xFFFFFC90] =	vst v18  }
0x1e5: {  	v31 =	vadd.s32 s7, v13;
	v34 =	vadd.s32 s29, v13;
	v57 =	vadd.s32 v1, v56;
	v23 =	vld.idx.msk [tilespmem:v49+s13+$0x0], $0xffff;
	[tilespmem:s0+$0xFFFFFD10] =	vst v19  }
0x1e6: {  	v35 =	vadd.s32 s30, v13;
	v28 =	vadd.s32 s3, v13;
	v13 =	vadd.s32 v2, v36;
	[tilespmem:s0+$0xFFFFFD90] =	vst v17;
	v24 =	vld.idx.msk [tilespmem:v24+s13+$0x0], $0xffff  }
0x1e7: {  	[tilespmem:s0+$0xFFFFFE10] =	vst v20;
	v17 =	vadd.s32 v1, v59;
	v61 =	vld.idx.msk [tilespmem:v25+s13+$0x0], $0xffff  }
0x1e8: {  	v26 =	vadd.s32 v2, v58;
	[tilespmem:s0+$0xFFFFFF10] =	vst v15;
	v21 =	vld.idx.msk [tilespmem:v53+s13+$0x0], $0xffff  }
0x1e9: {  	v63 =	vadd.s32 v2, v62;
	v18 =	vld.idx.msk [tilespmem:v55+s13+$0x0], $0xffff;
	[tilespmem:s0+$0xFFFFFE90] =	vst v22  }
0x1ea: {  	v33 =	vadd.s32 s28, v12;
	v38 =	vadd.s32 s1, v12;
	v22 =	vadd.s32 v2, v28;
	v19 =	vld.idx.msk [tilespmem:v57+s13+$0x0], $0xffff;
	[tilespmem:s0+$0xFFFFFFA0] =	vst v23  }
0x1eb: {  	v48 =	vadd.s32 s30, v12;
	v30 =	vadd.s32 v2, v29;
	v39 =	vadd.s32 s3, v12;
	v13 =	vld.idx.msk [tilespmem:v13+s13+$0x0], $0xffff;
	[tilespmem:s0+$0xFFFFFCA0] =	vst v24  }
0x1ec: {  	v41 =	vadd.s32 s6, v12;
	v20 =	vadd.s32 v2, v34;
	v49 =	vadd.s32 s25, v12;
	v17 =	vld.idx.msk [tilespmem:v17+s13+$0x0], $0xffff;
	[tilespmem:s0+$0xFFFFFD20] =	vst v61  }
0x1ed: {  	v45 =	vadd.s32 s7, v12;
	v46 =	vadd.s32 s29, v12;
	v12 =	vadd.s32 v3, v49;
	v32 =	vld.idx.msk [tilespmem:v26+s13+$0x0], $0xffff;
	[tilespmem:s0+$0xFFFFFDA0] =	vst v21  }
0x1ee: {  	v23 =	vadd.s32 v2, v31;
	[tilespmem:s0+$0xFFFFFE20] =	vst v18;
	v15 =	vld.idx.msk [tilespmem:v63+s13+$0x0], $0xffff  }
0x1ef: {  	v21 =	vadd.s32 v2, v35;
	v37 =	vld.idx.msk [tilespmem:v22+s13+$0x0], $0xffff;
	[tilespmem:s0+$0xFFFFFEA0] =	vst v19  }
0x1f0: {  	v24 =	vadd.s32 v3, v33;
	v16 =	vld.idx.msk [tilespmem:v30+s13+$0x0], $0xffff;
	[tilespmem:s0+$0xFFFFFC30] =	vst v13  }
0x1f1: {  	v19 =	vadd.s32 v3, v38;
	v42 =	vld.idx.msk [tilespmem:v20+s13+$0x0], $0xffff;
	[tilespmem:s0+$0xFFFFFF20] =	vst v17  }
0x1f2: {  	v52 =	vadd.s32 s3, v11;
	v56 =	vadd.s32 s7, v11;
	v40 =	vadd.s32 v3, v39;
	v12 =	vld.idx.msk [tilespmem:v12+s13+$0x0], $0xffff;
	[tilespmem:s0+$0xFFFFFFB0] =	vst v32  }
0x1f3: {  	v43 =	vadd.s32 v3, v41;
	v50 =	vadd.s32 s1, v11;
	v44 =	vadd.s32 s28, v11;
	v23 =	vld.idx.msk [tilespmem:v23+s13+$0x0], $0xffff;
	[tilespmem:s0+$0xFFFFFCB0] =	vst v15  }
0x1f4: {  	v58 =	vadd.s32 s30, v11;
	v59 =	vadd.s32 s25, v11;
	v18 =	vadd.s32 v3, v46;
	v21 =	vld.idx.msk [tilespmem:v21+s13+$0x0], $0xffff;
	[tilespmem:s0+$0xFFFFFD30] =	vst v37  }
0x1f5: {  	v55 =	vadd.s32 s6, v11;
	v57 =	vadd.s32 s29, v11;
	v11 =	vadd.s32 v4, v59;
	v24 =	vld.idx.msk [tilespmem:v24+s13+$0x0], $0xffff;
	[tilespmem:s0+$0xFFFFFDB0] =	vst v16  }
0x1f6: {  	v15 =	vadd.s32 v3, v45;
	v47 =	vld.idx.msk [tilespmem:v19+s13+$0x0], $0xffff;
	[tilespmem:s0+$0xFFFFFEB0] =	vst v42  }
0x1f7: {  	v22 =	vadd.s32 v4, v44;
	v17 =	vld.idx.msk [tilespmem:v40+s13+$0x0], $0xffff;
	[tilespmem:s0+$0xFFFFFC40] =	vst v12  }
0x1f8: {  	v19 =	vadd.s32 v3, v48;
	v20 =	vld.idx.msk [tilespmem:v43+s13+$0x0], $0xffff;
	[tilespmem:s0+$0xFFFFFE30] =	vst v23  }
0x1f9: {  	v60 =	vadd.s32 s1, v10;
	v54 =	vadd.s32 s28, v10;
	v51 =	vadd.s32 v4, v50;
	v18 =	vld.idx.msk [tilespmem:v18+s13+$0x0], $0xffff;
	[tilespmem:s0+$0xFFFFFF30] =	vst v21  }
0x1fa: {  	v62 =	vadd.s32 s3, v10;
	v29 =	vadd.s32 s25, v10;
	v53 =	vadd.s32 v4, v52;
	v11 =	vld.idx.msk [tilespmem:v11+s13+$0x0], $0xffff;
	[tilespmem:s0+$0xFFFFFFC0] =	vst v24  }
0x1fb: {  	v27 =	vadd.s32 s29, v10;
	v28 =	vadd.s32 s30, v10;
	v13 =	vadd.s32 v4, v55;
	v15 =	vld.idx.msk [tilespmem:v15+s13+$0x0], $0xffff;
	[tilespmem:s0+$0xFFFFFCC0] =	vst v47  }
0x1fc: {  	v26 =	vadd.s32 s7, v10;
	v24 =	vadd.s32 s6, v10;
	v10 =	vadd.s32 v5, v29;
	v22 =	vld.idx.msk [tilespmem:v22+s13+$0x0], $0xffff;
	[tilespmem:s0+$0xFFFFFD40] =	vst v17  }
0x1fd: {  	v16 =	vadd.s32 v4, v56;
	v19 =	vld.idx.msk [tilespmem:v19+s13+$0x0], $0xffff;
	[tilespmem:s0+$0xFFFFFDC0] =	vst v20  }
0x1fe: {  	v17 =	vadd.s32 v4, v57;
	v14 =	vld.idx.msk [tilespmem:v51+s13+$0x0], $0xffff;
	[tilespmem:s0+$0xFFFFFEC0] =	vst v18  }
0x1ff: {  	v23 =	vadd.s32 v5, v54;
	v21 =	vld.idx.msk [tilespmem:v53+s13+$0x0], $0xffff;
	[tilespmem:s0+$0xFFFFFC50] =	vst v11  }
0x200: {  	v20 =	vadd.s32 v4, v58;
	v13 =	vld.idx.msk [tilespmem:v13+s13+$0x0], $0xffff;
	[tilespmem:s0+$0xFFFFFE40] =	vst v15  }
0x201: {  	v41 =	vadd.s32 s30, v9;
	v39 =	vadd.s32 s29, v9;
	v63 =	vadd.s32 v5, v62;
	v10 =	vld.idx.msk [tilespmem:v10+s13+$0x0], $0xffff;
	[tilespmem:s0+$0xFFFFFFD0] =	vst v22  }
0x202: {  	v61 =	vadd.s32 s28, v9;
	v33 =	vadd.s32 s3, v9;
	v25 =	vadd.s32 v5, v24;
	[tilespmem:s0+$0xFFFFFF40] =	vst v19;
	v16 =	vld.idx.msk [tilespmem:v16+s13+$0x0], $0xffff  }
0x203: {  	v35 =	vadd.s32 s6, v9;
	v43 =	vadd.s32 s25, v9;
	v15 =	vadd.s32 v5, v60;
	v17 =	vld.idx.msk [tilespmem:v17+s13+$0x0], $0xffff;
	[tilespmem:s0+$0xFFFFFCD0] =	vst v14  }
0x204: {  	v32 =	vadd.s32 s1, v9;
	v37 =	vadd.s32 s7, v9;
	v9 =	vadd.s32 v6, v43;
	v22 =	vld.idx.msk [tilespmem:v23+s13+$0x0], $0xffff;
	[tilespmem:s0+$0xFFFFFD50] =	vst v21  }
0x205: {  	v19 =	vadd.s32 v5, v26;
	v20 =	vld.idx.msk [tilespmem:v20+s13+$0x0], $0xffff;
	[tilespmem:s0+$0xFFFFFDD0] =	vst v13  }
0x206: {  	v21 =	vadd.s32 v5, v27;
	v12 =	vld.idx.msk [tilespmem:v63+s13+$0x0], $0xffff;
	[tilespmem:s0+$0xFFFFFC60] =	vst v10  }
0x207: {  	v18 =	vadd.s32 v6, v61;
	v14 =	vld.idx.msk [tilespmem:v25+s13+$0x0], $0xffff;
	[tilespmem:s0+$0xFFFFFE50] =	vst v16  }
0x208: {  	v49 =	vadd.s32 s6, v8;
	v52 =	vadd.s32 s7, v8;
	v30 =	vadd.s32 v5, v28;
	v15 =	vld.idx.msk [tilespmem:v15+s13+$0x0], $0xffff;
	[tilespmem:s0+$0xFFFFFED0] =	vst v17  }
0x209: {  	v31 =	vadd.s32 s28, v8;
	v46 =	vadd.s32 s3, v8;
	v34 =	vadd.s32 v6, v33;
	v9 =	vld.idx.msk [tilespmem:v9+s13+$0x0], $0xffff;
	[tilespmem:s0+$0xFFFFFFE0] =	vst v22  }
0x20a: {  	v36 =	vadd.s32 v6, v35;
	v55 =	vadd.s32 s29, v8;
	v45 =	vadd.s32 s1, v8;
	[tilespmem:s0+$0xFFFFFF50] =	vst v20;
	v19 =	vld.idx.msk [tilespmem:v19+s13+$0x0], $0xffff  }
0x20b: {  	v57 =	vadd.s32 s30, v8;
	v8 =	vadd.s32 s25, v8;
	v17 =	vadd.s32 v6, v32;
	v21 =	vld.idx.msk [tilespmem:v21+s13+$0x0], $0xffff;
	[tilespmem:s0+$0xFFFFFD60] =	vst v12  }
0x20c: {  	v8 =	vadd.s32 v7, v8;
	v18 =	vld.idx.msk [tilespmem:v18+s13+$0x0], $0xffff;
	[tilespmem:s0+$0xFFFFFDE0] =	vst v14  }
0x20d: {  	v38 =	vadd.s32 v6, v37;
	v13 =	vld.idx.msk [tilespmem:v30+s13+$0x0], $0xffff;
	[tilespmem:s0+$0xFFFFFCE0] =	vst v15  }
0x20e: {  	v40 =	vadd.s32 v6, v39;
	v11 =	vld.idx.msk [tilespmem:v34+s13+$0x0], $0xffff;
	[tilespmem:s0+$0xFFFFFC70] =	vst v9  }
0x20f: {  	v16 =	vadd.s32 v7, v31;
	v15 =	vld.idx.msk [tilespmem:v36+s13+$0x0], $0xffff;
	[tilespmem:s0+$0xFFFFFE60] =	vst v19  }
0x210: {  	v44 =	vadd.s32 v6, v41;
	v42 =	vld.idx.msk [tilespmem:v17+s13+$0x0], $0xffff;
	[tilespmem:s0+$0xFFFFFEE0] =	vst v21  }
0x211: {  	v48 =	vadd.s32 v7, v46;
	v8 =	vld.idx.msk [tilespmem:v8+s13+$0x0], $0xffff;
	[tilespmem:s0+$0xFFFFFFF0] =	vst v18  }
0x212: {  	v51 =	vadd.s32 v7, v49;
	[tilespmem:s0+$0xFFFFFF60] =	vst v13;
	v47 =	vld.idx.msk [tilespmem:v38+s13+$0x0], $0xffff  }
0x213: {  	v19 =	vadd.s32 v7, v45;
	v50 =	vld.idx.msk [tilespmem:v40+s13+$0x0], $0xffff;
	[tilespmem:s0+$0xFFFFFD70] =	vst v11  }
0x214: {  	v54 =	vadd.s32 v7, v52;
	v16 =	vld.idx.msk [tilespmem:v16+s13+$0x0], $0xffff;
	[tilespmem:s0+$0xFFFFFDF0] =	vst v15  }
0x215: {  	v56 =	vadd.s32 v7, v55;
	v53 =	vld.idx.msk [tilespmem:v44+s13+$0x0], $0xffff;
	[tilespmem:s0+$0xFFFFFCF0] =	vst v42  }
0x216: {  	v59 =	vadd.s32 v7, v57;
	v60 =	vld.idx.msk [tilespmem:v48+s13+$0x0], $0xffff;
	[tilespmem:s0+$0xFFFFFC80] =	vst v8  }
0x217: {  	v12 =	vld.idx.msk [tilespmem:v51+s13+$0x0], $0xffff;
	[tilespmem:s0+$0xFFFFFE70] =	vst v47  }
0x218: {  	v58 =	vld.idx.msk [tilespmem:v19+s13+$0x0], $0xffff;
	[tilespmem:s0+$0xFFFFFEF0] =	vst v50  }
0x219: {  	[tilespmem:s0+$0x0] =	vst v16;
	v61 =	vld.idx.msk [tilespmem:v54+s13+$0x0], $0xffff  }
0x21a: {  	[tilespmem:s0+$0xFFFFFF70] =	vst v53;
	v62 =	vld.idx.msk [tilespmem:v56+s13+$0x0], $0xffff  }
0x21b: {  	v63 =	vld.idx.msk [tilespmem:v59+s13+$0x0], $0xffff;
	[tilespmem:s0+$0xFFFFFD80] =	vst v60  }
0x21c: {  	p0 =	sne.s32 s23, $0x34;
	s29 =	sadd.s32 s5, s24;
	[tilespmem:s0+$0xFFFFFE00] =	vst v12  }
.Ltmp5:
0x21d: {  	s30 =	sshll.u32 s29, $0x7;
	[tilespmem:s0+$0xFFFFFD00] =	vst v58;
	(pc) =	sbr.rel @p0 .LBB2_2-.Ltmp5, $4  }
0x21e: {  	s1 =	sshll.u32 s29, $0x9;
	s3 =	sand.u32 $0x3F80, s30;
	[tilespmem:s0+$0xFFFFFE80] =	vst v61  }
0x21f: {  	s1 =	sand.u32 $0xFFF0000, s1;
	s3 =	sadd.s32 s2, s3;
	[tilespmem:s0+$0xFFFFFF00] =	vst v62  }
0x220: {  	s31 =	sadd.s32 s1, s3;
	[tilespmem:s0+$0xFFFFFF80] =	vst v63  }
0x221: {  	[hbm4b:s31+s15] =	stream.strided.scatter [tilespmem:s20], [sflag:$0x4], $0x1000, s16, s15, $0x38;
	[tilespmem:$0xD600] =	vst v63  }
0x222: {  	_ =	swait.ge [sflag:s21], $0x1000  }
0x223: {  	[sflag:s21] =	ssyncset.done $0x0  }
0x224: {  	[sflag:s21] =	ssyncadd.s32 $0xFFFFF000  }
0x225: {  	_ =	swait.ge [sflag:s19], $0x1000  }
0x226: {  	s22 =	sadd.s32 $0x1, s22;
	s0 =	rddreg [dreg:$0x4]  }
0x227: {  	p0 =	sne.s32 s22, s0  }
.Ltmp6:
0x228: {  	_ = 	snop;
	(pc) =	sbr.rel @p0 .LBB2_1-.Ltmp6, $3  }
0x229: {  	_ =	sdelay $0x1  }
0x22a: {  	[sflag:s19] =	ssyncset.done $0x0  }
0x22b: {  	[sflag:s19] =	ssyncadd.s32 $0xFFFFF000  }
0x22c: {  	_ =	sfence.sel $0x180000  }
0x22d: {  	[bflag:$0x0] =	sbarrier.arrive $0xFFFF  }
0x22e: {  	_ =	strace $0x9000004A  }
0x22f: {  	s0 =	stileid.u32;
	[bflag:$0x2] =	sbarrier.arrive $0xFFFF  }
0x230: {  	p0 =	sne.s32 s0, $0x0;
	s0 =	rddreg [dreg:$0x2]  }
0x231: {  	s0 =	sadd.s32 @!p0 $0x100000, s0  }
0x232: {  	[sflag:s0] =	ssyncadd.tile.s32 @!p0 $0x1;
	_ =	shalt  }
.Lfunc_end2:
_tile_overlayer_lowered:
.L_overlay_start_2:
0x233: {  	(tag) =	ssettag $0x2  }
0x234: {  	s0 =	rddreg [dreg:$0x0];
	s2 =	stileid.u32  }
0x235: {  	s1 =	rddreg [dreg:$0x1];
	p0 =	sne.s32 s2, $0x0  }
0x236: {  	s3 =	rddreg [dreg:$0x2];
	[bflag:$0x3] =	sbarrier.arrive $0xFFFF;
	s2 =	simm.s32 @!p0 $0x1C05  }
0x237: {  	[timem:s3], [sflag:s2] =	dma.local @!p0 [hbm:s0], s1  }
0x238: {  	s0 =	simm.s32 @!p0 $0x5  }
0x239: {  	_ =	swait.ge @!p0 [sflag:s0], s1  }
0x23a: {  	s1 =	ssub.s32 @!p0 $0x0, s1;
	[sflag:s0] =	ssyncset.done @!p0 $0x0  }
0x23b: {  	[sflag:s0] =	ssyncadd.s32 @!p0 s1  }
0x23c: {  	[bflag:$0x3] =	sbarrier.arrive $0xFFFF  }
0x23d: {  	_ =	shalt  }

</sc_bundles>
